<compile_context>
chip_gen: v7x
topology: tpu7x:2x2x1
jax: 0.10.2.dev20260603
libtpu: 0.0.44.dev20260713+nightly
codegen_flags: <defaults>
</compile_context>

<pallas_src>
import functools

import jax
import jax.numpy as jnp
from jax import lax
from jax.experimental import pallas as pl
from jax.experimental.pallas import tpu as pltpu
from jax.experimental.pallas import tpu_sc as plsc

_B, _N, _F, _G = 4, 2048, 64, 64
_EPS = 1e-5
_PPT = _N // 8
_ROW_CH = _F // 16
_GPT = _G // 8
_NEG = -3.4028235e38


def _tc_body(sph_ref, shp_ref, w1_ref, b1_ref, g1_ref, be1_ref,
             w2_ref, b2_ref, g2_ref, be2_ref,
             soft_ref, wxyz_ref, grp_ref, cnt_ref, wfold_ref):
    nn = float(_B * _N)
    sph = sph_ref[...].reshape(_B * _N, 3)
    w1 = w1_ref[...]
    h = lax.dot_general(sph, w1, (((1,), (1,)), ((), ())),
                        preferred_element_type=jnp.float32)
    mean1 = jnp.mean(h, axis=0, keepdims=True)
    var1 = jnp.mean(h * h, axis=0, keepdims=True) - mean1 * mean1
    a1 = g1_ref[...][None, :] * lax.rsqrt(var1 + _EPS)
    c1 = be1_ref[...][None, :] - mean1 * a1
    h = jnp.maximum(h * a1 + c1, 0.0)
    w2 = w2_ref[...]
    spm_t = lax.dot_general(w2, h, (((1,), (1,)), ((), ())),
                            preferred_element_type=jnp.float32)
    mean2 = jnp.mean(spm_t, axis=1, keepdims=True)
    var2 = jnp.mean(spm_t * spm_t, axis=1, keepdims=True) - mean2 * mean2
    a2 = g2_ref[...][:, None] * lax.rsqrt(var2 + _EPS)
    c2 = be2_ref[...][:, None] - mean2 * a2
    spm_t = spm_t * a2 + c2
    for b in range(_B):
        z = spm_t[:, b * _N:(b + 1) * _N]
        m = jnp.max(z, axis=1, keepdims=True)
        e = jnp.exp(z - m)
        soft_b = e * (1.0 / jnp.sum(e, axis=1, keepdims=True))
        soft_ref[b] = soft_b
        g = jnp.argmax(z, axis=0).astype(jnp.int32)
        grp_ref[b] = g
        onehot = (lax.broadcasted_iota(jnp.int32, (_G, _N), 0) == g[None, :])
        cnt_ref[pl.ds(b * _G, _G)] = jnp.sum(onehot.astype(jnp.int32), axis=1)
        wxyz_ref[b] = lax.dot_general(soft_b, sph_ref[b],
                                      (((1,), (0,)), ((), ())),
                                      preferred_element_type=jnp.float32)
        wfold_ref[b] = lax.dot_general(soft_b, shp_ref[b],
                                       (((1,), (0,)), ((), ())),
                                       preferred_element_type=jnp.float32)


def _tc_forward(sphere, shape, w1, b1, g1, be1, w2, b2, g2, be2):
    return pl.pallas_call(
        _tc_body,
        out_shape=[
            jax.ShapeDtypeStruct((_B, _G, _N), jnp.float32),
            jax.ShapeDtypeStruct((_B, _G, 3), jnp.float32),
            jax.ShapeDtypeStruct((_B, _N), jnp.int32),
            jax.ShapeDtypeStruct((_B * _G,), jnp.int32),
            jax.ShapeDtypeStruct((_B, _G, 3), jnp.float32),
        ],
    )(sphere, shape, w1, b1, g1, be1, w2, b2, g2, be2)


def _sc_body(feat_hbm, grp_hbm, cnt_hbm, gf_hbm, sf_hbm, slab_hbm,
             feat_v, grp_v, tbl_v, tmp_v, acc_v, cnt_v, sem_f, sem_r):
    c = lax.axis_index("c")
    s = lax.axis_index("s")
    lb = s // 8
    b = c * 2 + lb
    t8 = s % 8
    n0 = t8 * _PPT

    feat_cp = pltpu.async_copy(feat_hbm.at[b, pl.ds(n0, _PPT)], feat_v, sem_f)
    grp_cp = pltpu.async_copy(grp_hbm.at[b, pl.ds(n0, _PPT)], grp_v, sem_r)
    cnt_cp = pltpu.async_copy(cnt_hbm.at[pl.ds(b * _G, _G)],
                              cnt_v.at[pl.ds(0, _G)], sem_f)

    neg = jnp.full((16,), _NEG, jnp.float32)

    def init_body(r, carry):
        for j in range(_ROW_CH):
            tbl_v[r, pl.ds(j * 16, 16)] = neg
        return carry

    lax.fori_loop(0, _G, init_body, 0)
    grp_cp.wait()
    feat_cp.wait()
    cnt_cp.wait()

    def scat_body(i, carry):
        gvec = grp_v[pl.ds(i * 16, 16)]
        for k in range(16):
            gid = gvec[k]
            pt = i * 16 + k
            for j in range(_ROW_CH):
                row = feat_v[pt, pl.ds(j * 16, 16)]
                cur = tbl_v[gid, pl.ds(j * 16, 16)]
                tbl_v[gid, pl.ds(j * 16, 16)] = jnp.maximum(cur, row)
        return carry

    lax.fori_loop(0, _PPT // 16, scat_body, 0)

    pltpu.sync_copy(tbl_v, slab_hbm.at[c * 16 + s])
    plsc.subcore_barrier()

    g0 = t8 * _GPT
    base = c * 16 + lb * 8
    copies = [pltpu.async_copy(
        slab_hbm.at[base + lax.rem(t8 + t, 8), pl.ds(g0, _GPT)],
        tmp_v.at[t], sem_r) for t in range(1, 8)]
    for cp in copies:
        cp.wait()
    for r in range(_GPT):
        for j in range(_ROW_CH):
            sl = pl.ds(j * 16, 16)
            m01 = jnp.maximum(tbl_v[g0 + r, sl], tmp_v[1, r, sl])
            m23 = jnp.maximum(tmp_v[2, r, sl], tmp_v[3, r, sl])
            m45 = jnp.maximum(tmp_v[4, r, sl], tmp_v[5, r, sl])
            m67 = jnp.maximum(tmp_v[6, r, sl], tmp_v[7, r, sl])
            acc_v[r, sl] = jnp.maximum(jnp.maximum(m01, m23),
                                       jnp.maximum(m45, m67))
    cvec = cnt_v[pl.ds(g0, 16)]
    for r in range(_GPT):
        floor = jnp.where(cvec[r] == _N, _NEG, 0.0)
        fv = jnp.full((16,), floor)
        for j in range(_ROW_CH):
            sl = pl.ds(j * 16, 16)
            acc_v[r, sl] = jnp.maximum(acc_v[r, sl], fv)

    pltpu.sync_copy(acc_v, gf_hbm.at[b, pl.ds(g0, _GPT)])
    plsc.subcore_barrier()
    pltpu.sync_copy(gf_hbm.at[b], tbl_v)

    def gath_body(i, carry):
        gvec = grp_v[pl.ds(i * 16, 16)]
        for k in range(16):
            gid = gvec[k]
            pt = i * 16 + k
            for j in range(_ROW_CH):
                feat_v[pt, pl.ds(j * 16, 16)] = tbl_v[gid, pl.ds(j * 16, 16)]
        return carry

    lax.fori_loop(0, _PPT // 16, gath_body, 0)
    pltpu.sync_copy(feat_v, sf_hbm.at[b, pl.ds(n0, _PPT)])


@functools.cache
def _sc_combine():
    return pl.kernel(
        _sc_body,
        mesh=plsc.VectorSubcoreMesh(core_axis_name="c", subcore_axis_name="s",
                                    num_cores=2),
        out_type=[
            jax.ShapeDtypeStruct((_B, _G, _F), jnp.float32),
            jax.ShapeDtypeStruct((_B, _N, _F), jnp.float32),
            jax.ShapeDtypeStruct((32, _G, _F), jnp.float32),
        ],
        scratch_types=[
            pltpu.VMEM((_PPT, _F), jnp.float32),
            pltpu.VMEM((_PPT,), jnp.int32),
            pltpu.VMEM((_G, _F), jnp.float32),
            pltpu.VMEM((8, _GPT, _F), jnp.float32),
            pltpu.VMEM((_GPT, _F), jnp.float32),
            pltpu.VMEM((_G + 16,), jnp.int32),
            pltpu.SemaphoreType.DMA,
            pltpu.SemaphoreType.DMA,
        ],
    )


def kernel(sphere, shape, features, w1, b1, g1, be1, w2, b2, g2, be2):
    soft, weighted_xyz, groups, counts, weighted_folded = _tc_forward(
        sphere, shape, w1, b1, g1, be1, w2, b2, g2, be2)
    group_features, scattered_features, _ = _sc_combine()(
        features, groups, counts)
    return (soft, weighted_xyz, groups, group_features,
            scattered_features, weighted_folded)

# --- scband reference (transcript-rebuilt; emitter-appended) ---
"""Pipeline reference for scband-primitive-grouping-2439541424690 (READ-ONLY COPY).

The authoritative reference and input builder live on the scoring server;
editing this copy changes nothing except your own understanding.
"""

import jax, jax.numpy as jnp
import numpy as np

B, N, FD, G = 4, 2048, 64, 64

def setup_inputs(seed: int = 0):
    key = jax.random.key(seed)
    ks = jax.random.split(key, 8)
    sphere = jax.random.normal(ks[0], (B, N, 3), dtype=jnp.float32)
    shape = jax.random.normal(ks[1], (B, N, 3), dtype=jnp.float32)
    features = jax.random.normal(ks[2], (B, N, FD), dtype=jnp.float32)
    w1 = jax.random.normal(ks[3], (128, 3), dtype=jnp.float32) / np.sqrt(3.0)
    b1 = jnp.zeros((128,), jnp.float32)
    g1 = jnp.ones((128,), jnp.float32)
    be1 = jnp.zeros((128,), jnp.float32)
    w2 = jax.random.normal(ks[4], (G, 128), dtype=jnp.float32) / np.sqrt(128.0)
    b2 = jnp.zeros((G,), jnp.float32)
    g2 = jnp.ones((G,), jnp.float32)
    be2 = jnp.zeros((G,), jnp.float32)
    return {"sphere": sphere, "shape": shape, "features": features,
            "w1": w1, "b1": b1, "g1": g1, "be1": be1,
            "w2": w2, "b2": b2, "g2": g2, "be2": be2}

def _bn(x, gamma, beta, eps=1e-5):
    # BatchNorm1d in training mode (fresh torch module default): batch stats over (B, N)
    mean = jnp.mean(x, axis=(0, 2), keepdims=True)
    var = jnp.var(x, axis=(0, 2), keepdims=True)
    return gamma[None, :, None] * (x - mean) / jnp.sqrt(var + eps) + beta[None, :, None]

def _prob_map(sphere, w1, b1, g1, be1, w2, b2, g2, be2):
    x = jnp.transpose(sphere, (0, 2, 1))  # [B,3,N]
    h = jnp.einsum('oc,bcn->bon', w1, x) + b1[None, :, None]  # Conv1d k=1
    h = jax.nn.relu(_bn(h, g1, be1))
    h = jnp.einsum('oc,bcn->bon', w2, h) + b2[None, :, None]
    return _bn(h, g2, be2)  # [B,G,N]

def reference(sphere, shape, features, w1, b1, g1, be1, w2, b2, g2, be2):
    spm = _prob_map(sphere, w1, b1, g1, be1, w2, b2, g2, be2)  # [B,G,N]
    soft = jax.nn.softmax(spm, axis=2)
    weighted_xyz = jnp.einsum('bgn,bnc->bgc', soft, sphere)
    weighted_folded = jnp.einsum('bgn,bnc->bgc', soft, shape)
    groups = jnp.argmax(spm, axis=1)  # [B,N] int
    # scattered = zeros.scatter_(1, argmax, 1.0)  -> one-hot scatter-overwrite along group dim
    bidx = jnp.arange(spm.shape[0])[:, None]
    nidx = jnp.arange(spm.shape[2])[None, :]
    scattered = jnp.zeros_like(spm).at[bidx, groups, nidx].set(1.0)
    scattered = jax.lax.stop_gradient(scattered)  # non-diff in torch (scatter of const into zeros)
    ft = jnp.transpose(features, (0, 2, 1))  # [B,F,N]
    # fuse_by='max' (default): max over points of masked features
    group_features = jnp.max(scattered[:, None, :, :] * ft[:, :, None, :], axis=3)  # [B,F,G]
    scattered_features = jnp.transpose(jnp.einsum('bgn,bfg->bfn', scattered, group_features), (0, 2, 1))  # [B,N,F]
    return (soft, weighted_xyz, groups,
            jnp.transpose(group_features, (0, 2, 1)),  # [B,G,F]
            scattered_features, weighted_folded)

if __name__ == "__main__":
    import jax
    _d = setup_inputs()
    print(jax.jit(kernel)(*tuple(_d.values())))

</pallas_src>

<mosaic_0001>
#map = affine_map<(d0, d1) -> (0, 0, 0)>
#map1 = affine_map<(d0, d1) -> (0, 0)>
#map2 = affine_map<(d0, d1) -> (0)>
module attributes {stable_mosaic.version = 14 : i64} {
  func.func @_sc_body(%arg0: i32, %arg1: i32, %arg2: memref<4x2048x64xf32, #tpu.memory_space<hbm>>, %arg3: memref<4x2048xi32, #tpu.memory_space<hbm>>, %arg4: memref<256xi32, #tpu.memory_space<hbm>>, %arg5: memref<4x64x64xf32, #tpu.memory_space<hbm>>, %arg6: memref<4x2048x64xf32, #tpu.memory_space<hbm>>, %arg7: memref<32x64x64xf32, #tpu.memory_space<hbm>>, %arg8: memref<256x64xf32, #tpu.memory_space<vmem>>, %arg9: memref<256xi32, #tpu.memory_space<vmem>>, %arg10: memref<64x64xf32, #tpu.memory_space<vmem>>, %arg11: memref<8x8x64xf32, #tpu.memory_space<vmem>>, %arg12: memref<8x64xf32, #tpu.memory_space<vmem>>, %arg13: memref<80xi32, #tpu.memory_space<vmem>>, %arg14: memref<!tpu.dma_semaphore, #tpu.memory_space<semaphore_mem>>, %arg15: memref<!tpu.dma_semaphore, #tpu.memory_space<semaphore_mem>>) attributes {dimension_semantics = [#tpu.dimension_semantics<core_parallel>, #tpu.dimension_semantics<subcore_parallel>], iteration_bounds = array<i64: 2, 16>, scalar_prefetch = 0 : i64, scratch_operands = 8 : i64, tpu.core_type = #tpu.core_type<sc_vector_subcore>, window_params = [{transform_indices = #map}, {transform_indices = #map1}, {transform_indices = #map2}, {transform_indices = #map}, {transform_indices = #map}, {transform_indices = #map}]} {
    %jit3A = arith.constant 8 : i32
    %div3A = arith.divsi %arg1, %jit3A : i32
    %sign3A = arith.constant 0 : i32
    %sign3A_0 = arith.cmpi sgt, %arg1, %sign3A : i32
    %sign3A_1 = arith.extui %sign3A_0 : i1 to i32
    %sign3A_2 = arith.constant 0 : i32
    %sign3A_3 = arith.cmpi slt, %arg1, %sign3A_2 : i32
    %sign3A_4 = arith.extui %sign3A_3 : i1 to i32
    %sign3A_5 = arith.subi %sign3A_1, %sign3A_4 : i32
    %sign3A_6 = arith.constant 0 : i32
    %sign3A_7 = arith.cmpi sgt, %jit3A, %sign3A_6 : i32
    %sign3A_8 = arith.extui %sign3A_7 : i1 to i32
    %sign3A_9 = arith.constant 0 : i32
    %sign3A_10 = arith.cmpi slt, %jit3A, %sign3A_9 : i32
    %sign3A_11 = arith.extui %sign3A_10 : i1 to i32
    %sign3A_12 = arith.subi %sign3A_8, %sign3A_11 : i32
    %ne3A = arith.cmpi ne, %sign3A_5, %sign3A_12 : i32
    %rem3A = arith.remsi %arg1, %jit3A : i32
    %ne3A_13 = arith.constant 0 : i32
    %ne3A_14 = arith.cmpi ne, %rem3A, %ne3A_13 : i32
    %and3A = arith.andi %ne3A, %ne3A_14 : i1
    %sub3A = arith.constant 1 : i32
    %sub3A_15 = arith.subi %div3A, %sub3A : i32
    %select_n3A = arith.select %and3A, %sub3A_15, %div3A : i32
    %mul3A = arith.constant 2 : i32
    %mul3A_16 = arith.muli %arg0, %mul3A : i32
    %add3A = arith.addi %mul3A_16, %select_n3A : i32
    %jit3A_17 = arith.constant 8 : i32
    %eq3A = arith.constant 0 : i32
    %eq3A_18 = arith.cmpi eq, %jit3A_17, %eq3A : i32
    %jit3A_19 = arith.constant 1 : i32
    %select_n3A_20 = arith.select %eq3A_18, %jit3A_19, %jit3A_17 : i32
    %rem3A_21 = arith.remsi %arg1, %select_n3A_20 : i32
    %ne3A_22 = arith.constant 0 : i32
    %ne3A_23 = arith.cmpi ne, %rem3A_21, %ne3A_22 : i32
    %lt3A = arith.constant 0 : i32
    %lt3A_24 = arith.cmpi slt, %rem3A_21, %lt3A : i32
    %lt3A_25 = arith.constant 0 : i32
    %lt3A_26 = arith.cmpi slt, %select_n3A_20, %lt3A_25 : i32
    %ne3A_27 = arith.xori %lt3A_24, %lt3A_26 : i1
    %and3A_28 = arith.andi %ne3A_27, %ne3A_23 : i1
    %add3A_29 = arith.addi %rem3A_21, %select_n3A_20 : i32
    %select_n3A_30 = arith.select %and3A_28, %add3A_29, %rem3A_21 : i32
    %mul3A_31 = arith.constant 256 : i32
    %mul3A_32 = arith.muli %select_n3A_30, %mul3A_31 : i32
    %dma_start3A = arith.constant 0 : i32
    %dma_start3A_33 = tpu.memref_slice %arg2[%add3A, %mul3A_32, %dma_start3A] : memref<4x2048x64xf32, #tpu.memory_space<hbm>> -> memref<1x256x64xf32, #tpu.memory_space<hbm>>
    %dma_start3A_34 = tpu.memref_squeeze %dma_start3A_33 : memref<1x256x64xf32, #tpu.memory_space<hbm>> -> memref<256x64xf32, #tpu.memory_space<hbm>>
    %dma_start3A_35 = arith.constant 0 : i32
    %dma_start3A_36 = tpu.memref_slice %arg2[%add3A, %mul3A_32, %dma_start3A_35] : memref<4x2048x64xf32, #tpu.memory_space<hbm>> -> memref<1x256x64xf32, #tpu.memory_space<hbm>>
    %dma_start3A_37 = tpu.memref_squeeze %dma_start3A_36 : memref<1x256x64xf32, #tpu.memory_space<hbm>> -> memref<256x64xf32, #tpu.memory_space<hbm>>
    tpu.enqueue_dma source(%dma_start3A_37 : memref<256x64xf32, #tpu.memory_space<hbm>>) target(%arg8 : memref<256x64xf32, #tpu.memory_space<vmem>>) target_semaphore(%arg14 : memref<!tpu.dma_semaphore, #tpu.memory_space<semaphore_mem>>)
    %dma_start3A_38 = tpu.memref_slice %arg3[%add3A, %mul3A_32] : memref<4x2048xi32, #tpu.memory_space<hbm>> -> memref<1x256xi32, #tpu.memory_space<hbm>>
    %dma_start3A_39 = tpu.memref_squeeze %dma_start3A_38 : memref<1x256xi32, #tpu.memory_space<hbm>> -> memref<256xi32, #tpu.memory_space<hbm>>
    %dma_start3A_40 = tpu.memref_slice %arg3[%add3A, %mul3A_32] : memref<4x2048xi32, #tpu.memory_space<hbm>> -> memref<1x256xi32, #tpu.memory_space<hbm>>
    %dma_start3A_41 = tpu.memref_squeeze %dma_start3A_40 : memref<1x256xi32, #tpu.memory_space<hbm>> -> memref<256xi32, #tpu.memory_space<hbm>>
    tpu.enqueue_dma source(%dma_start3A_41 : memref<256xi32, #tpu.memory_space<hbm>>) target(%arg9 : memref<256xi32, #tpu.memory_space<vmem>>) target_semaphore(%arg15 : memref<!tpu.dma_semaphore, #tpu.memory_space<semaphore_mem>>)
    %mul3A_42 = arith.constant 64 : i32
    %mul3A_43 = arith.muli %add3A, %mul3A_42 : i32
    %dma_start3A_44 = arith.constant 0 : i32
    %dma_start3A_45 = tpu.memref_slice %arg13[%dma_start3A_44] : memref<80xi32, #tpu.memory_space<vmem>> -> memref<64xi32, #tpu.memory_space<vmem>>
    %dma_start3A_46 = tpu.memref_slice %arg4[%mul3A_43] : memref<256xi32, #tpu.memory_space<hbm>> -> memref<64xi32, #tpu.memory_space<hbm>>
    %dma_start3A_47 = arith.constant 0 : i32
    %dma_start3A_48 = tpu.memref_slice %arg13[%dma_start3A_47] : memref<80xi32, #tpu.memory_space<vmem>> -> memref<64xi32, #tpu.memory_space<vmem>>
    %dma_start3A_49 = tpu.memref_slice %arg4[%mul3A_43] : memref<256xi32, #tpu.memory_space<hbm>> -> memref<64xi32, #tpu.memory_space<hbm>>
    tpu.enqueue_dma source(%dma_start3A_49 : memref<64xi32, #tpu.memory_space<hbm>>) target(%dma_start3A_48 : memref<64xi32, #tpu.memory_space<vmem>>) target_semaphore(%arg14 : memref<!tpu.dma_semaphore, #tpu.memory_space<semaphore_mem>>)
    %broadcast_in_dim3A = arith.constant -3.40282347E+38 : f32
    %broadcast_in_dim3A_50 = vector.broadcast %broadcast_in_dim3A : f32 to vector<16xf32>
    %scan3A = arith.constant 0 : i32
    %scan3A_51 = arith.constant 0 : i32
    %scan3A_52 = arith.constant 64 : i32
    %scan3A_53 = arith.addi %scan3A_51, %scan3A_52 : i32
    %scan3A_54 = arith.constant 1 : i32
    scf.for %scan3A_2961 = %scan3A_51 to %scan3A_53 step %scan3A_54  : i32 {
      %swap3A_2962 = arith.index_cast %scan3A_2961 : i32 to index
      %swap3A_2963 = arith.constant 0 : index
      %swap3A_2964 = tpu.vector_load %arg10[%swap3A_2962, %swap3A_2963] {strides = array<i32>} : memref<64x64xf32, #tpu.memory_space<vmem>>, vector<1x16xf32>,
      %swap3A_2965 = vector.shape_cast %swap3A_2964 : vector<1x16xf32> to vector<16xf32>
      %swap3A_2966 = vector.shape_cast %broadcast_in_dim3A_50 : vector<16xf32> to vector<1x16xf32>
      tpu.vector_store %arg10[%swap3A_2962, %swap3A_2963], %swap3A_2966 {strides = array<i32>} : memref<64x64xf32, #tpu.memory_space<vmem>>, vector<1x16xf32>,
      %swap3A_2967 = arith.index_cast %scan3A_2961 : i32 to index
      %swap3A_2968 = arith.constant 16 : index
      %swap3A_2969 = tpu.vector_load %arg10[%swap3A_2967, %swap3A_2968] {strides = array<i32>} : memref<64x64xf32, #tpu.memory_space<vmem>>, vector<1x16xf32>,
      %swap3A_2970 = vector.shape_cast %swap3A_2969 : vector<1x16xf32> to vector<16xf32>
      %swap3A_2971 = vector.shape_cast %broadcast_in_dim3A_50 : vector<16xf32> to vector<1x16xf32>
      tpu.vector_store %arg10[%swap3A_2967, %swap3A_2968], %swap3A_2971 {strides = array<i32>} : memref<64x64xf32, #tpu.memory_space<vmem>>, vector<1x16xf32>,
      %swap3A_2972 = arith.index_cast %scan3A_2961 : i32 to index
      %swap3A_2973 = arith.constant 32 : index
      %swap3A_2974 = tpu.vector_load %arg10[%swap3A_2972, %swap3A_2973] {strides = array<i32>} : memref<64x64xf32, #tpu.memory_space<vmem>>, vector<1x16xf32>,
      %swap3A_2975 = vector.shape_cast %swap3A_2974 : vector<1x16xf32> to vector<16xf32>
      %swap3A_2976 = vector.shape_cast %broadcast_in_dim3A_50 : vector<16xf32> to vector<1x16xf32>
      tpu.vector_store %arg10[%swap3A_2972, %swap3A_2973], %swap3A_2976 {strides = array<i32>} : memref<64x64xf32, #tpu.memory_space<vmem>>, vector<1x16xf32>,
      %swap3A_2977 = arith.index_cast %scan3A_2961 : i32 to index
      %swap3A_2978 = arith.constant 48 : index
      %swap3A_2979 = tpu.vector_load %arg10[%swap3A_2977, %swap3A_2978] {strides = array<i32>} : memref<64x64xf32, #tpu.memory_space<vmem>>, vector<1x16xf32>,
      %swap3A_2980 = vector.shape_cast %swap3A_2979 : vector<1x16xf32> to vector<16xf32>
      %swap3A_2981 = vector.shape_cast %broadcast_in_dim3A_50 : vector<16xf32> to vector<1x16xf32>
      tpu.vector_store %arg10[%swap3A_2977, %swap3A_2978], %swap3A_2981 {strides = array<i32>} : memref<64x64xf32, #tpu.memory_space<vmem>>, vector<1x16xf32>,
    }
    %scan3A_55 = arith.constant 64 : i32
    %dma_wait3A = tpu.memref_slice %arg3[%add3A, %mul3A_32] : memref<4x2048xi32, #tpu.memory_space<hbm>> -> memref<1x256xi32, #tpu.memory_space<hbm>>
    %dma_wait3A_56 = tpu.memref_squeeze %dma_wait3A : memref<1x256xi32, #tpu.memory_space<hbm>> -> memref<256xi32, #tpu.memory_space<hbm>>
    %dma_wait3A_57 = tpu.memref_slice %arg3[%add3A, %mul3A_32] : memref<4x2048xi32, #tpu.memory_space<hbm>> -> memref<1x256xi32, #tpu.memory_space<hbm>>
    %dma_wait3A_58 = tpu.memref_squeeze %dma_wait3A_57 : memref<1x256xi32, #tpu.memory_space<hbm>> -> memref<256xi32, #tpu.memory_space<hbm>>
    tpu.wait_dma2 semaphore(%arg15 : memref<!tpu.dma_semaphore, #tpu.memory_space<semaphore_mem>>) src(%dma_wait3A_58 : memref<256xi32, #tpu.memory_space<hbm>>) dst(%arg9 : memref<256xi32, #tpu.memory_space<vmem>>)
    %dma_wait3A_59 = arith.constant 0 : i32
    %dma_wait3A_60 = tpu.memref_slice %arg2[%add3A, %mul3A_32, %dma_wait3A_59] : memref<4x2048x64xf32, #tpu.memory_space<hbm>> -> memref<1x256x64xf32, #tpu.memory_space<hbm>>
    %dma_wait3A_61 = tpu.memref_squeeze %dma_wait3A_60 : memref<1x256x64xf32, #tpu.memory_space<hbm>> -> memref<256x64xf32, #tpu.memory_space<hbm>>
    %dma_wait3A_62 = arith.constant 0 : i32
    %dma_wait3A_63 = tpu.memref_slice %arg2[%add3A, %mul3A_32, %dma_wait3A_62] : memref<4x2048x64xf32, #tpu.memory_space<hbm>> -> memref<1x256x64xf32, #tpu.memory_space<hbm>>
    %dma_wait3A_64 = tpu.memref_squeeze %dma_wait3A_63 : memref<1x256x64xf32, #tpu.memory_space<hbm>> -> memref<256x64xf32, #tpu.memory_space<hbm>>
    tpu.wait_dma2 semaphore(%arg14 : memref<!tpu.dma_semaphore, #tpu.memory_space<semaphore_mem>>) src(%dma_wait3A_64 : memref<256x64xf32, #tpu.memory_space<hbm>>) dst(%arg8 : memref<256x64xf32, #tpu.memory_space<vmem>>)
    %dma_wait3A_65 = arith.constant 0 : i32
    %dma_wait3A_66 = tpu.memref_slice %arg13[%dma_wait3A_65] : memref<80xi32, #tpu.memory_space<vmem>> -> memref<64xi32, #tpu.memory_space<vmem>>
    %dma_wait3A_67 = tpu.memref_slice %arg4[%mul3A_43] : memref<256xi32, #tpu.memory_space<hbm>> -> memref<64xi32, #tpu.memory_space<hbm>>
    %dma_wait3A_68 = arith.constant 0 : i32
    %dma_wait3A_69 = tpu.memref_slice %arg13[%dma_wait3A_68] : memref<80xi32, #tpu.memory_space<vmem>> -> memref<64xi32, #tpu.memory_space<vmem>>
    %dma_wait3A_70 = tpu.memref_slice %arg4[%mul3A_43] : memref<256xi32, #tpu.memory_space<hbm>> -> memref<64xi32, #tpu.memory_space<hbm>>
    tpu.wait_dma2 semaphore(%arg14 : memref<!tpu.dma_semaphore, #tpu.memory_space<semaphore_mem>>) src(%dma_wait3A_70 : memref<64xi32, #tpu.memory_space<hbm>>) dst(%dma_wait3A_69 : memref<64xi32, #tpu.memory_space<vmem>>)
    %scan3A_71 = arith.constant 0 : i32
    %scan3A_72 = arith.constant 0 : i32
    %scan3A_73 = arith.constant 16 : i32
    %scan3A_74 = arith.addi %scan3A_72, %scan3A_73 : i32
    %scan3A_75 = arith.constant 1 : i32
    scf.for %scan3A_2961 = %scan3A_72 to %scan3A_74 step %scan3A_75  : i32 {
      %mul3A_2962 = arith.constant 16 : i32
      %mul3A_2963 = arith.muli %scan3A_2961, %mul3A_2962 : i32
      %get3A_2964 = arith.index_cast %mul3A_2963 : i32 to index
      %get3A_2965 = tpu.vector_load %arg9[%get3A_2964] {strides = array<i32>} : memref<256xi32, #tpu.memory_space<vmem>>, vector<16xi32>,
      %get3A_2966 = vector.shape_cast %get3A_2965 : vector<16xi32> to vector<16xi32>
      %slice3A_2967 = vector.extract_strided_slice %get3A_2966 {offsets = [0], sizes = [1], strides = [1]} : vector<16xi32> to vector<1xi32>
      %squeeze3A_2968 = vector.extract %slice3A_2967[0] : i32 from vector<1xi32>
      %mul3A_2969 = arith.constant 16 : i32
      %mul3A_2970 = arith.muli %scan3A_2961, %mul3A_2969 : i32
      %add3A_2971 = arith.constant 0 : i32
      %add3A_2972 = arith.addi %mul3A_2970, %add3A_2971 : i32
      %get3A_2973 = arith.index_cast %add3A_2972 : i32 to index
      %get3A_2974 = arith.constant 0 : index
      %get3A_2975 = tpu.vector_load %arg8[%get3A_2973, %get3A_2974] {strides = array<i32>} : memref<256x64xf32, #tpu.memory_space<vmem>>, vector<1x16xf32>,
      %get3A_2976 = vector.shape_cast %get3A_2975 : vector<1x16xf32> to vector<16xf32>
      %get3A_2977 = arith.index_cast %squeeze3A_2968 : i32 to index
      %get3A_2978 = arith.constant 0 : index
      %get3A_2979 = tpu.vector_load %arg10[%get3A_2977, %get3A_2978] {strides = array<i32>} : memref<64x64xf32, #tpu.memory_space<vmem>>, vector<1x16xf32>,
      %get3A_2980 = vector.shape_cast %get3A_2979 : vector<1x16xf32> to vector<16xf32>
      %max3A_2981 = arith.maximumf %get3A_2980, %get3A_2976 : vector<16xf32>
      %swap3A_2982 = arith.index_cast %squeeze3A_2968 : i32 to index
      %swap3A_2983 = arith.constant 0 : index
      %swap3A_2984 = tpu.vector_load %arg10[%swap3A_2982, %swap3A_2983] {strides = array<i32>} : memref<64x64xf32, #tpu.memory_space<vmem>>, vector<1x16xf32>,
      %swap3A_2985 = vector.shape_cast %swap3A_2984 : vector<1x16xf32> to vector<16xf32>
      %swap3A_2986 = vector.shape_cast %max3A_2981 : vector<16xf32> to vector<1x16xf32>
      tpu.vector_store %arg10[%swap3A_2982, %swap3A_2983], %swap3A_2986 {strides = array<i32>} : memref<64x64xf32, #tpu.memory_space<vmem>>, vector<1x16xf32>,
      %get3A_2987 = arith.index_cast %add3A_2972 : i32 to index
      %get3A_2988 = arith.constant 16 : index
      %get3A_2989 = tpu.vector_load %arg8[%get3A_2987, %get3A_2988] {strides = array<i32>} : memref<256x64xf32, #tpu.memory_space<vmem>>, vector<1x16xf32>,
      %get3A_2990 = vector.shape_cast %get3A_2989 : vector<1x16xf32> to vector<16xf32>
      %get3A_2991 = arith.index_cast %squeeze3A_2968 : i32 to index
      %get3A_2992 = arith.constant 16 : index
      %get3A_2993 = tpu.vector_load %arg10[%get3A_2991, %get3A_2992] {strides = array<i32>} : memref<64x64xf32, #tpu.memory_space<vmem>>, vector<1x16xf32>,
      %get3A_2994 = vector.shape_cast %get3A_2993 : vector<1x16xf32> to vector<16xf32>
      %max3A_2995 = arith.maximumf %get3A_2994, %get3A_2990 : vector<16xf32>
      %swap3A_2996 = arith.index_cast %squeeze3A_2968 : i32 to index
      %swap3A_2997 = arith.constant 16 : index
      %swap3A_2998 = tpu.vector_load %arg10[%swap3A_2996, %swap3A_2997] {strides = array<i32>} : memref<64x64xf32, #tpu.memory_space<vmem>>, vector<1x16xf32>,
      %swap3A_2999 = vector.shape_cast %swap3A_2998 : vector<1x16xf32> to vector<16xf32>
      %swap3A_3000 = vector.shape_cast %max3A_2995 : vector<16xf32> to vector<1x16xf32>
      tpu.vector_store %arg10[%swap3A_2996, %swap3A_2997], %swap3A_3000 {strides = array<i32>} : memref<64x64xf32, #tpu.memory_space<vmem>>, vector<1x16xf32>,
      %get3A_3001 = arith.index_cast %add3A_2972 : i32 to index
      %get3A_3002 = arith.constant 32 : index
      %get3A_3003 = tpu.vector_load %arg8[%get3A_3001, %get3A_3002] {strides = array<i32>} : memref<256x64xf32, #tpu.memory_space<vmem>>, vector<1x16xf32>,
      %get3A_3004 = vector.shape_cast %get3A_3003 : vector<1x16xf32> to vector<16xf32>
      %get3A_3005 = arith.index_cast %squeeze3A_2968 : i32 to index
      %get3A_3006 = arith.constant 32 : index
      %get3A_3007 = tpu.vector_load %arg10[%get3A_3005, %get3A_3006] {strides = array<i32>} : memref<64x64xf32, #tpu.memory_space<vmem>>, vector<1x16xf32>,
      %get3A_3008 = vector.shape_cast %get3A_3007 : vector<1x16xf32> to vector<16xf32>
      %max3A_3009 = arith.maximumf %get3A_3008, %get3A_3004 : vector<16xf32>
      %swap3A_3010 = arith.index_cast %squeeze3A_2968 : i32 to index
      %swap3A_3011 = arith.constant 32 : index
      %swap3A_3012 = tpu.vector_load %arg10[%swap3A_3010, %swap3A_3011] {strides = array<i32>} : memref<64x64xf32, #tpu.memory_space<vmem>>, vector<1x16xf32>,
      %swap3A_3013 = vector.shape_cast %swap3A_3012 : vector<1x16xf32> to vector<16xf32>
      %swap3A_3014 = vector.shape_cast %max3A_3009 : vector<16xf32> to vector<1x16xf32>
      tpu.vector_store %arg10[%swap3A_3010, %swap3A_3011], %swap3A_3014 {strides = array<i32>} : memref<64x64xf32, #tpu.memory_space<vmem>>, vector<1x16xf32>,
      %get3A_3015 = arith.index_cast %add3A_2972 : i32 to index
      %get3A_3016 = arith.constant 48 : index
      %get3A_3017 = tpu.vector_load %arg8[%get3A_3015, %get3A_3016] {strides = array<i32>} : memref<256x64xf32, #tpu.memory_space<vmem>>, vector<1x16xf32>,
      %get3A_3018 = vector.shape_cast %get3A_3017 : vector<1x16xf32> to vector<16xf32>
      %get3A_3019 = arith.index_cast %squeeze3A_2968 : i32 to index
      %get3A_3020 = arith.constant 48 : index
      %get3A_3021 = tpu.vector_load %arg10[%get3A_3019, %get3A_3020] {strides = array<i32>} : memref<64x64xf32, #tpu.memory_space<vmem>>, vector<1x16xf32>,
      %get3A_3022 = vector.shape_cast %get3A_3021 : vector<1x16xf32> to vector<16xf32>
      %max3A_3023 = arith.maximumf %get3A_3022, %get3A_3018 : vector<16xf32>
      %swap3A_3024 = arith.index_cast %squeeze3A_2968 : i32 to index
      %swap3A_3025 = arith.constant 48 : index
      %swap3A_3026 = tpu.vector_load %arg10[%swap3A_3024, %swap3A_3025] {strides = array<i32>} : memref<64x64xf32, #tpu.memory_space<vmem>>, vector<1x16xf32>,
      %swap3A_3027 = vector.shape_cast %swap3A_3026 : vector<1x16xf32> to vector<16xf32>
      %swap3A_3028 = vector.shape_cast %max3A_3023 : vector<16xf32> to vector<1x16xf32>
      tpu.vector_store %arg10[%swap3A_3024, %swap3A_3025], %swap3A_3028 {strides = array<i32>} : memref<64x64xf32, #tpu.memory_space<vmem>>, vector<1x16xf32>,
      %slice3A_3029 = vector.extract_strided_slice %get3A_2966 {offsets = [1], sizes = [1], strides = [1]} : vector<16xi32> to vector<1xi32>
      %squeeze3A_3030 = vector.extract %slice3A_3029[0] : i32 from vector<1xi32>
      %mul3A_3031 = arith.constant 16 : i32
      %mul3A_3032 = arith.muli %scan3A_2961, %mul3A_3031 : i32
      %add3A_3033 = arith.constant 1 : i32
      %add3A_3034 = arith.addi %mul3A_3032, %add3A_3033 : i32
      %get3A_3035 = arith.index_cast %add3A_3034 : i32 to index
      %get3A_3036 = arith.constant 0 : index
      %get3A_3037 = tpu.vector_load %arg8[%get3A_3035, %get3A_3036] {strides = array<i32>} : memref<256x64xf32, #tpu.memory_space<vmem>>, vector<1x16xf32>,
      %get3A_3038 = vector.shape_cast %get3A_3037 : vector<1x16xf32> to vector<16xf32>
      %get3A_3039 = arith.index_cast %squeeze3A_3030 : i32 to index
      %get3A_3040 = arith.constant 0 : index
      %get3A_3041 = tpu.vector_load %arg10[%get3A_3039, %get3A_3040] {strides = array<i32>} : memref<64x64xf32, #tpu.memory_space<vmem>>, vector<1x16xf32>,
      %get3A_3042 = vector.shape_cast %get3A_3041 : vector<1x16xf32> to vector<16xf32>
      %max3A_3043 = arith.maximumf %get3A_3042, %get3A_3038 : vector<16xf32>
      %swap3A_3044 = arith.index_cast %squeeze3A_3030 : i32 to index
      %swap3A_3045 = arith.constant 0 : index
      %swap3A_3046 = tpu.vector_load %arg10[%swap3A_3044, %swap3A_3045] {strides = array<i32>} : memref<64x64xf32, #tpu.memory_space<vmem>>, vector<1x16xf32>,
      %swap3A_3047 = vector.shape_cast %swap3A_3046 : vector<1x16xf32> to vector<16xf32>
      %swap3A_3048 = vector.shape_cast %max3A_3043 : vector<16xf32> to vector<1x16xf32>
      tpu.vector_store %arg10[%swap3A_3044, %swap3A_3045], %swap3A_3048 {strides = array<i32>} : memref<64x64xf32, #tpu.memory_space<vmem>>, vector<1x16xf32>,
      %get3A_3049 = arith.index_cast %add3A_3034 : i32 to index
      %get3A_3050 = arith.constant 16 : index
      %get3A_3051 = tpu.vector_load %arg8[%get3A_3049, %get3A_3050] {strides = array<i32>} : memref<256x64xf32, #tpu.memory_space<vmem>>, vector<1x16xf32>,
      %get3A_3052 = vector.shape_cast %get3A_3051 : vector<1x16xf32> to vector<16xf32>
      %get3A_3053 = arith.index_cast %squeeze3A_3030 : i32 to index
      %get3A_3054 = arith.constant 16 : index
      %get3A_3055 = tpu.vector_load %arg10[%get3A_3053, %get3A_3054] {strides = array<i32>} : memref<64x64xf32, #tpu.memory_space<vmem>>, vector<1x16xf32>,
      %get3A_3056 = vector.shape_cast %get3A_3055 : vector<1x16xf32> to vector<16xf32>
      %max3A_3057 = arith.maximumf %get3A_3056, %get3A_3052 : vector<16xf32>
      %swap3A_3058 = arith.index_cast %squeeze3A_3030 : i32 to index
      %swap3A_3059 = arith.constant 16 : index
      %swap3A_3060 = tpu.vector_load %arg10[%swap3A_3058, %swap3A_3059] {strides = array<i32>} : memref<64x64xf32, #tpu.memory_space<vmem>>, vector<1x16xf32>,
      %swap3A_3061 = vector.shape_cast %swap3A_3060 : vector<1x16xf32> to vector<16xf32>
      %swap3A_3062 = vector.shape_cast %max3A_3057 : vector<16xf32> to vector<1x16xf32>
      tpu.vector_store %arg10[%swap3A_3058, %swap3A_3059], %swap3A_3062 {strides = array<i32>} : memref<64x64xf32, #tpu.memory_space<vmem>>, vector<1x16xf32>,
      %get3A_3063 = arith.index_cast %add3A_3034 : i32 to index
      %get3A_3064 = arith.constant 32 : index
      %get3A_3065 = tpu.vector_load %arg8[%get3A_3063, %get3A_3064] {strides = array<i32>} : memref<256x64xf32, #tpu.memory_space<vmem>>, vector<1x16xf32>,
      %get3A_3066 = vector.shape_cast %get3A_3065 : vector<1x16xf32> to vector<16xf32>
      %get3A_3067 = arith.index_cast %squeeze3A_3030 : i32 to index
      %get3A_3068 = arith.constant 32 : index
      %get3A_3069 = tpu.vector_load %arg10[%get3A_3067, %get3A_3068] {strides = array<i32>} : memref<64x64xf32, #tpu.memory_space<vmem>>, vector<1x16xf32>,
      %get3A_3070 = vector.shape_cast %get3A_3069 : vector<1x16xf32> to vector<16xf32>
      %max3A_3071 = arith.maximumf %get3A_3070, %get3A_3066 : vector<16xf32>
      %swap3A_3072 = arith.index_cast %squeeze3A_3030 : i32 to index
      %swap3A_3073 = arith.constant 32 : index
      %swap3A_3074 = tpu.vector_load %arg10[%swap3A_3072, %swap3A_3073] {strides = array<i32>} : memref<64x64xf32, #tpu.memory_space<vmem>>, vector<1x16xf32>,
      %swap3A_3075 = vector.shape_cast %swap3A_3074 : vector<1x16xf32> to vector<16xf32>
      %swap3A_3076 = vector.shape_cast %max3A_3071 : vector<16xf32> to vector<1x16xf32>
      tpu.vector_store %arg10[%swap3A_3072, %swap3A_3073], %swap3A_3076 {strides = array<i32>} : memref<64x64xf32, #tpu.memory_space<vmem>>, vector<1x16xf32>,
      %get3A_3077 = arith.index_cast %add3A_3034 : i32 to index
      %get3A_3078 = arith.constant 48 : index
      %get3A_3079 = tpu.vector_load %arg8[%get3A_3077, %get3A_3078] {strides = array<i32>} : memref<256x64xf32, #tpu.memory_space<vmem>>, vector<1x16xf32>,
      %get3A_3080 = vector.shape_cast %get3A_3079 : vector<1x16xf32> to vector<16xf32>
      %get3A_3081 = arith.index_cast %squeeze3A_3030 : i32 to index
      %get3A_3082 = arith.constant 48 : index
      %get3A_3083 = tpu.vector_load %arg10[%get3A_3081, %get3A_3082] {strides = array<i32>} : memref<64x64xf32, #tpu.memory_space<vmem>>, vector<1x16xf32>,
      %get3A_3084 = vector.shape_cast %get3A_3083 : vector<1x16xf32> to vector<16xf32>
      %max3A_3085 = arith.maximumf %get3A_3084, %get3A_3080 : vector<16xf32>
      %swap3A_3086 = arith.index_cast %squeeze3A_3030 : i32 to index
      %swap3A_3087 = arith.constant 48 : index
      %swap3A_3088 = tpu.vector_load %arg10[%swap3A_3086, %swap3A_3087] {strides = array<i32>} : memref<64x64xf32, #tpu.memory_space<vmem>>, vector<1x16xf32>,
      %swap3A_3089 = vector.shape_cast %swap3A_3088 : vector<1x16xf32> to vector<16xf32>
      %swap3A_3090 = vector.shape_cast %max3A_3085 : vector<16xf32> to vector<1x16xf32>
      tpu.vector_store %arg10[%swap3A_3086, %swap3A_3087], %swap3A_3090 {strides = array<i32>} : memref<64x64xf32, #tpu.memory_space<vmem>>, vector<1x16xf32>,
      %slice3A_3091 = vector.extract_strided_slice %get3A_2966 {offsets = [2], sizes = [1], strides = [1]} : vector<16xi32> to vector<1xi32>
      %squeeze3A_3092 = vector.extract %slice3A_3091[0] : i32 from vector<1xi32>
      %mul3A_3093 = arith.constant 16 : i32
      %mul3A_3094 = arith.muli %scan3A_2961, %mul3A_3093 : i32
      %add3A_3095 = arith.constant 2 : i32
      %add3A_3096 = arith.addi %mul3A_3094, %add3A_3095 : i32
      %get3A_3097 = arith.index_cast %add3A_3096 : i32 to index
      %get3A_3098 = arith.constant 0 : index
      %get3A_3099 = tpu.vector_load %arg8[%get3A_3097, %get3A_3098] {strides = array<i32>} : memref<256x64xf32, #tpu.memory_space<vmem>>, vector<1x16xf32>,
      %get3A_3100 = vector.shape_cast %get3A_3099 : vector<1x16xf32> to vector<16xf32>
      %get3A_3101 = arith.index_cast %squeeze3A_3092 : i32 to index
      %get3A_3102 = arith.constant 0 : index
      %get3A_3103 = tpu.vector_load %arg10[%get3A_3101, %get3A_3102] {strides = array<i32>} : memref<64x64xf32, #tpu.memory_space<vmem>>, vector<1x16xf32>,
      %get3A_3104 = vector.shape_cast %get3A_3103 : vector<1x16xf32> to vector<16xf32>
      %max3A_3105 = arith.maximumf %get3A_3104, %get3A_3100 : vector<16xf32>
      %swap3A_3106 = arith.index_cast %squeeze3A_3092 : i32 to index
      %swap3A_3107 = arith.constant 0 : index
      %swap3A_3108 = tpu.vector_load %arg10[%swap3A_3106, %swap3A_3107] {strides = array<i32>} : memref<64x64xf32, #tpu.memory_space<vmem>>, vector<1x16xf32>,
      %swap3A_3109 = vector.shape_cast %swap3A_3108 : vector<1x16xf32> to vector<16xf32>
      %swap3A_3110 = vector.shape_cast %max3A_3105 : vector<16xf32> to vector<1x16xf32>
      tpu.vector_store %arg10[%swap3A_3106, %swap3A_3107], %swap3A_3110 {strides = array<i32>} : memref<64x64xf32, #tpu.memory_space<vmem>>, vector<1x16xf32>,
      %get3A_3111 = arith.index_cast %add3A_3096 : i32 to index
      %get3A_3112 = arith.constant 16 : index
      %get3A_3113 = tpu.vector_load %arg8[%get3A_3111, %get3A_3112] {strides = array<i32>} : memref<256x64xf32, #tpu.memory_space<vmem>>, vector<1x16xf32>,
      %get3A_3114 = vector.shape_cast %get3A_3113 : vector<1x16xf32> to vector<16xf32>
      %get3A_3115 = arith.index_cast %squeeze3A_3092 : i32 to index
      %get3A_3116 = arith.constant 16 : index
      %get3A_3117 = tpu.vector_load %arg10[%get3A_3115, %get3A_3116] {strides = array<i32>} : memref<64x64xf32, #tpu.memory_space<vmem>>, vector<1x16xf32>,
      %get3A_3118 = vector.shape_cast %get3A_3117 : vector<1x16xf32> to vector<16xf32>
      %max3A_3119 = arith.maximumf %get3A_3118, %get3A_3114 : vector<16xf32>
      %swap3A_3120 = arith.index_cast %squeeze3A_3092 : i32 to index
      %swap3A_3121 = arith.constant 16 : index
      %swap3A_3122 = tpu.vector_load %arg10[%swap3A_3120, %swap3A_3121] {strides = array<i32>} : memref<64x64xf32, #tpu.memory_space<vmem>>, vector<1x16xf32>,
      %swap3A_3123 = vector.shape_cast %swap3A_3122 : vector<1x16xf32> to vector<16xf32>
      %swap3A_3124 = vector.shape_cast %max3A_3119 : vector<16xf32> to vector<1x16xf32>
      tpu.vector_store %arg10[%swap3A_3120, %swap3A_3121], %swap3A_3124 {strides = array<i32>} : memref<64x64xf32, #tpu.memory_space<vmem>>, vector<1x16xf32>,
      %get3A_3125 = arith.index_cast %add3A_3096 : i32 to index
      %get3A_3126 = arith.constant 32 : index
      %get3A_3127 = tpu.vector_load %arg8[%get3A_3125, %get3A_3126] {strides = array<i32>} : memref<256x64xf32, #tpu.memory_space<vmem>>, vector<1x16xf32>,
      %get3A_3128 = vector.shape_cast %get3A_3127 : vector<1x16xf32> to vector<16xf32>
      %get3A_3129 = arith.index_cast %squeeze3A_3092 : i32 to index
      %get3A_3130 = arith.constant 32 : index
      %get3A_3131 = tpu.vector_load %arg10[%get3A_3129, %get3A_3130] {strides = array<i32>} : memref<64x64xf32, #tpu.memory_space<vmem>>, vector<1x16xf32>,
      %get3A_3132 = vector.shape_cast %get3A_3131 : vector<1x16xf32> to vector<16xf32>
      %max3A_3133 = arith.maximumf %get3A_3132, %get3A_3128 : vector<16xf32>
      %swap3A_3134 = arith.index_cast %squeeze3A_3092 : i32 to index
      %swap3A_3135 = arith.constant 32 : index
      %swap3A_3136 = tpu.vector_load %arg10[%swap3A_3134, %swap3A_3135] {strides = array<i32>} : memref<64x64xf32, #tpu.memory_space<vmem>>, vector<1x16xf32>,
      %swap3A_3137 = vector.shape_cast %swap3A_3136 : vector<1x16xf32> to vector<16xf32>
      %swap3A_3138 = vector.shape_cast %max3A_3133 : vector<16xf32> to vector<1x16xf32>
      tpu.vector_store %arg10[%swap3A_3134, %swap3A_3135], %swap3A_3138 {strides = array<i32>} : memref<64x64xf32, #tpu.memory_space<vmem>>, vector<1x16xf32>,
      %get3A_3139 = arith.index_cast %add3A_3096 : i32 to index
      %get3A_3140 = arith.constant 48 : index
      %get3A_3141 = tpu.vector_load %arg8[%get3A_3139, %get3A_3140] {strides = array<i32>} : memref<256x64xf32, #tpu.memory_space<vmem>>, vector<1x16xf32>,
      %get3A_3142 = vector.shape_cast %get3A_3141 : vector<1x16xf32> to vector<16xf32>
      %get3A_3143 = arith.index_cast %squeeze3A_3092 : i32 to index
      %get3A_3144 = arith.constant 48 : index
      %get3A_3145 = tpu.vector_load %arg10[%get3A_3143, %get3A_3144] {strides = array<i32>} : memref<64x64xf32, #tpu.memory_space<vmem>>, vector<1x16xf32>,
      %get3A_3146 = vector.shape_cast %get3A_3145 : vector<1x16xf32> to vector<16xf32>
      %max3A_3147 = arith.maximumf %get3A_3146, %get3A_3142 : vector<16xf32>
      %swap3A_3148 = arith.index_cast %squeeze3A_3092 : i32 to index
      %swap3A_3149 = arith.constant 48 : index
      %swap3A_3150 = tpu.vector_load %arg10[%swap3A_3148, %swap3A_3149] {strides = array<i32>} : memref<64x64xf32, #tpu.memory_space<vmem>>, vector<1x16xf32>,
      %swap3A_3151 = vector.shape_cast %swap3A_3150 : vector<1x16xf32> to vector<16xf32>
      %swap3A_3152 = vector.shape_cast %max3A_3147 : vector<16xf32> to vector<1x16xf32>
      tpu.vector_store %arg10[%swap3A_3148, %swap3A_3149], %swap3A_3152 {strides = array<i32>} : memref<64x64xf32, #tpu.memory_space<vmem>>, vector<1x16xf32>,
      %slice3A_3153 = vector.extract_strided_slice %get3A_2966 {offsets = [3], sizes = [1], strides = [1]} : vector<16xi32> to vector<1xi32>
      %squeeze3A_3154 = vector.extract %slice3A_3153[0] : i32 from vector<1xi32>
      %mul3A_3155 = arith.constant 16 : i32
      %mul3A_3156 = arith.muli %scan3A_2961, %mul3A_3155 : i32
      %add3A_3157 = arith.constant 3 : i32
      %add3A_3158 = arith.addi %mul3A_3156, %add3A_3157 : i32
      %get3A_3159 = arith.index_cast %add3A_3158 : i32 to index
      %get3A_3160 = arith.constant 0 : index
      %get3A_3161 = tpu.vector_load %arg8[%get3A_3159, %get3A_3160] {strides = array<i32>} : memref<256x64xf32, #tpu.memory_space<vmem>>, vector<1x16xf32>,
      %get3A_3162 = vector.shape_cast %get3A_3161 : vector<1x16xf32> to vector<16xf32>
      %get3A_3163 = arith.index_cast %squeeze3A_3154 : i32 to index
      %get3A_3164 = arith.constant 0 : index
      %get3A_3165 = tpu.vector_load %arg10[%get3A_3163, %get3A_3164] {strides = array<i32>} : memref<64x64xf32, #tpu.memory_space<vmem>>, vector<1x16xf32>,
      %get3A_3166 = vector.shape_cast %get3A_3165 : vector<1x16xf32> to vector<16xf32>
      %max3A_3167 = arith.maximumf %get3A_3166, %get3A_3162 : vector<16xf32>
      %swap3A_3168 = arith.index_cast %squeeze3A_3154 : i32 to index
      %swap3A_3169 = arith.constant 0 : index
      %swap3A_3170 = tpu.vector_load %arg10[%swap3A_3168, %swap3A_3169] {strides = array<i32>} : memref<64x64xf32, #tpu.memory_space<vmem>>, vector<1x16xf32>,
      %swap3A_3171 = vector.shape_cast %swap3A_3170 : vector<1x16xf32> to vector<16xf32>
      %swap3A_3172 = vector.shape_cast %max3A_3167 : vector<16xf32> to vector<1x16xf32>
      tpu.vector_store %arg10[%swap3A_3168, %swap3A_3169], %swap3A_3172 {strides = array<i32>} : memref<64x64xf32, #tpu.memory_space<vmem>>, vector<1x16xf32>,
      %get3A_3173 = arith.index_cast %add3A_3158 : i32 to index
      %get3A_3174 = arith.constant 16 : index
      %get3A_3175 = tpu.vector_load %arg8[%get3A_3173, %get3A_3174] {strides = array<i32>} : memref<256x64xf32, #tpu.memory_space<vmem>>, vector<1x16xf32>,
      %get3A_3176 = vector.shape_cast %get3A_3175 : vector<1x16xf32> to vector<16xf32>
      %get3A_3177 = arith.index_cast %squeeze3A_3154 : i32 to index
      %get3A_3178 = arith.constant 16 : index
      %get3A_3179 = tpu.vector_load %arg10[%get3A_3177, %get3A_3178] {strides = array<i32>} : memref<64x64xf32, #tpu.memory_space<vmem>>, vector<1x16xf32>,
      %get3A_3180 = vector.shape_cast %get3A_3179 : vector<1x16xf32> to vector<16xf32>
      %max3A_3181 = arith.maximumf %get3A_3180, %get3A_3176 : vector<16xf32>
      %swap3A_3182 = arith.index_cast %squeeze3A_3154 : i32 to index
      %swap3A_3183 = arith.constant 16 : index
      %swap3A_3184 = tpu.vector_load %arg10[%swap3A_3182, %swap3A_3183] {strides = array<i32>} : memref<64x64xf32, #tpu.memory_space<vmem>>, vector<1x16xf32>,
      %swap3A_3185 = vector.shape_cast %swap3A_3184 : vector<1x16xf32> to vector<16xf32>
      %swap3A_3186 = vector.shape_cast %max3A_3181 : vector<16xf32> to vector<1x16xf32>
      tpu.vector_store %arg10[%swap3A_3182, %swap3A_3183], %swap3A_3186 {strides = array<i32>} : memref<64x64xf32, #tpu.memory_space<vmem>>, vector<1x16xf32>,
      %get3A_3187 = arith.index_cast %add3A_3158 : i32 to index
      %get3A_3188 = arith.constant 32 : index
      %get3A_3189 = tpu.vector_load %arg8[%get3A_3187, %get3A_3188] {strides = array<i32>} : memref<256x64xf32, #tpu.memory_space<vmem>>, vector<1x16xf32>,
      %get3A_3190 = vector.shape_cast %get3A_3189 : vector<1x16xf32> to vector<16xf32>
      %get3A_3191 = arith.index_cast %squeeze3A_3154 : i32 to index
      %get3A_3192 = arith.constant 32 : index
      %get3A_3193 = tpu.vector_load %arg10[%get3A_3191, %get3A_3192] {strides = array<i32>} : memref<64x64xf32, #tpu.memory_space<vmem>>, vector<1x16xf32>,
      %get3A_3194 = vector.shape_cast %get3A_3193 : vector<1x16xf32> to vector<16xf32>
      %max3A_3195 = arith.maximumf %get3A_3194, %get3A_3190 : vector<16xf32>
      %swap3A_3196 = arith.index_cast %squeeze3A_3154 : i32 to index
      %swap3A_3197 = arith.constant 32 : index
      %swap3A_3198 = tpu.vector_load %arg10[%swap3A_3196, %swap3A_3197] {strides = array<i32>} : memref<64x64xf32, #tpu.memory_space<vmem>>, vector<1x16xf32>,
      %swap3A_3199 = vector.shape_cast %swap3A_3198 : vector<1x16xf32> to vector<16xf32>
      %swap3A_3200 = vector.shape_cast %max3A_3195 : vector<16xf32> to vector<1x16xf32>
      tpu.vector_store %arg10[%swap3A_3196, %swap3A_3197], %swap3A_3200 {strides = array<i32>} : memref<64x64xf32, #tpu.memory_space<vmem>>, vector<1x16xf32>,
      %get3A_3201 = arith.index_cast %add3A_3158 : i32 to index
      %get3A_3202 = arith.constant 48 : index
      %get3A_3203 = tpu.vector_load %arg8[%get3A_3201, %get3A_3202] {strides = array<i32>} : memref<256x64xf32, #tpu.memory_space<vmem>>, vector<1x16xf32>,
      %get3A_3204 = vector.shape_cast %get3A_3203 : vector<1x16xf32> to vector<16xf32>
      %get3A_3205 = arith.index_cast %squeeze3A_3154 : i32 to index
      %get3A_3206 = arith.constant 48 : index
      %get3A_3207 = tpu.vector_load %arg10[%get3A_3205, %get3A_3206] {strides = array<i32>} : memref<64x64xf32, #tpu.memory_space<vmem>>, vector<1x16xf32>,
      %get3A_3208 = vector.shape_cast %get3A_3207 : vector<1x16xf32> to vector<16xf32>
      %max3A_3209 = arith.maximumf %get3A_3208, %get3A_3204 : vector<16xf32>
      %swap3A_3210 = arith.index_cast %squeeze3A_3154 : i32 to index
      %swap3A_3211 = arith.constant 48 : index
      %swap3A_3212 = tpu.vector_load %arg10[%swap3A_3210, %swap3A_3211] {strides = array<i32>} : memref<64x64xf32, #tpu.memory_space<vmem>>, vector<1x16xf32>,
      %swap3A_3213 = vector.shape_cast %swap3A_3212 : vector<1x16xf32> to vector<16xf32>
      %swap3A_3214 = vector.shape_cast %max3A_3209 : vector<16xf32> to vector<1x16xf32>
      tpu.vector_store %arg10[%swap3A_3210, %swap3A_3211], %swap3A_3214 {strides = array<i32>} : memref<64x64xf32, #tpu.memory_space<vmem>>, vector<1x16xf32>,
      %slice3A_3215 = vector.extract_strided_slice %get3A_2966 {offsets = [4], sizes = [1], strides = [1]} : vector<16xi32> to vector<1xi32>
      %squeeze3A_3216 = vector.extract %slice3A_3215[0] : i32 from vector<1xi32>
      %mul3A_3217 = arith.constant 16 : i32
      %mul3A_3218 = arith.muli %scan3A_2961, %mul3A_3217 : i32
      %add3A_3219 = arith.constant 4 : i32
      %add3A_3220 = arith.addi %mul3A_3218, %add3A_3219 : i32
      %get3A_3221 = arith.index_cast %add3A_3220 : i32 to index
      %get3A_3222 = arith.constant 0 : index
      %get3A_3223 = tpu.vector_load %arg8[%get3A_3221, %get3A_3222] {strides = array<i32>} : memref<256x64xf32, #tpu.memory_space<vmem>>, vector<1x16xf32>,
      %get3A_3224 = vector.shape_cast %get3A_3223 : vector<1x16xf32> to vector<16xf32>
      %get3A_3225 = arith.index_cast %squeeze3A_3216 : i32 to index
      %get3A_3226 = arith.constant 0 : index
      %get3A_3227 = tpu.vector_load %arg10[%get3A_3225, %get3A_3226] {strides = array<i32>} : memref<64x64xf32, #tpu.memory_space<vmem>>, vector<1x16xf32>,
      %get3A_3228 = vector.shape_cast %get3A_3227 : vector<1x16xf32> to vector<16xf32>
      %max3A_3229 = arith.maximumf %get3A_3228, %get3A_3224 : vector<16xf32>
      %swap3A_3230 = arith.index_cast %squeeze3A_3216 : i32 to index
      %swap3A_3231 = arith.constant 0 : index
      %swap3A_3232 = tpu.vector_load %arg10[%swap3A_3230, %swap3A_3231] {strides = array<i32>} : memref<64x64xf32, #tpu.memory_space<vmem>>, vector<1x16xf32>,
      %swap3A_3233 = vector.shape_cast %swap3A_3232 : vector<1x16xf32> to vector<16xf32>
      %swap3A_3234 = vector.shape_cast %max3A_3229 : vector<16xf32> to vector<1x16xf32>
      tpu.vector_store %arg10[%swap3A_3230, %swap3A_3231], %swap3A_3234 {strides = array<i32>} : memref<64x64xf32, #tpu.memory_space<vmem>>, vector<1x16xf32>,
      %get3A_3235 = arith.index_cast %add3A_3220 : i32 to index
      %get3A_3236 = arith.constant 16 : index
      %get3A_3237 = tpu.vector_load %arg8[%get3A_3235, %get3A_3236] {strides = array<i32>} : memref<256x64xf32, #tpu.memory_space<vmem>>, vector<1x16xf32>,
      %get3A_3238 = vector.shape_cast %get3A_3237 : vector<1x16xf32> to vector<16xf32>
      %get3A_3239 = arith.index_cast %squeeze3A_3216 : i32 to index
      %get3A_3240 = arith.constant 16 : index
      %get3A_3241 = tpu.vector_load %arg10[%get3A_3239, %get3A_3240] {strides = array<i32>} : memref<64x64xf32, #tpu.memory_space<vmem>>, vector<1x16xf32>,
      %get3A_3242 = vector.shape_cast %get3A_3241 : vector<1x16xf32> to vector<16xf32>
      %max3A_3243 = arith.maximumf %get3A_3242, %get3A_3238 : vector<16xf32>
      %swap3A_3244 = arith.index_cast %squeeze3A_3216 : i32 to index
      %swap3A_3245 = arith.constant 16 : index
      %swap3A_3246 = tpu.vector_load %arg10[%swap3A_3244, %swap3A_3245] {strides = array<i32>} : memref<64x64xf32, #tpu.memory_space<vmem>>, vector<1x16xf32>,
      %swap3A_3247 = vector.shape_cast %swap3A_3246 : vector<1x16xf32> to vector<16xf32>
      %swap3A_3248 = vector.shape_cast %max3A_3243 : vector<16xf32> to vector<1x16xf32>
      tpu.vector_store %arg10[%swap3A_3244, %swap3A_3245], %swap3A_3248 {strides = array<i32>} : memref<64x64xf32, #tpu.memory_space<vmem>>, vector<1x16xf32>,
      %get3A_3249 = arith.index_cast %add3A_3220 : i32 to index
      %get3A_3250 = arith.constant 32 : index
      %get3A_3251 = tpu.vector_load %arg8[%get3A_3249, %get3A_3250] {strides = array<i32>} : memref<256x64xf32, #tpu.memory_space<vmem>>, vector<1x16xf32>,
      %get3A_3252 = vector.shape_cast %get3A_3251 : vector<1x16xf32> to vector<16xf32>
      %get3A_3253 = arith.index_cast %squeeze3A_3216 : i32 to index
      %get3A_3254 = arith.constant 32 : index
      %get3A_3255 = tpu.vector_load %arg10[%get3A_3253, %get3A_3254] {strides = array<i32>} : memref<64x64xf32, #tpu.memory_space<vmem>>, vector<1x16xf32>,
      %get3A_3256 = vector.shape_cast %get3A_3255 : vector<1x16xf32> to vector<16xf32>
      %max3A_3257 = arith.maximumf %get3A_3256, %get3A_3252 : vector<16xf32>
      %swap3A_3258 = arith.index_cast %squeeze3A_3216 : i32 to index
      %swap3A_3259 = arith.constant 32 : index
      %swap3A_3260 = tpu.vector_load %arg10[%swap3A_3258, %swap3A_3259] {strides = array<i32>} : memref<64x64xf32, #tpu.memory_space<vmem>>, vector<1x16xf32>,
      %swap3A_3261 = vector.shape_cast %swap3A_3260 : vector<1x16xf32> to vector<16xf32>
      %swap3A_3262 = vector.shape_cast %max3A_3257 : vector<16xf32> to vector<1x16xf32>
      tpu.vector_store %arg10[%swap3A_3258, %swap3A_3259], %swap3A_3262 {strides = array<i32>} : memref<64x64xf32, #tpu.memory_space<vmem>>, vector<1x16xf32>,
      %get3A_3263 = arith.index_cast %add3A_3220 : i32 to index
      %get3A_3264 = arith.constant 48 : index
      %get3A_3265 = tpu.vector_load %arg8[%get3A_3263, %get3A_3264] {strides = array<i32>} : memref<256x64xf32, #tpu.memory_space<vmem>>, vector<1x16xf32>,
      %get3A_3266 = vector.shape_cast %get3A_3265 : vector<1x16xf32> to vector<16xf32>
      %get3A_3267 = arith.index_cast %squeeze3A_3216 : i32 to index
      %get3A_3268 = arith.constant 48 : index
      %get3A_3269 = tpu.vector_load %arg10[%get3A_3267, %get3A_3268] {strides = array<i32>} : memref<64x64xf32, #tpu.memory_space<vmem>>, vector<1x16xf32>,
      %get3A_3270 = vector.shape_cast %get3A_3269 : vector<1x16xf32> to vector<16xf32>
      %max3A_3271 = arith.maximumf %get3A_3270, %get3A_3266 : vector<16xf32>
      %swap3A_3272 = arith.index_cast %squeeze3A_3216 : i32 to index
      %swap3A_3273 = arith.constant 48 : index
      %swap3A_3274 = tpu.vector_load %arg10[%swap3A_3272, %swap3A_3273] {strides = array<i32>} : memref<64x64xf32, #tpu.memory_space<vmem>>, vector<1x16xf32>,
      %swap3A_3275 = vector.shape_cast %swap3A_3274 : vector<1x16xf32> to vector<16xf32>
      %swap3A_3276 = vector.shape_cast %max3A_3271 : vector<16xf32> to vector<1x16xf32>
      tpu.vector_store %arg10[%swap3A_3272, %swap3A_3273], %swap3A_3276 {strides = array<i32>} : memref<64x64xf32, #tpu.memory_space<vmem>>, vector<1x16xf32>,
      %slice3A_3277 = vector.extract_strided_slice %get3A_2966 {offsets = [5], sizes = [1], strides = [1]} : vector<16xi32> to vector<1xi32>
      %squeeze3A_3278 = vector.extract %slice3A_3277[0] : i32 from vector<1xi32>
      %mul3A_3279 = arith.constant 16 : i32
      %mul3A_3280 = arith.muli %scan3A_2961, %mul3A_3279 : i32
      %add3A_3281 = arith.constant 5 : i32
      %add3A_3282 = arith.addi %mul3A_3280, %add3A_3281 : i32
      %get3A_3283 = arith.index_cast %add3A_3282 : i32 to index
      %get3A_3284 = arith.constant 0 : index
      %get3A_3285 = tpu.vector_load %arg8[%get3A_3283, %get3A_3284] {strides = array<i32>} : memref<256x64xf32, #tpu.memory_space<vmem>>, vector<1x16xf32>,
      %get3A_3286 = vector.shape_cast %get3A_3285 : vector<1x16xf32> to vector<16xf32>
      %get3A_3287 = arith.index_cast %squeeze3A_3278 : i32 to index
      %get3A_3288 = arith.constant 0 : index
      %get3A_3289 = tpu.vector_load %arg10[%get3A_3287, %get3A_3288] {strides = array<i32>} : memref<64x64xf32, #tpu.memory_space<vmem>>, vector<1x16xf32>,
      %get3A_3290 = vector.shape_cast %get3A_3289 : vector<1x16xf32> to vector<16xf32>
      %max3A_3291 = arith.maximumf %get3A_3290, %get3A_3286 : vector<16xf32>
      %swap3A_3292 = arith.index_cast %squeeze3A_3278 : i32 to index
      %swap3A_3293 = arith.constant 0 : index
      %swap3A_3294 = tpu.vector_load %arg10[%swap3A_3292, %swap3A_3293] {strides = array<i32>} : memref<64x64xf32, #tpu.memory_space<vmem>>, vector<1x16xf32>,
      %swap3A_3295 = vector.shape_cast %swap3A_3294 : vector<1x16xf32> to vector<16xf32>
      %swap3A_3296 = vector.shape_cast %max3A_3291 : vector<16xf32> to vector<1x16xf32>
      tpu.vector_store %arg10[%swap3A_3292, %swap3A_3293], %swap3A_3296 {strides = array<i32>} : memref<64x64xf32, #tpu.memory_space<vmem>>, vector<1x16xf32>,
      %get3A_3297 = arith.index_cast %add3A_3282 : i32 to index
      %get3A_3298 = arith.constant 16 : index
      %get3A_3299 = tpu.vector_load %arg8[%get3A_3297, %get3A_3298] {strides = array<i32>} : memref<256x64xf32, #tpu.memory_space<vmem>>, vector<1x16xf32>,
      %get3A_3300 = vector.shape_cast %get3A_3299 : vector<1x16xf32> to vector<16xf32>
      %get3A_3301 = arith.index_cast %squeeze3A_3278 : i32 to index
      %get3A_3302 = arith.constant 16 : index
      %get3A_3303 = tpu.vector_load %arg10[%get3A_3301, %get3A_3302] {strides = array<i32>} : memref<64x64xf32, #tpu.memory_space<vmem>>, vector<1x16xf32>,
      %get3A_3304 = vector.shape_cast %get3A_3303 : vector<1x16xf32> to vector<16xf32>
      %max3A_3305 = arith.maximumf %get3A_3304, %get3A_3300 : vector<16xf32>
      %swap3A_3306 = arith.index_cast %squeeze3A_3278 : i32 to index
      %swap3A_3307 = arith.constant 16 : index
      %swap3A_3308 = tpu.vector_load %arg10[%swap3A_3306, %swap3A_3307] {strides = array<i32>} : memref<64x64xf32, #tpu.memory_space<vmem>>, vector<1x16xf32>,
      %swap3A_3309 = vector.shape_cast %swap3A_3308 : vector<1x16xf32> to vector<16xf32>
      %swap3A_3310 = vector.shape_cast %max3A_3305 : vector<16xf32> to vector<1x16xf32>
      tpu.vector_store %arg10[%swap3A_3306, %swap3A_3307], %swap3A_3310 {strides = array<i32>} : memref<64x64xf32, #tpu.memory_space<vmem>>, vector<1x16xf32>,
      %get3A_3311 = arith.index_cast %add3A_3282 : i32 to index
      %get3A_3312 = arith.constant 32 : index
      %get3A_3313 = tpu.vector_load %arg8[%get3A_3311, %get3A_3312] {strides = array<i32>} : memref<256x64xf32, #tpu.memory_space<vmem>>, vector<1x16xf32>,
      %get3A_3314 = vector.shape_cast %get3A_3313 : vector<1x16xf32> to vector<16xf32>
      %get3A_3315 = arith.index_cast %squeeze3A_3278 : i32 to index
      %get3A_3316 = arith.constant 32 : index
      %get3A_3317 = tpu.vector_load %arg10[%get3A_3315, %get3A_3316] {strides = array<i32>} : memref<64x64xf32, #tpu.memory_space<vmem>>, vector<1x16xf32>,
      %get3A_3318 = vector.shape_cast %get3A_3317 : vector<1x16xf32> to vector<16xf32>
      %max3A_3319 = arith.maximumf %get3A_3318, %get3A_3314 : vector<16xf32>
      %swap3A_3320 = arith.index_cast %squeeze3A_3278 : i32 to index
      %swap3A_3321 = arith.constant 32 : index
      %swap3A_3322 = tpu.vector_load %arg10[%swap3A_3320, %swap3A_3321] {strides = array<i32>} : memref<64x64xf32, #tpu.memory_space<vmem>>, vector<1x16xf32>,
      %swap3A_3323 = vector.shape_cast %swap3A_3322 : vector<1x16xf32> to vector<16xf32>
      %swap3A_3324 = vector.shape_cast %max3A_3319 : vector<16xf32> to vector<1x16xf32>
      tpu.vector_store %arg10[%swap3A_3320, %swap3A_3321], %swap3A_3324 {strides = array<i32>} : memref<64x64xf32, #tpu.memory_space<vmem>>, vector<1x16xf32>,
      %get3A_3325 = arith.index_cast %add3A_3282 : i32 to index
      %get3A_3326 = arith.constant 48 : index
      %get3A_3327 = tpu.vector_load %arg8[%get3A_3325, %get3A_3326] {strides = array<i32>} : memref<256x64xf32, #tpu.memory_space<vmem>>, vector<1x16xf32>,
      %get3A_3328 = vector.shape_cast %get3A_3327 : vector<1x16xf32> to vector<16xf32>
      %get3A_3329 = arith.index_cast %squeeze3A_3278 : i32 to index
      %get3A_3330 = arith.constant 48 : index
      %get3A_3331 = tpu.vector_load %arg10[%get3A_3329, %get3A_3330] {strides = array<i32>} : memref<64x64xf32, #tpu.memory_space<vmem>>, vector<1x16xf32>,
      %get3A_3332 = vector.shape_cast %get3A_3331 : vector<1x16xf32> to vector<16xf32>
      %max3A_3333 = arith.maximumf %get3A_3332, %get3A_3328 : vector<16xf32>
      %swap3A_3334 = arith.index_cast %squeeze3A_3278 : i32 to index
      %swap3A_3335 = arith.constant 48 : index
      %swap3A_3336 = tpu.vector_load %arg10[%swap3A_3334, %swap3A_3335] {strides = array<i32>} : memref<64x64xf32, #tpu.memory_space<vmem>>, vector<1x16xf32>,
      %swap3A_3337 = vector.shape_cast %swap3A_3336 : vector<1x16xf32> to vector<16xf32>
      %swap3A_3338 = vector.shape_cast %max3A_3333 : vector<16xf32> to vector<1x16xf32>
      tpu.vector_store %arg10[%swap3A_3334, %swap3A_3335], %swap3A_3338 {strides = array<i32>} : memref<64x64xf32, #tpu.memory_space<vmem>>, vector<1x16xf32>,
      %slice3A_3339 = vector.extract_strided_slice %get3A_2966 {offsets = [6], sizes = [1], strides = [1]} : vector<16xi32> to vector<1xi32>
      %squeeze3A_3340 = vector.extract %slice3A_3339[0] : i32 from vector<1xi32>
      %mul3A_3341 = arith.constant 16 : i32
      %mul3A_3342 = arith.muli %scan3A_2961, %mul3A_3341 : i32
      %add3A_3343 = arith.constant 6 : i32
      %add3A_3344 = arith.addi %mul3A_3342, %add3A_3343 : i32
      %get3A_3345 = arith.index_cast %add3A_3344 : i32 to index
      %get3A_3346 = arith.constant 0 : index
      %get3A_3347 = tpu.vector_load %arg8[%get3A_3345, %get3A_3346] {strides = array<i32>} : memref<256x64xf32, #tpu.memory_space<vmem>>, vector<1x16xf32>,
      %get3A_3348 = vector.shape_cast %get3A_3347 : vector<1x16xf32> to vector<16xf32>
      %get3A_3349 = arith.index_cast %squeeze3A_3340 : i32 to index
      %get3A_3350 = arith.constant 0 : index
      %get3A_3351 = tpu.vector_load %arg10[%get3A_3349, %get3A_3350] {strides = array<i32>} : memref<64x64xf32, #tpu.memory_space<vmem>>, vector<1x16xf32>,
      %get3A_3352 = vector.shape_cast %get3A_3351 : vector<1x16xf32> to vector<16xf32>
      %max3A_3353 = arith.maximumf %get3A_3352, %get3A_3348 : vector<16xf32>
      %swap3A_3354 = arith.index_cast %squeeze3A_3340 : i32 to index
      %swap3A_3355 = arith.constant 0 : index
      %swap3A_3356 = tpu.vector_load %arg10[%swap3A_3354, %swap3A_3355] {strides = array<i32>} : memref<64x64xf32, #tpu.memory_space<vmem>>, vector<1x16xf32>,
      %swap3A_3357 = vector.shape_cast %swap3A_3356 : vector<1x16xf32> to vector<16xf32>
      %swap3A_3358 = vector.shape_cast %max3A_3353 : vector<16xf32> to vector<1x16xf32>
      tpu.vector_store %arg10[%swap3A_3354, %swap3A_3355], %swap3A_3358 {strides = array<i32>} : memref<64x64xf32, #tpu.memory_space<vmem>>, vector<1x16xf32>,
      %get3A_3359 = arith.index_cast %add3A_3344 : i32 to index
      %get3A_3360 = arith.constant 16 : index
      %get3A_3361 = tpu.vector_load %arg8[%get3A_3359, %get3A_3360] {strides = array<i32>} : memref<256x64xf32, #tpu.memory_space<vmem>>, vector<1x16xf32>,
      %get3A_3362 = vector.shape_cast %get3A_3361 : vector<1x16xf32> to vector<16xf32>
      %get3A_3363 = arith.index_cast %squeeze3A_3340 : i32 to index
      %get3A_3364 = arith.constant 16 : index
      %get3A_3365 = tpu.vector_load %arg10[%get3A_3363, %get3A_3364] {strides = array<i32>} : memref<64x64xf32, #tpu.memory_space<vmem>>, vector<1x16xf32>,
      %get3A_3366 = vector.shape_cast %get3A_3365 : vector<1x16xf32> to vector<16xf32>
      %max3A_3367 = arith.maximumf %get3A_3366, %get3A_3362 : vector<16xf32>
      %swap3A_3368 = arith.index_cast %squeeze3A_3340 : i32 to index
      %swap3A_3369 = arith.constant 16 : index
      %swap3A_3370 = tpu.vector_load %arg10[%swap3A_3368, %swap3A_3369] {strides = array<i32>} : memref<64x64xf32, #tpu.memory_space<vmem>>, vector<1x16xf32>,
      %swap3A_3371 = vector.shape_cast %swap3A_3370 : vector<1x16xf32> to vector<16xf32>
      %swap3A_3372 = vector.shape_cast %max3A_3367 : vector<16xf32> to vector<1x16xf32>
      tpu.vector_store %arg10[%swap3A_3368, %swap3A_3369], %swap3A_3372 {strides = array<i32>} : memref<64x64xf32, #tpu.memory_space<vmem>>, vector<1x16xf32>,
      %get3A_3373 = arith.index_cast %add3A_3344 : i32 to index
      %get3A_3374 = arith.constant 32 : index
      %get3A_3375 = tpu.vector_load %arg8[%get3A_3373, %get3A_3374] {strides = array<i32>} : memref<256x64xf32, #tpu.memory_space<vmem>>, vector<1x16xf32>,
      %get3A_3376 = vector.shape_cast %get3A_3375 : vector<1x16xf32> to vector<16xf32>
      %get3A_3377 = arith.index_cast %squeeze3A_3340 : i32 to index
      %get3A_3378 = arith.constant 32 : index
      %get3A_3379 = tpu.vector_load %arg10[%get3A_3377, %get3A_3378] {strides = array<i32>} : memref<64x64xf32, #tpu.memory_space<vmem>>, vector<1x16xf32>,
      %get3A_3380 = vector.shape_cast %get3A_3379 : vector<1x16xf32> to vector<16xf32>
      %max3A_3381 = arith.maximumf %get3A_3380, %get3A_3376 : vector<16xf32>
      %swap3A_3382 = arith.index_cast %squeeze3A_3340 : i32 to index
      %swap3A_3383 = arith.constant 32 : index
      %swap3A_3384 = tpu.vector_load %arg10[%swap3A_3382, %swap3A_3383] {strides = array<i32>} : memref<64x64xf32, #tpu.memory_space<vmem>>, vector<1x16xf32>,
      %swap3A_3385 = vector.shape_cast %swap3A_3384 : vector<1x16xf32> to vector<16xf32>
      %swap3A_3386 = vector.shape_cast %max3A_3381 : vector<16xf32> to vector<1x16xf32>
      tpu.vector_store %arg10[%swap3A_3382, %swap3A_3383], %swap3A_3386 {strides = array<i32>} : memref<64x64xf32, #tpu.memory_space<vmem>>, vector<1x16xf32>,
      %get3A_3387 = arith.index_cast %add3A_3344 : i32 to index
      %get3A_3388 = arith.constant 48 : index
      %get3A_3389 = tpu.vector_load %arg8[%get3A_3387, %get3A_3388] {strides = array<i32>} : memref<256x64xf32, #tpu.memory_space<vmem>>, vector<1x16xf32>,
      %get3A_3390 = vector.shape_cast %get3A_3389 : vector<1x16xf32> to vector<16xf32>
      %get3A_3391 = arith.index_cast %squeeze3A_3340 : i32 to index
      %get3A_3392 = arith.constant 48 : index
      %get3A_3393 = tpu.vector_load %arg10[%get3A_3391, %get3A_3392] {strides = array<i32>} : memref<64x64xf32, #tpu.memory_space<vmem>>, vector<1x16xf32>,
      %get3A_3394 = vector.shape_cast %get3A_3393 : vector<1x16xf32> to vector<16xf32>
      %max3A_3395 = arith.maximumf %get3A_3394, %get3A_3390 : vector<16xf32>
      %swap3A_3396 = arith.index_cast %squeeze3A_3340 : i32 to index
      %swap3A_3397 = arith.constant 48 : index
      %swap3A_3398 = tpu.vector_load %arg10[%swap3A_3396, %swap3A_3397] {strides = array<i32>} : memref<64x64xf32, #tpu.memory_space<vmem>>, vector<1x16xf32>,
      %swap3A_3399 = vector.shape_cast %swap3A_3398 : vector<1x16xf32> to vector<16xf32>
      %swap3A_3400 = vector.shape_cast %max3A_3395 : vector<16xf32> to vector<1x16xf32>
      tpu.vector_store %arg10[%swap3A_3396, %swap3A_3397], %swap3A_3400 {strides = array<i32>} : memref<64x64xf32, #tpu.memory_space<vmem>>, vector<1x16xf32>,
      %slice3A_3401 = vector.extract_strided_slice %get3A_2966 {offsets = [7], sizes = [1], strides = [1]} : vector<16xi32> to vector<1xi32>
      %squeeze3A_3402 = vector.extract %slice3A_3401[0] : i32 from vector<1xi32>
      %mul3A_3403 = arith.constant 16 : i32
      %mul3A_3404 = arith.muli %scan3A_2961, %mul3A_3403 : i32
      %add3A_3405 = arith.constant 7 : i32
      %add3A_3406 = arith.addi %mul3A_3404, %add3A_3405 : i32
      %get3A_3407 = arith.index_cast %add3A_3406 : i32 to index
      %get3A_3408 = arith.constant 0 : index
      %get3A_3409 = tpu.vector_load %arg8[%get3A_3407, %get3A_3408] {strides = array<i32>} : memref<256x64xf32, #tpu.memory_space<vmem>>, vector<1x16xf32>,
      %get3A_3410 = vector.shape_cast %get3A_3409 : vector<1x16xf32> to vector<16xf32>
      %get3A_3411 = arith.index_cast %squeeze3A_3402 : i32 to index
      %get3A_3412 = arith.constant 0 : index
      %get3A_3413 = tpu.vector_load %arg10[%get3A_3411, %get3A_3412] {strides = array<i32>} : memref<64x64xf32, #tpu.memory_space<vmem>>, vector<1x16xf32>,
      %get3A_3414 = vector.shape_cast %get3A_3413 : vector<1x16xf32> to vector<16xf32>
      %max3A_3415 = arith.maximumf %get3A_3414, %get3A_3410 : vector<16xf32>
      %swap3A_3416 = arith.index_cast %squeeze3A_3402 : i32 to index
      %swap3A_3417 = arith.constant 0 : index
      %swap3A_3418 = tpu.vector_load %arg10[%swap3A_3416, %swap3A_3417] {strides = array<i32>} : memref<64x64xf32, #tpu.memory_space<vmem>>, vector<1x16xf32>,
      %swap3A_3419 = vector.shape_cast %swap3A_3418 : vector<1x16xf32> to vector<16xf32>
      %swap3A_3420 = vector.shape_cast %max3A_3415 : vector<16xf32> to vector<1x16xf32>
      tpu.vector_store %arg10[%swap3A_3416, %swap3A_3417], %swap3A_3420 {strides = array<i32>} : memref<64x64xf32, #tpu.memory_space<vmem>>, vector<1x16xf32>,
      %get3A_3421 = arith.index_cast %add3A_3406 : i32 to index
      %get3A_3422 = arith.constant 16 : index
      %get3A_3423 = tpu.vector_load %arg8[%get3A_3421, %get3A_3422] {strides = array<i32>} : memref<256x64xf32, #tpu.memory_space<vmem>>, vector<1x16xf32>,
      %get3A_3424 = vector.shape_cast %get3A_3423 : vector<1x16xf32> to vector<16xf32>
      %get3A_3425 = arith.index_cast %squeeze3A_3402 : i32 to index
      %get3A_3426 = arith.constant 16 : index
      %get3A_3427 = tpu.vector_load %arg10[%get3A_3425, %get3A_3426] {strides = array<i32>} : memref<64x64xf32, #tpu.memory_space<vmem>>, vector<1x16xf32>,
      %get3A_3428 = vector.shape_cast %get3A_3427 : vector<1x16xf32> to vector<16xf32>
      %max3A_3429 = arith.maximumf %get3A_3428, %get3A_3424 : vector<16xf32>
      %swap3A_3430 = arith.index_cast %squeeze3A_3402 : i32 to index
      %swap3A_3431 = arith.constant 16 : index
      %swap3A_3432 = tpu.vector_load %arg10[%swap3A_3430, %swap3A_3431] {strides = array<i32>} : memref<64x64xf32, #tpu.memory_space<vmem>>, vector<1x16xf32>,
      %swap3A_3433 = vector.shape_cast %swap3A_3432 : vector<1x16xf32> to vector<16xf32>
      %swap3A_3434 = vector.shape_cast %max3A_3429 : vector<16xf32> to vector<1x16xf32>
      tpu.vector_store %arg10[%swap3A_3430, %swap3A_3431], %swap3A_3434 {strides = array<i32>} : memref<64x64xf32, #tpu.memory_space<vmem>>, vector<1x16xf32>,
      %get3A_3435 = arith.index_cast %add3A_3406 : i32 to index
      %get3A_3436 = arith.constant 32 : index
      %get3A_3437 = tpu.vector_load %arg8[%get3A_3435, %get3A_3436] {strides = array<i32>} : memref<256x64xf32, #tpu.memory_space<vmem>>, vector<1x16xf32>,
      %get3A_3438 = vector.shape_cast %get3A_3437 : vector<1x16xf32> to vector<16xf32>
      %get3A_3439 = arith.index_cast %squeeze3A_3402 : i32 to index
      %get3A_3440 = arith.constant 32 : index
      %get3A_3441 = tpu.vector_load %arg10[%get3A_3439, %get3A_3440] {strides = array<i32>} : memref<64x64xf32, #tpu.memory_space<vmem>>, vector<1x16xf32>,
      %get3A_3442 = vector.shape_cast %get3A_3441 : vector<1x16xf32> to vector<16xf32>
      %max3A_3443 = arith.maximumf %get3A_3442, %get3A_3438 : vector<16xf32>
      %swap3A_3444 = arith.index_cast %squeeze3A_3402 : i32 to index
      %swap3A_3445 = arith.constant 32 : index
      %swap3A_3446 = tpu.vector_load %arg10[%swap3A_3444, %swap3A_3445] {strides = array<i32>} : memref<64x64xf32, #tpu.memory_space<vmem>>, vector<1x16xf32>,
      %swap3A_3447 = vector.shape_cast %swap3A_3446 : vector<1x16xf32> to vector<16xf32>
      %swap3A_3448 = vector.shape_cast %max3A_3443 : vector<16xf32> to vector<1x16xf32>
      tpu.vector_store %arg10[%swap3A_3444, %swap3A_3445], %swap3A_3448 {strides = array<i32>} : memref<64x64xf32, #tpu.memory_space<vmem>>, vector<1x16xf32>,
      %get3A_3449 = arith.index_cast %add3A_3406 : i32 to index
      %get3A_3450 = arith.constant 48 : index
      %get3A_3451 = tpu.vector_load %arg8[%get3A_3449, %get3A_3450] {strides = array<i32>} : memref<256x64xf32, #tpu.memory_space<vmem>>, vector<1x16xf32>,
      %get3A_3452 = vector.shape_cast %get3A_3451 : vector<1x16xf32> to vector<16xf32>
      %get3A_3453 = arith.index_cast %squeeze3A_3402 : i32 to index
      %get3A_3454 = arith.constant 48 : index
      %get3A_3455 = tpu.vector_load %arg10[%get3A_3453, %get3A_3454] {strides = array<i32>} : memref<64x64xf32, #tpu.memory_space<vmem>>, vector<1x16xf32>,
      %get3A_3456 = vector.shape_cast %get3A_3455 : vector<1x16xf32> to vector<16xf32>
      %max3A_3457 = arith.maximumf %get3A_3456, %get3A_3452 : vector<16xf32>
      %swap3A_3458 = arith.index_cast %squeeze3A_3402 : i32 to index
      %swap3A_3459 = arith.constant 48 : index
      %swap3A_3460 = tpu.vector_load %arg10[%swap3A_3458, %swap3A_3459] {strides = array<i32>} : memref<64x64xf32, #tpu.memory_space<vmem>>, vector<1x16xf32>,
      %swap3A_3461 = vector.shape_cast %swap3A_3460 : vector<1x16xf32> to vector<16xf32>
      %swap3A_3462 = vector.shape_cast %max3A_3457 : vector<16xf32> to vector<1x16xf32>
      tpu.vector_store %arg10[%swap3A_3458, %swap3A_3459], %swap3A_3462 {strides = array<i32>} : memref<64x64xf32, #tpu.memory_space<vmem>>, vector<1x16xf32>,
      %slice3A_3463 = vector.extract_strided_slice %get3A_2966 {offsets = [8], sizes = [1], strides = [1]} : vector<16xi32> to vector<1xi32>
      %squeeze3A_3464 = vector.extract %slice3A_3463[0] : i32 from vector<1xi32>
      %mul3A_3465 = arith.constant 16 : i32
      %mul3A_3466 = arith.muli %scan3A_2961, %mul3A_3465 : i32
      %add3A_3467 = arith.constant 8 : i32
      %add3A_3468 = arith.addi %mul3A_3466, %add3A_3467 : i32
      %get3A_3469 = arith.index_cast %add3A_3468 : i32 to index
      %get3A_3470 = arith.constant 0 : index
      %get3A_3471 = tpu.vector_load %arg8[%get3A_3469, %get3A_3470] {strides = array<i32>} : memref<256x64xf32, #tpu.memory_space<vmem>>, vector<1x16xf32>,
      %get3A_3472 = vector.shape_cast %get3A_3471 : vector<1x16xf32> to vector<16xf32>
      %get3A_3473 = arith.index_cast %squeeze3A_3464 : i32 to index
      %get3A_3474 = arith.constant 0 : index
      %get3A_3475 = tpu.vector_load %arg10[%get3A_3473, %get3A_3474] {strides = array<i32>} : memref<64x64xf32, #tpu.memory_space<vmem>>, vector<1x16xf32>,
      %get3A_3476 = vector.shape_cast %get3A_3475 : vector<1x16xf32> to vector<16xf32>
      %max3A_3477 = arith.maximumf %get3A_3476, %get3A_3472 : vector<16xf32>
      %swap3A_3478 = arith.index_cast %squeeze3A_3464 : i32 to index
      %swap3A_3479 = arith.constant 0 : index
      %swap3A_3480 = tpu.vector_load %arg10[%swap3A_3478, %swap3A_3479] {strides = array<i32>} : memref<64x64xf32, #tpu.memory_space<vmem>>, vector<1x16xf32>,
      %swap3A_3481 = vector.shape_cast %swap3A_3480 : vector<1x16xf32> to vector<16xf32>
      %swap3A_3482 = vector.shape_cast %max3A_3477 : vector<16xf32> to vector<1x16xf32>
      tpu.vector_store %arg10[%swap3A_3478, %swap3A_3479], %swap3A_3482 {strides = array<i32>} : memref<64x64xf32, #tpu.memory_space<vmem>>, vector<1x16xf32>,
      %get3A_3483 = arith.index_cast %add3A_3468 : i32 to index
      %get3A_3484 = arith.constant 16 : index
      %get3A_3485 = tpu.vector_load %arg8[%get3A_3483, %get3A_3484] {strides = array<i32>} : memref<256x64xf32, #tpu.memory_space<vmem>>, vector<1x16xf32>,
      %get3A_3486 = vector.shape_cast %get3A_3485 : vector<1x16xf32> to vector<16xf32>
      %get3A_3487 = arith.index_cast %squeeze3A_3464 : i32 to index
      %get3A_3488 = arith.constant 16 : index
      %get3A_3489 = tpu.vector_load %arg10[%get3A_3487, %get3A_3488] {strides = array<i32>} : memref<64x64xf32, #tpu.memory_space<vmem>>, vector<1x16xf32>,
      %get3A_3490 = vector.shape_cast %get3A_3489 : vector<1x16xf32> to vector<16xf32>
      %max3A_3491 = arith.maximumf %get3A_3490, %get3A_3486 : vector<16xf32>
      %swap3A_3492 = arith.index_cast %squeeze3A_3464 : i32 to index
      %swap3A_3493 = arith.constant 16 : index
      %swap3A_3494 = tpu.vector_load %arg10[%swap3A_3492, %swap3A_3493] {strides = array<i32>} : memref<64x64xf32, #tpu.memory_space<vmem>>, vector<1x16xf32>,
      %swap3A_3495 = vector.shape_cast %swap3A_3494 : vector<1x16xf32> to vector<16xf32>
      %swap3A_3496 = vector.shape_cast %max3A_3491 : vector<16xf32> to vector<1x16xf32>
      tpu.vector_store %arg10[%swap3A_3492, %swap3A_3493], %swap3A_3496 {strides = array<i32>} : memref<64x64xf32, #tpu.memory_space<vmem>>, vector<1x16xf32>,
      %get3A_3497 = arith.index_cast %add3A_3468 : i32 to index
      %get3A_3498 = arith.constant 32 : index
      %get3A_3499 = tpu.vector_load %arg8[%get3A_3497, %get3A_3498] {strides = array<i32>} : memref<256x64xf32, #tpu.memory_space<vmem>>, vector<1x16xf32>,
      %get3A_3500 = vector.shape_cast %get3A_3499 : vector<1x16xf32> to vector<16xf32>
      %get3A_3501 = arith.index_cast %squeeze3A_3464 : i32 to index
      %get3A_3502 = arith.constant 32 : index
      %get3A_3503 = tpu.vector_load %arg10[%get3A_3501, %get3A_3502] {strides = array<i32>} : memref<64x64xf32, #tpu.memory_space<vmem>>, vector<1x16xf32>,
      %get3A_3504 = vector.shape_cast %get3A_3503 : vector<1x16xf32> to vector<16xf32>
      %max3A_3505 = arith.maximumf %get3A_3504, %get3A_3500 : vector<16xf32>
      %swap3A_3506 = arith.index_cast %squeeze3A_3464 : i32 to index
      %swap3A_3507 = arith.constant 32 : index
      %swap3A_3508 = tpu.vector_load %arg10[%swap3A_3506, %swap3A_3507] {strides = array<i32>} : memref<64x64xf32, #tpu.memory_space<vmem>>, vector<1x16xf32>,
      %swap3A_3509 = vector.shape_cast %swap3A_3508 : vector<1x16xf32> to vector<16xf32>
      %swap3A_3510 = vector.shape_cast %max3A_3505 : vector<16xf32> to vector<1x16xf32>
      tpu.vector_store %arg10[%swap3A_3506, %swap3A_3507], %swap3A_3510 {strides = array<i32>} : memref<64x64xf32, #tpu.memory_space<vmem>>, vector<1x16xf32>,
      %get3A_3511 = arith.index_cast %add3A_3468 : i32 to index
      %get3A_3512 = arith.constant 48 : index
      %get3A_3513 = tpu.vector_load %arg8[%get3A_3511, %get3A_3512] {strides = array<i32>} : memref<256x64xf32, #tpu.memory_space<vmem>>, vector<1x16xf32>,
      %get3A_3514 = vector.shape_cast %get3A_3513 : vector<1x16xf32> to vector<16xf32>
      %get3A_3515 = arith.index_cast %squeeze3A_3464 : i32 to index
      %get3A_3516 = arith.constant 48 : index
      %get3A_3517 = tpu.vector_load %arg10[%get3A_3515, %get3A_3516] {strides = array<i32>} : memref<64x64xf32, #tpu.memory_space<vmem>>, vector<1x16xf32>,
      %get3A_3518 = vector.shape_cast %get3A_3517 : vector<1x16xf32> to vector<16xf32>
      %max3A_3519 = arith.maximumf %get3A_3518, %get3A_3514 : vector<16xf32>
      %swap3A_3520 = arith.index_cast %squeeze3A_3464 : i32 to index
      %swap3A_3521 = arith.constant 48 : index
      %swap3A_3522 = tpu.vector_load %arg10[%swap3A_3520, %swap3A_3521] {strides = array<i32>} : memref<64x64xf32, #tpu.memory_space<vmem>>, vector<1x16xf32>,
      %swap3A_3523 = vector.shape_cast %swap3A_3522 : vector<1x16xf32> to vector<16xf32>
      %swap3A_3524 = vector.shape_cast %max3A_3519 : vector<16xf32> to vector<1x16xf32>
      tpu.vector_store %arg10[%swap3A_3520, %swap3A_3521], %swap3A_3524 {strides = array<i32>} : memref<64x64xf32, #tpu.memory_space<vmem>>, vector<1x16xf32>,
      %slice3A_3525 = vector.extract_strided_slice %get3A_2966 {offsets = [9], sizes = [1], strides = [1]} : vector<16xi32> to vector<1xi32>
      %squeeze3A_3526 = vector.extract %slice3A_3525[0] : i32 from vector<1xi32>
      %mul3A_3527 = arith.constant 16 : i32
      %mul3A_3528 = arith.muli %scan3A_2961, %mul3A_3527 : i32
      %add3A_3529 = arith.constant 9 : i32
      %add3A_3530 = arith.addi %mul3A_3528, %add3A_3529 : i32
      %get3A_3531 = arith.index_cast %add3A_3530 : i32 to index
      %get3A_3532 = arith.constant 0 : index
      %get3A_3533 = tpu.vector_load %arg8[%get3A_3531, %get3A_3532] {strides = array<i32>} : memref<256x64xf32, #tpu.memory_space<vmem>>, vector<1x16xf32>,
      %get3A_3534 = vector.shape_cast %get3A_3533 : vector<1x16xf32> to vector<16xf32>
      %get3A_3535 = arith.index_cast %squeeze3A_3526 : i32 to index
      %get3A_3536 = arith.constant 0 : index
      %get3A_3537 = tpu.vector_load %arg10[%get3A_3535, %get3A_3536] {strides = array<i32>} : memref<64x64xf32, #tpu.memory_space<vmem>>, vector<1x16xf32>,
      %get3A_3538 = vector.shape_cast %get3A_3537 : vector<1x16xf32> to vector<16xf32>
      %max3A_3539 = arith.maximumf %get3A_3538, %get3A_3534 : vector<16xf32>
      %swap3A_3540 = arith.index_cast %squeeze3A_3526 : i32 to index
      %swap3A_3541 = arith.constant 0 : index
      %swap3A_3542 = tpu.vector_load %arg10[%swap3A_3540, %swap3A_3541] {strides = array<i32>} : memref<64x64xf32, #tpu.memory_space<vmem>>, vector<1x16xf32>,
      %swap3A_3543 = vector.shape_cast %swap3A_3542 : vector<1x16xf32> to vector<16xf32>
      %swap3A_3544 = vector.shape_cast %max3A_3539 : vector<16xf32> to vector<1x16xf32>
      tpu.vector_store %arg10[%swap3A_3540, %swap3A_3541], %swap3A_3544 {strides = array<i32>} : memref<64x64xf32, #tpu.memory_space<vmem>>, vector<1x16xf32>,
      %get3A_3545 = arith.index_cast %add3A_3530 : i32 to index
      %get3A_3546 = arith.constant 16 : index
      %get3A_3547 = tpu.vector_load %arg8[%get3A_3545, %get3A_3546] {strides = array<i32>} : memref<256x64xf32, #tpu.memory_space<vmem>>, vector<1x16xf32>,
      %get3A_3548 = vector.shape_cast %get3A_3547 : vector<1x16xf32> to vector<16xf32>
      %get3A_3549 = arith.index_cast %squeeze3A_3526 : i32 to index
      %get3A_3550 = arith.constant 16 : index
      %get3A_3551 = tpu.vector_load %arg10[%get3A_3549, %get3A_3550] {strides = array<i32>} : memref<64x64xf32, #tpu.memory_space<vmem>>, vector<1x16xf32>,
      %get3A_3552 = vector.shape_cast %get3A_3551 : vector<1x16xf32> to vector<16xf32>
      %max3A_3553 = arith.maximumf %get3A_3552, %get3A_3548 : vector<16xf32>
      %swap3A_3554 = arith.index_cast %squeeze3A_3526 : i32 to index
      %swap3A_3555 = arith.constant 16 : index
      %swap3A_3556 = tpu.vector_load %arg10[%swap3A_3554, %swap3A_3555] {strides = array<i32>} : memref<64x64xf32, #tpu.memory_space<vmem>>, vector<1x16xf32>,
      %swap3A_3557 = vector.shape_cast %swap3A_3556 : vector<1x16xf32> to vector<16xf32>
      %swap3A_3558 = vector.shape_cast %max3A_3553 : vector<16xf32> to vector<1x16xf32>
      tpu.vector_store %arg10[%swap3A_3554, %swap3A_3555], %swap3A_3558 {strides = array<i32>} : memref<64x64xf32, #tpu.memory_space<vmem>>, vector<1x16xf32>,
      %get3A_3559 = arith.index_cast %add3A_3530 : i32 to index
      %get3A_3560 = arith.constant 32 : index
      %get3A_3561 = tpu.vector_load %arg8[%get3A_3559, %get3A_3560] {strides = array<i32>} : memref<256x64xf32, #tpu.memory_space<vmem>>, vector<1x16xf32>,
      %get3A_3562 = vector.shape_cast %get3A_3561 : vector<1x16xf32> to vector<16xf32>
      %get3A_3563 = arith.index_cast %squeeze3A_3526 : i32 to index
      %get3A_3564 = arith.constant 32 : index
      %get3A_3565 = tpu.vector_load %arg10[%get3A_3563, %get3A_3564] {strides = array<i32>} : memref<64x64xf32, #tpu.memory_space<vmem>>, vector<1x16xf32>,
      %get3A_3566 = vector.shape_cast %get3A_3565 : vector<1x16xf32> to vector<16xf32>
      %max3A_3567 = arith.maximumf %get3A_3566, %get3A_3562 : vector<16xf32>
      %swap3A_3568 = arith.index_cast %squeeze3A_3526 : i32 to index
      %swap3A_3569 = arith.constant 32 : index
      %swap3A_3570 = tpu.vector_load %arg10[%swap3A_3568, %swap3A_3569] {strides = array<i32>} : memref<64x64xf32, #tpu.memory_space<vmem>>, vector<1x16xf32>,
      %swap3A_3571 = vector.shape_cast %swap3A_3570 : vector<1x16xf32> to vector<16xf32>
      %swap3A_3572 = vector.shape_cast %max3A_3567 : vector<16xf32> to vector<1x16xf32>
      tpu.vector_store %arg10[%swap3A_3568, %swap3A_3569], %swap3A_3572 {strides = array<i32>} : memref<64x64xf32, #tpu.memory_space<vmem>>, vector<1x16xf32>,
      %get3A_3573 = arith.index_cast %add3A_3530 : i32 to index
      %get3A_3574 = arith.constant 48 : index
      %get3A_3575 = tpu.vector_load %arg8[%get3A_3573, %get3A_3574] {strides = array<i32>} : memref<256x64xf32, #tpu.memory_space<vmem>>, vector<1x16xf32>,
      %get3A_3576 = vector.shape_cast %get3A_3575 : vector<1x16xf32> to vector<16xf32>
      %get3A_3577 = arith.index_cast %squeeze3A_3526 : i32 to index
      %get3A_3578 = arith.constant 48 : index
      %get3A_3579 = tpu.vector_load %arg10[%get3A_3577, %get3A_3578] {strides = array<i32>} : memref<64x64xf32, #tpu.memory_space<vmem>>, vector<1x16xf32>,
      %get3A_3580 = vector.shape_cast %get3A_3579 : vector<1x16xf32> to vector<16xf32>
      %max3A_3581 = arith.maximumf %get3A_3580, %get3A_3576 : vector<16xf32>
      %swap3A_3582 = arith.index_cast %squeeze3A_3526 : i32 to index
      %swap3A_3583 = arith.constant 48 : index
      %swap3A_3584 = tpu.vector_load %arg10[%swap3A_3582, %swap3A_3583] {strides = array<i32>} : memref<64x64xf32, #tpu.memory_space<vmem>>, vector<1x16xf32>,
      %swap3A_3585 = vector.shape_cast %swap3A_3584 : vector<1x16xf32> to vector<16xf32>
      %swap3A_3586 = vector.shape_cast %max3A_3581 : vector<16xf32> to vector<1x16xf32>
      tpu.vector_store %arg10[%swap3A_3582, %swap3A_3583], %swap3A_3586 {strides = array<i32>} : memref<64x64xf32, #tpu.memory_space<vmem>>, vector<1x16xf32>,
      %slice3A_3587 = vector.extract_strided_slice %get3A_2966 {offsets = [10], sizes = [1], strides = [1]} : vector<16xi32> to vector<1xi32>
      %squeeze3A_3588 = vector.extract %slice3A_3587[0] : i32 from vector<1xi32>
      %mul3A_3589 = arith.constant 16 : i32
      %mul3A_3590 = arith.muli %scan3A_2961, %mul3A_3589 : i32
      %add3A_3591 = arith.constant 10 : i32
      %add3A_3592 = arith.addi %mul3A_3590, %add3A_3591 : i32
      %get3A_3593 = arith.index_cast %add3A_3592 : i32 to index
      %get3A_3594 = arith.constant 0 : index
      %get3A_3595 = tpu.vector_load %arg8[%get3A_3593, %get3A_3594] {strides = array<i32>} : memref<256x64xf32, #tpu.memory_space<vmem>>, vector<1x16xf32>,
      %get3A_3596 = vector.shape_cast %get3A_3595 : vector<1x16xf32> to vector<16xf32>
      %get3A_3597 = arith.index_cast %squeeze3A_3588 : i32 to index
      %get3A_3598 = arith.constant 0 : index
      %get3A_3599 = tpu.vector_load %arg10[%get3A_3597, %get3A_3598] {strides = array<i32>} : memref<64x64xf32, #tpu.memory_space<vmem>>, vector<1x16xf32>,
      %get3A_3600 = vector.shape_cast %get3A_3599 : vector<1x16xf32> to vector<16xf32>
      %max3A_3601 = arith.maximumf %get3A_3600, %get3A_3596 : vector<16xf32>
      %swap3A_3602 = arith.index_cast %squeeze3A_3588 : i32 to index
      %swap3A_3603 = arith.constant 0 : index
      %swap3A_3604 = tpu.vector_load %arg10[%swap3A_3602, %swap3A_3603] {strides = array<i32>} : memref<64x64xf32, #tpu.memory_space<vmem>>, vector<1x16xf32>,
      %swap3A_3605 = vector.shape_cast %swap3A_3604 : vector<1x16xf32> to vector<16xf32>
      %swap3A_3606 = vector.shape_cast %max3A_3601 : vector<16xf32> to vector<1x16xf32>
      tpu.vector_store %arg10[%swap3A_3602, %swap3A_3603], %swap3A_3606 {strides = array<i32>} : memref<64x64xf32, #tpu.memory_space<vmem>>, vector<1x16xf32>,
      %get3A_3607 = arith.index_cast %add3A_3592 : i32 to index
      %get3A_3608 = arith.constant 16 : index
      %get3A_3609 = tpu.vector_load %arg8[%get3A_3607, %get3A_3608] {strides = array<i32>} : memref<256x64xf32, #tpu.memory_space<vmem>>, vector<1x16xf32>,
      %get3A_3610 = vector.shape_cast %get3A_3609 : vector<1x16xf32> to vector<16xf32>
      %get3A_3611 = arith.index_cast %squeeze3A_3588 : i32 to index
      %get3A_3612 = arith.constant 16 : index
      %get3A_3613 = tpu.vector_load %arg10[%get3A_3611, %get3A_3612] {strides = array<i32>} : memref<64x64xf32, #tpu.memory_space<vmem>>, vector<1x16xf32>,
      %get3A_3614 = vector.shape_cast %get3A_3613 : vector<1x16xf32> to vector<16xf32>
      %max3A_3615 = arith.maximumf %get3A_3614, %get3A_3610 : vector<16xf32>
      %swap3A_3616 = arith.index_cast %squeeze3A_3588 : i32 to index
      %swap3A_3617 = arith.constant 16 : index
      %swap3A_3618 = tpu.vector_load %arg10[%swap3A_3616, %swap3A_3617] {strides = array<i32>} : memref<64x64xf32, #tpu.memory_space<vmem>>, vector<1x16xf32>,
      %swap3A_3619 = vector.shape_cast %swap3A_3618 : vector<1x16xf32> to vector<16xf32>
      %swap3A_3620 = vector.shape_cast %max3A_3615 : vector<16xf32> to vector<1x16xf32>
      tpu.vector_store %arg10[%swap3A_3616, %swap3A_3617], %swap3A_3620 {strides = array<i32>} : memref<64x64xf32, #tpu.memory_space<vmem>>, vector<1x16xf32>,
      %get3A_3621 = arith.index_cast %add3A_3592 : i32 to index
      %get3A_3622 = arith.constant 32 : index
      %get3A_3623 = tpu.vector_load %arg8[%get3A_3621, %get3A_3622] {strides = array<i32>} : memref<256x64xf32, #tpu.memory_space<vmem>>, vector<1x16xf32>,
      %get3A_3624 = vector.shape_cast %get3A_3623 : vector<1x16xf32> to vector<16xf32>
      %get3A_3625 = arith.index_cast %squeeze3A_3588 : i32 to index
      %get3A_3626 = arith.constant 32 : index
      %get3A_3627 = tpu.vector_load %arg10[%get3A_3625, %get3A_3626] {strides = array<i32>} : memref<64x64xf32, #tpu.memory_space<vmem>>, vector<1x16xf32>,
      %get3A_3628 = vector.shape_cast %get3A_3627 : vector<1x16xf32> to vector<16xf32>
      %max3A_3629 = arith.maximumf %get3A_3628, %get3A_3624 : vector<16xf32>
      %swap3A_3630 = arith.index_cast %squeeze3A_3588 : i32 to index
      %swap3A_3631 = arith.constant 32 : index
      %swap3A_3632 = tpu.vector_load %arg10[%swap3A_3630, %swap3A_3631] {strides = array<i32>} : memref<64x64xf32, #tpu.memory_space<vmem>>, vector<1x16xf32>,
      %swap3A_3633 = vector.shape_cast %swap3A_3632 : vector<1x16xf32> to vector<16xf32>
      %swap3A_3634 = vector.shape_cast %max3A_3629 : vector<16xf32> to vector<1x16xf32>
      tpu.vector_store %arg10[%swap3A_3630, %swap3A_3631], %swap3A_3634 {strides = array<i32>} : memref<64x64xf32, #tpu.memory_space<vmem>>, vector<1x16xf32>,
      %get3A_3635 = arith.index_cast %add3A_3592 : i32 to index
      %get3A_3636 = arith.constant 48 : index
      %get3A_3637 = tpu.vector_load %arg8[%get3A_3635, %get3A_3636] {strides = array<i32>} : memref<256x64xf32, #tpu.memory_space<vmem>>, vector<1x16xf32>,
      %get3A_3638 = vector.shape_cast %get3A_3637 : vector<1x16xf32> to vector<16xf32>
      %get3A_3639 = arith.index_cast %squeeze3A_3588 : i32 to index
      %get3A_3640 = arith.constant 48 : index
      %get3A_3641 = tpu.vector_load %arg10[%get3A_3639, %get3A_3640] {strides = array<i32>} : memref<64x64xf32, #tpu.memory_space<vmem>>, vector<1x16xf32>,
      %get3A_3642 = vector.shape_cast %get3A_3641 : vector<1x16xf32> to vector<16xf32>
      %max3A_3643 = arith.maximumf %get3A_3642, %get3A_3638 : vector<16xf32>
      %swap3A_3644 = arith.index_cast %squeeze3A_3588 : i32 to index
      %swap3A_3645 = arith.constant 48 : index
      %swap3A_3646 = tpu.vector_load %arg10[%swap3A_3644, %swap3A_3645] {strides = array<i32>} : memref<64x64xf32, #tpu.memory_space<vmem>>, vector<1x16xf32>,
      %swap3A_3647 = vector.shape_cast %swap3A_3646 : vector<1x16xf32> to vector<16xf32>
      %swap3A_3648 = vector.shape_cast %max3A_3643 : vector<16xf32> to vector<1x16xf32>
      tpu.vector_store %arg10[%swap3A_3644, %swap3A_3645], %swap3A_3648 {strides = array<i32>} : memref<64x64xf32, #tpu.memory_space<vmem>>, vector<1x16xf32>,
      %slice3A_3649 = vector.extract_strided_slice %get3A_2966 {offsets = [11], sizes = [1], strides = [1]} : vector<16xi32> to vector<1xi32>
      %squeeze3A_3650 = vector.extract %slice3A_3649[0] : i32 from vector<1xi32>
      %mul3A_3651 = arith.constant 16 : i32
      %mul3A_3652 = arith.muli %scan3A_2961, %mul3A_3651 : i32
      %add3A_3653 = arith.constant 11 : i32
      %add3A_3654 = arith.addi %mul3A_3652, %add3A_3653 : i32
      %get3A_3655 = arith.index_cast %add3A_3654 : i32 to index
      %get3A_3656 = arith.constant 0 : index
      %get3A_3657 = tpu.vector_load %arg8[%get3A_3655, %get3A_3656] {strides = array<i32>} : memref<256x64xf32, #tpu.memory_space<vmem>>, vector<1x16xf32>,
      %get3A_3658 = vector.shape_cast %get3A_3657 : vector<1x16xf32> to vector<16xf32>
      %get3A_3659 = arith.index_cast %squeeze3A_3650 : i32 to index
      %get3A_3660 = arith.constant 0 : index
      %get3A_3661 = tpu.vector_load %arg10[%get3A_3659, %get3A_3660] {strides = array<i32>} : memref<64x64xf32, #tpu.memory_space<vmem>>, vector<1x16xf32>,
      %get3A_3662 = vector.shape_cast %get3A_3661 : vector<1x16xf32> to vector<16xf32>
      %max3A_3663 = arith.maximumf %get3A_3662, %get3A_3658 : vector<16xf32>
      %swap3A_3664 = arith.index_cast %squeeze3A_3650 : i32 to index
      %swap3A_3665 = arith.constant 0 : index
      %swap3A_3666 = tpu.vector_load %arg10[%swap3A_3664, %swap3A_3665] {strides = array<i32>} : memref<64x64xf32, #tpu.memory_space<vmem>>, vector<1x16xf32>,
      %swap3A_3667 = vector.shape_cast %swap3A_3666 : vector<1x16xf32> to vector<16xf32>
      %swap3A_3668 = vector.shape_cast %max3A_3663 : vector<16xf32> to vector<1x16xf32>
      tpu.vector_store %arg10[%swap3A_3664, %swap3A_3665], %swap3A_3668 {strides = array<i32>} : memref<64x64xf32, #tpu.memory_space<vmem>>, vector<1x16xf32>,
      %get3A_3669 = arith.index_cast %add3A_3654 : i32 to index
      %get3A_3670 = arith.constant 16 : index
      %get3A_3671 = tpu.vector_load %arg8[%get3A_3669, %get3A_3670] {strides = array<i32>} : memref<256x64xf32, #tpu.memory_space<vmem>>, vector<1x16xf32>,
      %get3A_3672 = vector.shape_cast %get3A_3671 : vector<1x16xf32> to vector<16xf32>
      %get3A_3673 = arith.index_cast %squeeze3A_3650 : i32 to index
      %get3A_3674 = arith.constant 16 : index
      %get3A_3675 = tpu.vector_load %arg10[%get3A_3673, %get3A_3674] {strides = array<i32>} : memref<64x64xf32, #tpu.memory_space<vmem>>, vector<1x16xf32>,
      %get3A_3676 = vector.shape_cast %get3A_3675 : vector<1x16xf32> to vector<16xf32>
      %max3A_3677 = arith.maximumf %get3A_3676, %get3A_3672 : vector<16xf32>
      %swap3A_3678 = arith.index_cast %squeeze3A_3650 : i32 to index
      %swap3A_3679 = arith.constant 16 : index
      %swap3A_3680 = tpu.vector_load %arg10[%swap3A_3678, %swap3A_3679] {strides = array<i32>} : memref<64x64xf32, #tpu.memory_space<vmem>>, vector<1x16xf32>,
      %swap3A_3681 = vector.shape_cast %swap3A_3680 : vector<1x16xf32> to vector<16xf32>
      %swap3A_3682 = vector.shape_cast %max3A_3677 : vector<16xf32> to vector<1x16xf32>
      tpu.vector_store %arg10[%swap3A_3678, %swap3A_3679], %swap3A_3682 {strides = array<i32>} : memref<64x64xf32, #tpu.memory_space<vmem>>, vector<1x16xf32>,
      %get3A_3683 = arith.index_cast %add3A_3654 : i32 to index
      %get3A_3684 = arith.constant 32 : index
      %get3A_3685 = tpu.vector_load %arg8[%get3A_3683, %get3A_3684] {strides = array<i32>} : memref<256x64xf32, #tpu.memory_space<vmem>>, vector<1x16xf32>,
      %get3A_3686 = vector.shape_cast %get3A_3685 : vector<1x16xf32> to vector<16xf32>
      %get3A_3687 = arith.index_cast %squeeze3A_3650 : i32 to index
      %get3A_3688 = arith.constant 32 : index
      %get3A_3689 = tpu.vector_load %arg10[%get3A_3687, %get3A_3688] {strides = array<i32>} : memref<64x64xf32, #tpu.memory_space<vmem>>, vector<1x16xf32>,
      %get3A_3690 = vector.shape_cast %get3A_3689 : vector<1x16xf32> to vector<16xf32>
      %max3A_3691 = arith.maximumf %get3A_3690, %get3A_3686 : vector<16xf32>
      %swap3A_3692 = arith.index_cast %squeeze3A_3650 : i32 to index
      %swap3A_3693 = arith.constant 32 : index
      %swap3A_3694 = tpu.vector_load %arg10[%swap3A_3692, %swap3A_3693] {strides = array<i32>} : memref<64x64xf32, #tpu.memory_space<vmem>>, vector<1x16xf32>,
      %swap3A_3695 = vector.shape_cast %swap3A_3694 : vector<1x16xf32> to vector<16xf32>
      %swap3A_3696 = vector.shape_cast %max3A_3691 : vector<16xf32> to vector<1x16xf32>
      tpu.vector_store %arg10[%swap3A_3692, %swap3A_3693], %swap3A_3696 {strides = array<i32>} : memref<64x64xf32, #tpu.memory_space<vmem>>, vector<1x16xf32>,
      %get3A_3697 = arith.index_cast %add3A_3654 : i32 to index
      %get3A_3698 = arith.constant 48 : index
      %get3A_3699 = tpu.vector_load %arg8[%get3A_3697, %get3A_3698] {strides = array<i32>} : memref<256x64xf32, #tpu.memory_space<vmem>>, vector<1x16xf32>,
      %get3A_3700 = vector.shape_cast %get3A_3699 : vector<1x16xf32> to vector<16xf32>
      %get3A_3701 = arith.index_cast %squeeze3A_3650 : i32 to index
      %get3A_3702 = arith.constant 48 : index
      %get3A_3703 = tpu.vector_load %arg10[%get3A_3701, %get3A_3702] {strides = array<i32>} : memref<64x64xf32, #tpu.memory_space<vmem>>, vector<1x16xf32>,
      %get3A_3704 = vector.shape_cast %get3A_3703 : vector<1x16xf32> to vector<16xf32>
      %max3A_3705 = arith.maximumf %get3A_3704, %get3A_3700 : vector<16xf32>
      %swap3A_3706 = arith.index_cast %squeeze3A_3650 : i32 to index
      %swap3A_3707 = arith.constant 48 : index
      %swap3A_3708 = tpu.vector_load %arg10[%swap3A_3706, %swap3A_3707] {strides = array<i32>} : memref<64x64xf32, #tpu.memory_space<vmem>>, vector<1x16xf32>,
      %swap3A_3709 = vector.shape_cast %swap3A_3708 : vector<1x16xf32> to vector<16xf32>
      %swap3A_3710 = vector.shape_cast %max3A_3705 : vector<16xf32> to vector<1x16xf32>
      tpu.vector_store %arg10[%swap3A_3706, %swap3A_3707], %swap3A_3710 {strides = array<i32>} : memref<64x64xf32, #tpu.memory_space<vmem>>, vector<1x16xf32>,
      %slice3A_3711 = vector.extract_strided_slice %get3A_2966 {offsets = [12], sizes = [1], strides = [1]} : vector<16xi32> to vector<1xi32>
      %squeeze3A_3712 = vector.extract %slice3A_3711[0] : i32 from vector<1xi32>
      %mul3A_3713 = arith.constant 16 : i32
      %mul3A_3714 = arith.muli %scan3A_2961, %mul3A_3713 : i32
      %add3A_3715 = arith.constant 12 : i32
      %add3A_3716 = arith.addi %mul3A_3714, %add3A_3715 : i32
      %get3A_3717 = arith.index_cast %add3A_3716 : i32 to index
      %get3A_3718 = arith.constant 0 : index
      %get3A_3719 = tpu.vector_load %arg8[%get3A_3717, %get3A_3718] {strides = array<i32>} : memref<256x64xf32, #tpu.memory_space<vmem>>, vector<1x16xf32>,
      %get3A_3720 = vector.shape_cast %get3A_3719 : vector<1x16xf32> to vector<16xf32>
      %get3A_3721 = arith.index_cast %squeeze3A_3712 : i32 to index
      %get3A_3722 = arith.constant 0 : index
      %get3A_3723 = tpu.vector_load %arg10[%get3A_3721, %get3A_3722] {strides = array<i32>} : memref<64x64xf32, #tpu.memory_space<vmem>>, vector<1x16xf32>,
      %get3A_3724 = vector.shape_cast %get3A_3723 : vector<1x16xf32> to vector<16xf32>
      %max3A_3725 = arith.maximumf %get3A_3724, %get3A_3720 : vector<16xf32>
      %swap3A_3726 = arith.index_cast %squeeze3A_3712 : i32 to index
      %swap3A_3727 = arith.constant 0 : index
      %swap3A_3728 = tpu.vector_load %arg10[%swap3A_3726, %swap3A_3727] {strides = array<i32>} : memref<64x64xf32, #tpu.memory_space<vmem>>, vector<1x16xf32>,
      %swap3A_3729 = vector.shape_cast %swap3A_3728 : vector<1x16xf32> to vector<16xf32>
      %swap3A_3730 = vector.shape_cast %max3A_3725 : vector<16xf32> to vector<1x16xf32>
      tpu.vector_store %arg10[%swap3A_3726, %swap3A_3727], %swap3A_3730 {strides = array<i32>} : memref<64x64xf32, #tpu.memory_space<vmem>>, vector<1x16xf32>,
      %get3A_3731 = arith.index_cast %add3A_3716 : i32 to index
      %get3A_3732 = arith.constant 16 : index
      %get3A_3733 = tpu.vector_load %arg8[%get3A_3731, %get3A_3732] {strides = array<i32>} : memref<256x64xf32, #tpu.memory_space<vmem>>, vector<1x16xf32>,
      %get3A_3734 = vector.shape_cast %get3A_3733 : vector<1x16xf32> to vector<16xf32>
      %get3A_3735 = arith.index_cast %squeeze3A_3712 : i32 to index
      %get3A_3736 = arith.constant 16 : index
      %get3A_3737 = tpu.vector_load %arg10[%get3A_3735, %get3A_3736] {strides = array<i32>} : memref<64x64xf32, #tpu.memory_space<vmem>>, vector<1x16xf32>,
      %get3A_3738 = vector.shape_cast %get3A_3737 : vector<1x16xf32> to vector<16xf32>
      %max3A_3739 = arith.maximumf %get3A_3738, %get3A_3734 : vector<16xf32>
      %swap3A_3740 = arith.index_cast %squeeze3A_3712 : i32 to index
      %swap3A_3741 = arith.constant 16 : index
      %swap3A_3742 = tpu.vector_load %arg10[%swap3A_3740, %swap3A_3741] {strides = array<i32>} : memref<64x64xf32, #tpu.memory_space<vmem>>, vector<1x16xf32>,
      %swap3A_3743 = vector.shape_cast %swap3A_3742 : vector<1x16xf32> to vector<16xf32>
      %swap3A_3744 = vector.shape_cast %max3A_3739 : vector<16xf32> to vector<1x16xf32>
      tpu.vector_store %arg10[%swap3A_3740, %swap3A_3741], %swap3A_3744 {strides = array<i32>} : memref<64x64xf32, #tpu.memory_space<vmem>>, vector<1x16xf32>,
      %get3A_3745 = arith.index_cast %add3A_3716 : i32 to index
      %get3A_3746 = arith.constant 32 : index
      %get3A_3747 = tpu.vector_load %arg8[%get3A_3745, %get3A_3746] {strides = array<i32>} : memref<256x64xf32, #tpu.memory_space<vmem>>, vector<1x16xf32>,
      %get3A_3748 = vector.shape_cast %get3A_3747 : vector<1x16xf32> to vector<16xf32>
      %get3A_3749 = arith.index_cast %squeeze3A_3712 : i32 to index
      %get3A_3750 = arith.constant 32 : index
      %get3A_3751 = tpu.vector_load %arg10[%get3A_3749, %get3A_3750] {strides = array<i32>} : memref<64x64xf32, #tpu.memory_space<vmem>>, vector<1x16xf32>,
      %get3A_3752 = vector.shape_cast %get3A_3751 : vector<1x16xf32> to vector<16xf32>
      %max3A_3753 = arith.maximumf %get3A_3752, %get3A_3748 : vector<16xf32>
      %swap3A_3754 = arith.index_cast %squeeze3A_3712 : i32 to index
      %swap3A_3755 = arith.constant 32 : index
      %swap3A_3756 = tpu.vector_load %arg10[%swap3A_3754, %swap3A_3755] {strides = array<i32>} : memref<64x64xf32, #tpu.memory_space<vmem>>, vector<1x16xf32>,
      %swap3A_3757 = vector.shape_cast %swap3A_3756 : vector<1x16xf32> to vector<16xf32>
      %swap3A_3758 = vector.shape_cast %max3A_3753 : vector<16xf32> to vector<1x16xf32>
      tpu.vector_store %arg10[%swap3A_3754, %swap3A_3755], %swap3A_3758 {strides = array<i32>} : memref<64x64xf32, #tpu.memory_space<vmem>>, vector<1x16xf32>,
      %get3A_3759 = arith.index_cast %add3A_3716 : i32 to index
      %get3A_3760 = arith.constant 48 : index
      %get3A_3761 = tpu.vector_load %arg8[%get3A_3759, %get3A_3760] {strides = array<i32>} : memref<256x64xf32, #tpu.memory_space<vmem>>, vector<1x16xf32>,
      %get3A_3762 = vector.shape_cast %get3A_3761 : vector<1x16xf32> to vector<16xf32>
      %get3A_3763 = arith.index_cast %squeeze3A_3712 : i32 to index
      %get3A_3764 = arith.constant 48 : index
      %get3A_3765 = tpu.vector_load %arg10[%get3A_3763, %get3A_3764] {strides = array<i32>} : memref<64x64xf32, #tpu.memory_space<vmem>>, vector<1x16xf32>,
      %get3A_3766 = vector.shape_cast %get3A_3765 : vector<1x16xf32> to vector<16xf32>
      %max3A_3767 = arith.maximumf %get3A_3766, %get3A_3762 : vector<16xf32>
      %swap3A_3768 = arith.index_cast %squeeze3A_3712 : i32 to index
      %swap3A_3769 = arith.constant 48 : index
      %swap3A_3770 = tpu.vector_load %arg10[%swap3A_3768, %swap3A_3769] {strides = array<i32>} : memref<64x64xf32, #tpu.memory_space<vmem>>, vector<1x16xf32>,
      %swap3A_3771 = vector.shape_cast %swap3A_3770 : vector<1x16xf32> to vector<16xf32>
      %swap3A_3772 = vector.shape_cast %max3A_3767 : vector<16xf32> to vector<1x16xf32>
      tpu.vector_store %arg10[%swap3A_3768, %swap3A_3769], %swap3A_3772 {strides = array<i32>} : memref<64x64xf32, #tpu.memory_space<vmem>>, vector<1x16xf32>,
      %slice3A_3773 = vector.extract_strided_slice %get3A_2966 {offsets = [13], sizes = [1], strides = [1]} : vector<16xi32> to vector<1xi32>
      %squeeze3A_3774 = vector.extract %slice3A_3773[0] : i32 from vector<1xi32>
      %mul3A_3775 = arith.constant 16 : i32
      %mul3A_3776 = arith.muli %scan3A_2961, %mul3A_3775 : i32
      %add3A_3777 = arith.constant 13 : i32
      %add3A_3778 = arith.addi %mul3A_3776, %add3A_3777 : i32
      %get3A_3779 = arith.index_cast %add3A_3778 : i32 to index
      %get3A_3780 = arith.constant 0 : index
      %get3A_3781 = tpu.vector_load %arg8[%get3A_3779, %get3A_3780] {strides = array<i32>} : memref<256x64xf32, #tpu.memory_space<vmem>>, vector<1x16xf32>,
      %get3A_3782 = vector.shape_cast %get3A_3781 : vector<1x16xf32> to vector<16xf32>
      %get3A_3783 = arith.index_cast %squeeze3A_3774 : i32 to index
      %get3A_3784 = arith.constant 0 : index
      %get3A_3785 = tpu.vector_load %arg10[%get3A_3783, %get3A_3784] {strides = array<i32>} : memref<64x64xf32, #tpu.memory_space<vmem>>, vector<1x16xf32>,
      %get3A_3786 = vector.shape_cast %get3A_3785 : vector<1x16xf32> to vector<16xf32>
      %max3A_3787 = arith.maximumf %get3A_3786, %get3A_3782 : vector<16xf32>
      %swap3A_3788 = arith.index_cast %squeeze3A_3774 : i32 to index
      %swap3A_3789 = arith.constant 0 : index
      %swap3A_3790 = tpu.vector_load %arg10[%swap3A_3788, %swap3A_3789] {strides = array<i32>} : memref<64x64xf32, #tpu.memory_space<vmem>>, vector<1x16xf32>,
      %swap3A_3791 = vector.shape_cast %swap3A_3790 : vector<1x16xf32> to vector<16xf32>
      %swap3A_3792 = vector.shape_cast %max3A_3787 : vector<16xf32> to vector<1x16xf32>
      tpu.vector_store %arg10[%swap3A_3788, %swap3A_3789], %swap3A_3792 {strides = array<i32>} : memref<64x64xf32, #tpu.memory_space<vmem>>, vector<1x16xf32>,
      %get3A_3793 = arith.index_cast %add3A_3778 : i32 to index
      %get3A_3794 = arith.constant 16 : index
      %get3A_3795 = tpu.vector_load %arg8[%get3A_3793, %get3A_3794] {strides = array<i32>} : memref<256x64xf32, #tpu.memory_space<vmem>>, vector<1x16xf32>,
      %get3A_3796 = vector.shape_cast %get3A_3795 : vector<1x16xf32> to vector<16xf32>
      %get3A_3797 = arith.index_cast %squeeze3A_3774 : i32 to index
      %get3A_3798 = arith.constant 16 : index
      %get3A_3799 = tpu.vector_load %arg10[%get3A_3797, %get3A_3798] {strides = array<i32>} : memref<64x64xf32, #tpu.memory_space<vmem>>, vector<1x16xf32>,
      %get3A_3800 = vector.shape_cast %get3A_3799 : vector<1x16xf32> to vector<16xf32>
      %max3A_3801 = arith.maximumf %get3A_3800, %get3A_3796 : vector<16xf32>
      %swap3A_3802 = arith.index_cast %squeeze3A_3774 : i32 to index
      %swap3A_3803 = arith.constant 16 : index
      %swap3A_3804 = tpu.vector_load %arg10[%swap3A_3802, %swap3A_3803] {strides = array<i32>} : memref<64x64xf32, #tpu.memory_space<vmem>>, vector<1x16xf32>,
      %swap3A_3805 = vector.shape_cast %swap3A_3804 : vector<1x16xf32> to vector<16xf32>
      %swap3A_3806 = vector.shape_cast %max3A_3801 : vector<16xf32> to vector<1x16xf32>
      tpu.vector_store %arg10[%swap3A_3802, %swap3A_3803], %swap3A_3806 {strides = array<i32>} : memref<64x64xf32, #tpu.memory_space<vmem>>, vector<1x16xf32>,
      %get3A_3807 = arith.index_cast %add3A_3778 : i32 to index
      %get3A_3808 = arith.constant 32 : index
      %get3A_3809 = tpu.vector_load %arg8[%get3A_3807, %get3A_3808] {strides = array<i32>} : memref<256x64xf32, #tpu.memory_space<vmem>>, vector<1x16xf32>,
      %get3A_3810 = vector.shape_cast %get3A_3809 : vector<1x16xf32> to vector<16xf32>
      %get3A_3811 = arith.index_cast %squeeze3A_3774 : i32 to index
      %get3A_3812 = arith.constant 32 : index
      %get3A_3813 = tpu.vector_load %arg10[%get3A_3811, %get3A_3812] {strides = array<i32>} : memref<64x64xf32, #tpu.memory_space<vmem>>, vector<1x16xf32>,
      %get3A_3814 = vector.shape_cast %get3A_3813 : vector<1x16xf32> to vector<16xf32>
      %max3A_3815 = arith.maximumf %get3A_3814, %get3A_3810 : vector<16xf32>
      %swap3A_3816 = arith.index_cast %squeeze3A_3774 : i32 to index
      %swap3A_3817 = arith.constant 32 : index
      %swap3A_3818 = tpu.vector_load %arg10[%swap3A_3816, %swap3A_3817] {strides = array<i32>} : memref<64x64xf32, #tpu.memory_space<vmem>>, vector<1x16xf32>,
      %swap3A_3819 = vector.shape_cast %swap3A_3818 : vector<1x16xf32> to vector<16xf32>
      %swap3A_3820 = vector.shape_cast %max3A_3815 : vector<16xf32> to vector<1x16xf32>
      tpu.vector_store %arg10[%swap3A_3816, %swap3A_3817], %swap3A_3820 {strides = array<i32>} : memref<64x64xf32, #tpu.memory_space<vmem>>, vector<1x16xf32>,
      %get3A_3821 = arith.index_cast %add3A_3778 : i32 to index
      %get3A_3822 = arith.constant 48 : index
      %get3A_3823 = tpu.vector_load %arg8[%get3A_3821, %get3A_3822] {strides = array<i32>} : memref<256x64xf32, #tpu.memory_space<vmem>>, vector<1x16xf32>,
      %get3A_3824 = vector.shape_cast %get3A_3823 : vector<1x16xf32> to vector<16xf32>
      %get3A_3825 = arith.index_cast %squeeze3A_3774 : i32 to index
      %get3A_3826 = arith.constant 48 : index
      %get3A_3827 = tpu.vector_load %arg10[%get3A_3825, %get3A_3826] {strides = array<i32>} : memref<64x64xf32, #tpu.memory_space<vmem>>, vector<1x16xf32>,
      %get3A_3828 = vector.shape_cast %get3A_3827 : vector<1x16xf32> to vector<16xf32>
      %max3A_3829 = arith.maximumf %get3A_3828, %get3A_3824 : vector<16xf32>
      %swap3A_3830 = arith.index_cast %squeeze3A_3774 : i32 to index
      %swap3A_3831 = arith.constant 48 : index
      %swap3A_3832 = tpu.vector_load %arg10[%swap3A_3830, %swap3A_3831] {strides = array<i32>} : memref<64x64xf32, #tpu.memory_space<vmem>>, vector<1x16xf32>,
      %swap3A_3833 = vector.shape_cast %swap3A_3832 : vector<1x16xf32> to vector<16xf32>
      %swap3A_3834 = vector.shape_cast %max3A_3829 : vector<16xf32> to vector<1x16xf32>
      tpu.vector_store %arg10[%swap3A_3830, %swap3A_3831], %swap3A_3834 {strides = array<i32>} : memref<64x64xf32, #tpu.memory_space<vmem>>, vector<1x16xf32>,
      %slice3A_3835 = vector.extract_strided_slice %get3A_2966 {offsets = [14], sizes = [1], strides = [1]} : vector<16xi32> to vector<1xi32>
      %squeeze3A_3836 = vector.extract %slice3A_3835[0] : i32 from vector<1xi32>
      %mul3A_3837 = arith.constant 16 : i32
      %mul3A_3838 = arith.muli %scan3A_2961, %mul3A_3837 : i32
      %add3A_3839 = arith.constant 14 : i32
      %add3A_3840 = arith.addi %mul3A_3838, %add3A_3839 : i32
      %get3A_3841 = arith.index_cast %add3A_3840 : i32 to index
      %get3A_3842 = arith.constant 0 : index
      %get3A_3843 = tpu.vector_load %arg8[%get3A_3841, %get3A_3842] {strides = array<i32>} : memref<256x64xf32, #tpu.memory_space<vmem>>, vector<1x16xf32>,
      %get3A_3844 = vector.shape_cast %get3A_3843 : vector<1x16xf32> to vector<16xf32>
      %get3A_3845 = arith.index_cast %squeeze3A_3836 : i32 to index
      %get3A_3846 = arith.constant 0 : index
      %get3A_3847 = tpu.vector_load %arg10[%get3A_3845, %get3A_3846] {strides = array<i32>} : memref<64x64xf32, #tpu.memory_space<vmem>>, vector<1x16xf32>,
      %get3A_3848 = vector.shape_cast %get3A_3847 : vector<1x16xf32> to vector<16xf32>
      %max3A_3849 = arith.maximumf %get3A_3848, %get3A_3844 : vector<16xf32>
      %swap3A_3850 = arith.index_cast %squeeze3A_3836 : i32 to index
      %swap3A_3851 = arith.constant 0 : index
      %swap3A_3852 = tpu.vector_load %arg10[%swap3A_3850, %swap3A_3851] {strides = array<i32>} : memref<64x64xf32, #tpu.memory_space<vmem>>, vector<1x16xf32>,
      %swap3A_3853 = vector.shape_cast %swap3A_3852 : vector<1x16xf32> to vector<16xf32>
      %swap3A_3854 = vector.shape_cast %max3A_3849 : vector<16xf32> to vector<1x16xf32>
      tpu.vector_store %arg10[%swap3A_3850, %swap3A_3851], %swap3A_3854 {strides = array<i32>} : memref<64x64xf32, #tpu.memory_space<vmem>>, vector<1x16xf32>,
      %get3A_3855 = arith.index_cast %add3A_3840 : i32 to index
      %get3A_3856 = arith.constant 16 : index
      %get3A_3857 = tpu.vector_load %arg8[%get3A_3855, %get3A_3856] {strides = array<i32>} : memref<256x64xf32, #tpu.memory_space<vmem>>, vector<1x16xf32>,
      %get3A_3858 = vector.shape_cast %get3A_3857 : vector<1x16xf32> to vector<16xf32>
      %get3A_3859 = arith.index_cast %squeeze3A_3836 : i32 to index
      %get3A_3860 = arith.constant 16 : index
      %get3A_3861 = tpu.vector_load %arg10[%get3A_3859, %get3A_3860] {strides = array<i32>} : memref<64x64xf32, #tpu.memory_space<vmem>>, vector<1x16xf32>,
      %get3A_3862 = vector.shape_cast %get3A_3861 : vector<1x16xf32> to vector<16xf32>
      %max3A_3863 = arith.maximumf %get3A_3862, %get3A_3858 : vector<16xf32>
      %swap3A_3864 = arith.index_cast %squeeze3A_3836 : i32 to index
      %swap3A_3865 = arith.constant 16 : index
      %swap3A_3866 = tpu.vector_load %arg10[%swap3A_3864, %swap3A_3865] {strides = array<i32>} : memref<64x64xf32, #tpu.memory_space<vmem>>, vector<1x16xf32>,
      %swap3A_3867 = vector.shape_cast %swap3A_3866 : vector<1x16xf32> to vector<16xf32>
      %swap3A_3868 = vector.shape_cast %max3A_3863 : vector<16xf32> to vector<1x16xf32>
      tpu.vector_store %arg10[%swap3A_3864, %swap3A_3865], %swap3A_3868 {strides = array<i32>} : memref<64x64xf32, #tpu.memory_space<vmem>>, vector<1x16xf32>,
      %get3A_3869 = arith.index_cast %add3A_3840 : i32 to index
      %get3A_3870 = arith.constant 32 : index
      %get3A_3871 = tpu.vector_load %arg8[%get3A_3869, %get3A_3870] {strides = array<i32>} : memref<256x64xf32, #tpu.memory_space<vmem>>, vector<1x16xf32>,
      %get3A_3872 = vector.shape_cast %get3A_3871 : vector<1x16xf32> to vector<16xf32>
      %get3A_3873 = arith.index_cast %squeeze3A_3836 : i32 to index
      %get3A_3874 = arith.constant 32 : index
      %get3A_3875 = tpu.vector_load %arg10[%get3A_3873, %get3A_3874] {strides = array<i32>} : memref<64x64xf32, #tpu.memory_space<vmem>>, vector<1x16xf32>,
      %get3A_3876 = vector.shape_cast %get3A_3875 : vector<1x16xf32> to vector<16xf32>
      %max3A_3877 = arith.maximumf %get3A_3876, %get3A_3872 : vector<16xf32>
      %swap3A_3878 = arith.index_cast %squeeze3A_3836 : i32 to index
      %swap3A_3879 = arith.constant 32 : index
      %swap3A_3880 = tpu.vector_load %arg10[%swap3A_3878, %swap3A_3879] {strides = array<i32>} : memref<64x64xf32, #tpu.memory_space<vmem>>, vector<1x16xf32>,
      %swap3A_3881 = vector.shape_cast %swap3A_3880 : vector<1x16xf32> to vector<16xf32>
      %swap3A_3882 = vector.shape_cast %max3A_3877 : vector<16xf32> to vector<1x16xf32>
      tpu.vector_store %arg10[%swap3A_3878, %swap3A_3879], %swap3A_3882 {strides = array<i32>} : memref<64x64xf32, #tpu.memory_space<vmem>>, vector<1x16xf32>,
      %get3A_3883 = arith.index_cast %add3A_3840 : i32 to index
      %get3A_3884 = arith.constant 48 : index
      %get3A_3885 = tpu.vector_load %arg8[%get3A_3883, %get3A_3884] {strides = array<i32>} : memref<256x64xf32, #tpu.memory_space<vmem>>, vector<1x16xf32>,
      %get3A_3886 = vector.shape_cast %get3A_3885 : vector<1x16xf32> to vector<16xf32>
      %get3A_3887 = arith.index_cast %squeeze3A_3836 : i32 to index
      %get3A_3888 = arith.constant 48 : index
      %get3A_3889 = tpu.vector_load %arg10[%get3A_3887, %get3A_3888] {strides = array<i32>} : memref<64x64xf32, #tpu.memory_space<vmem>>, vector<1x16xf32>,
      %get3A_3890 = vector.shape_cast %get3A_3889 : vector<1x16xf32> to vector<16xf32>
      %max3A_3891 = arith.maximumf %get3A_3890, %get3A_3886 : vector<16xf32>
      %swap3A_3892 = arith.index_cast %squeeze3A_3836 : i32 to index
      %swap3A_3893 = arith.constant 48 : index
      %swap3A_3894 = tpu.vector_load %arg10[%swap3A_3892, %swap3A_3893] {strides = array<i32>} : memref<64x64xf32, #tpu.memory_space<vmem>>, vector<1x16xf32>,
      %swap3A_3895 = vector.shape_cast %swap3A_3894 : vector<1x16xf32> to vector<16xf32>
      %swap3A_3896 = vector.shape_cast %max3A_3891 : vector<16xf32> to vector<1x16xf32>
      tpu.vector_store %arg10[%swap3A_3892, %swap3A_3893], %swap3A_3896 {strides = array<i32>} : memref<64x64xf32, #tpu.memory_space<vmem>>, vector<1x16xf32>,
      %slice3A_3897 = vector.extract_strided_slice %get3A_2966 {offsets = [15], sizes = [1], strides = [1]} : vector<16xi32> to vector<1xi32>
      %squeeze3A_3898 = vector.extract %slice3A_3897[0] : i32 from vector<1xi32>
      %mul3A_3899 = arith.constant 16 : i32
      %mul3A_3900 = arith.muli %scan3A_2961, %mul3A_3899 : i32
      %add3A_3901 = arith.constant 15 : i32
      %add3A_3902 = arith.addi %mul3A_3900, %add3A_3901 : i32
      %get3A_3903 = arith.index_cast %add3A_3902 : i32 to index
      %get3A_3904 = arith.constant 0 : index
      %get3A_3905 = tpu.vector_load %arg8[%get3A_3903, %get3A_3904] {strides = array<i32>} : memref<256x64xf32, #tpu.memory_space<vmem>>, vector<1x16xf32>,
      %get3A_3906 = vector.shape_cast %get3A_3905 : vector<1x16xf32> to vector<16xf32>
      %get3A_3907 = arith.index_cast %squeeze3A_3898 : i32 to index
      %get3A_3908 = arith.constant 0 : index
      %get3A_3909 = tpu.vector_load %arg10[%get3A_3907, %get3A_3908] {strides = array<i32>} : memref<64x64xf32, #tpu.memory_space<vmem>>, vector<1x16xf32>,
      %get3A_3910 = vector.shape_cast %get3A_3909 : vector<1x16xf32> to vector<16xf32>
      %max3A_3911 = arith.maximumf %get3A_3910, %get3A_3906 : vector<16xf32>
      %swap3A_3912 = arith.index_cast %squeeze3A_3898 : i32 to index
      %swap3A_3913 = arith.constant 0 : index
      %swap3A_3914 = tpu.vector_load %arg10[%swap3A_3912, %swap3A_3913] {strides = array<i32>} : memref<64x64xf32, #tpu.memory_space<vmem>>, vector<1x16xf32>,
      %swap3A_3915 = vector.shape_cast %swap3A_3914 : vector<1x16xf32> to vector<16xf32>
      %swap3A_3916 = vector.shape_cast %max3A_3911 : vector<16xf32> to vector<1x16xf32>
      tpu.vector_store %arg10[%swap3A_3912, %swap3A_3913], %swap3A_3916 {strides = array<i32>} : memref<64x64xf32, #tpu.memory_space<vmem>>, vector<1x16xf32>,
      %get3A_3917 = arith.index_cast %add3A_3902 : i32 to index
      %get3A_3918 = arith.constant 16 : index
      %get3A_3919 = tpu.vector_load %arg8[%get3A_3917, %get3A_3918] {strides = array<i32>} : memref<256x64xf32, #tpu.memory_space<vmem>>, vector<1x16xf32>,
      %get3A_3920 = vector.shape_cast %get3A_3919 : vector<1x16xf32> to vector<16xf32>
      %get3A_3921 = arith.index_cast %squeeze3A_3898 : i32 to index
      %get3A_3922 = arith.constant 16 : index
      %get3A_3923 = tpu.vector_load %arg10[%get3A_3921, %get3A_3922] {strides = array<i32>} : memref<64x64xf32, #tpu.memory_space<vmem>>, vector<1x16xf32>,
      %get3A_3924 = vector.shape_cast %get3A_3923 : vector<1x16xf32> to vector<16xf32>
      %max3A_3925 = arith.maximumf %get3A_3924, %get3A_3920 : vector<16xf32>
      %swap3A_3926 = arith.index_cast %squeeze3A_3898 : i32 to index
      %swap3A_3927 = arith.constant 16 : index
      %swap3A_3928 = tpu.vector_load %arg10[%swap3A_3926, %swap3A_3927] {strides = array<i32>} : memref<64x64xf32, #tpu.memory_space<vmem>>, vector<1x16xf32>,
      %swap3A_3929 = vector.shape_cast %swap3A_3928 : vector<1x16xf32> to vector<16xf32>
      %swap3A_3930 = vector.shape_cast %max3A_3925 : vector<16xf32> to vector<1x16xf32>
      tpu.vector_store %arg10[%swap3A_3926, %swap3A_3927], %swap3A_3930 {strides = array<i32>} : memref<64x64xf32, #tpu.memory_space<vmem>>, vector<1x16xf32>,
      %get3A_3931 = arith.index_cast %add3A_3902 : i32 to index
      %get3A_3932 = arith.constant 32 : index
      %get3A_3933 = tpu.vector_load %arg8[%get3A_3931, %get3A_3932] {strides = array<i32>} : memref<256x64xf32, #tpu.memory_space<vmem>>, vector<1x16xf32>,
      %get3A_3934 = vector.shape_cast %get3A_3933 : vector<1x16xf32> to vector<16xf32>
      %get3A_3935 = arith.index_cast %squeeze3A_3898 : i32 to index
      %get3A_3936 = arith.constant 32 : index
      %get3A_3937 = tpu.vector_load %arg10[%get3A_3935, %get3A_3936] {strides = array<i32>} : memref<64x64xf32, #tpu.memory_space<vmem>>, vector<1x16xf32>,
      %get3A_3938 = vector.shape_cast %get3A_3937 : vector<1x16xf32> to vector<16xf32>
      %max3A_3939 = arith.maximumf %get3A_3938, %get3A_3934 : vector<16xf32>
      %swap3A_3940 = arith.index_cast %squeeze3A_3898 : i32 to index
      %swap3A_3941 = arith.constant 32 : index
      %swap3A_3942 = tpu.vector_load %arg10[%swap3A_3940, %swap3A_3941] {strides = array<i32>} : memref<64x64xf32, #tpu.memory_space<vmem>>, vector<1x16xf32>,
      %swap3A_3943 = vector.shape_cast %swap3A_3942 : vector<1x16xf32> to vector<16xf32>
      %swap3A_3944 = vector.shape_cast %max3A_3939 : vector<16xf32> to vector<1x16xf32>
      tpu.vector_store %arg10[%swap3A_3940, %swap3A_3941], %swap3A_3944 {strides = array<i32>} : memref<64x64xf32, #tpu.memory_space<vmem>>, vector<1x16xf32>,
      %get3A_3945 = arith.index_cast %add3A_3902 : i32 to index
      %get3A_3946 = arith.constant 48 : index
      %get3A_3947 = tpu.vector_load %arg8[%get3A_3945, %get3A_3946] {strides = array<i32>} : memref<256x64xf32, #tpu.memory_space<vmem>>, vector<1x16xf32>,
      %get3A_3948 = vector.shape_cast %get3A_3947 : vector<1x16xf32> to vector<16xf32>
      %get3A_3949 = arith.index_cast %squeeze3A_3898 : i32 to index
      %get3A_3950 = arith.constant 48 : index
      %get3A_3951 = tpu.vector_load %arg10[%get3A_3949, %get3A_3950] {strides = array<i32>} : memref<64x64xf32, #tpu.memory_space<vmem>>, vector<1x16xf32>,
      %get3A_3952 = vector.shape_cast %get3A_3951 : vector<1x16xf32> to vector<16xf32>
      %max3A_3953 = arith.maximumf %get3A_3952, %get3A_3948 : vector<16xf32>
      %swap3A_3954 = arith.index_cast %squeeze3A_3898 : i32 to index
      %swap3A_3955 = arith.constant 48 : index
      %swap3A_3956 = tpu.vector_load %arg10[%swap3A_3954, %swap3A_3955] {strides = array<i32>} : memref<64x64xf32, #tpu.memory_space<vmem>>, vector<1x16xf32>,
      %swap3A_3957 = vector.shape_cast %swap3A_3956 : vector<1x16xf32> to vector<16xf32>
      %swap3A_3958 = vector.shape_cast %max3A_3953 : vector<16xf32> to vector<1x16xf32>
      tpu.vector_store %arg10[%swap3A_3954, %swap3A_3955], %swap3A_3958 {strides = array<i32>} : memref<64x64xf32, #tpu.memory_space<vmem>>, vector<1x16xf32>,
    }
    %scan3A_76 = arith.constant 16 : i32
    %mul3A_77 = arith.constant 16 : i32
    %mul3A_78 = arith.muli %arg0, %mul3A_77 : i32
    %add3A_79 = arith.addi %mul3A_78, %arg1 : i32
    "tpu.region"() ({
      %run_scoped3A = tpu.sem_alloc : memref<!tpu.dma_semaphore, #tpu.memory_space<semaphore_mem>>
      %dma_start3A_2961 = arith.constant 0 : i32
      %dma_start3A_2962 = arith.constant 0 : i32
      %dma_start3A_2963 = tpu.memref_slice %arg7[%add3A_79, %dma_start3A_2961, %dma_start3A_2962] : memref<32x64x64xf32, #tpu.memory_space<hbm>> -> memref<1x64x64xf32, #tpu.memory_space<hbm>>
      %dma_start3A_2964 = tpu.memref_squeeze %dma_start3A_2963 : memref<1x64x64xf32, #tpu.memory_space<hbm>> -> memref<64x64xf32, #tpu.memory_space<hbm>>
      %dma_start3A_2965 = arith.constant 0 : i32
      %dma_start3A_2966 = arith.constant 0 : i32
      %dma_start3A_2967 = tpu.memref_slice %arg7[%add3A_79, %dma_start3A_2965, %dma_start3A_2966] : memref<32x64x64xf32, #tpu.memory_space<hbm>> -> memref<1x64x64xf32, #tpu.memory_space<hbm>>
      %dma_start3A_2968 = tpu.memref_squeeze %dma_start3A_2967 : memref<1x64x64xf32, #tpu.memory_space<hbm>> -> memref<64x64xf32, #tpu.memory_space<hbm>>
      tpu.enqueue_dma source(%arg10 : memref<64x64xf32, #tpu.memory_space<vmem>>) target(%dma_start3A_2968 : memref<64x64xf32, #tpu.memory_space<hbm>>) target_semaphore(%run_scoped3A : memref<!tpu.dma_semaphore, #tpu.memory_space<semaphore_mem>>)
      %dma_wait3A_2969 = arith.constant 0 : i32
      %dma_wait3A_2970 = arith.constant 0 : i32
      %dma_wait3A_2971 = tpu.memref_slice %arg7[%add3A_79, %dma_wait3A_2969, %dma_wait3A_2970] : memref<32x64x64xf32, #tpu.memory_space<hbm>> -> memref<1x64x64xf32, #tpu.memory_space<hbm>>
      %dma_wait3A_2972 = tpu.memref_squeeze %dma_wait3A_2971 : memref<1x64x64xf32, #tpu.memory_space<hbm>> -> memref<64x64xf32, #tpu.memory_space<hbm>>
      %dma_wait3A_2973 = arith.constant 0 : i32
      %dma_wait3A_2974 = arith.constant 0 : i32
      %dma_wait3A_2975 = tpu.memref_slice %arg7[%add3A_79, %dma_wait3A_2973, %dma_wait3A_2974] : memref<32x64x64xf32, #tpu.memory_space<hbm>> -> memref<1x64x64xf32, #tpu.memory_space<hbm>>
      %dma_wait3A_2976 = tpu.memref_squeeze %dma_wait3A_2975 : memref<1x64x64xf32, #tpu.memory_space<hbm>> -> memref<64x64xf32, #tpu.memory_space<hbm>>
      tpu.wait_dma2 semaphore(%run_scoped3A : memref<!tpu.dma_semaphore, #tpu.memory_space<semaphore_mem>>) src(%arg10 : memref<64x64xf32, #tpu.memory_space<vmem>>) dst(%dma_wait3A_2976 : memref<64x64xf32, #tpu.memory_space<hbm>>)
      tpu.yield
    }) : () -> ()
    %barrier3A = arith.constant 0 : index
    tpu.barrier barrier_id(%barrier3A)
    %mul3A_80 = arith.constant 8 : i32
    %mul3A_81 = arith.muli %select_n3A_30, %mul3A_80 : i32
    %mul3A_82 = arith.constant 16 : i32
    %mul3A_83 = arith.muli %arg0, %mul3A_82 : i32
    %mul3A_84 = arith.constant 8 : i32
    %mul3A_85 = arith.muli %select_n3A, %mul3A_84 : i32
    %add3A_86 = arith.addi %mul3A_83, %mul3A_85 : i32
    %add3A_87 = arith.constant 1 : i32
    %add3A_88 = arith.addi %select_n3A_30, %add3A_87 : i32
    %rem3A_89 = arith.constant 8 : i32
    %rem3A_90 = arith.remsi %add3A_88, %rem3A_89 : i32
    %add3A_91 = arith.addi %add3A_86, %rem3A_90 : i32
    %dma_start3A_92 = arith.constant 1 : i32
    %dma_start3A_93 = arith.constant 0 : i32
    %dma_start3A_94 = arith.constant 0 : i32
    %dma_start3A_95 = tpu.memref_slice %arg11[%dma_start3A_92, %dma_start3A_93, %dma_start3A_94] : memref<8x8x64xf32, #tpu.memory_space<vmem>> -> memref<1x8x64xf32, #tpu.memory_space<vmem>>
    %dma_start3A_96 = tpu.memref_squeeze %dma_start3A_95 : memref<1x8x64xf32, #tpu.memory_space<vmem>> -> memref<8x64xf32, #tpu.memory_space<vmem>>
    %dma_start3A_97 = arith.constant 0 : i32
    %dma_start3A_98 = tpu.memref_slice %arg7[%add3A_91, %mul3A_81, %dma_start3A_97] : memref<32x64x64xf32, #tpu.memory_space<hbm>> -> memref<1x8x64xf32, #tpu.memory_space<hbm>>
    %dma_start3A_99 = tpu.memref_squeeze %dma_start3A_98 : memref<1x8x64xf32, #tpu.memory_space<hbm>> -> memref<8x64xf32, #tpu.memory_space<hbm>>
    %dma_start3A_100 = arith.constant 0 : i32
    %dma_start3A_101 = arith.constant 0 : i32
    %dma_start3A_102 = tpu.memref_slice %arg11[%dma_start3A_92, %dma_start3A_100, %dma_start3A_101] : memref<8x8x64xf32, #tpu.memory_space<vmem>> -> memref<1x8x64xf32, #tpu.memory_space<vmem>>
    %dma_start3A_103 = tpu.memref_squeeze %dma_start3A_102 : memref<1x8x64xf32, #tpu.memory_space<vmem>> -> memref<8x64xf32, #tpu.memory_space<vmem>>
    %dma_start3A_104 = arith.constant 0 : i32
    %dma_start3A_105 = tpu.memref_slice %arg7[%add3A_91, %mul3A_81, %dma_start3A_104] : memref<32x64x64xf32, #tpu.memory_space<hbm>> -> memref<1x8x64xf32, #tpu.memory_space<hbm>>
    %dma_start3A_106 = tpu.memref_squeeze %dma_start3A_105 : memref<1x8x64xf32, #tpu.memory_space<hbm>> -> memref<8x64xf32, #tpu.memory_space<hbm>>
    tpu.enqueue_dma source(%dma_start3A_106 : memref<8x64xf32, #tpu.memory_space<hbm>>) target(%dma_start3A_103 : memref<8x64xf32, #tpu.memory_space<vmem>>) target_semaphore(%arg15 : memref<!tpu.dma_semaphore, #tpu.memory_space<semaphore_mem>>)
    %add3A_107 = arith.constant 2 : i32
    %add3A_108 = arith.addi %select_n3A_30, %add3A_107 : i32
    %rem3A_109 = arith.constant 8 : i32
    %rem3A_110 = arith.remsi %add3A_108, %rem3A_109 : i32
    %add3A_111 = arith.addi %add3A_86, %rem3A_110 : i32
    %dma_start3A_112 = arith.constant 2 : i32
    %dma_start3A_113 = arith.constant 0 : i32
    %dma_start3A_114 = arith.constant 0 : i32
    %dma_start3A_115 = tpu.memref_slice %arg11[%dma_start3A_112, %dma_start3A_113, %dma_start3A_114] : memref<8x8x64xf32, #tpu.memory_space<vmem>> -> memref<1x8x64xf32, #tpu.memory_space<vmem>>
    %dma_start3A_116 = tpu.memref_squeeze %dma_start3A_115 : memref<1x8x64xf32, #tpu.memory_space<vmem>> -> memref<8x64xf32, #tpu.memory_space<vmem>>
    %dma_start3A_117 = arith.constant 0 : i32
    %dma_start3A_118 = tpu.memref_slice %arg7[%add3A_111, %mul3A_81, %dma_start3A_117] : memref<32x64x64xf32, #tpu.memory_space<hbm>> -> memref<1x8x64xf32, #tpu.memory_space<hbm>>
    %dma_start3A_119 = tpu.memref_squeeze %dma_start3A_118 : memref<1x8x64xf32, #tpu.memory_space<hbm>> -> memref<8x64xf32, #tpu.memory_space<hbm>>
    %dma_start3A_120 = arith.constant 0 : i32
    %dma_start3A_121 = arith.constant 0 : i32
    %dma_start3A_122 = tpu.memref_slice %arg11[%dma_start3A_112, %dma_start3A_120, %dma_start3A_121] : memref<8x8x64xf32, #tpu.memory_space<vmem>> -> memref<1x8x64xf32, #tpu.memory_space<vmem>>
    %dma_start3A_123 = tpu.memref_squeeze %dma_start3A_122 : memref<1x8x64xf32, #tpu.memory_space<vmem>> -> memref<8x64xf32, #tpu.memory_space<vmem>>
    %dma_start3A_124 = arith.constant 0 : i32
    %dma_start3A_125 = tpu.memref_slice %arg7[%add3A_111, %mul3A_81, %dma_start3A_124] : memref<32x64x64xf32, #tpu.memory_space<hbm>> -> memref<1x8x64xf32, #tpu.memory_space<hbm>>
    %dma_start3A_126 = tpu.memref_squeeze %dma_start3A_125 : memref<1x8x64xf32, #tpu.memory_space<hbm>> -> memref<8x64xf32, #tpu.memory_space<hbm>>
    tpu.enqueue_dma source(%dma_start3A_126 : memref<8x64xf32, #tpu.memory_space<hbm>>) target(%dma_start3A_123 : memref<8x64xf32, #tpu.memory_space<vmem>>) target_semaphore(%arg15 : memref<!tpu.dma_semaphore, #tpu.memory_space<semaphore_mem>>)
    %add3A_127 = arith.constant 3 : i32
    %add3A_128 = arith.addi %select_n3A_30, %add3A_127 : i32
    %rem3A_129 = arith.constant 8 : i32
    %rem3A_130 = arith.remsi %add3A_128, %rem3A_129 : i32
    %add3A_131 = arith.addi %add3A_86, %rem3A_130 : i32
    %dma_start3A_132 = arith.constant 3 : i32
    %dma_start3A_133 = arith.constant 0 : i32
    %dma_start3A_134 = arith.constant 0 : i32
    %dma_start3A_135 = tpu.memref_slice %arg11[%dma_start3A_132, %dma_start3A_133, %dma_start3A_134] : memref<8x8x64xf32, #tpu.memory_space<vmem>> -> memref<1x8x64xf32, #tpu.memory_space<vmem>>
    %dma_start3A_136 = tpu.memref_squeeze %dma_start3A_135 : memref<1x8x64xf32, #tpu.memory_space<vmem>> -> memref<8x64xf32, #tpu.memory_space<vmem>>
    %dma_start3A_137 = arith.constant 0 : i32
    %dma_start3A_138 = tpu.memref_slice %arg7[%add3A_131, %mul3A_81, %dma_start3A_137] : memref<32x64x64xf32, #tpu.memory_space<hbm>> -> memref<1x8x64xf32, #tpu.memory_space<hbm>>
    %dma_start3A_139 = tpu.memref_squeeze %dma_start3A_138 : memref<1x8x64xf32, #tpu.memory_space<hbm>> -> memref<8x64xf32, #tpu.memory_space<hbm>>
    %dma_start3A_140 = arith.constant 0 : i32
    %dma_start3A_141 = arith.constant 0 : i32
    %dma_start3A_142 = tpu.memref_slice %arg11[%dma_start3A_132, %dma_start3A_140, %dma_start3A_141] : memref<8x8x64xf32, #tpu.memory_space<vmem>> -> memref<1x8x64xf32, #tpu.memory_space<vmem>>
    %dma_start3A_143 = tpu.memref_squeeze %dma_start3A_142 : memref<1x8x64xf32, #tpu.memory_space<vmem>> -> memref<8x64xf32, #tpu.memory_space<vmem>>
    %dma_start3A_144 = arith.constant 0 : i32
    %dma_start3A_145 = tpu.memref_slice %arg7[%add3A_131, %mul3A_81, %dma_start3A_144] : memref<32x64x64xf32, #tpu.memory_space<hbm>> -> memref<1x8x64xf32, #tpu.memory_space<hbm>>
    %dma_start3A_146 = tpu.memref_squeeze %dma_start3A_145 : memref<1x8x64xf32, #tpu.memory_space<hbm>> -> memref<8x64xf32, #tpu.memory_space<hbm>>
    tpu.enqueue_dma source(%dma_start3A_146 : memref<8x64xf32, #tpu.memory_space<hbm>>) target(%dma_start3A_143 : memref<8x64xf32, #tpu.memory_space<vmem>>) target_semaphore(%arg15 : memref<!tpu.dma_semaphore, #tpu.memory_space<semaphore_mem>>)
    %add3A_147 = arith.constant 4 : i32
    %add3A_148 = arith.addi %select_n3A_30, %add3A_147 : i32
    %rem3A_149 = arith.constant 8 : i32
    %rem3A_150 = arith.remsi %add3A_148, %rem3A_149 : i32
    %add3A_151 = arith.addi %add3A_86, %rem3A_150 : i32
    %dma_start3A_152 = arith.constant 4 : i32
    %dma_start3A_153 = arith.constant 0 : i32
    %dma_start3A_154 = arith.constant 0 : i32
    %dma_start3A_155 = tpu.memref_slice %arg11[%dma_start3A_152, %dma_start3A_153, %dma_start3A_154] : memref<8x8x64xf32, #tpu.memory_space<vmem>> -> memref<1x8x64xf32, #tpu.memory_space<vmem>>
    %dma_start3A_156 = tpu.memref_squeeze %dma_start3A_155 : memref<1x8x64xf32, #tpu.memory_space<vmem>> -> memref<8x64xf32, #tpu.memory_space<vmem>>
    %dma_start3A_157 = arith.constant 0 : i32
    %dma_start3A_158 = tpu.memref_slice %arg7[%add3A_151, %mul3A_81, %dma_start3A_157] : memref<32x64x64xf32, #tpu.memory_space<hbm>> -> memref<1x8x64xf32, #tpu.memory_space<hbm>>
    %dma_start3A_159 = tpu.memref_squeeze %dma_start3A_158 : memref<1x8x64xf32, #tpu.memory_space<hbm>> -> memref<8x64xf32, #tpu.memory_space<hbm>>
    %dma_start3A_160 = arith.constant 0 : i32
    %dma_start3A_161 = arith.constant 0 : i32
    %dma_start3A_162 = tpu.memref_slice %arg11[%dma_start3A_152, %dma_start3A_160, %dma_start3A_161] : memref<8x8x64xf32, #tpu.memory_space<vmem>> -> memref<1x8x64xf32, #tpu.memory_space<vmem>>
    %dma_start3A_163 = tpu.memref_squeeze %dma_start3A_162 : memref<1x8x64xf32, #tpu.memory_space<vmem>> -> memref<8x64xf32, #tpu.memory_space<vmem>>
    %dma_start3A_164 = arith.constant 0 : i32
    %dma_start3A_165 = tpu.memref_slice %arg7[%add3A_151, %mul3A_81, %dma_start3A_164] : memref<32x64x64xf32, #tpu.memory_space<hbm>> -> memref<1x8x64xf32, #tpu.memory_space<hbm>>
    %dma_start3A_166 = tpu.memref_squeeze %dma_start3A_165 : memref<1x8x64xf32, #tpu.memory_space<hbm>> -> memref<8x64xf32, #tpu.memory_space<hbm>>
    tpu.enqueue_dma source(%dma_start3A_166 : memref<8x64xf32, #tpu.memory_space<hbm>>) target(%dma_start3A_163 : memref<8x64xf32, #tpu.memory_space<vmem>>) target_semaphore(%arg15 : memref<!tpu.dma_semaphore, #tpu.memory_space<semaphore_mem>>)
    %add3A_167 = arith.constant 5 : i32
    %add3A_168 = arith.addi %select_n3A_30, %add3A_167 : i32
    %rem3A_169 = arith.constant 8 : i32
    %rem3A_170 = arith.remsi %add3A_168, %rem3A_169 : i32
    %add3A_171 = arith.addi %add3A_86, %rem3A_170 : i32
    %dma_start3A_172 = arith.constant 5 : i32
    %dma_start3A_173 = arith.constant 0 : i32
    %dma_start3A_174 = arith.constant 0 : i32
    %dma_start3A_175 = tpu.memref_slice %arg11[%dma_start3A_172, %dma_start3A_173, %dma_start3A_174] : memref<8x8x64xf32, #tpu.memory_space<vmem>> -> memref<1x8x64xf32, #tpu.memory_space<vmem>>
    %dma_start3A_176 = tpu.memref_squeeze %dma_start3A_175 : memref<1x8x64xf32, #tpu.memory_space<vmem>> -> memref<8x64xf32, #tpu.memory_space<vmem>>
    %dma_start3A_177 = arith.constant 0 : i32
    %dma_start3A_178 = tpu.memref_slice %arg7[%add3A_171, %mul3A_81, %dma_start3A_177] : memref<32x64x64xf32, #tpu.memory_space<hbm>> -> memref<1x8x64xf32, #tpu.memory_space<hbm>>
    %dma_start3A_179 = tpu.memref_squeeze %dma_start3A_178 : memref<1x8x64xf32, #tpu.memory_space<hbm>> -> memref<8x64xf32, #tpu.memory_space<hbm>>
    %dma_start3A_180 = arith.constant 0 : i32
    %dma_start3A_181 = arith.constant 0 : i32
    %dma_start3A_182 = tpu.memref_slice %arg11[%dma_start3A_172, %dma_start3A_180, %dma_start3A_181] : memref<8x8x64xf32, #tpu.memory_space<vmem>> -> memref<1x8x64xf32, #tpu.memory_space<vmem>>
    %dma_start3A_183 = tpu.memref_squeeze %dma_start3A_182 : memref<1x8x64xf32, #tpu.memory_space<vmem>> -> memref<8x64xf32, #tpu.memory_space<vmem>>
    %dma_start3A_184 = arith.constant 0 : i32
    %dma_start3A_185 = tpu.memref_slice %arg7[%add3A_171, %mul3A_81, %dma_start3A_184] : memref<32x64x64xf32, #tpu.memory_space<hbm>> -> memref<1x8x64xf32, #tpu.memory_space<hbm>>
    %dma_start3A_186 = tpu.memref_squeeze %dma_start3A_185 : memref<1x8x64xf32, #tpu.memory_space<hbm>> -> memref<8x64xf32, #tpu.memory_space<hbm>>
    tpu.enqueue_dma source(%dma_start3A_186 : memref<8x64xf32, #tpu.memory_space<hbm>>) target(%dma_start3A_183 : memref<8x64xf32, #tpu.memory_space<vmem>>) target_semaphore(%arg15 : memref<!tpu.dma_semaphore, #tpu.memory_space<semaphore_mem>>)
    %add3A_187 = arith.constant 6 : i32
    %add3A_188 = arith.addi %select_n3A_30, %add3A_187 : i32
    %rem3A_189 = arith.constant 8 : i32
    %rem3A_190 = arith.remsi %add3A_188, %rem3A_189 : i32
    %add3A_191 = arith.addi %add3A_86, %rem3A_190 : i32
    %dma_start3A_192 = arith.constant 6 : i32
    %dma_start3A_193 = arith.constant 0 : i32
    %dma_start3A_194 = arith.constant 0 : i32
    %dma_start3A_195 = tpu.memref_slice %arg11[%dma_start3A_192, %dma_start3A_193, %dma_start3A_194] : memref<8x8x64xf32, #tpu.memory_space<vmem>> -> memref<1x8x64xf32, #tpu.memory_space<vmem>>
    %dma_start3A_196 = tpu.memref_squeeze %dma_start3A_195 : memref<1x8x64xf32, #tpu.memory_space<vmem>> -> memref<8x64xf32, #tpu.memory_space<vmem>>
    %dma_start3A_197 = arith.constant 0 : i32
    %dma_start3A_198 = tpu.memref_slice %arg7[%add3A_191, %mul3A_81, %dma_start3A_197] : memref<32x64x64xf32, #tpu.memory_space<hbm>> -> memref<1x8x64xf32, #tpu.memory_space<hbm>>
    %dma_start3A_199 = tpu.memref_squeeze %dma_start3A_198 : memref<1x8x64xf32, #tpu.memory_space<hbm>> -> memref<8x64xf32, #tpu.memory_space<hbm>>
    %dma_start3A_200 = arith.constant 0 : i32
    %dma_start3A_201 = arith.constant 0 : i32
    %dma_start3A_202 = tpu.memref_slice %arg11[%dma_start3A_192, %dma_start3A_200, %dma_start3A_201] : memref<8x8x64xf32, #tpu.memory_space<vmem>> -> memref<1x8x64xf32, #tpu.memory_space<vmem>>
    %dma_start3A_203 = tpu.memref_squeeze %dma_start3A_202 : memref<1x8x64xf32, #tpu.memory_space<vmem>> -> memref<8x64xf32, #tpu.memory_space<vmem>>
    %dma_start3A_204 = arith.constant 0 : i32
    %dma_start3A_205 = tpu.memref_slice %arg7[%add3A_191, %mul3A_81, %dma_start3A_204] : memref<32x64x64xf32, #tpu.memory_space<hbm>> -> memref<1x8x64xf32, #tpu.memory_space<hbm>>
    %dma_start3A_206 = tpu.memref_squeeze %dma_start3A_205 : memref<1x8x64xf32, #tpu.memory_space<hbm>> -> memref<8x64xf32, #tpu.memory_space<hbm>>
    tpu.enqueue_dma source(%dma_start3A_206 : memref<8x64xf32, #tpu.memory_space<hbm>>) target(%dma_start3A_203 : memref<8x64xf32, #tpu.memory_space<vmem>>) target_semaphore(%arg15 : memref<!tpu.dma_semaphore, #tpu.memory_space<semaphore_mem>>)
    %add3A_207 = arith.constant 7 : i32
    %add3A_208 = arith.addi %select_n3A_30, %add3A_207 : i32
    %rem3A_209 = arith.constant 8 : i32
    %rem3A_210 = arith.remsi %add3A_208, %rem3A_209 : i32
    %add3A_211 = arith.addi %add3A_86, %rem3A_210 : i32
    %dma_start3A_212 = arith.constant 7 : i32
    %dma_start3A_213 = arith.constant 0 : i32
    %dma_start3A_214 = arith.constant 0 : i32
    %dma_start3A_215 = tpu.memref_slice %arg11[%dma_start3A_212, %dma_start3A_213, %dma_start3A_214] : memref<8x8x64xf32, #tpu.memory_space<vmem>> -> memref<1x8x64xf32, #tpu.memory_space<vmem>>
    %dma_start3A_216 = tpu.memref_squeeze %dma_start3A_215 : memref<1x8x64xf32, #tpu.memory_space<vmem>> -> memref<8x64xf32, #tpu.memory_space<vmem>>
    %dma_start3A_217 = arith.constant 0 : i32
    %dma_start3A_218 = tpu.memref_slice %arg7[%add3A_211, %mul3A_81, %dma_start3A_217] : memref<32x64x64xf32, #tpu.memory_space<hbm>> -> memref<1x8x64xf32, #tpu.memory_space<hbm>>
    %dma_start3A_219 = tpu.memref_squeeze %dma_start3A_218 : memref<1x8x64xf32, #tpu.memory_space<hbm>> -> memref<8x64xf32, #tpu.memory_space<hbm>>
    %dma_start3A_220 = arith.constant 0 : i32
    %dma_start3A_221 = arith.constant 0 : i32
    %dma_start3A_222 = tpu.memref_slice %arg11[%dma_start3A_212, %dma_start3A_220, %dma_start3A_221] : memref<8x8x64xf32, #tpu.memory_space<vmem>> -> memref<1x8x64xf32, #tpu.memory_space<vmem>>
    %dma_start3A_223 = tpu.memref_squeeze %dma_start3A_222 : memref<1x8x64xf32, #tpu.memory_space<vmem>> -> memref<8x64xf32, #tpu.memory_space<vmem>>
    %dma_start3A_224 = arith.constant 0 : i32
    %dma_start3A_225 = tpu.memref_slice %arg7[%add3A_211, %mul3A_81, %dma_start3A_224] : memref<32x64x64xf32, #tpu.memory_space<hbm>> -> memref<1x8x64xf32, #tpu.memory_space<hbm>>
    %dma_start3A_226 = tpu.memref_squeeze %dma_start3A_225 : memref<1x8x64xf32, #tpu.memory_space<hbm>> -> memref<8x64xf32, #tpu.memory_space<hbm>>
    tpu.enqueue_dma source(%dma_start3A_226 : memref<8x64xf32, #tpu.memory_space<hbm>>) target(%dma_start3A_223 : memref<8x64xf32, #tpu.memory_space<vmem>>) target_semaphore(%arg15 : memref<!tpu.dma_semaphore, #tpu.memory_space<semaphore_mem>>)
    %dma_wait3A_227 = arith.constant 1 : i32
    %dma_wait3A_228 = arith.constant 0 : i32
    %dma_wait3A_229 = arith.constant 0 : i32
    %dma_wait3A_230 = tpu.memref_slice %arg11[%dma_wait3A_227, %dma_wait3A_228, %dma_wait3A_229] : memref<8x8x64xf32, #tpu.memory_space<vmem>> -> memref<1x8x64xf32, #tpu.memory_space<vmem>>
    %dma_wait3A_231 = tpu.memref_squeeze %dma_wait3A_230 : memref<1x8x64xf32, #tpu.memory_space<vmem>> -> memref<8x64xf32, #tpu.memory_space<vmem>>
    %dma_wait3A_232 = arith.constant 0 : i32
    %dma_wait3A_233 = tpu.memref_slice %arg7[%add3A_91, %mul3A_81, %dma_wait3A_232] : memref<32x64x64xf32, #tpu.memory_space<hbm>> -> memref<1x8x64xf32, #tpu.memory_space<hbm>>
    %dma_wait3A_234 = tpu.memref_squeeze %dma_wait3A_233 : memref<1x8x64xf32, #tpu.memory_space<hbm>> -> memref<8x64xf32, #tpu.memory_space<hbm>>
    %dma_wait3A_235 = arith.constant 0 : i32
    %dma_wait3A_236 = arith.constant 0 : i32
    %dma_wait3A_237 = tpu.memref_slice %arg11[%dma_wait3A_227, %dma_wait3A_235, %dma_wait3A_236] : memref<8x8x64xf32, #tpu.memory_space<vmem>> -> memref<1x8x64xf32, #tpu.memory_space<vmem>>
    %dma_wait3A_238 = tpu.memref_squeeze %dma_wait3A_237 : memref<1x8x64xf32, #tpu.memory_space<vmem>> -> memref<8x64xf32, #tpu.memory_space<vmem>>
    %dma_wait3A_239 = arith.constant 0 : i32
    %dma_wait3A_240 = tpu.memref_slice %arg7[%add3A_91, %mul3A_81, %dma_wait3A_239] : memref<32x64x64xf32, #tpu.memory_space<hbm>> -> memref<1x8x64xf32, #tpu.memory_space<hbm>>
    %dma_wait3A_241 = tpu.memref_squeeze %dma_wait3A_240 : memref<1x8x64xf32, #tpu.memory_space<hbm>> -> memref<8x64xf32, #tpu.memory_space<hbm>>
    tpu.wait_dma2 semaphore(%arg15 : memref<!tpu.dma_semaphore, #tpu.memory_space<semaphore_mem>>) src(%dma_wait3A_241 : memref<8x64xf32, #tpu.memory_space<hbm>>) dst(%dma_wait3A_238 : memref<8x64xf32, #tpu.memory_space<vmem>>)
    %dma_wait3A_242 = arith.constant 2 : i32
    %dma_wait3A_243 = arith.constant 0 : i32
    %dma_wait3A_244 = arith.constant 0 : i32
    %dma_wait3A_245 = tpu.memref_slice %arg11[%dma_wait3A_242, %dma_wait3A_243, %dma_wait3A_244] : memref<8x8x64xf32, #tpu.memory_space<vmem>> -> memref<1x8x64xf32, #tpu.memory_space<vmem>>
    %dma_wait3A_246 = tpu.memref_squeeze %dma_wait3A_245 : memref<1x8x64xf32, #tpu.memory_space<vmem>> -> memref<8x64xf32, #tpu.memory_space<vmem>>
    %dma_wait3A_247 = arith.constant 0 : i32
    %dma_wait3A_248 = tpu.memref_slice %arg7[%add3A_111, %mul3A_81, %dma_wait3A_247] : memref<32x64x64xf32, #tpu.memory_space<hbm>> -> memref<1x8x64xf32, #tpu.memory_space<hbm>>
    %dma_wait3A_249 = tpu.memref_squeeze %dma_wait3A_248 : memref<1x8x64xf32, #tpu.memory_space<hbm>> -> memref<8x64xf32, #tpu.memory_space<hbm>>
    %dma_wait3A_250 = arith.constant 0 : i32
    %dma_wait3A_251 = arith.constant 0 : i32
    %dma_wait3A_252 = tpu.memref_slice %arg11[%dma_wait3A_242, %dma_wait3A_250, %dma_wait3A_251] : memref<8x8x64xf32, #tpu.memory_space<vmem>> -> memref<1x8x64xf32, #tpu.memory_space<vmem>>
    %dma_wait3A_253 = tpu.memref_squeeze %dma_wait3A_252 : memref<1x8x64xf32, #tpu.memory_space<vmem>> -> memref<8x64xf32, #tpu.memory_space<vmem>>
    %dma_wait3A_254 = arith.constant 0 : i32
    %dma_wait3A_255 = tpu.memref_slice %arg7[%add3A_111, %mul3A_81, %dma_wait3A_254] : memref<32x64x64xf32, #tpu.memory_space<hbm>> -> memref<1x8x64xf32, #tpu.memory_space<hbm>>
    %dma_wait3A_256 = tpu.memref_squeeze %dma_wait3A_255 : memref<1x8x64xf32, #tpu.memory_space<hbm>> -> memref<8x64xf32, #tpu.memory_space<hbm>>
    tpu.wait_dma2 semaphore(%arg15 : memref<!tpu.dma_semaphore, #tpu.memory_space<semaphore_mem>>) src(%dma_wait3A_256 : memref<8x64xf32, #tpu.memory_space<hbm>>) dst(%dma_wait3A_253 : memref<8x64xf32, #tpu.memory_space<vmem>>)
    %dma_wait3A_257 = arith.constant 3 : i32
    %dma_wait3A_258 = arith.constant 0 : i32
    %dma_wait3A_259 = arith.constant 0 : i32
    %dma_wait3A_260 = tpu.memref_slice %arg11[%dma_wait3A_257, %dma_wait3A_258, %dma_wait3A_259] : memref<8x8x64xf32, #tpu.memory_space<vmem>> -> memref<1x8x64xf32, #tpu.memory_space<vmem>>
    %dma_wait3A_261 = tpu.memref_squeeze %dma_wait3A_260 : memref<1x8x64xf32, #tpu.memory_space<vmem>> -> memref<8x64xf32, #tpu.memory_space<vmem>>
    %dma_wait3A_262 = arith.constant 0 : i32
    %dma_wait3A_263 = tpu.memref_slice %arg7[%add3A_131, %mul3A_81, %dma_wait3A_262] : memref<32x64x64xf32, #tpu.memory_space<hbm>> -> memref<1x8x64xf32, #tpu.memory_space<hbm>>
    %dma_wait3A_264 = tpu.memref_squeeze %dma_wait3A_263 : memref<1x8x64xf32, #tpu.memory_space<hbm>> -> memref<8x64xf32, #tpu.memory_space<hbm>>
    %dma_wait3A_265 = arith.constant 0 : i32
    %dma_wait3A_266 = arith.constant 0 : i32
    %dma_wait3A_267 = tpu.memref_slice %arg11[%dma_wait3A_257, %dma_wait3A_265, %dma_wait3A_266] : memref<8x8x64xf32, #tpu.memory_space<vmem>> -> memref<1x8x64xf32, #tpu.memory_space<vmem>>
    %dma_wait3A_268 = tpu.memref_squeeze %dma_wait3A_267 : memref<1x8x64xf32, #tpu.memory_space<vmem>> -> memref<8x64xf32, #tpu.memory_space<vmem>>
    %dma_wait3A_269 = arith.constant 0 : i32
    %dma_wait3A_270 = tpu.memref_slice %arg7[%add3A_131, %mul3A_81, %dma_wait3A_269] : memref<32x64x64xf32, #tpu.memory_space<hbm>> -> memref<1x8x64xf32, #tpu.memory_space<hbm>>
    %dma_wait3A_271 = tpu.memref_squeeze %dma_wait3A_270 : memref<1x8x64xf32, #tpu.memory_space<hbm>> -> memref<8x64xf32, #tpu.memory_space<hbm>>
    tpu.wait_dma2 semaphore(%arg15 : memref<!tpu.dma_semaphore, #tpu.memory_space<semaphore_mem>>) src(%dma_wait3A_271 : memref<8x64xf32, #tpu.memory_space<hbm>>) dst(%dma_wait3A_268 : memref<8x64xf32, #tpu.memory_space<vmem>>)
    %dma_wait3A_272 = arith.constant 4 : i32
    %dma_wait3A_273 = arith.constant 0 : i32
    %dma_wait3A_274 = arith.constant 0 : i32
    %dma_wait3A_275 = tpu.memref_slice %arg11[%dma_wait3A_272, %dma_wait3A_273, %dma_wait3A_274] : memref<8x8x64xf32, #tpu.memory_space<vmem>> -> memref<1x8x64xf32, #tpu.memory_space<vmem>>
    %dma_wait3A_276 = tpu.memref_squeeze %dma_wait3A_275 : memref<1x8x64xf32, #tpu.memory_space<vmem>> -> memref<8x64xf32, #tpu.memory_space<vmem>>
    %dma_wait3A_277 = arith.constant 0 : i32
    %dma_wait3A_278 = tpu.memref_slice %arg7[%add3A_151, %mul3A_81, %dma_wait3A_277] : memref<32x64x64xf32, #tpu.memory_space<hbm>> -> memref<1x8x64xf32, #tpu.memory_space<hbm>>
    %dma_wait3A_279 = tpu.memref_squeeze %dma_wait3A_278 : memref<1x8x64xf32, #tpu.memory_space<hbm>> -> memref<8x64xf32, #tpu.memory_space<hbm>>
    %dma_wait3A_280 = arith.constant 0 : i32
    %dma_wait3A_281 = arith.constant 0 : i32
    %dma_wait3A_282 = tpu.memref_slice %arg11[%dma_wait3A_272, %dma_wait3A_280, %dma_wait3A_281] : memref<8x8x64xf32, #tpu.memory_space<vmem>> -> memref<1x8x64xf32, #tpu.memory_space<vmem>>
    %dma_wait3A_283 = tpu.memref_squeeze %dma_wait3A_282 : memref<1x8x64xf32, #tpu.memory_space<vmem>> -> memref<8x64xf32, #tpu.memory_space<vmem>>
    %dma_wait3A_284 = arith.constant 0 : i32
    %dma_wait3A_285 = tpu.memref_slice %arg7[%add3A_151, %mul3A_81, %dma_wait3A_284] : memref<32x64x64xf32, #tpu.memory_space<hbm>> -> memref<1x8x64xf32, #tpu.memory_space<hbm>>
    %dma_wait3A_286 = tpu.memref_squeeze %dma_wait3A_285 : memref<1x8x64xf32, #tpu.memory_space<hbm>> -> memref<8x64xf32, #tpu.memory_space<hbm>>
    tpu.wait_dma2 semaphore(%arg15 : memref<!tpu.dma_semaphore, #tpu.memory_space<semaphore_mem>>) src(%dma_wait3A_286 : memref<8x64xf32, #tpu.memory_space<hbm>>) dst(%dma_wait3A_283 : memref<8x64xf32, #tpu.memory_space<vmem>>)
    %dma_wait3A_287 = arith.constant 5 : i32
    %dma_wait3A_288 = arith.constant 0 : i32
    %dma_wait3A_289 = arith.constant 0 : i32
    %dma_wait3A_290 = tpu.memref_slice %arg11[%dma_wait3A_287, %dma_wait3A_288, %dma_wait3A_289] : memref<8x8x64xf32, #tpu.memory_space<vmem>> -> memref<1x8x64xf32, #tpu.memory_space<vmem>>
    %dma_wait3A_291 = tpu.memref_squeeze %dma_wait3A_290 : memref<1x8x64xf32, #tpu.memory_space<vmem>> -> memref<8x64xf32, #tpu.memory_space<vmem>>
    %dma_wait3A_292 = arith.constant 0 : i32
    %dma_wait3A_293 = tpu.memref_slice %arg7[%add3A_171, %mul3A_81, %dma_wait3A_292] : memref<32x64x64xf32, #tpu.memory_space<hbm>> -> memref<1x8x64xf32, #tpu.memory_space<hbm>>
    %dma_wait3A_294 = tpu.memref_squeeze %dma_wait3A_293 : memref<1x8x64xf32, #tpu.memory_space<hbm>> -> memref<8x64xf32, #tpu.memory_space<hbm>>
    %dma_wait3A_295 = arith.constant 0 : i32
    %dma_wait3A_296 = arith.constant 0 : i32
    %dma_wait3A_297 = tpu.memref_slice %arg11[%dma_wait3A_287, %dma_wait3A_295, %dma_wait3A_296] : memref<8x8x64xf32, #tpu.memory_space<vmem>> -> memref<1x8x64xf32, #tpu.memory_space<vmem>>
    %dma_wait3A_298 = tpu.memref_squeeze %dma_wait3A_297 : memref<1x8x64xf32, #tpu.memory_space<vmem>> -> memref<8x64xf32, #tpu.memory_space<vmem>>
    %dma_wait3A_299 = arith.constant 0 : i32
    %dma_wait3A_300 = tpu.memref_slice %arg7[%add3A_171, %mul3A_81, %dma_wait3A_299] : memref<32x64x64xf32, #tpu.memory_space<hbm>> -> memref<1x8x64xf32, #tpu.memory_space<hbm>>
    %dma_wait3A_301 = tpu.memref_squeeze %dma_wait3A_300 : memref<1x8x64xf32, #tpu.memory_space<hbm>> -> memref<8x64xf32, #tpu.memory_space<hbm>>
    tpu.wait_dma2 semaphore(%arg15 : memref<!tpu.dma_semaphore, #tpu.memory_space<semaphore_mem>>) src(%dma_wait3A_301 : memref<8x64xf32, #tpu.memory_space<hbm>>) dst(%dma_wait3A_298 : memref<8x64xf32, #tpu.memory_space<vmem>>)
    %dma_wait3A_302 = arith.constant 6 : i32
    %dma_wait3A_303 = arith.constant 0 : i32
    %dma_wait3A_304 = arith.constant 0 : i32
    %dma_wait3A_305 = tpu.memref_slice %arg11[%dma_wait3A_302, %dma_wait3A_303, %dma_wait3A_304] : memref<8x8x64xf32, #tpu.memory_space<vmem>> -> memref<1x8x64xf32, #tpu.memory_space<vmem>>
    %dma_wait3A_306 = tpu.memref_squeeze %dma_wait3A_305 : memref<1x8x64xf32, #tpu.memory_space<vmem>> -> memref<8x64xf32, #tpu.memory_space<vmem>>
    %dma_wait3A_307 = arith.constant 0 : i32
    %dma_wait3A_308 = tpu.memref_slice %arg7[%add3A_191, %mul3A_81, %dma_wait3A_307] : memref<32x64x64xf32, #tpu.memory_space<hbm>> -> memref<1x8x64xf32, #tpu.memory_space<hbm>>
    %dma_wait3A_309 = tpu.memref_squeeze %dma_wait3A_308 : memref<1x8x64xf32, #tpu.memory_space<hbm>> -> memref<8x64xf32, #tpu.memory_space<hbm>>
    %dma_wait3A_310 = arith.constant 0 : i32
    %dma_wait3A_311 = arith.constant 0 : i32
    %dma_wait3A_312 = tpu.memref_slice %arg11[%dma_wait3A_302, %dma_wait3A_310, %dma_wait3A_311] : memref<8x8x64xf32, #tpu.memory_space<vmem>> -> memref<1x8x64xf32, #tpu.memory_space<vmem>>
    %dma_wait3A_313 = tpu.memref_squeeze %dma_wait3A_312 : memref<1x8x64xf32, #tpu.memory_space<vmem>> -> memref<8x64xf32, #tpu.memory_space<vmem>>
    %dma_wait3A_314 = arith.constant 0 : i32
    %dma_wait3A_315 = tpu.memref_slice %arg7[%add3A_191, %mul3A_81, %dma_wait3A_314] : memref<32x64x64xf32, #tpu.memory_space<hbm>> -> memref<1x8x64xf32, #tpu.memory_space<hbm>>
    %dma_wait3A_316 = tpu.memref_squeeze %dma_wait3A_315 : memref<1x8x64xf32, #tpu.memory_space<hbm>> -> memref<8x64xf32, #tpu.memory_space<hbm>>
    tpu.wait_dma2 semaphore(%arg15 : memref<!tpu.dma_semaphore, #tpu.memory_space<semaphore_mem>>) src(%dma_wait3A_316 : memref<8x64xf32, #tpu.memory_space<hbm>>) dst(%dma_wait3A_313 : memref<8x64xf32, #tpu.memory_space<vmem>>)
    %dma_wait3A_317 = arith.constant 7 : i32
    %dma_wait3A_318 = arith.constant 0 : i32
    %dma_wait3A_319 = arith.constant 0 : i32
    %dma_wait3A_320 = tpu.memref_slice %arg11[%dma_wait3A_317, %dma_wait3A_318, %dma_wait3A_319] : memref<8x8x64xf32, #tpu.memory_space<vmem>> -> memref<1x8x64xf32, #tpu.memory_space<vmem>>
    %dma_wait3A_321 = tpu.memref_squeeze %dma_wait3A_320 : memref<1x8x64xf32, #tpu.memory_space<vmem>> -> memref<8x64xf32, #tpu.memory_space<vmem>>
    %dma_wait3A_322 = arith.constant 0 : i32
    %dma_wait3A_323 = tpu.memref_slice %arg7[%add3A_211, %mul3A_81, %dma_wait3A_322] : memref<32x64x64xf32, #tpu.memory_space<hbm>> -> memref<1x8x64xf32, #tpu.memory_space<hbm>>
    %dma_wait3A_324 = tpu.memref_squeeze %dma_wait3A_323 : memref<1x8x64xf32, #tpu.memory_space<hbm>> -> memref<8x64xf32, #tpu.memory_space<hbm>>
    %dma_wait3A_325 = arith.constant 0 : i32
    %dma_wait3A_326 = arith.constant 0 : i32
    %dma_wait3A_327 = tpu.memref_slice %arg11[%dma_wait3A_317, %dma_wait3A_325, %dma_wait3A_326] : memref<8x8x64xf32, #tpu.memory_space<vmem>> -> memref<1x8x64xf32, #tpu.memory_space<vmem>>
    %dma_wait3A_328 = tpu.memref_squeeze %dma_wait3A_327 : memref<1x8x64xf32, #tpu.memory_space<vmem>> -> memref<8x64xf32, #tpu.memory_space<vmem>>
    %dma_wait3A_329 = arith.constant 0 : i32
    %dma_wait3A_330 = tpu.memref_slice %arg7[%add3A_211, %mul3A_81, %dma_wait3A_329] : memref<32x64x64xf32, #tpu.memory_space<hbm>> -> memref<1x8x64xf32, #tpu.memory_space<hbm>>
    %dma_wait3A_331 = tpu.memref_squeeze %dma_wait3A_330 : memref<1x8x64xf32, #tpu.memory_space<hbm>> -> memref<8x64xf32, #tpu.memory_space<hbm>>
    tpu.wait_dma2 semaphore(%arg15 : memref<!tpu.dma_semaphore, #tpu.memory_space<semaphore_mem>>) src(%dma_wait3A_331 : memref<8x64xf32, #tpu.memory_space<hbm>>) dst(%dma_wait3A_328 : memref<8x64xf32, #tpu.memory_space<vmem>>)
    %add3A_332 = arith.constant 0 : i32
    %add3A_333 = arith.addi %mul3A_81, %add3A_332 : i32
    %get3A = arith.index_cast %add3A_333 : i32 to index
    %get3A_334 = arith.constant 0 : index
    %get3A_335 = tpu.vector_load %arg10[%get3A, %get3A_334] {strides = array<i32>} : memref<64x64xf32, #tpu.memory_space<vmem>>, vector<1x16xf32>,
    %get3A_336 = vector.shape_cast %get3A_335 : vector<1x16xf32> to vector<16xf32>
    %get3A_337 = arith.constant 1 : i32
    %get3A_338 = arith.constant 0 : i32
    %get3A_339 = arith.index_cast %get3A_337 : i32 to index
    %get3A_340 = arith.index_cast %get3A_338 : i32 to index
    %get3A_341 = arith.constant 0 : index
    %get3A_342 = tpu.vector_load %arg11[%get3A_339, %get3A_340, %get3A_341] {strides = array<i32>} : memref<8x8x64xf32, #tpu.memory_space<vmem>>, vector<1x1x16xf32>,
    %get3A_343 = vector.shape_cast %get3A_342 : vector<1x1x16xf32> to vector<16xf32>
    %max3A = arith.maximumf %get3A_336, %get3A_343 : vector<16xf32>
    %get3A_344 = arith.constant 2 : i32
    %get3A_345 = arith.constant 0 : i32
    %get3A_346 = arith.index_cast %get3A_344 : i32 to index
    %get3A_347 = arith.index_cast %get3A_345 : i32 to index
    %get3A_348 = arith.constant 0 : index
    %get3A_349 = tpu.vector_load %arg11[%get3A_346, %get3A_347, %get3A_348] {strides = array<i32>} : memref<8x8x64xf32, #tpu.memory_space<vmem>>, vector<1x1x16xf32>,
    %get3A_350 = vector.shape_cast %get3A_349 : vector<1x1x16xf32> to vector<16xf32>
    %get3A_351 = arith.constant 3 : i32
    %get3A_352 = arith.constant 0 : i32
    %get3A_353 = arith.index_cast %get3A_351 : i32 to index
    %get3A_354 = arith.index_cast %get3A_352 : i32 to index
    %get3A_355 = arith.constant 0 : index
    %get3A_356 = tpu.vector_load %arg11[%get3A_353, %get3A_354, %get3A_355] {strides = array<i32>} : memref<8x8x64xf32, #tpu.memory_space<vmem>>, vector<1x1x16xf32>,
    %get3A_357 = vector.shape_cast %get3A_356 : vector<1x1x16xf32> to vector<16xf32>
    %max3A_358 = arith.maximumf %get3A_350, %get3A_357 : vector<16xf32>
    %get3A_359 = arith.constant 4 : i32
    %get3A_360 = arith.constant 0 : i32
    %get3A_361 = arith.index_cast %get3A_359 : i32 to index
    %get3A_362 = arith.index_cast %get3A_360 : i32 to index
    %get3A_363 = arith.constant 0 : index
    %get3A_364 = tpu.vector_load %arg11[%get3A_361, %get3A_362, %get3A_363] {strides = array<i32>} : memref<8x8x64xf32, #tpu.memory_space<vmem>>, vector<1x1x16xf32>,
    %get3A_365 = vector.shape_cast %get3A_364 : vector<1x1x16xf32> to vector<16xf32>
    %get3A_366 = arith.constant 5 : i32
    %get3A_367 = arith.constant 0 : i32
    %get3A_368 = arith.index_cast %get3A_366 : i32 to index
    %get3A_369 = arith.index_cast %get3A_367 : i32 to index
    %get3A_370 = arith.constant 0 : index
    %get3A_371 = tpu.vector_load %arg11[%get3A_368, %get3A_369, %get3A_370] {strides = array<i32>} : memref<8x8x64xf32, #tpu.memory_space<vmem>>, vector<1x1x16xf32>,
    %get3A_372 = vector.shape_cast %get3A_371 : vector<1x1x16xf32> to vector<16xf32>
    %max3A_373 = arith.maximumf %get3A_365, %get3A_372 : vector<16xf32>
    %get3A_374 = arith.constant 6 : i32
    %get3A_375 = arith.constant 0 : i32
    %get3A_376 = arith.index_cast %get3A_374 : i32 to index
    %get3A_377 = arith.index_cast %get3A_375 : i32 to index
    %get3A_378 = arith.constant 0 : index
    %get3A_379 = tpu.vector_load %arg11[%get3A_376, %get3A_377, %get3A_378] {strides = array<i32>} : memref<8x8x64xf32, #tpu.memory_space<vmem>>, vector<1x1x16xf32>,
    %get3A_380 = vector.shape_cast %get3A_379 : vector<1x1x16xf32> to vector<16xf32>
    %get3A_381 = arith.constant 7 : i32
    %get3A_382 = arith.constant 0 : i32
    %get3A_383 = arith.index_cast %get3A_381 : i32 to index
    %get3A_384 = arith.index_cast %get3A_382 : i32 to index
    %get3A_385 = arith.constant 0 : index
    %get3A_386 = tpu.vector_load %arg11[%get3A_383, %get3A_384, %get3A_385] {strides = array<i32>} : memref<8x8x64xf32, #tpu.memory_space<vmem>>, vector<1x1x16xf32>,
    %get3A_387 = vector.shape_cast %get3A_386 : vector<1x1x16xf32> to vector<16xf32>
    %max3A_388 = arith.maximumf %get3A_380, %get3A_387 : vector<16xf32>
    %max3A_389 = arith.maximumf %max3A, %max3A_358 : vector<16xf32>
    %max3A_390 = arith.maximumf %max3A_373, %max3A_388 : vector<16xf32>
    %max3A_391 = arith.maximumf %max3A_389, %max3A_390 : vector<16xf32>
    %swap3A = arith.constant 0 : i32
    %swap3A_392 = arith.index_cast %swap3A : i32 to index
    %swap3A_393 = arith.constant 0 : index
    %swap3A_394 = tpu.vector_load %arg12[%swap3A_392, %swap3A_393] {strides = array<i32>} : memref<8x64xf32, #tpu.memory_space<vmem>>, vector<1x16xf32>,
    %swap3A_395 = vector.shape_cast %swap3A_394 : vector<1x16xf32> to vector<16xf32>
    %swap3A_396 = vector.shape_cast %max3A_391 : vector<16xf32> to vector<1x16xf32>
    tpu.vector_store %arg12[%swap3A_392, %swap3A_393], %swap3A_396 {strides = array<i32>} : memref<8x64xf32, #tpu.memory_space<vmem>>, vector<1x16xf32>,
    %add3A_397 = arith.constant 0 : i32
    %add3A_398 = arith.addi %mul3A_81, %add3A_397 : i32
    %get3A_399 = arith.index_cast %add3A_398 : i32 to index
    %get3A_400 = arith.constant 16 : index
    %get3A_401 = tpu.vector_load %arg10[%get3A_399, %get3A_400] {strides = array<i32>} : memref<64x64xf32, #tpu.memory_space<vmem>>, vector<1x16xf32>,
    %get3A_402 = vector.shape_cast %get3A_401 : vector<1x16xf32> to vector<16xf32>
    %get3A_403 = arith.constant 1 : i32
    %get3A_404 = arith.constant 0 : i32
    %get3A_405 = arith.index_cast %get3A_403 : i32 to index
    %get3A_406 = arith.index_cast %get3A_404 : i32 to index
    %get3A_407 = arith.constant 16 : index
    %get3A_408 = tpu.vector_load %arg11[%get3A_405, %get3A_406, %get3A_407] {strides = array<i32>} : memref<8x8x64xf32, #tpu.memory_space<vmem>>, vector<1x1x16xf32>,
    %get3A_409 = vector.shape_cast %get3A_408 : vector<1x1x16xf32> to vector<16xf32>
    %max3A_410 = arith.maximumf %get3A_402, %get3A_409 : vector<16xf32>
    %get3A_411 = arith.constant 2 : i32
    %get3A_412 = arith.constant 0 : i32
    %get3A_413 = arith.index_cast %get3A_411 : i32 to index
    %get3A_414 = arith.index_cast %get3A_412 : i32 to index
    %get3A_415 = arith.constant 16 : index
    %get3A_416 = tpu.vector_load %arg11[%get3A_413, %get3A_414, %get3A_415] {strides = array<i32>} : memref<8x8x64xf32, #tpu.memory_space<vmem>>, vector<1x1x16xf32>,
    %get3A_417 = vector.shape_cast %get3A_416 : vector<1x1x16xf32> to vector<16xf32>
    %get3A_418 = arith.constant 3 : i32
    %get3A_419 = arith.constant 0 : i32
    %get3A_420 = arith.index_cast %get3A_418 : i32 to index
    %get3A_421 = arith.index_cast %get3A_419 : i32 to index
    %get3A_422 = arith.constant 16 : index
    %get3A_423 = tpu.vector_load %arg11[%get3A_420, %get3A_421, %get3A_422] {strides = array<i32>} : memref<8x8x64xf32, #tpu.memory_space<vmem>>, vector<1x1x16xf32>,
    %get3A_424 = vector.shape_cast %get3A_423 : vector<1x1x16xf32> to vector<16xf32>
    %max3A_425 = arith.maximumf %get3A_417, %get3A_424 : vector<16xf32>
    %get3A_426 = arith.constant 4 : i32
    %get3A_427 = arith.constant 0 : i32
    %get3A_428 = arith.index_cast %get3A_426 : i32 to index
    %get3A_429 = arith.index_cast %get3A_427 : i32 to index
    %get3A_430 = arith.constant 16 : index
    %get3A_431 = tpu.vector_load %arg11[%get3A_428, %get3A_429, %get3A_430] {strides = array<i32>} : memref<8x8x64xf32, #tpu.memory_space<vmem>>, vector<1x1x16xf32>,
    %get3A_432 = vector.shape_cast %get3A_431 : vector<1x1x16xf32> to vector<16xf32>
    %get3A_433 = arith.constant 5 : i32
    %get3A_434 = arith.constant 0 : i32
    %get3A_435 = arith.index_cast %get3A_433 : i32 to index
    %get3A_436 = arith.index_cast %get3A_434 : i32 to index
    %get3A_437 = arith.constant 16 : index
    %get3A_438 = tpu.vector_load %arg11[%get3A_435, %get3A_436, %get3A_437] {strides = array<i32>} : memref<8x8x64xf32, #tpu.memory_space<vmem>>, vector<1x1x16xf32>,
    %get3A_439 = vector.shape_cast %get3A_438 : vector<1x1x16xf32> to vector<16xf32>
    %max3A_440 = arith.maximumf %get3A_432, %get3A_439 : vector<16xf32>
    %get3A_441 = arith.constant 6 : i32
    %get3A_442 = arith.constant 0 : i32
    %get3A_443 = arith.index_cast %get3A_441 : i32 to index
    %get3A_444 = arith.index_cast %get3A_442 : i32 to index
    %get3A_445 = arith.constant 16 : index
    %get3A_446 = tpu.vector_load %arg11[%get3A_443, %get3A_444, %get3A_445] {strides = array<i32>} : memref<8x8x64xf32, #tpu.memory_space<vmem>>, vector<1x1x16xf32>,
    %get3A_447 = vector.shape_cast %get3A_446 : vector<1x1x16xf32> to vector<16xf32>
    %get3A_448 = arith.constant 7 : i32
    %get3A_449 = arith.constant 0 : i32
    %get3A_450 = arith.index_cast %get3A_448 : i32 to index
    %get3A_451 = arith.index_cast %get3A_449 : i32 to index
    %get3A_452 = arith.constant 16 : index
    %get3A_453 = tpu.vector_load %arg11[%get3A_450, %get3A_451, %get3A_452] {strides = array<i32>} : memref<8x8x64xf32, #tpu.memory_space<vmem>>, vector<1x1x16xf32>,
    %get3A_454 = vector.shape_cast %get3A_453 : vector<1x1x16xf32> to vector<16xf32>
    %max3A_455 = arith.maximumf %get3A_447, %get3A_454 : vector<16xf32>
    %max3A_456 = arith.maximumf %max3A_410, %max3A_425 : vector<16xf32>
    %max3A_457 = arith.maximumf %max3A_440, %max3A_455 : vector<16xf32>
    %max3A_458 = arith.maximumf %max3A_456, %max3A_457 : vector<16xf32>
    %swap3A_459 = arith.constant 0 : i32
    %swap3A_460 = arith.index_cast %swap3A_459 : i32 to index
    %swap3A_461 = arith.constant 16 : index
    %swap3A_462 = tpu.vector_load %arg12[%swap3A_460, %swap3A_461] {strides = array<i32>} : memref<8x64xf32, #tpu.memory_space<vmem>>, vector<1x16xf32>,
    %swap3A_463 = vector.shape_cast %swap3A_462 : vector<1x16xf32> to vector<16xf32>
    %swap3A_464 = vector.shape_cast %max3A_458 : vector<16xf32> to vector<1x16xf32>
    tpu.vector_store %arg12[%swap3A_460, %swap3A_461], %swap3A_464 {strides = array<i32>} : memref<8x64xf32, #tpu.memory_space<vmem>>, vector<1x16xf32>,
    %add3A_465 = arith.constant 0 : i32
    %add3A_466 = arith.addi %mul3A_81, %add3A_465 : i32
    %get3A_467 = arith.index_cast %add3A_466 : i32 to index
    %get3A_468 = arith.constant 32 : index
    %get3A_469 = tpu.vector_load %arg10[%get3A_467, %get3A_468] {strides = array<i32>} : memref<64x64xf32, #tpu.memory_space<vmem>>, vector<1x16xf32>,
    %get3A_470 = vector.shape_cast %get3A_469 : vector<1x16xf32> to vector<16xf32>
    %get3A_471 = arith.constant 1 : i32
    %get3A_472 = arith.constant 0 : i32
    %get3A_473 = arith.index_cast %get3A_471 : i32 to index
    %get3A_474 = arith.index_cast %get3A_472 : i32 to index
    %get3A_475 = arith.constant 32 : index
    %get3A_476 = tpu.vector_load %arg11[%get3A_473, %get3A_474, %get3A_475] {strides = array<i32>} : memref<8x8x64xf32, #tpu.memory_space<vmem>>, vector<1x1x16xf32>,
    %get3A_477 = vector.shape_cast %get3A_476 : vector<1x1x16xf32> to vector<16xf32>
    %max3A_478 = arith.maximumf %get3A_470, %get3A_477 : vector<16xf32>
    %get3A_479 = arith.constant 2 : i32
    %get3A_480 = arith.constant 0 : i32
    %get3A_481 = arith.index_cast %get3A_479 : i32 to index
    %get3A_482 = arith.index_cast %get3A_480 : i32 to index
    %get3A_483 = arith.constant 32 : index
    %get3A_484 = tpu.vector_load %arg11[%get3A_481, %get3A_482, %get3A_483] {strides = array<i32>} : memref<8x8x64xf32, #tpu.memory_space<vmem>>, vector<1x1x16xf32>,
    %get3A_485 = vector.shape_cast %get3A_484 : vector<1x1x16xf32> to vector<16xf32>
    %get3A_486 = arith.constant 3 : i32
    %get3A_487 = arith.constant 0 : i32
    %get3A_488 = arith.index_cast %get3A_486 : i32 to index
    %get3A_489 = arith.index_cast %get3A_487 : i32 to index
    %get3A_490 = arith.constant 32 : index
    %get3A_491 = tpu.vector_load %arg11[%get3A_488, %get3A_489, %get3A_490] {strides = array<i32>} : memref<8x8x64xf32, #tpu.memory_space<vmem>>, vector<1x1x16xf32>,
    %get3A_492 = vector.shape_cast %get3A_491 : vector<1x1x16xf32> to vector<16xf32>
    %max3A_493 = arith.maximumf %get3A_485, %get3A_492 : vector<16xf32>
    %get3A_494 = arith.constant 4 : i32
    %get3A_495 = arith.constant 0 : i32
    %get3A_496 = arith.index_cast %get3A_494 : i32 to index
    %get3A_497 = arith.index_cast %get3A_495 : i32 to index
    %get3A_498 = arith.constant 32 : index
    %get3A_499 = tpu.vector_load %arg11[%get3A_496, %get3A_497, %get3A_498] {strides = array<i32>} : memref<8x8x64xf32, #tpu.memory_space<vmem>>, vector<1x1x16xf32>,
    %get3A_500 = vector.shape_cast %get3A_499 : vector<1x1x16xf32> to vector<16xf32>
    %get3A_501 = arith.constant 5 : i32
    %get3A_502 = arith.constant 0 : i32
    %get3A_503 = arith.index_cast %get3A_501 : i32 to index
    %get3A_504 = arith.index_cast %get3A_502 : i32 to index
    %get3A_505 = arith.constant 32 : index
    %get3A_506 = tpu.vector_load %arg11[%get3A_503, %get3A_504, %get3A_505] {strides = array<i32>} : memref<8x8x64xf32, #tpu.memory_space<vmem>>, vector<1x1x16xf32>,
    %get3A_507 = vector.shape_cast %get3A_506 : vector<1x1x16xf32> to vector<16xf32>
    %max3A_508 = arith.maximumf %get3A_500, %get3A_507 : vector<16xf32>
    %get3A_509 = arith.constant 6 : i32
    %get3A_510 = arith.constant 0 : i32
    %get3A_511 = arith.index_cast %get3A_509 : i32 to index
    %get3A_512 = arith.index_cast %get3A_510 : i32 to index
    %get3A_513 = arith.constant 32 : index
    %get3A_514 = tpu.vector_load %arg11[%get3A_511, %get3A_512, %get3A_513] {strides = array<i32>} : memref<8x8x64xf32, #tpu.memory_space<vmem>>, vector<1x1x16xf32>,
    %get3A_515 = vector.shape_cast %get3A_514 : vector<1x1x16xf32> to vector<16xf32>
    %get3A_516 = arith.constant 7 : i32
    %get3A_517 = arith.constant 0 : i32
    %get3A_518 = arith.index_cast %get3A_516 : i32 to index
    %get3A_519 = arith.index_cast %get3A_517 : i32 to index
    %get3A_520 = arith.constant 32 : index
    %get3A_521 = tpu.vector_load %arg11[%get3A_518, %get3A_519, %get3A_520] {strides = array<i32>} : memref<8x8x64xf32, #tpu.memory_space<vmem>>, vector<1x1x16xf32>,
    %get3A_522 = vector.shape_cast %get3A_521 : vector<1x1x16xf32> to vector<16xf32>
    %max3A_523 = arith.maximumf %get3A_515, %get3A_522 : vector<16xf32>
    %max3A_524 = arith.maximumf %max3A_478, %max3A_493 : vector<16xf32>
    %max3A_525 = arith.maximumf %max3A_508, %max3A_523 : vector<16xf32>
    %max3A_526 = arith.maximumf %max3A_524, %max3A_525 : vector<16xf32>
    %swap3A_527 = arith.constant 0 : i32
    %swap3A_528 = arith.index_cast %swap3A_527 : i32 to index
    %swap3A_529 = arith.constant 32 : index
    %swap3A_530 = tpu.vector_load %arg12[%swap3A_528, %swap3A_529] {strides = array<i32>} : memref<8x64xf32, #tpu.memory_space<vmem>>, vector<1x16xf32>,
    %swap3A_531 = vector.shape_cast %swap3A_530 : vector<1x16xf32> to vector<16xf32>
    %swap3A_532 = vector.shape_cast %max3A_526 : vector<16xf32> to vector<1x16xf32>
    tpu.vector_store %arg12[%swap3A_528, %swap3A_529], %swap3A_532 {strides = array<i32>} : memref<8x64xf32, #tpu.memory_space<vmem>>, vector<1x16xf32>,
    %add3A_533 = arith.constant 0 : i32
    %add3A_534 = arith.addi %mul3A_81, %add3A_533 : i32
    %get3A_535 = arith.index_cast %add3A_534 : i32 to index
    %get3A_536 = arith.constant 48 : index
    %get3A_537 = tpu.vector_load %arg10[%get3A_535, %get3A_536] {strides = array<i32>} : memref<64x64xf32, #tpu.memory_space<vmem>>, vector<1x16xf32>,
    %get3A_538 = vector.shape_cast %get3A_537 : vector<1x16xf32> to vector<16xf32>
    %get3A_539 = arith.constant 1 : i32
    %get3A_540 = arith.constant 0 : i32
    %get3A_541 = arith.index_cast %get3A_539 : i32 to index
    %get3A_542 = arith.index_cast %get3A_540 : i32 to index
    %get3A_543 = arith.constant 48 : index
    %get3A_544 = tpu.vector_load %arg11[%get3A_541, %get3A_542, %get3A_543] {strides = array<i32>} : memref<8x8x64xf32, #tpu.memory_space<vmem>>, vector<1x1x16xf32>,
    %get3A_545 = vector.shape_cast %get3A_544 : vector<1x1x16xf32> to vector<16xf32>
    %max3A_546 = arith.maximumf %get3A_538, %get3A_545 : vector<16xf32>
    %get3A_547 = arith.constant 2 : i32
    %get3A_548 = arith.constant 0 : i32
    %get3A_549 = arith.index_cast %get3A_547 : i32 to index
    %get3A_550 = arith.index_cast %get3A_548 : i32 to index
    %get3A_551 = arith.constant 48 : index
    %get3A_552 = tpu.vector_load %arg11[%get3A_549, %get3A_550, %get3A_551] {strides = array<i32>} : memref<8x8x64xf32, #tpu.memory_space<vmem>>, vector<1x1x16xf32>,
    %get3A_553 = vector.shape_cast %get3A_552 : vector<1x1x16xf32> to vector<16xf32>
    %get3A_554 = arith.constant 3 : i32
    %get3A_555 = arith.constant 0 : i32
    %get3A_556 = arith.index_cast %get3A_554 : i32 to index
    %get3A_557 = arith.index_cast %get3A_555 : i32 to index
    %get3A_558 = arith.constant 48 : index
    %get3A_559 = tpu.vector_load %arg11[%get3A_556, %get3A_557, %get3A_558] {strides = array<i32>} : memref<8x8x64xf32, #tpu.memory_space<vmem>>, vector<1x1x16xf32>,
    %get3A_560 = vector.shape_cast %get3A_559 : vector<1x1x16xf32> to vector<16xf32>
    %max3A_561 = arith.maximumf %get3A_553, %get3A_560 : vector<16xf32>
    %get3A_562 = arith.constant 4 : i32
    %get3A_563 = arith.constant 0 : i32
    %get3A_564 = arith.index_cast %get3A_562 : i32 to index
    %get3A_565 = arith.index_cast %get3A_563 : i32 to index
    %get3A_566 = arith.constant 48 : index
    %get3A_567 = tpu.vector_load %arg11[%get3A_564, %get3A_565, %get3A_566] {strides = array<i32>} : memref<8x8x64xf32, #tpu.memory_space<vmem>>, vector<1x1x16xf32>,
    %get3A_568 = vector.shape_cast %get3A_567 : vector<1x1x16xf32> to vector<16xf32>
    %get3A_569 = arith.constant 5 : i32
    %get3A_570 = arith.constant 0 : i32
    %get3A_571 = arith.index_cast %get3A_569 : i32 to index
    %get3A_572 = arith.index_cast %get3A_570 : i32 to index
    %get3A_573 = arith.constant 48 : index
    %get3A_574 = tpu.vector_load %arg11[%get3A_571, %get3A_572, %get3A_573] {strides = array<i32>} : memref<8x8x64xf32, #tpu.memory_space<vmem>>, vector<1x1x16xf32>,
    %get3A_575 = vector.shape_cast %get3A_574 : vector<1x1x16xf32> to vector<16xf32>
    %max3A_576 = arith.maximumf %get3A_568, %get3A_575 : vector<16xf32>
    %get3A_577 = arith.constant 6 : i32
    %get3A_578 = arith.constant 0 : i32
    %get3A_579 = arith.index_cast %get3A_577 : i32 to index
    %get3A_580 = arith.index_cast %get3A_578 : i32 to index
    %get3A_581 = arith.constant 48 : index
    %get3A_582 = tpu.vector_load %arg11[%get3A_579, %get3A_580, %get3A_581] {strides = array<i32>} : memref<8x8x64xf32, #tpu.memory_space<vmem>>, vector<1x1x16xf32>,
    %get3A_583 = vector.shape_cast %get3A_582 : vector<1x1x16xf32> to vector<16xf32>
    %get3A_584 = arith.constant 7 : i32
    %get3A_585 = arith.constant 0 : i32
    %get3A_586 = arith.index_cast %get3A_584 : i32 to index
    %get3A_587 = arith.index_cast %get3A_585 : i32 to index
    %get3A_588 = arith.constant 48 : index
    %get3A_589 = tpu.vector_load %arg11[%get3A_586, %get3A_587, %get3A_588] {strides = array<i32>} : memref<8x8x64xf32, #tpu.memory_space<vmem>>, vector<1x1x16xf32>,
    %get3A_590 = vector.shape_cast %get3A_589 : vector<1x1x16xf32> to vector<16xf32>
    %max3A_591 = arith.maximumf %get3A_583, %get3A_590 : vector<16xf32>
    %max3A_592 = arith.maximumf %max3A_546, %max3A_561 : vector<16xf32>
    %max3A_593 = arith.maximumf %max3A_576, %max3A_591 : vector<16xf32>
    %max3A_594 = arith.maximumf %max3A_592, %max3A_593 : vector<16xf32>
    %swap3A_595 = arith.constant 0 : i32
    %swap3A_596 = arith.index_cast %swap3A_595 : i32 to index
    %swap3A_597 = arith.constant 48 : index
    %swap3A_598 = tpu.vector_load %arg12[%swap3A_596, %swap3A_597] {strides = array<i32>} : memref<8x64xf32, #tpu.memory_space<vmem>>, vector<1x16xf32>,
    %swap3A_599 = vector.shape_cast %swap3A_598 : vector<1x16xf32> to vector<16xf32>
    %swap3A_600 = vector.shape_cast %max3A_594 : vector<16xf32> to vector<1x16xf32>
    tpu.vector_store %arg12[%swap3A_596, %swap3A_597], %swap3A_600 {strides = array<i32>} : memref<8x64xf32, #tpu.memory_space<vmem>>, vector<1x16xf32>,
    %add3A_601 = arith.constant 1 : i32
    %add3A_602 = arith.addi %mul3A_81, %add3A_601 : i32
    %get3A_603 = arith.index_cast %add3A_602 : i32 to index
    %get3A_604 = arith.constant 0 : index
    %get3A_605 = tpu.vector_load %arg10[%get3A_603, %get3A_604] {strides = array<i32>} : memref<64x64xf32, #tpu.memory_space<vmem>>, vector<1x16xf32>,
    %get3A_606 = vector.shape_cast %get3A_605 : vector<1x16xf32> to vector<16xf32>
    %get3A_607 = arith.constant 1 : i32
    %get3A_608 = arith.constant 1 : i32
    %get3A_609 = arith.index_cast %get3A_607 : i32 to index
    %get3A_610 = arith.index_cast %get3A_608 : i32 to index
    %get3A_611 = arith.constant 0 : index
    %get3A_612 = tpu.vector_load %arg11[%get3A_609, %get3A_610, %get3A_611] {strides = array<i32>} : memref<8x8x64xf32, #tpu.memory_space<vmem>>, vector<1x1x16xf32>,
    %get3A_613 = vector.shape_cast %get3A_612 : vector<1x1x16xf32> to vector<16xf32>
    %max3A_614 = arith.maximumf %get3A_606, %get3A_613 : vector<16xf32>
    %get3A_615 = arith.constant 2 : i32
    %get3A_616 = arith.constant 1 : i32
    %get3A_617 = arith.index_cast %get3A_615 : i32 to index
    %get3A_618 = arith.index_cast %get3A_616 : i32 to index
    %get3A_619 = arith.constant 0 : index
    %get3A_620 = tpu.vector_load %arg11[%get3A_617, %get3A_618, %get3A_619] {strides = array<i32>} : memref<8x8x64xf32, #tpu.memory_space<vmem>>, vector<1x1x16xf32>,
    %get3A_621 = vector.shape_cast %get3A_620 : vector<1x1x16xf32> to vector<16xf32>
    %get3A_622 = arith.constant 3 : i32
    %get3A_623 = arith.constant 1 : i32
    %get3A_624 = arith.index_cast %get3A_622 : i32 to index
    %get3A_625 = arith.index_cast %get3A_623 : i32 to index
    %get3A_626 = arith.constant 0 : index
    %get3A_627 = tpu.vector_load %arg11[%get3A_624, %get3A_625, %get3A_626] {strides = array<i32>} : memref<8x8x64xf32, #tpu.memory_space<vmem>>, vector<1x1x16xf32>,
    %get3A_628 = vector.shape_cast %get3A_627 : vector<1x1x16xf32> to vector<16xf32>
    %max3A_629 = arith.maximumf %get3A_621, %get3A_628 : vector<16xf32>
    %get3A_630 = arith.constant 4 : i32
    %get3A_631 = arith.constant 1 : i32
    %get3A_632 = arith.index_cast %get3A_630 : i32 to index
    %get3A_633 = arith.index_cast %get3A_631 : i32 to index
    %get3A_634 = arith.constant 0 : index
    %get3A_635 = tpu.vector_load %arg11[%get3A_632, %get3A_633, %get3A_634] {strides = array<i32>} : memref<8x8x64xf32, #tpu.memory_space<vmem>>, vector<1x1x16xf32>,
    %get3A_636 = vector.shape_cast %get3A_635 : vector<1x1x16xf32> to vector<16xf32>
    %get3A_637 = arith.constant 5 : i32
    %get3A_638 = arith.constant 1 : i32
    %get3A_639 = arith.index_cast %get3A_637 : i32 to index
    %get3A_640 = arith.index_cast %get3A_638 : i32 to index
    %get3A_641 = arith.constant 0 : index
    %get3A_642 = tpu.vector_load %arg11[%get3A_639, %get3A_640, %get3A_641] {strides = array<i32>} : memref<8x8x64xf32, #tpu.memory_space<vmem>>, vector<1x1x16xf32>,
    %get3A_643 = vector.shape_cast %get3A_642 : vector<1x1x16xf32> to vector<16xf32>
    %max3A_644 = arith.maximumf %get3A_636, %get3A_643 : vector<16xf32>
    %get3A_645 = arith.constant 6 : i32
    %get3A_646 = arith.constant 1 : i32
    %get3A_647 = arith.index_cast %get3A_645 : i32 to index
    %get3A_648 = arith.index_cast %get3A_646 : i32 to index
    %get3A_649 = arith.constant 0 : index
    %get3A_650 = tpu.vector_load %arg11[%get3A_647, %get3A_648, %get3A_649] {strides = array<i32>} : memref<8x8x64xf32, #tpu.memory_space<vmem>>, vector<1x1x16xf32>,
    %get3A_651 = vector.shape_cast %get3A_650 : vector<1x1x16xf32> to vector<16xf32>
    %get3A_652 = arith.constant 7 : i32
    %get3A_653 = arith.constant 1 : i32
    %get3A_654 = arith.index_cast %get3A_652 : i32 to index
    %get3A_655 = arith.index_cast %get3A_653 : i32 to index
    %get3A_656 = arith.constant 0 : index
    %get3A_657 = tpu.vector_load %arg11[%get3A_654, %get3A_655, %get3A_656] {strides = array<i32>} : memref<8x8x64xf32, #tpu.memory_space<vmem>>, vector<1x1x16xf32>,
    %get3A_658 = vector.shape_cast %get3A_657 : vector<1x1x16xf32> to vector<16xf32>
    %max3A_659 = arith.maximumf %get3A_651, %get3A_658 : vector<16xf32>
    %max3A_660 = arith.maximumf %max3A_614, %max3A_629 : vector<16xf32>
    %max3A_661 = arith.maximumf %max3A_644, %max3A_659 : vector<16xf32>
    %max3A_662 = arith.maximumf %max3A_660, %max3A_661 : vector<16xf32>
    %swap3A_663 = arith.constant 1 : i32
    %swap3A_664 = arith.index_cast %swap3A_663 : i32 to index
    %swap3A_665 = arith.constant 0 : index
    %swap3A_666 = tpu.vector_load %arg12[%swap3A_664, %swap3A_665] {strides = array<i32>} : memref<8x64xf32, #tpu.memory_space<vmem>>, vector<1x16xf32>,
    %swap3A_667 = vector.shape_cast %swap3A_666 : vector<1x16xf32> to vector<16xf32>
    %swap3A_668 = vector.shape_cast %max3A_662 : vector<16xf32> to vector<1x16xf32>
    tpu.vector_store %arg12[%swap3A_664, %swap3A_665], %swap3A_668 {strides = array<i32>} : memref<8x64xf32, #tpu.memory_space<vmem>>, vector<1x16xf32>,
    %add3A_669 = arith.constant 1 : i32
    %add3A_670 = arith.addi %mul3A_81, %add3A_669 : i32
    %get3A_671 = arith.index_cast %add3A_670 : i32 to index
    %get3A_672 = arith.constant 16 : index
    %get3A_673 = tpu.vector_load %arg10[%get3A_671, %get3A_672] {strides = array<i32>} : memref<64x64xf32, #tpu.memory_space<vmem>>, vector<1x16xf32>,
    %get3A_674 = vector.shape_cast %get3A_673 : vector<1x16xf32> to vector<16xf32>
    %get3A_675 = arith.constant 1 : i32
    %get3A_676 = arith.constant 1 : i32
    %get3A_677 = arith.index_cast %get3A_675 : i32 to index
    %get3A_678 = arith.index_cast %get3A_676 : i32 to index
    %get3A_679 = arith.constant 16 : index
    %get3A_680 = tpu.vector_load %arg11[%get3A_677, %get3A_678, %get3A_679] {strides = array<i32>} : memref<8x8x64xf32, #tpu.memory_space<vmem>>, vector<1x1x16xf32>,
    %get3A_681 = vector.shape_cast %get3A_680 : vector<1x1x16xf32> to vector<16xf32>
    %max3A_682 = arith.maximumf %get3A_674, %get3A_681 : vector<16xf32>
    %get3A_683 = arith.constant 2 : i32
    %get3A_684 = arith.constant 1 : i32
    %get3A_685 = arith.index_cast %get3A_683 : i32 to index
    %get3A_686 = arith.index_cast %get3A_684 : i32 to index
    %get3A_687 = arith.constant 16 : index
    %get3A_688 = tpu.vector_load %arg11[%get3A_685, %get3A_686, %get3A_687] {strides = array<i32>} : memref<8x8x64xf32, #tpu.memory_space<vmem>>, vector<1x1x16xf32>,
    %get3A_689 = vector.shape_cast %get3A_688 : vector<1x1x16xf32> to vector<16xf32>
    %get3A_690 = arith.constant 3 : i32
    %get3A_691 = arith.constant 1 : i32
    %get3A_692 = arith.index_cast %get3A_690 : i32 to index
    %get3A_693 = arith.index_cast %get3A_691 : i32 to index
    %get3A_694 = arith.constant 16 : index
    %get3A_695 = tpu.vector_load %arg11[%get3A_692, %get3A_693, %get3A_694] {strides = array<i32>} : memref<8x8x64xf32, #tpu.memory_space<vmem>>, vector<1x1x16xf32>,
    %get3A_696 = vector.shape_cast %get3A_695 : vector<1x1x16xf32> to vector<16xf32>
    %max3A_697 = arith.maximumf %get3A_689, %get3A_696 : vector<16xf32>
    %get3A_698 = arith.constant 4 : i32
    %get3A_699 = arith.constant 1 : i32
    %get3A_700 = arith.index_cast %get3A_698 : i32 to index
    %get3A_701 = arith.index_cast %get3A_699 : i32 to index
    %get3A_702 = arith.constant 16 : index
    %get3A_703 = tpu.vector_load %arg11[%get3A_700, %get3A_701, %get3A_702] {strides = array<i32>} : memref<8x8x64xf32, #tpu.memory_space<vmem>>, vector<1x1x16xf32>,
    %get3A_704 = vector.shape_cast %get3A_703 : vector<1x1x16xf32> to vector<16xf32>
    %get3A_705 = arith.constant 5 : i32
    %get3A_706 = arith.constant 1 : i32
    %get3A_707 = arith.index_cast %get3A_705 : i32 to index
    %get3A_708 = arith.index_cast %get3A_706 : i32 to index
    %get3A_709 = arith.constant 16 : index
    %get3A_710 = tpu.vector_load %arg11[%get3A_707, %get3A_708, %get3A_709] {strides = array<i32>} : memref<8x8x64xf32, #tpu.memory_space<vmem>>, vector<1x1x16xf32>,
    %get3A_711 = vector.shape_cast %get3A_710 : vector<1x1x16xf32> to vector<16xf32>
    %max3A_712 = arith.maximumf %get3A_704, %get3A_711 : vector<16xf32>
    %get3A_713 = arith.constant 6 : i32
    %get3A_714 = arith.constant 1 : i32
    %get3A_715 = arith.index_cast %get3A_713 : i32 to index
    %get3A_716 = arith.index_cast %get3A_714 : i32 to index
    %get3A_717 = arith.constant 16 : index
    %get3A_718 = tpu.vector_load %arg11[%get3A_715, %get3A_716, %get3A_717] {strides = array<i32>} : memref<8x8x64xf32, #tpu.memory_space<vmem>>, vector<1x1x16xf32>,
    %get3A_719 = vector.shape_cast %get3A_718 : vector<1x1x16xf32> to vector<16xf32>
    %get3A_720 = arith.constant 7 : i32
    %get3A_721 = arith.constant 1 : i32
    %get3A_722 = arith.index_cast %get3A_720 : i32 to index
    %get3A_723 = arith.index_cast %get3A_721 : i32 to index
    %get3A_724 = arith.constant 16 : index
    %get3A_725 = tpu.vector_load %arg11[%get3A_722, %get3A_723, %get3A_724] {strides = array<i32>} : memref<8x8x64xf32, #tpu.memory_space<vmem>>, vector<1x1x16xf32>,
    %get3A_726 = vector.shape_cast %get3A_725 : vector<1x1x16xf32> to vector<16xf32>
    %max3A_727 = arith.maximumf %get3A_719, %get3A_726 : vector<16xf32>
    %max3A_728 = arith.maximumf %max3A_682, %max3A_697 : vector<16xf32>
    %max3A_729 = arith.maximumf %max3A_712, %max3A_727 : vector<16xf32>
    %max3A_730 = arith.maximumf %max3A_728, %max3A_729 : vector<16xf32>
    %swap3A_731 = arith.constant 1 : i32
    %swap3A_732 = arith.index_cast %swap3A_731 : i32 to index
    %swap3A_733 = arith.constant 16 : index
    %swap3A_734 = tpu.vector_load %arg12[%swap3A_732, %swap3A_733] {strides = array<i32>} : memref<8x64xf32, #tpu.memory_space<vmem>>, vector<1x16xf32>,
    %swap3A_735 = vector.shape_cast %swap3A_734 : vector<1x16xf32> to vector<16xf32>
    %swap3A_736 = vector.shape_cast %max3A_730 : vector<16xf32> to vector<1x16xf32>
    tpu.vector_store %arg12[%swap3A_732, %swap3A_733], %swap3A_736 {strides = array<i32>} : memref<8x64xf32, #tpu.memory_space<vmem>>, vector<1x16xf32>,
    %add3A_737 = arith.constant 1 : i32
    %add3A_738 = arith.addi %mul3A_81, %add3A_737 : i32
    %get3A_739 = arith.index_cast %add3A_738 : i32 to index
    %get3A_740 = arith.constant 32 : index
    %get3A_741 = tpu.vector_load %arg10[%get3A_739, %get3A_740] {strides = array<i32>} : memref<64x64xf32, #tpu.memory_space<vmem>>, vector<1x16xf32>,
    %get3A_742 = vector.shape_cast %get3A_741 : vector<1x16xf32> to vector<16xf32>
    %get3A_743 = arith.constant 1 : i32
    %get3A_744 = arith.constant 1 : i32
    %get3A_745 = arith.index_cast %get3A_743 : i32 to index
    %get3A_746 = arith.index_cast %get3A_744 : i32 to index
    %get3A_747 = arith.constant 32 : index
    %get3A_748 = tpu.vector_load %arg11[%get3A_745, %get3A_746, %get3A_747] {strides = array<i32>} : memref<8x8x64xf32, #tpu.memory_space<vmem>>, vector<1x1x16xf32>,
    %get3A_749 = vector.shape_cast %get3A_748 : vector<1x1x16xf32> to vector<16xf32>
    %max3A_750 = arith.maximumf %get3A_742, %get3A_749 : vector<16xf32>
    %get3A_751 = arith.constant 2 : i32
    %get3A_752 = arith.constant 1 : i32
    %get3A_753 = arith.index_cast %get3A_751 : i32 to index
    %get3A_754 = arith.index_cast %get3A_752 : i32 to index
    %get3A_755 = arith.constant 32 : index
    %get3A_756 = tpu.vector_load %arg11[%get3A_753, %get3A_754, %get3A_755] {strides = array<i32>} : memref<8x8x64xf32, #tpu.memory_space<vmem>>, vector<1x1x16xf32>,
    %get3A_757 = vector.shape_cast %get3A_756 : vector<1x1x16xf32> to vector<16xf32>
    %get3A_758 = arith.constant 3 : i32
    %get3A_759 = arith.constant 1 : i32
    %get3A_760 = arith.index_cast %get3A_758 : i32 to index
    %get3A_761 = arith.index_cast %get3A_759 : i32 to index
    %get3A_762 = arith.constant 32 : index
    %get3A_763 = tpu.vector_load %arg11[%get3A_760, %get3A_761, %get3A_762] {strides = array<i32>} : memref<8x8x64xf32, #tpu.memory_space<vmem>>, vector<1x1x16xf32>,
    %get3A_764 = vector.shape_cast %get3A_763 : vector<1x1x16xf32> to vector<16xf32>
    %max3A_765 = arith.maximumf %get3A_757, %get3A_764 : vector<16xf32>
    %get3A_766 = arith.constant 4 : i32
    %get3A_767 = arith.constant 1 : i32
    %get3A_768 = arith.index_cast %get3A_766 : i32 to index
    %get3A_769 = arith.index_cast %get3A_767 : i32 to index
    %get3A_770 = arith.constant 32 : index
    %get3A_771 = tpu.vector_load %arg11[%get3A_768, %get3A_769, %get3A_770] {strides = array<i32>} : memref<8x8x64xf32, #tpu.memory_space<vmem>>, vector<1x1x16xf32>,
    %get3A_772 = vector.shape_cast %get3A_771 : vector<1x1x16xf32> to vector<16xf32>
    %get3A_773 = arith.constant 5 : i32
    %get3A_774 = arith.constant 1 : i32
    %get3A_775 = arith.index_cast %get3A_773 : i32 to index
    %get3A_776 = arith.index_cast %get3A_774 : i32 to index
    %get3A_777 = arith.constant 32 : index
    %get3A_778 = tpu.vector_load %arg11[%get3A_775, %get3A_776, %get3A_777] {strides = array<i32>} : memref<8x8x64xf32, #tpu.memory_space<vmem>>, vector<1x1x16xf32>,
    %get3A_779 = vector.shape_cast %get3A_778 : vector<1x1x16xf32> to vector<16xf32>
    %max3A_780 = arith.maximumf %get3A_772, %get3A_779 : vector<16xf32>
    %get3A_781 = arith.constant 6 : i32
    %get3A_782 = arith.constant 1 : i32
    %get3A_783 = arith.index_cast %get3A_781 : i32 to index
    %get3A_784 = arith.index_cast %get3A_782 : i32 to index
    %get3A_785 = arith.constant 32 : index
    %get3A_786 = tpu.vector_load %arg11[%get3A_783, %get3A_784, %get3A_785] {strides = array<i32>} : memref<8x8x64xf32, #tpu.memory_space<vmem>>, vector<1x1x16xf32>,
    %get3A_787 = vector.shape_cast %get3A_786 : vector<1x1x16xf32> to vector<16xf32>
    %get3A_788 = arith.constant 7 : i32
    %get3A_789 = arith.constant 1 : i32
    %get3A_790 = arith.index_cast %get3A_788 : i32 to index
    %get3A_791 = arith.index_cast %get3A_789 : i32 to index
    %get3A_792 = arith.constant 32 : index
    %get3A_793 = tpu.vector_load %arg11[%get3A_790, %get3A_791, %get3A_792] {strides = array<i32>} : memref<8x8x64xf32, #tpu.memory_space<vmem>>, vector<1x1x16xf32>,
    %get3A_794 = vector.shape_cast %get3A_793 : vector<1x1x16xf32> to vector<16xf32>
    %max3A_795 = arith.maximumf %get3A_787, %get3A_794 : vector<16xf32>
    %max3A_796 = arith.maximumf %max3A_750, %max3A_765 : vector<16xf32>
    %max3A_797 = arith.maximumf %max3A_780, %max3A_795 : vector<16xf32>
    %max3A_798 = arith.maximumf %max3A_796, %max3A_797 : vector<16xf32>
    %swap3A_799 = arith.constant 1 : i32
    %swap3A_800 = arith.index_cast %swap3A_799 : i32 to index
    %swap3A_801 = arith.constant 32 : index
    %swap3A_802 = tpu.vector_load %arg12[%swap3A_800, %swap3A_801] {strides = array<i32>} : memref<8x64xf32, #tpu.memory_space<vmem>>, vector<1x16xf32>,
    %swap3A_803 = vector.shape_cast %swap3A_802 : vector<1x16xf32> to vector<16xf32>
    %swap3A_804 = vector.shape_cast %max3A_798 : vector<16xf32> to vector<1x16xf32>
    tpu.vector_store %arg12[%swap3A_800, %swap3A_801], %swap3A_804 {strides = array<i32>} : memref<8x64xf32, #tpu.memory_space<vmem>>, vector<1x16xf32>,
    %add3A_805 = arith.constant 1 : i32
    %add3A_806 = arith.addi %mul3A_81, %add3A_805 : i32
    %get3A_807 = arith.index_cast %add3A_806 : i32 to index
    %get3A_808 = arith.constant 48 : index
    %get3A_809 = tpu.vector_load %arg10[%get3A_807, %get3A_808] {strides = array<i32>} : memref<64x64xf32, #tpu.memory_space<vmem>>, vector<1x16xf32>,
    %get3A_810 = vector.shape_cast %get3A_809 : vector<1x16xf32> to vector<16xf32>
    %get3A_811 = arith.constant 1 : i32
    %get3A_812 = arith.constant 1 : i32
    %get3A_813 = arith.index_cast %get3A_811 : i32 to index
    %get3A_814 = arith.index_cast %get3A_812 : i32 to index
    %get3A_815 = arith.constant 48 : index
    %get3A_816 = tpu.vector_load %arg11[%get3A_813, %get3A_814, %get3A_815] {strides = array<i32>} : memref<8x8x64xf32, #tpu.memory_space<vmem>>, vector<1x1x16xf32>,
    %get3A_817 = vector.shape_cast %get3A_816 : vector<1x1x16xf32> to vector<16xf32>
    %max3A_818 = arith.maximumf %get3A_810, %get3A_817 : vector<16xf32>
    %get3A_819 = arith.constant 2 : i32
    %get3A_820 = arith.constant 1 : i32
    %get3A_821 = arith.index_cast %get3A_819 : i32 to index
    %get3A_822 = arith.index_cast %get3A_820 : i32 to index
    %get3A_823 = arith.constant 48 : index
    %get3A_824 = tpu.vector_load %arg11[%get3A_821, %get3A_822, %get3A_823] {strides = array<i32>} : memref<8x8x64xf32, #tpu.memory_space<vmem>>, vector<1x1x16xf32>,
    %get3A_825 = vector.shape_cast %get3A_824 : vector<1x1x16xf32> to vector<16xf32>
    %get3A_826 = arith.constant 3 : i32
    %get3A_827 = arith.constant 1 : i32
    %get3A_828 = arith.index_cast %get3A_826 : i32 to index
    %get3A_829 = arith.index_cast %get3A_827 : i32 to index
    %get3A_830 = arith.constant 48 : index
    %get3A_831 = tpu.vector_load %arg11[%get3A_828, %get3A_829, %get3A_830] {strides = array<i32>} : memref<8x8x64xf32, #tpu.memory_space<vmem>>, vector<1x1x16xf32>,
    %get3A_832 = vector.shape_cast %get3A_831 : vector<1x1x16xf32> to vector<16xf32>
    %max3A_833 = arith.maximumf %get3A_825, %get3A_832 : vector<16xf32>
    %get3A_834 = arith.constant 4 : i32
    %get3A_835 = arith.constant 1 : i32
    %get3A_836 = arith.index_cast %get3A_834 : i32 to index
    %get3A_837 = arith.index_cast %get3A_835 : i32 to index
    %get3A_838 = arith.constant 48 : index
    %get3A_839 = tpu.vector_load %arg11[%get3A_836, %get3A_837, %get3A_838] {strides = array<i32>} : memref<8x8x64xf32, #tpu.memory_space<vmem>>, vector<1x1x16xf32>,
    %get3A_840 = vector.shape_cast %get3A_839 : vector<1x1x16xf32> to vector<16xf32>
    %get3A_841 = arith.constant 5 : i32
    %get3A_842 = arith.constant 1 : i32
    %get3A_843 = arith.index_cast %get3A_841 : i32 to index
    %get3A_844 = arith.index_cast %get3A_842 : i32 to index
    %get3A_845 = arith.constant 48 : index
    %get3A_846 = tpu.vector_load %arg11[%get3A_843, %get3A_844, %get3A_845] {strides = array<i32>} : memref<8x8x64xf32, #tpu.memory_space<vmem>>, vector<1x1x16xf32>,
    %get3A_847 = vector.shape_cast %get3A_846 : vector<1x1x16xf32> to vector<16xf32>
    %max3A_848 = arith.maximumf %get3A_840, %get3A_847 : vector<16xf32>
    %get3A_849 = arith.constant 6 : i32
    %get3A_850 = arith.constant 1 : i32
    %get3A_851 = arith.index_cast %get3A_849 : i32 to index
    %get3A_852 = arith.index_cast %get3A_850 : i32 to index
    %get3A_853 = arith.constant 48 : index
    %get3A_854 = tpu.vector_load %arg11[%get3A_851, %get3A_852, %get3A_853] {strides = array<i32>} : memref<8x8x64xf32, #tpu.memory_space<vmem>>, vector<1x1x16xf32>,
    %get3A_855 = vector.shape_cast %get3A_854 : vector<1x1x16xf32> to vector<16xf32>
    %get3A_856 = arith.constant 7 : i32
    %get3A_857 = arith.constant 1 : i32
    %get3A_858 = arith.index_cast %get3A_856 : i32 to index
    %get3A_859 = arith.index_cast %get3A_857 : i32 to index
    %get3A_860 = arith.constant 48 : index
    %get3A_861 = tpu.vector_load %arg11[%get3A_858, %get3A_859, %get3A_860] {strides = array<i32>} : memref<8x8x64xf32, #tpu.memory_space<vmem>>, vector<1x1x16xf32>,
    %get3A_862 = vector.shape_cast %get3A_861 : vector<1x1x16xf32> to vector<16xf32>
    %max3A_863 = arith.maximumf %get3A_855, %get3A_862 : vector<16xf32>
    %max3A_864 = arith.maximumf %max3A_818, %max3A_833 : vector<16xf32>
    %max3A_865 = arith.maximumf %max3A_848, %max3A_863 : vector<16xf32>
    %max3A_866 = arith.maximumf %max3A_864, %max3A_865 : vector<16xf32>
    %swap3A_867 = arith.constant 1 : i32
    %swap3A_868 = arith.index_cast %swap3A_867 : i32 to index
    %swap3A_869 = arith.constant 48 : index
    %swap3A_870 = tpu.vector_load %arg12[%swap3A_868, %swap3A_869] {strides = array<i32>} : memref<8x64xf32, #tpu.memory_space<vmem>>, vector<1x16xf32>,
    %swap3A_871 = vector.shape_cast %swap3A_870 : vector<1x16xf32> to vector<16xf32>
    %swap3A_872 = vector.shape_cast %max3A_866 : vector<16xf32> to vector<1x16xf32>
    tpu.vector_store %arg12[%swap3A_868, %swap3A_869], %swap3A_872 {strides = array<i32>} : memref<8x64xf32, #tpu.memory_space<vmem>>, vector<1x16xf32>,
    %add3A_873 = arith.constant 2 : i32
    %add3A_874 = arith.addi %mul3A_81, %add3A_873 : i32
    %get3A_875 = arith.index_cast %add3A_874 : i32 to index
    %get3A_876 = arith.constant 0 : index
    %get3A_877 = tpu.vector_load %arg10[%get3A_875, %get3A_876] {strides = array<i32>} : memref<64x64xf32, #tpu.memory_space<vmem>>, vector<1x16xf32>,
    %get3A_878 = vector.shape_cast %get3A_877 : vector<1x16xf32> to vector<16xf32>
    %get3A_879 = arith.constant 1 : i32
    %get3A_880 = arith.constant 2 : i32
    %get3A_881 = arith.index_cast %get3A_879 : i32 to index
    %get3A_882 = arith.index_cast %get3A_880 : i32 to index
    %get3A_883 = arith.constant 0 : index
    %get3A_884 = tpu.vector_load %arg11[%get3A_881, %get3A_882, %get3A_883] {strides = array<i32>} : memref<8x8x64xf32, #tpu.memory_space<vmem>>, vector<1x1x16xf32>,
    %get3A_885 = vector.shape_cast %get3A_884 : vector<1x1x16xf32> to vector<16xf32>
    %max3A_886 = arith.maximumf %get3A_878, %get3A_885 : vector<16xf32>
    %get3A_887 = arith.constant 2 : i32
    %get3A_888 = arith.constant 2 : i32
    %get3A_889 = arith.index_cast %get3A_887 : i32 to index
    %get3A_890 = arith.index_cast %get3A_888 : i32 to index
    %get3A_891 = arith.constant 0 : index
    %get3A_892 = tpu.vector_load %arg11[%get3A_889, %get3A_890, %get3A_891] {strides = array<i32>} : memref<8x8x64xf32, #tpu.memory_space<vmem>>, vector<1x1x16xf32>,
    %get3A_893 = vector.shape_cast %get3A_892 : vector<1x1x16xf32> to vector<16xf32>
    %get3A_894 = arith.constant 3 : i32
    %get3A_895 = arith.constant 2 : i32
    %get3A_896 = arith.index_cast %get3A_894 : i32 to index
    %get3A_897 = arith.index_cast %get3A_895 : i32 to index
    %get3A_898 = arith.constant 0 : index
    %get3A_899 = tpu.vector_load %arg11[%get3A_896, %get3A_897, %get3A_898] {strides = array<i32>} : memref<8x8x64xf32, #tpu.memory_space<vmem>>, vector<1x1x16xf32>,
    %get3A_900 = vector.shape_cast %get3A_899 : vector<1x1x16xf32> to vector<16xf32>
    %max3A_901 = arith.maximumf %get3A_893, %get3A_900 : vector<16xf32>
    %get3A_902 = arith.constant 4 : i32
    %get3A_903 = arith.constant 2 : i32
    %get3A_904 = arith.index_cast %get3A_902 : i32 to index
    %get3A_905 = arith.index_cast %get3A_903 : i32 to index
    %get3A_906 = arith.constant 0 : index
    %get3A_907 = tpu.vector_load %arg11[%get3A_904, %get3A_905, %get3A_906] {strides = array<i32>} : memref<8x8x64xf32, #tpu.memory_space<vmem>>, vector<1x1x16xf32>,
    %get3A_908 = vector.shape_cast %get3A_907 : vector<1x1x16xf32> to vector<16xf32>
    %get3A_909 = arith.constant 5 : i32
    %get3A_910 = arith.constant 2 : i32
    %get3A_911 = arith.index_cast %get3A_909 : i32 to index
    %get3A_912 = arith.index_cast %get3A_910 : i32 to index
    %get3A_913 = arith.constant 0 : index
    %get3A_914 = tpu.vector_load %arg11[%get3A_911, %get3A_912, %get3A_913] {strides = array<i32>} : memref<8x8x64xf32, #tpu.memory_space<vmem>>, vector<1x1x16xf32>,
    %get3A_915 = vector.shape_cast %get3A_914 : vector<1x1x16xf32> to vector<16xf32>
    %max3A_916 = arith.maximumf %get3A_908, %get3A_915 : vector<16xf32>
    %get3A_917 = arith.constant 6 : i32
    %get3A_918 = arith.constant 2 : i32
    %get3A_919 = arith.index_cast %get3A_917 : i32 to index
    %get3A_920 = arith.index_cast %get3A_918 : i32 to index
    %get3A_921 = arith.constant 0 : index
    %get3A_922 = tpu.vector_load %arg11[%get3A_919, %get3A_920, %get3A_921] {strides = array<i32>} : memref<8x8x64xf32, #tpu.memory_space<vmem>>, vector<1x1x16xf32>,
    %get3A_923 = vector.shape_cast %get3A_922 : vector<1x1x16xf32> to vector<16xf32>
    %get3A_924 = arith.constant 7 : i32
    %get3A_925 = arith.constant 2 : i32
    %get3A_926 = arith.index_cast %get3A_924 : i32 to index
    %get3A_927 = arith.index_cast %get3A_925 : i32 to index
    %get3A_928 = arith.constant 0 : index
    %get3A_929 = tpu.vector_load %arg11[%get3A_926, %get3A_927, %get3A_928] {strides = array<i32>} : memref<8x8x64xf32, #tpu.memory_space<vmem>>, vector<1x1x16xf32>,
    %get3A_930 = vector.shape_cast %get3A_929 : vector<1x1x16xf32> to vector<16xf32>
    %max3A_931 = arith.maximumf %get3A_923, %get3A_930 : vector<16xf32>
    %max3A_932 = arith.maximumf %max3A_886, %max3A_901 : vector<16xf32>
    %max3A_933 = arith.maximumf %max3A_916, %max3A_931 : vector<16xf32>
    %max3A_934 = arith.maximumf %max3A_932, %max3A_933 : vector<16xf32>
    %swap3A_935 = arith.constant 2 : i32
    %swap3A_936 = arith.index_cast %swap3A_935 : i32 to index
    %swap3A_937 = arith.constant 0 : index
    %swap3A_938 = tpu.vector_load %arg12[%swap3A_936, %swap3A_937] {strides = array<i32>} : memref<8x64xf32, #tpu.memory_space<vmem>>, vector<1x16xf32>,
    %swap3A_939 = vector.shape_cast %swap3A_938 : vector<1x16xf32> to vector<16xf32>
    %swap3A_940 = vector.shape_cast %max3A_934 : vector<16xf32> to vector<1x16xf32>
    tpu.vector_store %arg12[%swap3A_936, %swap3A_937], %swap3A_940 {strides = array<i32>} : memref<8x64xf32, #tpu.memory_space<vmem>>, vector<1x16xf32>,
    %add3A_941 = arith.constant 2 : i32
    %add3A_942 = arith.addi %mul3A_81, %add3A_941 : i32
    %get3A_943 = arith.index_cast %add3A_942 : i32 to index
    %get3A_944 = arith.constant 16 : index
    %get3A_945 = tpu.vector_load %arg10[%get3A_943, %get3A_944] {strides = array<i32>} : memref<64x64xf32, #tpu.memory_space<vmem>>, vector<1x16xf32>,
    %get3A_946 = vector.shape_cast %get3A_945 : vector<1x16xf32> to vector<16xf32>
    %get3A_947 = arith.constant 1 : i32
    %get3A_948 = arith.constant 2 : i32
    %get3A_949 = arith.index_cast %get3A_947 : i32 to index
    %get3A_950 = arith.index_cast %get3A_948 : i32 to index
    %get3A_951 = arith.constant 16 : index
    %get3A_952 = tpu.vector_load %arg11[%get3A_949, %get3A_950, %get3A_951] {strides = array<i32>} : memref<8x8x64xf32, #tpu.memory_space<vmem>>, vector<1x1x16xf32>,
    %get3A_953 = vector.shape_cast %get3A_952 : vector<1x1x16xf32> to vector<16xf32>
    %max3A_954 = arith.maximumf %get3A_946, %get3A_953 : vector<16xf32>
    %get3A_955 = arith.constant 2 : i32
    %get3A_956 = arith.constant 2 : i32
    %get3A_957 = arith.index_cast %get3A_955 : i32 to index
    %get3A_958 = arith.index_cast %get3A_956 : i32 to index
    %get3A_959 = arith.constant 16 : index
    %get3A_960 = tpu.vector_load %arg11[%get3A_957, %get3A_958, %get3A_959] {strides = array<i32>} : memref<8x8x64xf32, #tpu.memory_space<vmem>>, vector<1x1x16xf32>,
    %get3A_961 = vector.shape_cast %get3A_960 : vector<1x1x16xf32> to vector<16xf32>
    %get3A_962 = arith.constant 3 : i32
    %get3A_963 = arith.constant 2 : i32
    %get3A_964 = arith.index_cast %get3A_962 : i32 to index
    %get3A_965 = arith.index_cast %get3A_963 : i32 to index
    %get3A_966 = arith.constant 16 : index
    %get3A_967 = tpu.vector_load %arg11[%get3A_964, %get3A_965, %get3A_966] {strides = array<i32>} : memref<8x8x64xf32, #tpu.memory_space<vmem>>, vector<1x1x16xf32>,
    %get3A_968 = vector.shape_cast %get3A_967 : vector<1x1x16xf32> to vector<16xf32>
    %max3A_969 = arith.maximumf %get3A_961, %get3A_968 : vector<16xf32>
    %get3A_970 = arith.constant 4 : i32
    %get3A_971 = arith.constant 2 : i32
    %get3A_972 = arith.index_cast %get3A_970 : i32 to index
    %get3A_973 = arith.index_cast %get3A_971 : i32 to index
    %get3A_974 = arith.constant 16 : index
    %get3A_975 = tpu.vector_load %arg11[%get3A_972, %get3A_973, %get3A_974] {strides = array<i32>} : memref<8x8x64xf32, #tpu.memory_space<vmem>>, vector<1x1x16xf32>,
    %get3A_976 = vector.shape_cast %get3A_975 : vector<1x1x16xf32> to vector<16xf32>
    %get3A_977 = arith.constant 5 : i32
    %get3A_978 = arith.constant 2 : i32
    %get3A_979 = arith.index_cast %get3A_977 : i32 to index
    %get3A_980 = arith.index_cast %get3A_978 : i32 to index
    %get3A_981 = arith.constant 16 : index
    %get3A_982 = tpu.vector_load %arg11[%get3A_979, %get3A_980, %get3A_981] {strides = array<i32>} : memref<8x8x64xf32, #tpu.memory_space<vmem>>, vector<1x1x16xf32>,
    %get3A_983 = vector.shape_cast %get3A_982 : vector<1x1x16xf32> to vector<16xf32>
    %max3A_984 = arith.maximumf %get3A_976, %get3A_983 : vector<16xf32>
    %get3A_985 = arith.constant 6 : i32
    %get3A_986 = arith.constant 2 : i32
    %get3A_987 = arith.index_cast %get3A_985 : i32 to index
    %get3A_988 = arith.index_cast %get3A_986 : i32 to index
    %get3A_989 = arith.constant 16 : index
    %get3A_990 = tpu.vector_load %arg11[%get3A_987, %get3A_988, %get3A_989] {strides = array<i32>} : memref<8x8x64xf32, #tpu.memory_space<vmem>>, vector<1x1x16xf32>,
    %get3A_991 = vector.shape_cast %get3A_990 : vector<1x1x16xf32> to vector<16xf32>
    %get3A_992 = arith.constant 7 : i32
    %get3A_993 = arith.constant 2 : i32
    %get3A_994 = arith.index_cast %get3A_992 : i32 to index
    %get3A_995 = arith.index_cast %get3A_993 : i32 to index
    %get3A_996 = arith.constant 16 : index
    %get3A_997 = tpu.vector_load %arg11[%get3A_994, %get3A_995, %get3A_996] {strides = array<i32>} : memref<8x8x64xf32, #tpu.memory_space<vmem>>, vector<1x1x16xf32>,
    %get3A_998 = vector.shape_cast %get3A_997 : vector<1x1x16xf32> to vector<16xf32>
    %max3A_999 = arith.maximumf %get3A_991, %get3A_998 : vector<16xf32>
    %max3A_1000 = arith.maximumf %max3A_954, %max3A_969 : vector<16xf32>
    %max3A_1001 = arith.maximumf %max3A_984, %max3A_999 : vector<16xf32>
    %max3A_1002 = arith.maximumf %max3A_1000, %max3A_1001 : vector<16xf32>
    %swap3A_1003 = arith.constant 2 : i32
    %swap3A_1004 = arith.index_cast %swap3A_1003 : i32 to index
    %swap3A_1005 = arith.constant 16 : index
    %swap3A_1006 = tpu.vector_load %arg12[%swap3A_1004, %swap3A_1005] {strides = array<i32>} : memref<8x64xf32, #tpu.memory_space<vmem>>, vector<1x16xf32>,
    %swap3A_1007 = vector.shape_cast %swap3A_1006 : vector<1x16xf32> to vector<16xf32>
    %swap3A_1008 = vector.shape_cast %max3A_1002 : vector<16xf32> to vector<1x16xf32>
    tpu.vector_store %arg12[%swap3A_1004, %swap3A_1005], %swap3A_1008 {strides = array<i32>} : memref<8x64xf32, #tpu.memory_space<vmem>>, vector<1x16xf32>,
    %add3A_1009 = arith.constant 2 : i32
    %add3A_1010 = arith.addi %mul3A_81, %add3A_1009 : i32
    %get3A_1011 = arith.index_cast %add3A_1010 : i32 to index
    %get3A_1012 = arith.constant 32 : index
    %get3A_1013 = tpu.vector_load %arg10[%get3A_1011, %get3A_1012] {strides = array<i32>} : memref<64x64xf32, #tpu.memory_space<vmem>>, vector<1x16xf32>,
    %get3A_1014 = vector.shape_cast %get3A_1013 : vector<1x16xf32> to vector<16xf32>
    %get3A_1015 = arith.constant 1 : i32
    %get3A_1016 = arith.constant 2 : i32
    %get3A_1017 = arith.index_cast %get3A_1015 : i32 to index
    %get3A_1018 = arith.index_cast %get3A_1016 : i32 to index
    %get3A_1019 = arith.constant 32 : index
    %get3A_1020 = tpu.vector_load %arg11[%get3A_1017, %get3A_1018, %get3A_1019] {strides = array<i32>} : memref<8x8x64xf32, #tpu.memory_space<vmem>>, vector<1x1x16xf32>,
    %get3A_1021 = vector.shape_cast %get3A_1020 : vector<1x1x16xf32> to vector<16xf32>
    %max3A_1022 = arith.maximumf %get3A_1014, %get3A_1021 : vector<16xf32>
    %get3A_1023 = arith.constant 2 : i32
    %get3A_1024 = arith.constant 2 : i32
    %get3A_1025 = arith.index_cast %get3A_1023 : i32 to index
    %get3A_1026 = arith.index_cast %get3A_1024 : i32 to index
    %get3A_1027 = arith.constant 32 : index
    %get3A_1028 = tpu.vector_load %arg11[%get3A_1025, %get3A_1026, %get3A_1027] {strides = array<i32>} : memref<8x8x64xf32, #tpu.memory_space<vmem>>, vector<1x1x16xf32>,
    %get3A_1029 = vector.shape_cast %get3A_1028 : vector<1x1x16xf32> to vector<16xf32>
    %get3A_1030 = arith.constant 3 : i32
    %get3A_1031 = arith.constant 2 : i32
    %get3A_1032 = arith.index_cast %get3A_1030 : i32 to index
    %get3A_1033 = arith.index_cast %get3A_1031 : i32 to index
    %get3A_1034 = arith.constant 32 : index
    %get3A_1035 = tpu.vector_load %arg11[%get3A_1032, %get3A_1033, %get3A_1034] {strides = array<i32>} : memref<8x8x64xf32, #tpu.memory_space<vmem>>, vector<1x1x16xf32>,
    %get3A_1036 = vector.shape_cast %get3A_1035 : vector<1x1x16xf32> to vector<16xf32>
    %max3A_1037 = arith.maximumf %get3A_1029, %get3A_1036 : vector<16xf32>
    %get3A_1038 = arith.constant 4 : i32
    %get3A_1039 = arith.constant 2 : i32
    %get3A_1040 = arith.index_cast %get3A_1038 : i32 to index
    %get3A_1041 = arith.index_cast %get3A_1039 : i32 to index
    %get3A_1042 = arith.constant 32 : index
    %get3A_1043 = tpu.vector_load %arg11[%get3A_1040, %get3A_1041, %get3A_1042] {strides = array<i32>} : memref<8x8x64xf32, #tpu.memory_space<vmem>>, vector<1x1x16xf32>,
    %get3A_1044 = vector.shape_cast %get3A_1043 : vector<1x1x16xf32> to vector<16xf32>
    %get3A_1045 = arith.constant 5 : i32
    %get3A_1046 = arith.constant 2 : i32
    %get3A_1047 = arith.index_cast %get3A_1045 : i32 to index
    %get3A_1048 = arith.index_cast %get3A_1046 : i32 to index
    %get3A_1049 = arith.constant 32 : index
    %get3A_1050 = tpu.vector_load %arg11[%get3A_1047, %get3A_1048, %get3A_1049] {strides = array<i32>} : memref<8x8x64xf32, #tpu.memory_space<vmem>>, vector<1x1x16xf32>,
    %get3A_1051 = vector.shape_cast %get3A_1050 : vector<1x1x16xf32> to vector<16xf32>
    %max3A_1052 = arith.maximumf %get3A_1044, %get3A_1051 : vector<16xf32>
    %get3A_1053 = arith.constant 6 : i32
    %get3A_1054 = arith.constant 2 : i32
    %get3A_1055 = arith.index_cast %get3A_1053 : i32 to index
    %get3A_1056 = arith.index_cast %get3A_1054 : i32 to index
    %get3A_1057 = arith.constant 32 : index
    %get3A_1058 = tpu.vector_load %arg11[%get3A_1055, %get3A_1056, %get3A_1057] {strides = array<i32>} : memref<8x8x64xf32, #tpu.memory_space<vmem>>, vector<1x1x16xf32>,
    %get3A_1059 = vector.shape_cast %get3A_1058 : vector<1x1x16xf32> to vector<16xf32>
    %get3A_1060 = arith.constant 7 : i32
    %get3A_1061 = arith.constant 2 : i32
    %get3A_1062 = arith.index_cast %get3A_1060 : i32 to index
    %get3A_1063 = arith.index_cast %get3A_1061 : i32 to index
    %get3A_1064 = arith.constant 32 : index
    %get3A_1065 = tpu.vector_load %arg11[%get3A_1062, %get3A_1063, %get3A_1064] {strides = array<i32>} : memref<8x8x64xf32, #tpu.memory_space<vmem>>, vector<1x1x16xf32>,
    %get3A_1066 = vector.shape_cast %get3A_1065 : vector<1x1x16xf32> to vector<16xf32>
    %max3A_1067 = arith.maximumf %get3A_1059, %get3A_1066 : vector<16xf32>
    %max3A_1068 = arith.maximumf %max3A_1022, %max3A_1037 : vector<16xf32>
    %max3A_1069 = arith.maximumf %max3A_1052, %max3A_1067 : vector<16xf32>
    %max3A_1070 = arith.maximumf %max3A_1068, %max3A_1069 : vector<16xf32>
    %swap3A_1071 = arith.constant 2 : i32
    %swap3A_1072 = arith.index_cast %swap3A_1071 : i32 to index
    %swap3A_1073 = arith.constant 32 : index
    %swap3A_1074 = tpu.vector_load %arg12[%swap3A_1072, %swap3A_1073] {strides = array<i32>} : memref<8x64xf32, #tpu.memory_space<vmem>>, vector<1x16xf32>,
    %swap3A_1075 = vector.shape_cast %swap3A_1074 : vector<1x16xf32> to vector<16xf32>
    %swap3A_1076 = vector.shape_cast %max3A_1070 : vector<16xf32> to vector<1x16xf32>
    tpu.vector_store %arg12[%swap3A_1072, %swap3A_1073], %swap3A_1076 {strides = array<i32>} : memref<8x64xf32, #tpu.memory_space<vmem>>, vector<1x16xf32>,
    %add3A_1077 = arith.constant 2 : i32
    %add3A_1078 = arith.addi %mul3A_81, %add3A_1077 : i32
    %get3A_1079 = arith.index_cast %add3A_1078 : i32 to index
    %get3A_1080 = arith.constant 48 : index
    %get3A_1081 = tpu.vector_load %arg10[%get3A_1079, %get3A_1080] {strides = array<i32>} : memref<64x64xf32, #tpu.memory_space<vmem>>, vector<1x16xf32>,
    %get3A_1082 = vector.shape_cast %get3A_1081 : vector<1x16xf32> to vector<16xf32>
    %get3A_1083 = arith.constant 1 : i32
    %get3A_1084 = arith.constant 2 : i32
    %get3A_1085 = arith.index_cast %get3A_1083 : i32 to index
    %get3A_1086 = arith.index_cast %get3A_1084 : i32 to index
    %get3A_1087 = arith.constant 48 : index
    %get3A_1088 = tpu.vector_load %arg11[%get3A_1085, %get3A_1086, %get3A_1087] {strides = array<i32>} : memref<8x8x64xf32, #tpu.memory_space<vmem>>, vector<1x1x16xf32>,
    %get3A_1089 = vector.shape_cast %get3A_1088 : vector<1x1x16xf32> to vector<16xf32>
    %max3A_1090 = arith.maximumf %get3A_1082, %get3A_1089 : vector<16xf32>
    %get3A_1091 = arith.constant 2 : i32
    %get3A_1092 = arith.constant 2 : i32
    %get3A_1093 = arith.index_cast %get3A_1091 : i32 to index
    %get3A_1094 = arith.index_cast %get3A_1092 : i32 to index
    %get3A_1095 = arith.constant 48 : index
    %get3A_1096 = tpu.vector_load %arg11[%get3A_1093, %get3A_1094, %get3A_1095] {strides = array<i32>} : memref<8x8x64xf32, #tpu.memory_space<vmem>>, vector<1x1x16xf32>,
    %get3A_1097 = vector.shape_cast %get3A_1096 : vector<1x1x16xf32> to vector<16xf32>
    %get3A_1098 = arith.constant 3 : i32
    %get3A_1099 = arith.constant 2 : i32
    %get3A_1100 = arith.index_cast %get3A_1098 : i32 to index
    %get3A_1101 = arith.index_cast %get3A_1099 : i32 to index
    %get3A_1102 = arith.constant 48 : index
    %get3A_1103 = tpu.vector_load %arg11[%get3A_1100, %get3A_1101, %get3A_1102] {strides = array<i32>} : memref<8x8x64xf32, #tpu.memory_space<vmem>>, vector<1x1x16xf32>,
    %get3A_1104 = vector.shape_cast %get3A_1103 : vector<1x1x16xf32> to vector<16xf32>
    %max3A_1105 = arith.maximumf %get3A_1097, %get3A_1104 : vector<16xf32>
    %get3A_1106 = arith.constant 4 : i32
    %get3A_1107 = arith.constant 2 : i32
    %get3A_1108 = arith.index_cast %get3A_1106 : i32 to index
    %get3A_1109 = arith.index_cast %get3A_1107 : i32 to index
    %get3A_1110 = arith.constant 48 : index
    %get3A_1111 = tpu.vector_load %arg11[%get3A_1108, %get3A_1109, %get3A_1110] {strides = array<i32>} : memref<8x8x64xf32, #tpu.memory_space<vmem>>, vector<1x1x16xf32>,
    %get3A_1112 = vector.shape_cast %get3A_1111 : vector<1x1x16xf32> to vector<16xf32>
    %get3A_1113 = arith.constant 5 : i32
    %get3A_1114 = arith.constant 2 : i32
    %get3A_1115 = arith.index_cast %get3A_1113 : i32 to index
    %get3A_1116 = arith.index_cast %get3A_1114 : i32 to index
    %get3A_1117 = arith.constant 48 : index
    %get3A_1118 = tpu.vector_load %arg11[%get3A_1115, %get3A_1116, %get3A_1117] {strides = array<i32>} : memref<8x8x64xf32, #tpu.memory_space<vmem>>, vector<1x1x16xf32>,
    %get3A_1119 = vector.shape_cast %get3A_1118 : vector<1x1x16xf32> to vector<16xf32>
    %max3A_1120 = arith.maximumf %get3A_1112, %get3A_1119 : vector<16xf32>
    %get3A_1121 = arith.constant 6 : i32
    %get3A_1122 = arith.constant 2 : i32
    %get3A_1123 = arith.index_cast %get3A_1121 : i32 to index
    %get3A_1124 = arith.index_cast %get3A_1122 : i32 to index
    %get3A_1125 = arith.constant 48 : index
    %get3A_1126 = tpu.vector_load %arg11[%get3A_1123, %get3A_1124, %get3A_1125] {strides = array<i32>} : memref<8x8x64xf32, #tpu.memory_space<vmem>>, vector<1x1x16xf32>,
    %get3A_1127 = vector.shape_cast %get3A_1126 : vector<1x1x16xf32> to vector<16xf32>
    %get3A_1128 = arith.constant 7 : i32
    %get3A_1129 = arith.constant 2 : i32
    %get3A_1130 = arith.index_cast %get3A_1128 : i32 to index
    %get3A_1131 = arith.index_cast %get3A_1129 : i32 to index
    %get3A_1132 = arith.constant 48 : index
    %get3A_1133 = tpu.vector_load %arg11[%get3A_1130, %get3A_1131, %get3A_1132] {strides = array<i32>} : memref<8x8x64xf32, #tpu.memory_space<vmem>>, vector<1x1x16xf32>,
    %get3A_1134 = vector.shape_cast %get3A_1133 : vector<1x1x16xf32> to vector<16xf32>
    %max3A_1135 = arith.maximumf %get3A_1127, %get3A_1134 : vector<16xf32>
    %max3A_1136 = arith.maximumf %max3A_1090, %max3A_1105 : vector<16xf32>
    %max3A_1137 = arith.maximumf %max3A_1120, %max3A_1135 : vector<16xf32>
    %max3A_1138 = arith.maximumf %max3A_1136, %max3A_1137 : vector<16xf32>
    %swap3A_1139 = arith.constant 2 : i32
    %swap3A_1140 = arith.index_cast %swap3A_1139 : i32 to index
    %swap3A_1141 = arith.constant 48 : index
    %swap3A_1142 = tpu.vector_load %arg12[%swap3A_1140, %swap3A_1141] {strides = array<i32>} : memref<8x64xf32, #tpu.memory_space<vmem>>, vector<1x16xf32>,
    %swap3A_1143 = vector.shape_cast %swap3A_1142 : vector<1x16xf32> to vector<16xf32>
    %swap3A_1144 = vector.shape_cast %max3A_1138 : vector<16xf32> to vector<1x16xf32>
    tpu.vector_store %arg12[%swap3A_1140, %swap3A_1141], %swap3A_1144 {strides = array<i32>} : memref<8x64xf32, #tpu.memory_space<vmem>>, vector<1x16xf32>,
    %add3A_1145 = arith.constant 3 : i32
    %add3A_1146 = arith.addi %mul3A_81, %add3A_1145 : i32
    %get3A_1147 = arith.index_cast %add3A_1146 : i32 to index
    %get3A_1148 = arith.constant 0 : index
    %get3A_1149 = tpu.vector_load %arg10[%get3A_1147, %get3A_1148] {strides = array<i32>} : memref<64x64xf32, #tpu.memory_space<vmem>>, vector<1x16xf32>,
    %get3A_1150 = vector.shape_cast %get3A_1149 : vector<1x16xf32> to vector<16xf32>
    %get3A_1151 = arith.constant 1 : i32
    %get3A_1152 = arith.constant 3 : i32
    %get3A_1153 = arith.index_cast %get3A_1151 : i32 to index
    %get3A_1154 = arith.index_cast %get3A_1152 : i32 to index
    %get3A_1155 = arith.constant 0 : index
    %get3A_1156 = tpu.vector_load %arg11[%get3A_1153, %get3A_1154, %get3A_1155] {strides = array<i32>} : memref<8x8x64xf32, #tpu.memory_space<vmem>>, vector<1x1x16xf32>,
    %get3A_1157 = vector.shape_cast %get3A_1156 : vector<1x1x16xf32> to vector<16xf32>
    %max3A_1158 = arith.maximumf %get3A_1150, %get3A_1157 : vector<16xf32>
    %get3A_1159 = arith.constant 2 : i32
    %get3A_1160 = arith.constant 3 : i32
    %get3A_1161 = arith.index_cast %get3A_1159 : i32 to index
    %get3A_1162 = arith.index_cast %get3A_1160 : i32 to index
    %get3A_1163 = arith.constant 0 : index
    %get3A_1164 = tpu.vector_load %arg11[%get3A_1161, %get3A_1162, %get3A_1163] {strides = array<i32>} : memref<8x8x64xf32, #tpu.memory_space<vmem>>, vector<1x1x16xf32>,
    %get3A_1165 = vector.shape_cast %get3A_1164 : vector<1x1x16xf32> to vector<16xf32>
    %get3A_1166 = arith.constant 3 : i32
    %get3A_1167 = arith.constant 3 : i32
    %get3A_1168 = arith.index_cast %get3A_1166 : i32 to index
    %get3A_1169 = arith.index_cast %get3A_1167 : i32 to index
    %get3A_1170 = arith.constant 0 : index
    %get3A_1171 = tpu.vector_load %arg11[%get3A_1168, %get3A_1169, %get3A_1170] {strides = array<i32>} : memref<8x8x64xf32, #tpu.memory_space<vmem>>, vector<1x1x16xf32>,
    %get3A_1172 = vector.shape_cast %get3A_1171 : vector<1x1x16xf32> to vector<16xf32>
    %max3A_1173 = arith.maximumf %get3A_1165, %get3A_1172 : vector<16xf32>
    %get3A_1174 = arith.constant 4 : i32
    %get3A_1175 = arith.constant 3 : i32
    %get3A_1176 = arith.index_cast %get3A_1174 : i32 to index
    %get3A_1177 = arith.index_cast %get3A_1175 : i32 to index
    %get3A_1178 = arith.constant 0 : index
    %get3A_1179 = tpu.vector_load %arg11[%get3A_1176, %get3A_1177, %get3A_1178] {strides = array<i32>} : memref<8x8x64xf32, #tpu.memory_space<vmem>>, vector<1x1x16xf32>,
    %get3A_1180 = vector.shape_cast %get3A_1179 : vector<1x1x16xf32> to vector<16xf32>
    %get3A_1181 = arith.constant 5 : i32
    %get3A_1182 = arith.constant 3 : i32
    %get3A_1183 = arith.index_cast %get3A_1181 : i32 to index
    %get3A_1184 = arith.index_cast %get3A_1182 : i32 to index
    %get3A_1185 = arith.constant 0 : index
    %get3A_1186 = tpu.vector_load %arg11[%get3A_1183, %get3A_1184, %get3A_1185] {strides = array<i32>} : memref<8x8x64xf32, #tpu.memory_space<vmem>>, vector<1x1x16xf32>,
    %get3A_1187 = vector.shape_cast %get3A_1186 : vector<1x1x16xf32> to vector<16xf32>
    %max3A_1188 = arith.maximumf %get3A_1180, %get3A_1187 : vector<16xf32>
    %get3A_1189 = arith.constant 6 : i32
    %get3A_1190 = arith.constant 3 : i32
    %get3A_1191 = arith.index_cast %get3A_1189 : i32 to index
    %get3A_1192 = arith.index_cast %get3A_1190 : i32 to index
    %get3A_1193 = arith.constant 0 : index
    %get3A_1194 = tpu.vector_load %arg11[%get3A_1191, %get3A_1192, %get3A_1193] {strides = array<i32>} : memref<8x8x64xf32, #tpu.memory_space<vmem>>, vector<1x1x16xf32>,
    %get3A_1195 = vector.shape_cast %get3A_1194 : vector<1x1x16xf32> to vector<16xf32>
    %get3A_1196 = arith.constant 7 : i32
    %get3A_1197 = arith.constant 3 : i32
    %get3A_1198 = arith.index_cast %get3A_1196 : i32 to index
    %get3A_1199 = arith.index_cast %get3A_1197 : i32 to index
    %get3A_1200 = arith.constant 0 : index
    %get3A_1201 = tpu.vector_load %arg11[%get3A_1198, %get3A_1199, %get3A_1200] {strides = array<i32>} : memref<8x8x64xf32, #tpu.memory_space<vmem>>, vector<1x1x16xf32>,
    %get3A_1202 = vector.shape_cast %get3A_1201 : vector<1x1x16xf32> to vector<16xf32>
    %max3A_1203 = arith.maximumf %get3A_1195, %get3A_1202 : vector<16xf32>
    %max3A_1204 = arith.maximumf %max3A_1158, %max3A_1173 : vector<16xf32>
    %max3A_1205 = arith.maximumf %max3A_1188, %max3A_1203 : vector<16xf32>
    %max3A_1206 = arith.maximumf %max3A_1204, %max3A_1205 : vector<16xf32>
    %swap3A_1207 = arith.constant 3 : i32
    %swap3A_1208 = arith.index_cast %swap3A_1207 : i32 to index
    %swap3A_1209 = arith.constant 0 : index
    %swap3A_1210 = tpu.vector_load %arg12[%swap3A_1208, %swap3A_1209] {strides = array<i32>} : memref<8x64xf32, #tpu.memory_space<vmem>>, vector<1x16xf32>,
    %swap3A_1211 = vector.shape_cast %swap3A_1210 : vector<1x16xf32> to vector<16xf32>
    %swap3A_1212 = vector.shape_cast %max3A_1206 : vector<16xf32> to vector<1x16xf32>
    tpu.vector_store %arg12[%swap3A_1208, %swap3A_1209], %swap3A_1212 {strides = array<i32>} : memref<8x64xf32, #tpu.memory_space<vmem>>, vector<1x16xf32>,
    %add3A_1213 = arith.constant 3 : i32
    %add3A_1214 = arith.addi %mul3A_81, %add3A_1213 : i32
    %get3A_1215 = arith.index_cast %add3A_1214 : i32 to index
    %get3A_1216 = arith.constant 16 : index
    %get3A_1217 = tpu.vector_load %arg10[%get3A_1215, %get3A_1216] {strides = array<i32>} : memref<64x64xf32, #tpu.memory_space<vmem>>, vector<1x16xf32>,
    %get3A_1218 = vector.shape_cast %get3A_1217 : vector<1x16xf32> to vector<16xf32>
    %get3A_1219 = arith.constant 1 : i32
    %get3A_1220 = arith.constant 3 : i32
    %get3A_1221 = arith.index_cast %get3A_1219 : i32 to index
    %get3A_1222 = arith.index_cast %get3A_1220 : i32 to index
    %get3A_1223 = arith.constant 16 : index
    %get3A_1224 = tpu.vector_load %arg11[%get3A_1221, %get3A_1222, %get3A_1223] {strides = array<i32>} : memref<8x8x64xf32, #tpu.memory_space<vmem>>, vector<1x1x16xf32>,
    %get3A_1225 = vector.shape_cast %get3A_1224 : vector<1x1x16xf32> to vector<16xf32>
    %max3A_1226 = arith.maximumf %get3A_1218, %get3A_1225 : vector<16xf32>
    %get3A_1227 = arith.constant 2 : i32
    %get3A_1228 = arith.constant 3 : i32
    %get3A_1229 = arith.index_cast %get3A_1227 : i32 to index
    %get3A_1230 = arith.index_cast %get3A_1228 : i32 to index
    %get3A_1231 = arith.constant 16 : index
    %get3A_1232 = tpu.vector_load %arg11[%get3A_1229, %get3A_1230, %get3A_1231] {strides = array<i32>} : memref<8x8x64xf32, #tpu.memory_space<vmem>>, vector<1x1x16xf32>,
    %get3A_1233 = vector.shape_cast %get3A_1232 : vector<1x1x16xf32> to vector<16xf32>
    %get3A_1234 = arith.constant 3 : i32
    %get3A_1235 = arith.constant 3 : i32
    %get3A_1236 = arith.index_cast %get3A_1234 : i32 to index
    %get3A_1237 = arith.index_cast %get3A_1235 : i32 to index
    %get3A_1238 = arith.constant 16 : index
    %get3A_1239 = tpu.vector_load %arg11[%get3A_1236, %get3A_1237, %get3A_1238] {strides = array<i32>} : memref<8x8x64xf32, #tpu.memory_space<vmem>>, vector<1x1x16xf32>,
    %get3A_1240 = vector.shape_cast %get3A_1239 : vector<1x1x16xf32> to vector<16xf32>
    %max3A_1241 = arith.maximumf %get3A_1233, %get3A_1240 : vector<16xf32>
    %get3A_1242 = arith.constant 4 : i32
    %get3A_1243 = arith.constant 3 : i32
    %get3A_1244 = arith.index_cast %get3A_1242 : i32 to index
    %get3A_1245 = arith.index_cast %get3A_1243 : i32 to index
    %get3A_1246 = arith.constant 16 : index
    %get3A_1247 = tpu.vector_load %arg11[%get3A_1244, %get3A_1245, %get3A_1246] {strides = array<i32>} : memref<8x8x64xf32, #tpu.memory_space<vmem>>, vector<1x1x16xf32>,
    %get3A_1248 = vector.shape_cast %get3A_1247 : vector<1x1x16xf32> to vector<16xf32>
    %get3A_1249 = arith.constant 5 : i32
    %get3A_1250 = arith.constant 3 : i32
    %get3A_1251 = arith.index_cast %get3A_1249 : i32 to index
    %get3A_1252 = arith.index_cast %get3A_1250 : i32 to index
    %get3A_1253 = arith.constant 16 : index
    %get3A_1254 = tpu.vector_load %arg11[%get3A_1251, %get3A_1252, %get3A_1253] {strides = array<i32>} : memref<8x8x64xf32, #tpu.memory_space<vmem>>, vector<1x1x16xf32>,
    %get3A_1255 = vector.shape_cast %get3A_1254 : vector<1x1x16xf32> to vector<16xf32>
    %max3A_1256 = arith.maximumf %get3A_1248, %get3A_1255 : vector<16xf32>
    %get3A_1257 = arith.constant 6 : i32
    %get3A_1258 = arith.constant 3 : i32
    %get3A_1259 = arith.index_cast %get3A_1257 : i32 to index
    %get3A_1260 = arith.index_cast %get3A_1258 : i32 to index
    %get3A_1261 = arith.constant 16 : index
    %get3A_1262 = tpu.vector_load %arg11[%get3A_1259, %get3A_1260, %get3A_1261] {strides = array<i32>} : memref<8x8x64xf32, #tpu.memory_space<vmem>>, vector<1x1x16xf32>,
    %get3A_1263 = vector.shape_cast %get3A_1262 : vector<1x1x16xf32> to vector<16xf32>
    %get3A_1264 = arith.constant 7 : i32
    %get3A_1265 = arith.constant 3 : i32
    %get3A_1266 = arith.index_cast %get3A_1264 : i32 to index
    %get3A_1267 = arith.index_cast %get3A_1265 : i32 to index
    %get3A_1268 = arith.constant 16 : index
    %get3A_1269 = tpu.vector_load %arg11[%get3A_1266, %get3A_1267, %get3A_1268] {strides = array<i32>} : memref<8x8x64xf32, #tpu.memory_space<vmem>>, vector<1x1x16xf32>,
    %get3A_1270 = vector.shape_cast %get3A_1269 : vector<1x1x16xf32> to vector<16xf32>
    %max3A_1271 = arith.maximumf %get3A_1263, %get3A_1270 : vector<16xf32>
    %max3A_1272 = arith.maximumf %max3A_1226, %max3A_1241 : vector<16xf32>
    %max3A_1273 = arith.maximumf %max3A_1256, %max3A_1271 : vector<16xf32>
    %max3A_1274 = arith.maximumf %max3A_1272, %max3A_1273 : vector<16xf32>
    %swap3A_1275 = arith.constant 3 : i32
    %swap3A_1276 = arith.index_cast %swap3A_1275 : i32 to index
    %swap3A_1277 = arith.constant 16 : index
    %swap3A_1278 = tpu.vector_load %arg12[%swap3A_1276, %swap3A_1277] {strides = array<i32>} : memref<8x64xf32, #tpu.memory_space<vmem>>, vector<1x16xf32>,
    %swap3A_1279 = vector.shape_cast %swap3A_1278 : vector<1x16xf32> to vector<16xf32>
    %swap3A_1280 = vector.shape_cast %max3A_1274 : vector<16xf32> to vector<1x16xf32>
    tpu.vector_store %arg12[%swap3A_1276, %swap3A_1277], %swap3A_1280 {strides = array<i32>} : memref<8x64xf32, #tpu.memory_space<vmem>>, vector<1x16xf32>,
    %add3A_1281 = arith.constant 3 : i32
    %add3A_1282 = arith.addi %mul3A_81, %add3A_1281 : i32
    %get3A_1283 = arith.index_cast %add3A_1282 : i32 to index
    %get3A_1284 = arith.constant 32 : index
    %get3A_1285 = tpu.vector_load %arg10[%get3A_1283, %get3A_1284] {strides = array<i32>} : memref<64x64xf32, #tpu.memory_space<vmem>>, vector<1x16xf32>,
    %get3A_1286 = vector.shape_cast %get3A_1285 : vector<1x16xf32> to vector<16xf32>
    %get3A_1287 = arith.constant 1 : i32
    %get3A_1288 = arith.constant 3 : i32
    %get3A_1289 = arith.index_cast %get3A_1287 : i32 to index
    %get3A_1290 = arith.index_cast %get3A_1288 : i32 to index
    %get3A_1291 = arith.constant 32 : index
    %get3A_1292 = tpu.vector_load %arg11[%get3A_1289, %get3A_1290, %get3A_1291] {strides = array<i32>} : memref<8x8x64xf32, #tpu.memory_space<vmem>>, vector<1x1x16xf32>,
    %get3A_1293 = vector.shape_cast %get3A_1292 : vector<1x1x16xf32> to vector<16xf32>
    %max3A_1294 = arith.maximumf %get3A_1286, %get3A_1293 : vector<16xf32>
    %get3A_1295 = arith.constant 2 : i32
    %get3A_1296 = arith.constant 3 : i32
    %get3A_1297 = arith.index_cast %get3A_1295 : i32 to index
    %get3A_1298 = arith.index_cast %get3A_1296 : i32 to index
    %get3A_1299 = arith.constant 32 : index
    %get3A_1300 = tpu.vector_load %arg11[%get3A_1297, %get3A_1298, %get3A_1299] {strides = array<i32>} : memref<8x8x64xf32, #tpu.memory_space<vmem>>, vector<1x1x16xf32>,
    %get3A_1301 = vector.shape_cast %get3A_1300 : vector<1x1x16xf32> to vector<16xf32>
    %get3A_1302 = arith.constant 3 : i32
    %get3A_1303 = arith.constant 3 : i32
    %get3A_1304 = arith.index_cast %get3A_1302 : i32 to index
    %get3A_1305 = arith.index_cast %get3A_1303 : i32 to index
    %get3A_1306 = arith.constant 32 : index
    %get3A_1307 = tpu.vector_load %arg11[%get3A_1304, %get3A_1305, %get3A_1306] {strides = array<i32>} : memref<8x8x64xf32, #tpu.memory_space<vmem>>, vector<1x1x16xf32>,
    %get3A_1308 = vector.shape_cast %get3A_1307 : vector<1x1x16xf32> to vector<16xf32>
    %max3A_1309 = arith.maximumf %get3A_1301, %get3A_1308 : vector<16xf32>
    %get3A_1310 = arith.constant 4 : i32
    %get3A_1311 = arith.constant 3 : i32
    %get3A_1312 = arith.index_cast %get3A_1310 : i32 to index
    %get3A_1313 = arith.index_cast %get3A_1311 : i32 to index
    %get3A_1314 = arith.constant 32 : index
    %get3A_1315 = tpu.vector_load %arg11[%get3A_1312, %get3A_1313, %get3A_1314] {strides = array<i32>} : memref<8x8x64xf32, #tpu.memory_space<vmem>>, vector<1x1x16xf32>,
    %get3A_1316 = vector.shape_cast %get3A_1315 : vector<1x1x16xf32> to vector<16xf32>
    %get3A_1317 = arith.constant 5 : i32
    %get3A_1318 = arith.constant 3 : i32
    %get3A_1319 = arith.index_cast %get3A_1317 : i32 to index
    %get3A_1320 = arith.index_cast %get3A_1318 : i32 to index
    %get3A_1321 = arith.constant 32 : index
    %get3A_1322 = tpu.vector_load %arg11[%get3A_1319, %get3A_1320, %get3A_1321] {strides = array<i32>} : memref<8x8x64xf32, #tpu.memory_space<vmem>>, vector<1x1x16xf32>,
    %get3A_1323 = vector.shape_cast %get3A_1322 : vector<1x1x16xf32> to vector<16xf32>
    %max3A_1324 = arith.maximumf %get3A_1316, %get3A_1323 : vector<16xf32>
    %get3A_1325 = arith.constant 6 : i32
    %get3A_1326 = arith.constant 3 : i32
    %get3A_1327 = arith.index_cast %get3A_1325 : i32 to index
    %get3A_1328 = arith.index_cast %get3A_1326 : i32 to index
    %get3A_1329 = arith.constant 32 : index
    %get3A_1330 = tpu.vector_load %arg11[%get3A_1327, %get3A_1328, %get3A_1329] {strides = array<i32>} : memref<8x8x64xf32, #tpu.memory_space<vmem>>, vector<1x1x16xf32>,
    %get3A_1331 = vector.shape_cast %get3A_1330 : vector<1x1x16xf32> to vector<16xf32>
    %get3A_1332 = arith.constant 7 : i32
    %get3A_1333 = arith.constant 3 : i32
    %get3A_1334 = arith.index_cast %get3A_1332 : i32 to index
    %get3A_1335 = arith.index_cast %get3A_1333 : i32 to index
    %get3A_1336 = arith.constant 32 : index
    %get3A_1337 = tpu.vector_load %arg11[%get3A_1334, %get3A_1335, %get3A_1336] {strides = array<i32>} : memref<8x8x64xf32, #tpu.memory_space<vmem>>, vector<1x1x16xf32>,
    %get3A_1338 = vector.shape_cast %get3A_1337 : vector<1x1x16xf32> to vector<16xf32>
    %max3A_1339 = arith.maximumf %get3A_1331, %get3A_1338 : vector<16xf32>
    %max3A_1340 = arith.maximumf %max3A_1294, %max3A_1309 : vector<16xf32>
    %max3A_1341 = arith.maximumf %max3A_1324, %max3A_1339 : vector<16xf32>
    %max3A_1342 = arith.maximumf %max3A_1340, %max3A_1341 : vector<16xf32>
    %swap3A_1343 = arith.constant 3 : i32
    %swap3A_1344 = arith.index_cast %swap3A_1343 : i32 to index
    %swap3A_1345 = arith.constant 32 : index
    %swap3A_1346 = tpu.vector_load %arg12[%swap3A_1344, %swap3A_1345] {strides = array<i32>} : memref<8x64xf32, #tpu.memory_space<vmem>>, vector<1x16xf32>,
    %swap3A_1347 = vector.shape_cast %swap3A_1346 : vector<1x16xf32> to vector<16xf32>
    %swap3A_1348 = vector.shape_cast %max3A_1342 : vector<16xf32> to vector<1x16xf32>
    tpu.vector_store %arg12[%swap3A_1344, %swap3A_1345], %swap3A_1348 {strides = array<i32>} : memref<8x64xf32, #tpu.memory_space<vmem>>, vector<1x16xf32>,
    %add3A_1349 = arith.constant 3 : i32
    %add3A_1350 = arith.addi %mul3A_81, %add3A_1349 : i32
    %get3A_1351 = arith.index_cast %add3A_1350 : i32 to index
    %get3A_1352 = arith.constant 48 : index
    %get3A_1353 = tpu.vector_load %arg10[%get3A_1351, %get3A_1352] {strides = array<i32>} : memref<64x64xf32, #tpu.memory_space<vmem>>, vector<1x16xf32>,
    %get3A_1354 = vector.shape_cast %get3A_1353 : vector<1x16xf32> to vector<16xf32>
    %get3A_1355 = arith.constant 1 : i32
    %get3A_1356 = arith.constant 3 : i32
    %get3A_1357 = arith.index_cast %get3A_1355 : i32 to index
    %get3A_1358 = arith.index_cast %get3A_1356 : i32 to index
    %get3A_1359 = arith.constant 48 : index
    %get3A_1360 = tpu.vector_load %arg11[%get3A_1357, %get3A_1358, %get3A_1359] {strides = array<i32>} : memref<8x8x64xf32, #tpu.memory_space<vmem>>, vector<1x1x16xf32>,
    %get3A_1361 = vector.shape_cast %get3A_1360 : vector<1x1x16xf32> to vector<16xf32>
    %max3A_1362 = arith.maximumf %get3A_1354, %get3A_1361 : vector<16xf32>
    %get3A_1363 = arith.constant 2 : i32
    %get3A_1364 = arith.constant 3 : i32
    %get3A_1365 = arith.index_cast %get3A_1363 : i32 to index
    %get3A_1366 = arith.index_cast %get3A_1364 : i32 to index
    %get3A_1367 = arith.constant 48 : index
    %get3A_1368 = tpu.vector_load %arg11[%get3A_1365, %get3A_1366, %get3A_1367] {strides = array<i32>} : memref<8x8x64xf32, #tpu.memory_space<vmem>>, vector<1x1x16xf32>,
    %get3A_1369 = vector.shape_cast %get3A_1368 : vector<1x1x16xf32> to vector<16xf32>
    %get3A_1370 = arith.constant 3 : i32
    %get3A_1371 = arith.constant 3 : i32
    %get3A_1372 = arith.index_cast %get3A_1370 : i32 to index
    %get3A_1373 = arith.index_cast %get3A_1371 : i32 to index
    %get3A_1374 = arith.constant 48 : index
    %get3A_1375 = tpu.vector_load %arg11[%get3A_1372, %get3A_1373, %get3A_1374] {strides = array<i32>} : memref<8x8x64xf32, #tpu.memory_space<vmem>>, vector<1x1x16xf32>,
    %get3A_1376 = vector.shape_cast %get3A_1375 : vector<1x1x16xf32> to vector<16xf32>
    %max3A_1377 = arith.maximumf %get3A_1369, %get3A_1376 : vector<16xf32>
    %get3A_1378 = arith.constant 4 : i32
    %get3A_1379 = arith.constant 3 : i32
    %get3A_1380 = arith.index_cast %get3A_1378 : i32 to index
    %get3A_1381 = arith.index_cast %get3A_1379 : i32 to index
    %get3A_1382 = arith.constant 48 : index
    %get3A_1383 = tpu.vector_load %arg11[%get3A_1380, %get3A_1381, %get3A_1382] {strides = array<i32>} : memref<8x8x64xf32, #tpu.memory_space<vmem>>, vector<1x1x16xf32>,
    %get3A_1384 = vector.shape_cast %get3A_1383 : vector<1x1x16xf32> to vector<16xf32>
    %get3A_1385 = arith.constant 5 : i32
    %get3A_1386 = arith.constant 3 : i32
    %get3A_1387 = arith.index_cast %get3A_1385 : i32 to index
    %get3A_1388 = arith.index_cast %get3A_1386 : i32 to index
    %get3A_1389 = arith.constant 48 : index
    %get3A_1390 = tpu.vector_load %arg11[%get3A_1387, %get3A_1388, %get3A_1389] {strides = array<i32>} : memref<8x8x64xf32, #tpu.memory_space<vmem>>, vector<1x1x16xf32>,
    %get3A_1391 = vector.shape_cast %get3A_1390 : vector<1x1x16xf32> to vector<16xf32>
    %max3A_1392 = arith.maximumf %get3A_1384, %get3A_1391 : vector<16xf32>
    %get3A_1393 = arith.constant 6 : i32
    %get3A_1394 = arith.constant 3 : i32
    %get3A_1395 = arith.index_cast %get3A_1393 : i32 to index
    %get3A_1396 = arith.index_cast %get3A_1394 : i32 to index
    %get3A_1397 = arith.constant 48 : index
    %get3A_1398 = tpu.vector_load %arg11[%get3A_1395, %get3A_1396, %get3A_1397] {strides = array<i32>} : memref<8x8x64xf32, #tpu.memory_space<vmem>>, vector<1x1x16xf32>,
    %get3A_1399 = vector.shape_cast %get3A_1398 : vector<1x1x16xf32> to vector<16xf32>
    %get3A_1400 = arith.constant 7 : i32
    %get3A_1401 = arith.constant 3 : i32
    %get3A_1402 = arith.index_cast %get3A_1400 : i32 to index
    %get3A_1403 = arith.index_cast %get3A_1401 : i32 to index
    %get3A_1404 = arith.constant 48 : index
    %get3A_1405 = tpu.vector_load %arg11[%get3A_1402, %get3A_1403, %get3A_1404] {strides = array<i32>} : memref<8x8x64xf32, #tpu.memory_space<vmem>>, vector<1x1x16xf32>,
    %get3A_1406 = vector.shape_cast %get3A_1405 : vector<1x1x16xf32> to vector<16xf32>
    %max3A_1407 = arith.maximumf %get3A_1399, %get3A_1406 : vector<16xf32>
    %max3A_1408 = arith.maximumf %max3A_1362, %max3A_1377 : vector<16xf32>
    %max3A_1409 = arith.maximumf %max3A_1392, %max3A_1407 : vector<16xf32>
    %max3A_1410 = arith.maximumf %max3A_1408, %max3A_1409 : vector<16xf32>
    %swap3A_1411 = arith.constant 3 : i32
    %swap3A_1412 = arith.index_cast %swap3A_1411 : i32 to index
    %swap3A_1413 = arith.constant 48 : index
    %swap3A_1414 = tpu.vector_load %arg12[%swap3A_1412, %swap3A_1413] {strides = array<i32>} : memref<8x64xf32, #tpu.memory_space<vmem>>, vector<1x16xf32>,
    %swap3A_1415 = vector.shape_cast %swap3A_1414 : vector<1x16xf32> to vector<16xf32>
    %swap3A_1416 = vector.shape_cast %max3A_1410 : vector<16xf32> to vector<1x16xf32>
    tpu.vector_store %arg12[%swap3A_1412, %swap3A_1413], %swap3A_1416 {strides = array<i32>} : memref<8x64xf32, #tpu.memory_space<vmem>>, vector<1x16xf32>,
    %add3A_1417 = arith.constant 4 : i32
    %add3A_1418 = arith.addi %mul3A_81, %add3A_1417 : i32
    %get3A_1419 = arith.index_cast %add3A_1418 : i32 to index
    %get3A_1420 = arith.constant 0 : index
    %get3A_1421 = tpu.vector_load %arg10[%get3A_1419, %get3A_1420] {strides = array<i32>} : memref<64x64xf32, #tpu.memory_space<vmem>>, vector<1x16xf32>,
    %get3A_1422 = vector.shape_cast %get3A_1421 : vector<1x16xf32> to vector<16xf32>
    %get3A_1423 = arith.constant 1 : i32
    %get3A_1424 = arith.constant 4 : i32
    %get3A_1425 = arith.index_cast %get3A_1423 : i32 to index
    %get3A_1426 = arith.index_cast %get3A_1424 : i32 to index
    %get3A_1427 = arith.constant 0 : index
    %get3A_1428 = tpu.vector_load %arg11[%get3A_1425, %get3A_1426, %get3A_1427] {strides = array<i32>} : memref<8x8x64xf32, #tpu.memory_space<vmem>>, vector<1x1x16xf32>,
    %get3A_1429 = vector.shape_cast %get3A_1428 : vector<1x1x16xf32> to vector<16xf32>
    %max3A_1430 = arith.maximumf %get3A_1422, %get3A_1429 : vector<16xf32>
    %get3A_1431 = arith.constant 2 : i32
    %get3A_1432 = arith.constant 4 : i32
    %get3A_1433 = arith.index_cast %get3A_1431 : i32 to index
    %get3A_1434 = arith.index_cast %get3A_1432 : i32 to index
    %get3A_1435 = arith.constant 0 : index
    %get3A_1436 = tpu.vector_load %arg11[%get3A_1433, %get3A_1434, %get3A_1435] {strides = array<i32>} : memref<8x8x64xf32, #tpu.memory_space<vmem>>, vector<1x1x16xf32>,
    %get3A_1437 = vector.shape_cast %get3A_1436 : vector<1x1x16xf32> to vector<16xf32>
    %get3A_1438 = arith.constant 3 : i32
    %get3A_1439 = arith.constant 4 : i32
    %get3A_1440 = arith.index_cast %get3A_1438 : i32 to index
    %get3A_1441 = arith.index_cast %get3A_1439 : i32 to index
    %get3A_1442 = arith.constant 0 : index
    %get3A_1443 = tpu.vector_load %arg11[%get3A_1440, %get3A_1441, %get3A_1442] {strides = array<i32>} : memref<8x8x64xf32, #tpu.memory_space<vmem>>, vector<1x1x16xf32>,
    %get3A_1444 = vector.shape_cast %get3A_1443 : vector<1x1x16xf32> to vector<16xf32>
    %max3A_1445 = arith.maximumf %get3A_1437, %get3A_1444 : vector<16xf32>
    %get3A_1446 = arith.constant 4 : i32
    %get3A_1447 = arith.constant 4 : i32
    %get3A_1448 = arith.index_cast %get3A_1446 : i32 to index
    %get3A_1449 = arith.index_cast %get3A_1447 : i32 to index
    %get3A_1450 = arith.constant 0 : index
    %get3A_1451 = tpu.vector_load %arg11[%get3A_1448, %get3A_1449, %get3A_1450] {strides = array<i32>} : memref<8x8x64xf32, #tpu.memory_space<vmem>>, vector<1x1x16xf32>,
    %get3A_1452 = vector.shape_cast %get3A_1451 : vector<1x1x16xf32> to vector<16xf32>
    %get3A_1453 = arith.constant 5 : i32
    %get3A_1454 = arith.constant 4 : i32
    %get3A_1455 = arith.index_cast %get3A_1453 : i32 to index
    %get3A_1456 = arith.index_cast %get3A_1454 : i32 to index
    %get3A_1457 = arith.constant 0 : index
    %get3A_1458 = tpu.vector_load %arg11[%get3A_1455, %get3A_1456, %get3A_1457] {strides = array<i32>} : memref<8x8x64xf32, #tpu.memory_space<vmem>>, vector<1x1x16xf32>,
    %get3A_1459 = vector.shape_cast %get3A_1458 : vector<1x1x16xf32> to vector<16xf32>
    %max3A_1460 = arith.maximumf %get3A_1452, %get3A_1459 : vector<16xf32>
    %get3A_1461 = arith.constant 6 : i32
    %get3A_1462 = arith.constant 4 : i32
    %get3A_1463 = arith.index_cast %get3A_1461 : i32 to index
    %get3A_1464 = arith.index_cast %get3A_1462 : i32 to index
    %get3A_1465 = arith.constant 0 : index
    %get3A_1466 = tpu.vector_load %arg11[%get3A_1463, %get3A_1464, %get3A_1465] {strides = array<i32>} : memref<8x8x64xf32, #tpu.memory_space<vmem>>, vector<1x1x16xf32>,
    %get3A_1467 = vector.shape_cast %get3A_1466 : vector<1x1x16xf32> to vector<16xf32>
    %get3A_1468 = arith.constant 7 : i32
    %get3A_1469 = arith.constant 4 : i32
    %get3A_1470 = arith.index_cast %get3A_1468 : i32 to index
    %get3A_1471 = arith.index_cast %get3A_1469 : i32 to index
    %get3A_1472 = arith.constant 0 : index
    %get3A_1473 = tpu.vector_load %arg11[%get3A_1470, %get3A_1471, %get3A_1472] {strides = array<i32>} : memref<8x8x64xf32, #tpu.memory_space<vmem>>, vector<1x1x16xf32>,
    %get3A_1474 = vector.shape_cast %get3A_1473 : vector<1x1x16xf32> to vector<16xf32>
    %max3A_1475 = arith.maximumf %get3A_1467, %get3A_1474 : vector<16xf32>
    %max3A_1476 = arith.maximumf %max3A_1430, %max3A_1445 : vector<16xf32>
    %max3A_1477 = arith.maximumf %max3A_1460, %max3A_1475 : vector<16xf32>
    %max3A_1478 = arith.maximumf %max3A_1476, %max3A_1477 : vector<16xf32>
    %swap3A_1479 = arith.constant 4 : i32
    %swap3A_1480 = arith.index_cast %swap3A_1479 : i32 to index
    %swap3A_1481 = arith.constant 0 : index
    %swap3A_1482 = tpu.vector_load %arg12[%swap3A_1480, %swap3A_1481] {strides = array<i32>} : memref<8x64xf32, #tpu.memory_space<vmem>>, vector<1x16xf32>,
    %swap3A_1483 = vector.shape_cast %swap3A_1482 : vector<1x16xf32> to vector<16xf32>
    %swap3A_1484 = vector.shape_cast %max3A_1478 : vector<16xf32> to vector<1x16xf32>
    tpu.vector_store %arg12[%swap3A_1480, %swap3A_1481], %swap3A_1484 {strides = array<i32>} : memref<8x64xf32, #tpu.memory_space<vmem>>, vector<1x16xf32>,
    %add3A_1485 = arith.constant 4 : i32
    %add3A_1486 = arith.addi %mul3A_81, %add3A_1485 : i32
    %get3A_1487 = arith.index_cast %add3A_1486 : i32 to index
    %get3A_1488 = arith.constant 16 : index
    %get3A_1489 = tpu.vector_load %arg10[%get3A_1487, %get3A_1488] {strides = array<i32>} : memref<64x64xf32, #tpu.memory_space<vmem>>, vector<1x16xf32>,
    %get3A_1490 = vector.shape_cast %get3A_1489 : vector<1x16xf32> to vector<16xf32>
    %get3A_1491 = arith.constant 1 : i32
    %get3A_1492 = arith.constant 4 : i32
    %get3A_1493 = arith.index_cast %get3A_1491 : i32 to index
    %get3A_1494 = arith.index_cast %get3A_1492 : i32 to index
    %get3A_1495 = arith.constant 16 : index
    %get3A_1496 = tpu.vector_load %arg11[%get3A_1493, %get3A_1494, %get3A_1495] {strides = array<i32>} : memref<8x8x64xf32, #tpu.memory_space<vmem>>, vector<1x1x16xf32>,
    %get3A_1497 = vector.shape_cast %get3A_1496 : vector<1x1x16xf32> to vector<16xf32>
    %max3A_1498 = arith.maximumf %get3A_1490, %get3A_1497 : vector<16xf32>
    %get3A_1499 = arith.constant 2 : i32
    %get3A_1500 = arith.constant 4 : i32
    %get3A_1501 = arith.index_cast %get3A_1499 : i32 to index
    %get3A_1502 = arith.index_cast %get3A_1500 : i32 to index
    %get3A_1503 = arith.constant 16 : index
    %get3A_1504 = tpu.vector_load %arg11[%get3A_1501, %get3A_1502, %get3A_1503] {strides = array<i32>} : memref<8x8x64xf32, #tpu.memory_space<vmem>>, vector<1x1x16xf32>,
    %get3A_1505 = vector.shape_cast %get3A_1504 : vector<1x1x16xf32> to vector<16xf32>
    %get3A_1506 = arith.constant 3 : i32
    %get3A_1507 = arith.constant 4 : i32
    %get3A_1508 = arith.index_cast %get3A_1506 : i32 to index
    %get3A_1509 = arith.index_cast %get3A_1507 : i32 to index
    %get3A_1510 = arith.constant 16 : index
    %get3A_1511 = tpu.vector_load %arg11[%get3A_1508, %get3A_1509, %get3A_1510] {strides = array<i32>} : memref<8x8x64xf32, #tpu.memory_space<vmem>>, vector<1x1x16xf32>,
    %get3A_1512 = vector.shape_cast %get3A_1511 : vector<1x1x16xf32> to vector<16xf32>
    %max3A_1513 = arith.maximumf %get3A_1505, %get3A_1512 : vector<16xf32>
    %get3A_1514 = arith.constant 4 : i32
    %get3A_1515 = arith.constant 4 : i32
    %get3A_1516 = arith.index_cast %get3A_1514 : i32 to index
    %get3A_1517 = arith.index_cast %get3A_1515 : i32 to index
    %get3A_1518 = arith.constant 16 : index
    %get3A_1519 = tpu.vector_load %arg11[%get3A_1516, %get3A_1517, %get3A_1518] {strides = array<i32>} : memref<8x8x64xf32, #tpu.memory_space<vmem>>, vector<1x1x16xf32>,
    %get3A_1520 = vector.shape_cast %get3A_1519 : vector<1x1x16xf32> to vector<16xf32>
    %get3A_1521 = arith.constant 5 : i32
    %get3A_1522 = arith.constant 4 : i32
    %get3A_1523 = arith.index_cast %get3A_1521 : i32 to index
    %get3A_1524 = arith.index_cast %get3A_1522 : i32 to index
    %get3A_1525 = arith.constant 16 : index
    %get3A_1526 = tpu.vector_load %arg11[%get3A_1523, %get3A_1524, %get3A_1525] {strides = array<i32>} : memref<8x8x64xf32, #tpu.memory_space<vmem>>, vector<1x1x16xf32>,
    %get3A_1527 = vector.shape_cast %get3A_1526 : vector<1x1x16xf32> to vector<16xf32>
    %max3A_1528 = arith.maximumf %get3A_1520, %get3A_1527 : vector<16xf32>
    %get3A_1529 = arith.constant 6 : i32
    %get3A_1530 = arith.constant 4 : i32
    %get3A_1531 = arith.index_cast %get3A_1529 : i32 to index
    %get3A_1532 = arith.index_cast %get3A_1530 : i32 to index
    %get3A_1533 = arith.constant 16 : index
    %get3A_1534 = tpu.vector_load %arg11[%get3A_1531, %get3A_1532, %get3A_1533] {strides = array<i32>} : memref<8x8x64xf32, #tpu.memory_space<vmem>>, vector<1x1x16xf32>,
    %get3A_1535 = vector.shape_cast %get3A_1534 : vector<1x1x16xf32> to vector<16xf32>
    %get3A_1536 = arith.constant 7 : i32
    %get3A_1537 = arith.constant 4 : i32
    %get3A_1538 = arith.index_cast %get3A_1536 : i32 to index
    %get3A_1539 = arith.index_cast %get3A_1537 : i32 to index
    %get3A_1540 = arith.constant 16 : index
    %get3A_1541 = tpu.vector_load %arg11[%get3A_1538, %get3A_1539, %get3A_1540] {strides = array<i32>} : memref<8x8x64xf32, #tpu.memory_space<vmem>>, vector<1x1x16xf32>,
    %get3A_1542 = vector.shape_cast %get3A_1541 : vector<1x1x16xf32> to vector<16xf32>
    %max3A_1543 = arith.maximumf %get3A_1535, %get3A_1542 : vector<16xf32>
    %max3A_1544 = arith.maximumf %max3A_1498, %max3A_1513 : vector<16xf32>
    %max3A_1545 = arith.maximumf %max3A_1528, %max3A_1543 : vector<16xf32>
    %max3A_1546 = arith.maximumf %max3A_1544, %max3A_1545 : vector<16xf32>
    %swap3A_1547 = arith.constant 4 : i32
    %swap3A_1548 = arith.index_cast %swap3A_1547 : i32 to index
    %swap3A_1549 = arith.constant 16 : index
    %swap3A_1550 = tpu.vector_load %arg12[%swap3A_1548, %swap3A_1549] {strides = array<i32>} : memref<8x64xf32, #tpu.memory_space<vmem>>, vector<1x16xf32>,
    %swap3A_1551 = vector.shape_cast %swap3A_1550 : vector<1x16xf32> to vector<16xf32>
    %swap3A_1552 = vector.shape_cast %max3A_1546 : vector<16xf32> to vector<1x16xf32>
    tpu.vector_store %arg12[%swap3A_1548, %swap3A_1549], %swap3A_1552 {strides = array<i32>} : memref<8x64xf32, #tpu.memory_space<vmem>>, vector<1x16xf32>,
    %add3A_1553 = arith.constant 4 : i32
    %add3A_1554 = arith.addi %mul3A_81, %add3A_1553 : i32
    %get3A_1555 = arith.index_cast %add3A_1554 : i32 to index
    %get3A_1556 = arith.constant 32 : index
    %get3A_1557 = tpu.vector_load %arg10[%get3A_1555, %get3A_1556] {strides = array<i32>} : memref<64x64xf32, #tpu.memory_space<vmem>>, vector<1x16xf32>,
    %get3A_1558 = vector.shape_cast %get3A_1557 : vector<1x16xf32> to vector<16xf32>
    %get3A_1559 = arith.constant 1 : i32
    %get3A_1560 = arith.constant 4 : i32
    %get3A_1561 = arith.index_cast %get3A_1559 : i32 to index
    %get3A_1562 = arith.index_cast %get3A_1560 : i32 to index
    %get3A_1563 = arith.constant 32 : index
    %get3A_1564 = tpu.vector_load %arg11[%get3A_1561, %get3A_1562, %get3A_1563] {strides = array<i32>} : memref<8x8x64xf32, #tpu.memory_space<vmem>>, vector<1x1x16xf32>,
    %get3A_1565 = vector.shape_cast %get3A_1564 : vector<1x1x16xf32> to vector<16xf32>
    %max3A_1566 = arith.maximumf %get3A_1558, %get3A_1565 : vector<16xf32>
    %get3A_1567 = arith.constant 2 : i32
    %get3A_1568 = arith.constant 4 : i32
    %get3A_1569 = arith.index_cast %get3A_1567 : i32 to index
    %get3A_1570 = arith.index_cast %get3A_1568 : i32 to index
    %get3A_1571 = arith.constant 32 : index
    %get3A_1572 = tpu.vector_load %arg11[%get3A_1569, %get3A_1570, %get3A_1571] {strides = array<i32>} : memref<8x8x64xf32, #tpu.memory_space<vmem>>, vector<1x1x16xf32>,
    %get3A_1573 = vector.shape_cast %get3A_1572 : vector<1x1x16xf32> to vector<16xf32>
    %get3A_1574 = arith.constant 3 : i32
    %get3A_1575 = arith.constant 4 : i32
    %get3A_1576 = arith.index_cast %get3A_1574 : i32 to index
    %get3A_1577 = arith.index_cast %get3A_1575 : i32 to index
    %get3A_1578 = arith.constant 32 : index
    %get3A_1579 = tpu.vector_load %arg11[%get3A_1576, %get3A_1577, %get3A_1578] {strides = array<i32>} : memref<8x8x64xf32, #tpu.memory_space<vmem>>, vector<1x1x16xf32>,
    %get3A_1580 = vector.shape_cast %get3A_1579 : vector<1x1x16xf32> to vector<16xf32>
    %max3A_1581 = arith.maximumf %get3A_1573, %get3A_1580 : vector<16xf32>
    %get3A_1582 = arith.constant 4 : i32
    %get3A_1583 = arith.constant 4 : i32
    %get3A_1584 = arith.index_cast %get3A_1582 : i32 to index
    %get3A_1585 = arith.index_cast %get3A_1583 : i32 to index
    %get3A_1586 = arith.constant 32 : index
    %get3A_1587 = tpu.vector_load %arg11[%get3A_1584, %get3A_1585, %get3A_1586] {strides = array<i32>} : memref<8x8x64xf32, #tpu.memory_space<vmem>>, vector<1x1x16xf32>,
    %get3A_1588 = vector.shape_cast %get3A_1587 : vector<1x1x16xf32> to vector<16xf32>
    %get3A_1589 = arith.constant 5 : i32
    %get3A_1590 = arith.constant 4 : i32
    %get3A_1591 = arith.index_cast %get3A_1589 : i32 to index
    %get3A_1592 = arith.index_cast %get3A_1590 : i32 to index
    %get3A_1593 = arith.constant 32 : index
    %get3A_1594 = tpu.vector_load %arg11[%get3A_1591, %get3A_1592, %get3A_1593] {strides = array<i32>} : memref<8x8x64xf32, #tpu.memory_space<vmem>>, vector<1x1x16xf32>,
    %get3A_1595 = vector.shape_cast %get3A_1594 : vector<1x1x16xf32> to vector<16xf32>
    %max3A_1596 = arith.maximumf %get3A_1588, %get3A_1595 : vector<16xf32>
    %get3A_1597 = arith.constant 6 : i32
    %get3A_1598 = arith.constant 4 : i32
    %get3A_1599 = arith.index_cast %get3A_1597 : i32 to index
    %get3A_1600 = arith.index_cast %get3A_1598 : i32 to index
    %get3A_1601 = arith.constant 32 : index
    %get3A_1602 = tpu.vector_load %arg11[%get3A_1599, %get3A_1600, %get3A_1601] {strides = array<i32>} : memref<8x8x64xf32, #tpu.memory_space<vmem>>, vector<1x1x16xf32>,
    %get3A_1603 = vector.shape_cast %get3A_1602 : vector<1x1x16xf32> to vector<16xf32>
    %get3A_1604 = arith.constant 7 : i32
    %get3A_1605 = arith.constant 4 : i32
    %get3A_1606 = arith.index_cast %get3A_1604 : i32 to index
    %get3A_1607 = arith.index_cast %get3A_1605 : i32 to index
    %get3A_1608 = arith.constant 32 : index
    %get3A_1609 = tpu.vector_load %arg11[%get3A_1606, %get3A_1607, %get3A_1608] {strides = array<i32>} : memref<8x8x64xf32, #tpu.memory_space<vmem>>, vector<1x1x16xf32>,
    %get3A_1610 = vector.shape_cast %get3A_1609 : vector<1x1x16xf32> to vector<16xf32>
    %max3A_1611 = arith.maximumf %get3A_1603, %get3A_1610 : vector<16xf32>
    %max3A_1612 = arith.maximumf %max3A_1566, %max3A_1581 : vector<16xf32>
    %max3A_1613 = arith.maximumf %max3A_1596, %max3A_1611 : vector<16xf32>
    %max3A_1614 = arith.maximumf %max3A_1612, %max3A_1613 : vector<16xf32>
    %swap3A_1615 = arith.constant 4 : i32
    %swap3A_1616 = arith.index_cast %swap3A_1615 : i32 to index
    %swap3A_1617 = arith.constant 32 : index
    %swap3A_1618 = tpu.vector_load %arg12[%swap3A_1616, %swap3A_1617] {strides = array<i32>} : memref<8x64xf32, #tpu.memory_space<vmem>>, vector<1x16xf32>,
    %swap3A_1619 = vector.shape_cast %swap3A_1618 : vector<1x16xf32> to vector<16xf32>
    %swap3A_1620 = vector.shape_cast %max3A_1614 : vector<16xf32> to vector<1x16xf32>
    tpu.vector_store %arg12[%swap3A_1616, %swap3A_1617], %swap3A_1620 {strides = array<i32>} : memref<8x64xf32, #tpu.memory_space<vmem>>, vector<1x16xf32>,
    %add3A_1621 = arith.constant 4 : i32
    %add3A_1622 = arith.addi %mul3A_81, %add3A_1621 : i32
    %get3A_1623 = arith.index_cast %add3A_1622 : i32 to index
    %get3A_1624 = arith.constant 48 : index
    %get3A_1625 = tpu.vector_load %arg10[%get3A_1623, %get3A_1624] {strides = array<i32>} : memref<64x64xf32, #tpu.memory_space<vmem>>, vector<1x16xf32>,
    %get3A_1626 = vector.shape_cast %get3A_1625 : vector<1x16xf32> to vector<16xf32>
    %get3A_1627 = arith.constant 1 : i32
    %get3A_1628 = arith.constant 4 : i32
    %get3A_1629 = arith.index_cast %get3A_1627 : i32 to index
    %get3A_1630 = arith.index_cast %get3A_1628 : i32 to index
    %get3A_1631 = arith.constant 48 : index
    %get3A_1632 = tpu.vector_load %arg11[%get3A_1629, %get3A_1630, %get3A_1631] {strides = array<i32>} : memref<8x8x64xf32, #tpu.memory_space<vmem>>, vector<1x1x16xf32>,
    %get3A_1633 = vector.shape_cast %get3A_1632 : vector<1x1x16xf32> to vector<16xf32>
    %max3A_1634 = arith.maximumf %get3A_1626, %get3A_1633 : vector<16xf32>
    %get3A_1635 = arith.constant 2 : i32
    %get3A_1636 = arith.constant 4 : i32
    %get3A_1637 = arith.index_cast %get3A_1635 : i32 to index
    %get3A_1638 = arith.index_cast %get3A_1636 : i32 to index
    %get3A_1639 = arith.constant 48 : index
    %get3A_1640 = tpu.vector_load %arg11[%get3A_1637, %get3A_1638, %get3A_1639] {strides = array<i32>} : memref<8x8x64xf32, #tpu.memory_space<vmem>>, vector<1x1x16xf32>,
    %get3A_1641 = vector.shape_cast %get3A_1640 : vector<1x1x16xf32> to vector<16xf32>
    %get3A_1642 = arith.constant 3 : i32
    %get3A_1643 = arith.constant 4 : i32
    %get3A_1644 = arith.index_cast %get3A_1642 : i32 to index
    %get3A_1645 = arith.index_cast %get3A_1643 : i32 to index
    %get3A_1646 = arith.constant 48 : index
    %get3A_1647 = tpu.vector_load %arg11[%get3A_1644, %get3A_1645, %get3A_1646] {strides = array<i32>} : memref<8x8x64xf32, #tpu.memory_space<vmem>>, vector<1x1x16xf32>,
    %get3A_1648 = vector.shape_cast %get3A_1647 : vector<1x1x16xf32> to vector<16xf32>
    %max3A_1649 = arith.maximumf %get3A_1641, %get3A_1648 : vector<16xf32>
    %get3A_1650 = arith.constant 4 : i32
    %get3A_1651 = arith.constant 4 : i32
    %get3A_1652 = arith.index_cast %get3A_1650 : i32 to index
    %get3A_1653 = arith.index_cast %get3A_1651 : i32 to index
    %get3A_1654 = arith.constant 48 : index
    %get3A_1655 = tpu.vector_load %arg11[%get3A_1652, %get3A_1653, %get3A_1654] {strides = array<i32>} : memref<8x8x64xf32, #tpu.memory_space<vmem>>, vector<1x1x16xf32>,
    %get3A_1656 = vector.shape_cast %get3A_1655 : vector<1x1x16xf32> to vector<16xf32>
    %get3A_1657 = arith.constant 5 : i32
    %get3A_1658 = arith.constant 4 : i32
    %get3A_1659 = arith.index_cast %get3A_1657 : i32 to index
    %get3A_1660 = arith.index_cast %get3A_1658 : i32 to index
    %get3A_1661 = arith.constant 48 : index
    %get3A_1662 = tpu.vector_load %arg11[%get3A_1659, %get3A_1660, %get3A_1661] {strides = array<i32>} : memref<8x8x64xf32, #tpu.memory_space<vmem>>, vector<1x1x16xf32>,
    %get3A_1663 = vector.shape_cast %get3A_1662 : vector<1x1x16xf32> to vector<16xf32>
    %max3A_1664 = arith.maximumf %get3A_1656, %get3A_1663 : vector<16xf32>
    %get3A_1665 = arith.constant 6 : i32
    %get3A_1666 = arith.constant 4 : i32
    %get3A_1667 = arith.index_cast %get3A_1665 : i32 to index
    %get3A_1668 = arith.index_cast %get3A_1666 : i32 to index
    %get3A_1669 = arith.constant 48 : index
    %get3A_1670 = tpu.vector_load %arg11[%get3A_1667, %get3A_1668, %get3A_1669] {strides = array<i32>} : memref<8x8x64xf32, #tpu.memory_space<vmem>>, vector<1x1x16xf32>,
    %get3A_1671 = vector.shape_cast %get3A_1670 : vector<1x1x16xf32> to vector<16xf32>
    %get3A_1672 = arith.constant 7 : i32
    %get3A_1673 = arith.constant 4 : i32
    %get3A_1674 = arith.index_cast %get3A_1672 : i32 to index
    %get3A_1675 = arith.index_cast %get3A_1673 : i32 to index
    %get3A_1676 = arith.constant 48 : index
    %get3A_1677 = tpu.vector_load %arg11[%get3A_1674, %get3A_1675, %get3A_1676] {strides = array<i32>} : memref<8x8x64xf32, #tpu.memory_space<vmem>>, vector<1x1x16xf32>,
    %get3A_1678 = vector.shape_cast %get3A_1677 : vector<1x1x16xf32> to vector<16xf32>
    %max3A_1679 = arith.maximumf %get3A_1671, %get3A_1678 : vector<16xf32>
    %max3A_1680 = arith.maximumf %max3A_1634, %max3A_1649 : vector<16xf32>
    %max3A_1681 = arith.maximumf %max3A_1664, %max3A_1679 : vector<16xf32>
    %max3A_1682 = arith.maximumf %max3A_1680, %max3A_1681 : vector<16xf32>
    %swap3A_1683 = arith.constant 4 : i32
    %swap3A_1684 = arith.index_cast %swap3A_1683 : i32 to index
    %swap3A_1685 = arith.constant 48 : index
    %swap3A_1686 = tpu.vector_load %arg12[%swap3A_1684, %swap3A_1685] {strides = array<i32>} : memref<8x64xf32, #tpu.memory_space<vmem>>, vector<1x16xf32>,
    %swap3A_1687 = vector.shape_cast %swap3A_1686 : vector<1x16xf32> to vector<16xf32>
    %swap3A_1688 = vector.shape_cast %max3A_1682 : vector<16xf32> to vector<1x16xf32>
    tpu.vector_store %arg12[%swap3A_1684, %swap3A_1685], %swap3A_1688 {strides = array<i32>} : memref<8x64xf32, #tpu.memory_space<vmem>>, vector<1x16xf32>,
    %add3A_1689 = arith.constant 5 : i32
    %add3A_1690 = arith.addi %mul3A_81, %add3A_1689 : i32
    %get3A_1691 = arith.index_cast %add3A_1690 : i32 to index
    %get3A_1692 = arith.constant 0 : index
    %get3A_1693 = tpu.vector_load %arg10[%get3A_1691, %get3A_1692] {strides = array<i32>} : memref<64x64xf32, #tpu.memory_space<vmem>>, vector<1x16xf32>,
    %get3A_1694 = vector.shape_cast %get3A_1693 : vector<1x16xf32> to vector<16xf32>
    %get3A_1695 = arith.constant 1 : i32
    %get3A_1696 = arith.constant 5 : i32
    %get3A_1697 = arith.index_cast %get3A_1695 : i32 to index
    %get3A_1698 = arith.index_cast %get3A_1696 : i32 to index
    %get3A_1699 = arith.constant 0 : index
    %get3A_1700 = tpu.vector_load %arg11[%get3A_1697, %get3A_1698, %get3A_1699] {strides = array<i32>} : memref<8x8x64xf32, #tpu.memory_space<vmem>>, vector<1x1x16xf32>,
    %get3A_1701 = vector.shape_cast %get3A_1700 : vector<1x1x16xf32> to vector<16xf32>
    %max3A_1702 = arith.maximumf %get3A_1694, %get3A_1701 : vector<16xf32>
    %get3A_1703 = arith.constant 2 : i32
    %get3A_1704 = arith.constant 5 : i32
    %get3A_1705 = arith.index_cast %get3A_1703 : i32 to index
    %get3A_1706 = arith.index_cast %get3A_1704 : i32 to index
    %get3A_1707 = arith.constant 0 : index
    %get3A_1708 = tpu.vector_load %arg11[%get3A_1705, %get3A_1706, %get3A_1707] {strides = array<i32>} : memref<8x8x64xf32, #tpu.memory_space<vmem>>, vector<1x1x16xf32>,
    %get3A_1709 = vector.shape_cast %get3A_1708 : vector<1x1x16xf32> to vector<16xf32>
    %get3A_1710 = arith.constant 3 : i32
    %get3A_1711 = arith.constant 5 : i32
    %get3A_1712 = arith.index_cast %get3A_1710 : i32 to index
    %get3A_1713 = arith.index_cast %get3A_1711 : i32 to index
    %get3A_1714 = arith.constant 0 : index
    %get3A_1715 = tpu.vector_load %arg11[%get3A_1712, %get3A_1713, %get3A_1714] {strides = array<i32>} : memref<8x8x64xf32, #tpu.memory_space<vmem>>, vector<1x1x16xf32>,
    %get3A_1716 = vector.shape_cast %get3A_1715 : vector<1x1x16xf32> to vector<16xf32>
    %max3A_1717 = arith.maximumf %get3A_1709, %get3A_1716 : vector<16xf32>
    %get3A_1718 = arith.constant 4 : i32
    %get3A_1719 = arith.constant 5 : i32
    %get3A_1720 = arith.index_cast %get3A_1718 : i32 to index
    %get3A_1721 = arith.index_cast %get3A_1719 : i32 to index
    %get3A_1722 = arith.constant 0 : index
    %get3A_1723 = tpu.vector_load %arg11[%get3A_1720, %get3A_1721, %get3A_1722] {strides = array<i32>} : memref<8x8x64xf32, #tpu.memory_space<vmem>>, vector<1x1x16xf32>,
    %get3A_1724 = vector.shape_cast %get3A_1723 : vector<1x1x16xf32> to vector<16xf32>
    %get3A_1725 = arith.constant 5 : i32
    %get3A_1726 = arith.constant 5 : i32
    %get3A_1727 = arith.index_cast %get3A_1725 : i32 to index
    %get3A_1728 = arith.index_cast %get3A_1726 : i32 to index
    %get3A_1729 = arith.constant 0 : index
    %get3A_1730 = tpu.vector_load %arg11[%get3A_1727, %get3A_1728, %get3A_1729] {strides = array<i32>} : memref<8x8x64xf32, #tpu.memory_space<vmem>>, vector<1x1x16xf32>,
    %get3A_1731 = vector.shape_cast %get3A_1730 : vector<1x1x16xf32> to vector<16xf32>
    %max3A_1732 = arith.maximumf %get3A_1724, %get3A_1731 : vector<16xf32>
    %get3A_1733 = arith.constant 6 : i32
    %get3A_1734 = arith.constant 5 : i32
    %get3A_1735 = arith.index_cast %get3A_1733 : i32 to index
    %get3A_1736 = arith.index_cast %get3A_1734 : i32 to index
    %get3A_1737 = arith.constant 0 : index
    %get3A_1738 = tpu.vector_load %arg11[%get3A_1735, %get3A_1736, %get3A_1737] {strides = array<i32>} : memref<8x8x64xf32, #tpu.memory_space<vmem>>, vector<1x1x16xf32>,
    %get3A_1739 = vector.shape_cast %get3A_1738 : vector<1x1x16xf32> to vector<16xf32>
    %get3A_1740 = arith.constant 7 : i32
    %get3A_1741 = arith.constant 5 : i32
    %get3A_1742 = arith.index_cast %get3A_1740 : i32 to index
    %get3A_1743 = arith.index_cast %get3A_1741 : i32 to index
    %get3A_1744 = arith.constant 0 : index
    %get3A_1745 = tpu.vector_load %arg11[%get3A_1742, %get3A_1743, %get3A_1744] {strides = array<i32>} : memref<8x8x64xf32, #tpu.memory_space<vmem>>, vector<1x1x16xf32>,
    %get3A_1746 = vector.shape_cast %get3A_1745 : vector<1x1x16xf32> to vector<16xf32>
    %max3A_1747 = arith.maximumf %get3A_1739, %get3A_1746 : vector<16xf32>
    %max3A_1748 = arith.maximumf %max3A_1702, %max3A_1717 : vector<16xf32>
    %max3A_1749 = arith.maximumf %max3A_1732, %max3A_1747 : vector<16xf32>
    %max3A_1750 = arith.maximumf %max3A_1748, %max3A_1749 : vector<16xf32>
    %swap3A_1751 = arith.constant 5 : i32
    %swap3A_1752 = arith.index_cast %swap3A_1751 : i32 to index
    %swap3A_1753 = arith.constant 0 : index
    %swap3A_1754 = tpu.vector_load %arg12[%swap3A_1752, %swap3A_1753] {strides = array<i32>} : memref<8x64xf32, #tpu.memory_space<vmem>>, vector<1x16xf32>,
    %swap3A_1755 = vector.shape_cast %swap3A_1754 : vector<1x16xf32> to vector<16xf32>
    %swap3A_1756 = vector.shape_cast %max3A_1750 : vector<16xf32> to vector<1x16xf32>
    tpu.vector_store %arg12[%swap3A_1752, %swap3A_1753], %swap3A_1756 {strides = array<i32>} : memref<8x64xf32, #tpu.memory_space<vmem>>, vector<1x16xf32>,
    %add3A_1757 = arith.constant 5 : i32
    %add3A_1758 = arith.addi %mul3A_81, %add3A_1757 : i32
    %get3A_1759 = arith.index_cast %add3A_1758 : i32 to index
    %get3A_1760 = arith.constant 16 : index
    %get3A_1761 = tpu.vector_load %arg10[%get3A_1759, %get3A_1760] {strides = array<i32>} : memref<64x64xf32, #tpu.memory_space<vmem>>, vector<1x16xf32>,
    %get3A_1762 = vector.shape_cast %get3A_1761 : vector<1x16xf32> to vector<16xf32>
    %get3A_1763 = arith.constant 1 : i32
    %get3A_1764 = arith.constant 5 : i32
    %get3A_1765 = arith.index_cast %get3A_1763 : i32 to index
    %get3A_1766 = arith.index_cast %get3A_1764 : i32 to index
    %get3A_1767 = arith.constant 16 : index
    %get3A_1768 = tpu.vector_load %arg11[%get3A_1765, %get3A_1766, %get3A_1767] {strides = array<i32>} : memref<8x8x64xf32, #tpu.memory_space<vmem>>, vector<1x1x16xf32>,
    %get3A_1769 = vector.shape_cast %get3A_1768 : vector<1x1x16xf32> to vector<16xf32>
    %max3A_1770 = arith.maximumf %get3A_1762, %get3A_1769 : vector<16xf32>
    %get3A_1771 = arith.constant 2 : i32
    %get3A_1772 = arith.constant 5 : i32
    %get3A_1773 = arith.index_cast %get3A_1771 : i32 to index
    %get3A_1774 = arith.index_cast %get3A_1772 : i32 to index
    %get3A_1775 = arith.constant 16 : index
    %get3A_1776 = tpu.vector_load %arg11[%get3A_1773, %get3A_1774, %get3A_1775] {strides = array<i32>} : memref<8x8x64xf32, #tpu.memory_space<vmem>>, vector<1x1x16xf32>,
    %get3A_1777 = vector.shape_cast %get3A_1776 : vector<1x1x16xf32> to vector<16xf32>
    %get3A_1778 = arith.constant 3 : i32
    %get3A_1779 = arith.constant 5 : i32
    %get3A_1780 = arith.index_cast %get3A_1778 : i32 to index
    %get3A_1781 = arith.index_cast %get3A_1779 : i32 to index
    %get3A_1782 = arith.constant 16 : index
    %get3A_1783 = tpu.vector_load %arg11[%get3A_1780, %get3A_1781, %get3A_1782] {strides = array<i32>} : memref<8x8x64xf32, #tpu.memory_space<vmem>>, vector<1x1x16xf32>,
    %get3A_1784 = vector.shape_cast %get3A_1783 : vector<1x1x16xf32> to vector<16xf32>
    %max3A_1785 = arith.maximumf %get3A_1777, %get3A_1784 : vector<16xf32>
    %get3A_1786 = arith.constant 4 : i32
    %get3A_1787 = arith.constant 5 : i32
    %get3A_1788 = arith.index_cast %get3A_1786 : i32 to index
    %get3A_1789 = arith.index_cast %get3A_1787 : i32 to index
    %get3A_1790 = arith.constant 16 : index
    %get3A_1791 = tpu.vector_load %arg11[%get3A_1788, %get3A_1789, %get3A_1790] {strides = array<i32>} : memref<8x8x64xf32, #tpu.memory_space<vmem>>, vector<1x1x16xf32>,
    %get3A_1792 = vector.shape_cast %get3A_1791 : vector<1x1x16xf32> to vector<16xf32>
    %get3A_1793 = arith.constant 5 : i32
    %get3A_1794 = arith.constant 5 : i32
    %get3A_1795 = arith.index_cast %get3A_1793 : i32 to index
    %get3A_1796 = arith.index_cast %get3A_1794 : i32 to index
    %get3A_1797 = arith.constant 16 : index
    %get3A_1798 = tpu.vector_load %arg11[%get3A_1795, %get3A_1796, %get3A_1797] {strides = array<i32>} : memref<8x8x64xf32, #tpu.memory_space<vmem>>, vector<1x1x16xf32>,
    %get3A_1799 = vector.shape_cast %get3A_1798 : vector<1x1x16xf32> to vector<16xf32>
    %max3A_1800 = arith.maximumf %get3A_1792, %get3A_1799 : vector<16xf32>
    %get3A_1801 = arith.constant 6 : i32
    %get3A_1802 = arith.constant 5 : i32
    %get3A_1803 = arith.index_cast %get3A_1801 : i32 to index
    %get3A_1804 = arith.index_cast %get3A_1802 : i32 to index
    %get3A_1805 = arith.constant 16 : index
    %get3A_1806 = tpu.vector_load %arg11[%get3A_1803, %get3A_1804, %get3A_1805] {strides = array<i32>} : memref<8x8x64xf32, #tpu.memory_space<vmem>>, vector<1x1x16xf32>,
    %get3A_1807 = vector.shape_cast %get3A_1806 : vector<1x1x16xf32> to vector<16xf32>
    %get3A_1808 = arith.constant 7 : i32
    %get3A_1809 = arith.constant 5 : i32
    %get3A_1810 = arith.index_cast %get3A_1808 : i32 to index
    %get3A_1811 = arith.index_cast %get3A_1809 : i32 to index
    %get3A_1812 = arith.constant 16 : index
    %get3A_1813 = tpu.vector_load %arg11[%get3A_1810, %get3A_1811, %get3A_1812] {strides = array<i32>} : memref<8x8x64xf32, #tpu.memory_space<vmem>>, vector<1x1x16xf32>,
    %get3A_1814 = vector.shape_cast %get3A_1813 : vector<1x1x16xf32> to vector<16xf32>
    %max3A_1815 = arith.maximumf %get3A_1807, %get3A_1814 : vector<16xf32>
    %max3A_1816 = arith.maximumf %max3A_1770, %max3A_1785 : vector<16xf32>
    %max3A_1817 = arith.maximumf %max3A_1800, %max3A_1815 : vector<16xf32>
    %max3A_1818 = arith.maximumf %max3A_1816, %max3A_1817 : vector<16xf32>
    %swap3A_1819 = arith.constant 5 : i32
    %swap3A_1820 = arith.index_cast %swap3A_1819 : i32 to index
    %swap3A_1821 = arith.constant 16 : index
    %swap3A_1822 = tpu.vector_load %arg12[%swap3A_1820, %swap3A_1821] {strides = array<i32>} : memref<8x64xf32, #tpu.memory_space<vmem>>, vector<1x16xf32>,
    %swap3A_1823 = vector.shape_cast %swap3A_1822 : vector<1x16xf32> to vector<16xf32>
    %swap3A_1824 = vector.shape_cast %max3A_1818 : vector<16xf32> to vector<1x16xf32>
    tpu.vector_store %arg12[%swap3A_1820, %swap3A_1821], %swap3A_1824 {strides = array<i32>} : memref<8x64xf32, #tpu.memory_space<vmem>>, vector<1x16xf32>,
    %add3A_1825 = arith.constant 5 : i32
    %add3A_1826 = arith.addi %mul3A_81, %add3A_1825 : i32
    %get3A_1827 = arith.index_cast %add3A_1826 : i32 to index
    %get3A_1828 = arith.constant 32 : index
    %get3A_1829 = tpu.vector_load %arg10[%get3A_1827, %get3A_1828] {strides = array<i32>} : memref<64x64xf32, #tpu.memory_space<vmem>>, vector<1x16xf32>,
    %get3A_1830 = vector.shape_cast %get3A_1829 : vector<1x16xf32> to vector<16xf32>
    %get3A_1831 = arith.constant 1 : i32
    %get3A_1832 = arith.constant 5 : i32
    %get3A_1833 = arith.index_cast %get3A_1831 : i32 to index
    %get3A_1834 = arith.index_cast %get3A_1832 : i32 to index
    %get3A_1835 = arith.constant 32 : index
    %get3A_1836 = tpu.vector_load %arg11[%get3A_1833, %get3A_1834, %get3A_1835] {strides = array<i32>} : memref<8x8x64xf32, #tpu.memory_space<vmem>>, vector<1x1x16xf32>,
    %get3A_1837 = vector.shape_cast %get3A_1836 : vector<1x1x16xf32> to vector<16xf32>
    %max3A_1838 = arith.maximumf %get3A_1830, %get3A_1837 : vector<16xf32>
    %get3A_1839 = arith.constant 2 : i32
    %get3A_1840 = arith.constant 5 : i32
    %get3A_1841 = arith.index_cast %get3A_1839 : i32 to index
    %get3A_1842 = arith.index_cast %get3A_1840 : i32 to index
    %get3A_1843 = arith.constant 32 : index
    %get3A_1844 = tpu.vector_load %arg11[%get3A_1841, %get3A_1842, %get3A_1843] {strides = array<i32>} : memref<8x8x64xf32, #tpu.memory_space<vmem>>, vector<1x1x16xf32>,
    %get3A_1845 = vector.shape_cast %get3A_1844 : vector<1x1x16xf32> to vector<16xf32>
    %get3A_1846 = arith.constant 3 : i32
    %get3A_1847 = arith.constant 5 : i32
    %get3A_1848 = arith.index_cast %get3A_1846 : i32 to index
    %get3A_1849 = arith.index_cast %get3A_1847 : i32 to index
    %get3A_1850 = arith.constant 32 : index
    %get3A_1851 = tpu.vector_load %arg11[%get3A_1848, %get3A_1849, %get3A_1850] {strides = array<i32>} : memref<8x8x64xf32, #tpu.memory_space<vmem>>, vector<1x1x16xf32>,
    %get3A_1852 = vector.shape_cast %get3A_1851 : vector<1x1x16xf32> to vector<16xf32>
    %max3A_1853 = arith.maximumf %get3A_1845, %get3A_1852 : vector<16xf32>
    %get3A_1854 = arith.constant 4 : i32
    %get3A_1855 = arith.constant 5 : i32
    %get3A_1856 = arith.index_cast %get3A_1854 : i32 to index
    %get3A_1857 = arith.index_cast %get3A_1855 : i32 to index
    %get3A_1858 = arith.constant 32 : index
    %get3A_1859 = tpu.vector_load %arg11[%get3A_1856, %get3A_1857, %get3A_1858] {strides = array<i32>} : memref<8x8x64xf32, #tpu.memory_space<vmem>>, vector<1x1x16xf32>,
    %get3A_1860 = vector.shape_cast %get3A_1859 : vector<1x1x16xf32> to vector<16xf32>
    %get3A_1861 = arith.constant 5 : i32
    %get3A_1862 = arith.constant 5 : i32
    %get3A_1863 = arith.index_cast %get3A_1861 : i32 to index
    %get3A_1864 = arith.index_cast %get3A_1862 : i32 to index
    %get3A_1865 = arith.constant 32 : index
    %get3A_1866 = tpu.vector_load %arg11[%get3A_1863, %get3A_1864, %get3A_1865] {strides = array<i32>} : memref<8x8x64xf32, #tpu.memory_space<vmem>>, vector<1x1x16xf32>,
    %get3A_1867 = vector.shape_cast %get3A_1866 : vector<1x1x16xf32> to vector<16xf32>
    %max3A_1868 = arith.maximumf %get3A_1860, %get3A_1867 : vector<16xf32>
    %get3A_1869 = arith.constant 6 : i32
    %get3A_1870 = arith.constant 5 : i32
    %get3A_1871 = arith.index_cast %get3A_1869 : i32 to index
    %get3A_1872 = arith.index_cast %get3A_1870 : i32 to index
    %get3A_1873 = arith.constant 32 : index
    %get3A_1874 = tpu.vector_load %arg11[%get3A_1871, %get3A_1872, %get3A_1873] {strides = array<i32>} : memref<8x8x64xf32, #tpu.memory_space<vmem>>, vector<1x1x16xf32>,
    %get3A_1875 = vector.shape_cast %get3A_1874 : vector<1x1x16xf32> to vector<16xf32>
    %get3A_1876 = arith.constant 7 : i32
    %get3A_1877 = arith.constant 5 : i32
    %get3A_1878 = arith.index_cast %get3A_1876 : i32 to index
    %get3A_1879 = arith.index_cast %get3A_1877 : i32 to index
    %get3A_1880 = arith.constant 32 : index
    %get3A_1881 = tpu.vector_load %arg11[%get3A_1878, %get3A_1879, %get3A_1880] {strides = array<i32>} : memref<8x8x64xf32, #tpu.memory_space<vmem>>, vector<1x1x16xf32>,
    %get3A_1882 = vector.shape_cast %get3A_1881 : vector<1x1x16xf32> to vector<16xf32>
    %max3A_1883 = arith.maximumf %get3A_1875, %get3A_1882 : vector<16xf32>
    %max3A_1884 = arith.maximumf %max3A_1838, %max3A_1853 : vector<16xf32>
    %max3A_1885 = arith.maximumf %max3A_1868, %max3A_1883 : vector<16xf32>
    %max3A_1886 = arith.maximumf %max3A_1884, %max3A_1885 : vector<16xf32>
    %swap3A_1887 = arith.constant 5 : i32
    %swap3A_1888 = arith.index_cast %swap3A_1887 : i32 to index
    %swap3A_1889 = arith.constant 32 : index
    %swap3A_1890 = tpu.vector_load %arg12[%swap3A_1888, %swap3A_1889] {strides = array<i32>} : memref<8x64xf32, #tpu.memory_space<vmem>>, vector<1x16xf32>,
    %swap3A_1891 = vector.shape_cast %swap3A_1890 : vector<1x16xf32> to vector<16xf32>
    %swap3A_1892 = vector.shape_cast %max3A_1886 : vector<16xf32> to vector<1x16xf32>
    tpu.vector_store %arg12[%swap3A_1888, %swap3A_1889], %swap3A_1892 {strides = array<i32>} : memref<8x64xf32, #tpu.memory_space<vmem>>, vector<1x16xf32>,
    %add3A_1893 = arith.constant 5 : i32
    %add3A_1894 = arith.addi %mul3A_81, %add3A_1893 : i32
    %get3A_1895 = arith.index_cast %add3A_1894 : i32 to index
    %get3A_1896 = arith.constant 48 : index
    %get3A_1897 = tpu.vector_load %arg10[%get3A_1895, %get3A_1896] {strides = array<i32>} : memref<64x64xf32, #tpu.memory_space<vmem>>, vector<1x16xf32>,
    %get3A_1898 = vector.shape_cast %get3A_1897 : vector<1x16xf32> to vector<16xf32>
    %get3A_1899 = arith.constant 1 : i32
    %get3A_1900 = arith.constant 5 : i32
    %get3A_1901 = arith.index_cast %get3A_1899 : i32 to index
    %get3A_1902 = arith.index_cast %get3A_1900 : i32 to index
    %get3A_1903 = arith.constant 48 : index
    %get3A_1904 = tpu.vector_load %arg11[%get3A_1901, %get3A_1902, %get3A_1903] {strides = array<i32>} : memref<8x8x64xf32, #tpu.memory_space<vmem>>, vector<1x1x16xf32>,
    %get3A_1905 = vector.shape_cast %get3A_1904 : vector<1x1x16xf32> to vector<16xf32>
    %max3A_1906 = arith.maximumf %get3A_1898, %get3A_1905 : vector<16xf32>
    %get3A_1907 = arith.constant 2 : i32
    %get3A_1908 = arith.constant 5 : i32
    %get3A_1909 = arith.index_cast %get3A_1907 : i32 to index
    %get3A_1910 = arith.index_cast %get3A_1908 : i32 to index
    %get3A_1911 = arith.constant 48 : index
    %get3A_1912 = tpu.vector_load %arg11[%get3A_1909, %get3A_1910, %get3A_1911] {strides = array<i32>} : memref<8x8x64xf32, #tpu.memory_space<vmem>>, vector<1x1x16xf32>,
    %get3A_1913 = vector.shape_cast %get3A_1912 : vector<1x1x16xf32> to vector<16xf32>
    %get3A_1914 = arith.constant 3 : i32
    %get3A_1915 = arith.constant 5 : i32
    %get3A_1916 = arith.index_cast %get3A_1914 : i32 to index
    %get3A_1917 = arith.index_cast %get3A_1915 : i32 to index
    %get3A_1918 = arith.constant 48 : index
    %get3A_1919 = tpu.vector_load %arg11[%get3A_1916, %get3A_1917, %get3A_1918] {strides = array<i32>} : memref<8x8x64xf32, #tpu.memory_space<vmem>>, vector<1x1x16xf32>,
    %get3A_1920 = vector.shape_cast %get3A_1919 : vector<1x1x16xf32> to vector<16xf32>
    %max3A_1921 = arith.maximumf %get3A_1913, %get3A_1920 : vector<16xf32>
    %get3A_1922 = arith.constant 4 : i32
    %get3A_1923 = arith.constant 5 : i32
    %get3A_1924 = arith.index_cast %get3A_1922 : i32 to index
    %get3A_1925 = arith.index_cast %get3A_1923 : i32 to index
    %get3A_1926 = arith.constant 48 : index
    %get3A_1927 = tpu.vector_load %arg11[%get3A_1924, %get3A_1925, %get3A_1926] {strides = array<i32>} : memref<8x8x64xf32, #tpu.memory_space<vmem>>, vector<1x1x16xf32>,
    %get3A_1928 = vector.shape_cast %get3A_1927 : vector<1x1x16xf32> to vector<16xf32>
    %get3A_1929 = arith.constant 5 : i32
    %get3A_1930 = arith.constant 5 : i32
    %get3A_1931 = arith.index_cast %get3A_1929 : i32 to index
    %get3A_1932 = arith.index_cast %get3A_1930 : i32 to index
    %get3A_1933 = arith.constant 48 : index
    %get3A_1934 = tpu.vector_load %arg11[%get3A_1931, %get3A_1932, %get3A_1933] {strides = array<i32>} : memref<8x8x64xf32, #tpu.memory_space<vmem>>, vector<1x1x16xf32>,
    %get3A_1935 = vector.shape_cast %get3A_1934 : vector<1x1x16xf32> to vector<16xf32>
    %max3A_1936 = arith.maximumf %get3A_1928, %get3A_1935 : vector<16xf32>
    %get3A_1937 = arith.constant 6 : i32
    %get3A_1938 = arith.constant 5 : i32
    %get3A_1939 = arith.index_cast %get3A_1937 : i32 to index
    %get3A_1940 = arith.index_cast %get3A_1938 : i32 to index
    %get3A_1941 = arith.constant 48 : index
    %get3A_1942 = tpu.vector_load %arg11[%get3A_1939, %get3A_1940, %get3A_1941] {strides = array<i32>} : memref<8x8x64xf32, #tpu.memory_space<vmem>>, vector<1x1x16xf32>,
    %get3A_1943 = vector.shape_cast %get3A_1942 : vector<1x1x16xf32> to vector<16xf32>
    %get3A_1944 = arith.constant 7 : i32
    %get3A_1945 = arith.constant 5 : i32
    %get3A_1946 = arith.index_cast %get3A_1944 : i32 to index
    %get3A_1947 = arith.index_cast %get3A_1945 : i32 to index
    %get3A_1948 = arith.constant 48 : index
    %get3A_1949 = tpu.vector_load %arg11[%get3A_1946, %get3A_1947, %get3A_1948] {strides = array<i32>} : memref<8x8x64xf32, #tpu.memory_space<vmem>>, vector<1x1x16xf32>,
    %get3A_1950 = vector.shape_cast %get3A_1949 : vector<1x1x16xf32> to vector<16xf32>
    %max3A_1951 = arith.maximumf %get3A_1943, %get3A_1950 : vector<16xf32>
    %max3A_1952 = arith.maximumf %max3A_1906, %max3A_1921 : vector<16xf32>
    %max3A_1953 = arith.maximumf %max3A_1936, %max3A_1951 : vector<16xf32>
    %max3A_1954 = arith.maximumf %max3A_1952, %max3A_1953 : vector<16xf32>
    %swap3A_1955 = arith.constant 5 : i32
    %swap3A_1956 = arith.index_cast %swap3A_1955 : i32 to index
    %swap3A_1957 = arith.constant 48 : index
    %swap3A_1958 = tpu.vector_load %arg12[%swap3A_1956, %swap3A_1957] {strides = array<i32>} : memref<8x64xf32, #tpu.memory_space<vmem>>, vector<1x16xf32>,
    %swap3A_1959 = vector.shape_cast %swap3A_1958 : vector<1x16xf32> to vector<16xf32>
    %swap3A_1960 = vector.shape_cast %max3A_1954 : vector<16xf32> to vector<1x16xf32>
    tpu.vector_store %arg12[%swap3A_1956, %swap3A_1957], %swap3A_1960 {strides = array<i32>} : memref<8x64xf32, #tpu.memory_space<vmem>>, vector<1x16xf32>,
    %add3A_1961 = arith.constant 6 : i32
    %add3A_1962 = arith.addi %mul3A_81, %add3A_1961 : i32
    %get3A_1963 = arith.index_cast %add3A_1962 : i32 to index
    %get3A_1964 = arith.constant 0 : index
    %get3A_1965 = tpu.vector_load %arg10[%get3A_1963, %get3A_1964] {strides = array<i32>} : memref<64x64xf32, #tpu.memory_space<vmem>>, vector<1x16xf32>,
    %get3A_1966 = vector.shape_cast %get3A_1965 : vector<1x16xf32> to vector<16xf32>
    %get3A_1967 = arith.constant 1 : i32
    %get3A_1968 = arith.constant 6 : i32
    %get3A_1969 = arith.index_cast %get3A_1967 : i32 to index
    %get3A_1970 = arith.index_cast %get3A_1968 : i32 to index
    %get3A_1971 = arith.constant 0 : index
    %get3A_1972 = tpu.vector_load %arg11[%get3A_1969, %get3A_1970, %get3A_1971] {strides = array<i32>} : memref<8x8x64xf32, #tpu.memory_space<vmem>>, vector<1x1x16xf32>,
    %get3A_1973 = vector.shape_cast %get3A_1972 : vector<1x1x16xf32> to vector<16xf32>
    %max3A_1974 = arith.maximumf %get3A_1966, %get3A_1973 : vector<16xf32>
    %get3A_1975 = arith.constant 2 : i32
    %get3A_1976 = arith.constant 6 : i32
    %get3A_1977 = arith.index_cast %get3A_1975 : i32 to index
    %get3A_1978 = arith.index_cast %get3A_1976 : i32 to index
    %get3A_1979 = arith.constant 0 : index
    %get3A_1980 = tpu.vector_load %arg11[%get3A_1977, %get3A_1978, %get3A_1979] {strides = array<i32>} : memref<8x8x64xf32, #tpu.memory_space<vmem>>, vector<1x1x16xf32>,
    %get3A_1981 = vector.shape_cast %get3A_1980 : vector<1x1x16xf32> to vector<16xf32>
    %get3A_1982 = arith.constant 3 : i32
    %get3A_1983 = arith.constant 6 : i32
    %get3A_1984 = arith.index_cast %get3A_1982 : i32 to index
    %get3A_1985 = arith.index_cast %get3A_1983 : i32 to index
    %get3A_1986 = arith.constant 0 : index
    %get3A_1987 = tpu.vector_load %arg11[%get3A_1984, %get3A_1985, %get3A_1986] {strides = array<i32>} : memref<8x8x64xf32, #tpu.memory_space<vmem>>, vector<1x1x16xf32>,
    %get3A_1988 = vector.shape_cast %get3A_1987 : vector<1x1x16xf32> to vector<16xf32>
    %max3A_1989 = arith.maximumf %get3A_1981, %get3A_1988 : vector<16xf32>
    %get3A_1990 = arith.constant 4 : i32
    %get3A_1991 = arith.constant 6 : i32
    %get3A_1992 = arith.index_cast %get3A_1990 : i32 to index
    %get3A_1993 = arith.index_cast %get3A_1991 : i32 to index
    %get3A_1994 = arith.constant 0 : index
    %get3A_1995 = tpu.vector_load %arg11[%get3A_1992, %get3A_1993, %get3A_1994] {strides = array<i32>} : memref<8x8x64xf32, #tpu.memory_space<vmem>>, vector<1x1x16xf32>,
    %get3A_1996 = vector.shape_cast %get3A_1995 : vector<1x1x16xf32> to vector<16xf32>
    %get3A_1997 = arith.constant 5 : i32
    %get3A_1998 = arith.constant 6 : i32
    %get3A_1999 = arith.index_cast %get3A_1997 : i32 to index
    %get3A_2000 = arith.index_cast %get3A_1998 : i32 to index
    %get3A_2001 = arith.constant 0 : index
    %get3A_2002 = tpu.vector_load %arg11[%get3A_1999, %get3A_2000, %get3A_2001] {strides = array<i32>} : memref<8x8x64xf32, #tpu.memory_space<vmem>>, vector<1x1x16xf32>,
    %get3A_2003 = vector.shape_cast %get3A_2002 : vector<1x1x16xf32> to vector<16xf32>
    %max3A_2004 = arith.maximumf %get3A_1996, %get3A_2003 : vector<16xf32>
    %get3A_2005 = arith.constant 6 : i32
    %get3A_2006 = arith.constant 6 : i32
    %get3A_2007 = arith.index_cast %get3A_2005 : i32 to index
    %get3A_2008 = arith.index_cast %get3A_2006 : i32 to index
    %get3A_2009 = arith.constant 0 : index
    %get3A_2010 = tpu.vector_load %arg11[%get3A_2007, %get3A_2008, %get3A_2009] {strides = array<i32>} : memref<8x8x64xf32, #tpu.memory_space<vmem>>, vector<1x1x16xf32>,
    %get3A_2011 = vector.shape_cast %get3A_2010 : vector<1x1x16xf32> to vector<16xf32>
    %get3A_2012 = arith.constant 7 : i32
    %get3A_2013 = arith.constant 6 : i32
    %get3A_2014 = arith.index_cast %get3A_2012 : i32 to index
    %get3A_2015 = arith.index_cast %get3A_2013 : i32 to index
    %get3A_2016 = arith.constant 0 : index
    %get3A_2017 = tpu.vector_load %arg11[%get3A_2014, %get3A_2015, %get3A_2016] {strides = array<i32>} : memref<8x8x64xf32, #tpu.memory_space<vmem>>, vector<1x1x16xf32>,
    %get3A_2018 = vector.shape_cast %get3A_2017 : vector<1x1x16xf32> to vector<16xf32>
    %max3A_2019 = arith.maximumf %get3A_2011, %get3A_2018 : vector<16xf32>
    %max3A_2020 = arith.maximumf %max3A_1974, %max3A_1989 : vector<16xf32>
    %max3A_2021 = arith.maximumf %max3A_2004, %max3A_2019 : vector<16xf32>
    %max3A_2022 = arith.maximumf %max3A_2020, %max3A_2021 : vector<16xf32>
    %swap3A_2023 = arith.constant 6 : i32
    %swap3A_2024 = arith.index_cast %swap3A_2023 : i32 to index
    %swap3A_2025 = arith.constant 0 : index
    %swap3A_2026 = tpu.vector_load %arg12[%swap3A_2024, %swap3A_2025] {strides = array<i32>} : memref<8x64xf32, #tpu.memory_space<vmem>>, vector<1x16xf32>,
    %swap3A_2027 = vector.shape_cast %swap3A_2026 : vector<1x16xf32> to vector<16xf32>
    %swap3A_2028 = vector.shape_cast %max3A_2022 : vector<16xf32> to vector<1x16xf32>
    tpu.vector_store %arg12[%swap3A_2024, %swap3A_2025], %swap3A_2028 {strides = array<i32>} : memref<8x64xf32, #tpu.memory_space<vmem>>, vector<1x16xf32>,
    %add3A_2029 = arith.constant 6 : i32
    %add3A_2030 = arith.addi %mul3A_81, %add3A_2029 : i32
    %get3A_2031 = arith.index_cast %add3A_2030 : i32 to index
    %get3A_2032 = arith.constant 16 : index
    %get3A_2033 = tpu.vector_load %arg10[%get3A_2031, %get3A_2032] {strides = array<i32>} : memref<64x64xf32, #tpu.memory_space<vmem>>, vector<1x16xf32>,
    %get3A_2034 = vector.shape_cast %get3A_2033 : vector<1x16xf32> to vector<16xf32>
    %get3A_2035 = arith.constant 1 : i32
    %get3A_2036 = arith.constant 6 : i32
    %get3A_2037 = arith.index_cast %get3A_2035 : i32 to index
    %get3A_2038 = arith.index_cast %get3A_2036 : i32 to index
    %get3A_2039 = arith.constant 16 : index
    %get3A_2040 = tpu.vector_load %arg11[%get3A_2037, %get3A_2038, %get3A_2039] {strides = array<i32>} : memref<8x8x64xf32, #tpu.memory_space<vmem>>, vector<1x1x16xf32>,
    %get3A_2041 = vector.shape_cast %get3A_2040 : vector<1x1x16xf32> to vector<16xf32>
    %max3A_2042 = arith.maximumf %get3A_2034, %get3A_2041 : vector<16xf32>
    %get3A_2043 = arith.constant 2 : i32
    %get3A_2044 = arith.constant 6 : i32
    %get3A_2045 = arith.index_cast %get3A_2043 : i32 to index
    %get3A_2046 = arith.index_cast %get3A_2044 : i32 to index
    %get3A_2047 = arith.constant 16 : index
    %get3A_2048 = tpu.vector_load %arg11[%get3A_2045, %get3A_2046, %get3A_2047] {strides = array<i32>} : memref<8x8x64xf32, #tpu.memory_space<vmem>>, vector<1x1x16xf32>,
    %get3A_2049 = vector.shape_cast %get3A_2048 : vector<1x1x16xf32> to vector<16xf32>
    %get3A_2050 = arith.constant 3 : i32
    %get3A_2051 = arith.constant 6 : i32
    %get3A_2052 = arith.index_cast %get3A_2050 : i32 to index
    %get3A_2053 = arith.index_cast %get3A_2051 : i32 to index
    %get3A_2054 = arith.constant 16 : index
    %get3A_2055 = tpu.vector_load %arg11[%get3A_2052, %get3A_2053, %get3A_2054] {strides = array<i32>} : memref<8x8x64xf32, #tpu.memory_space<vmem>>, vector<1x1x16xf32>,
    %get3A_2056 = vector.shape_cast %get3A_2055 : vector<1x1x16xf32> to vector<16xf32>
    %max3A_2057 = arith.maximumf %get3A_2049, %get3A_2056 : vector<16xf32>
    %get3A_2058 = arith.constant 4 : i32
    %get3A_2059 = arith.constant 6 : i32
    %get3A_2060 = arith.index_cast %get3A_2058 : i32 to index
    %get3A_2061 = arith.index_cast %get3A_2059 : i32 to index
    %get3A_2062 = arith.constant 16 : index
    %get3A_2063 = tpu.vector_load %arg11[%get3A_2060, %get3A_2061, %get3A_2062] {strides = array<i32>} : memref<8x8x64xf32, #tpu.memory_space<vmem>>, vector<1x1x16xf32>,
    %get3A_2064 = vector.shape_cast %get3A_2063 : vector<1x1x16xf32> to vector<16xf32>
    %get3A_2065 = arith.constant 5 : i32
    %get3A_2066 = arith.constant 6 : i32
    %get3A_2067 = arith.index_cast %get3A_2065 : i32 to index
    %get3A_2068 = arith.index_cast %get3A_2066 : i32 to index
    %get3A_2069 = arith.constant 16 : index
    %get3A_2070 = tpu.vector_load %arg11[%get3A_2067, %get3A_2068, %get3A_2069] {strides = array<i32>} : memref<8x8x64xf32, #tpu.memory_space<vmem>>, vector<1x1x16xf32>,
    %get3A_2071 = vector.shape_cast %get3A_2070 : vector<1x1x16xf32> to vector<16xf32>
    %max3A_2072 = arith.maximumf %get3A_2064, %get3A_2071 : vector<16xf32>
    %get3A_2073 = arith.constant 6 : i32
    %get3A_2074 = arith.constant 6 : i32
    %get3A_2075 = arith.index_cast %get3A_2073 : i32 to index
    %get3A_2076 = arith.index_cast %get3A_2074 : i32 to index
    %get3A_2077 = arith.constant 16 : index
    %get3A_2078 = tpu.vector_load %arg11[%get3A_2075, %get3A_2076, %get3A_2077] {strides = array<i32>} : memref<8x8x64xf32, #tpu.memory_space<vmem>>, vector<1x1x16xf32>,
    %get3A_2079 = vector.shape_cast %get3A_2078 : vector<1x1x16xf32> to vector<16xf32>
    %get3A_2080 = arith.constant 7 : i32
    %get3A_2081 = arith.constant 6 : i32
    %get3A_2082 = arith.index_cast %get3A_2080 : i32 to index
    %get3A_2083 = arith.index_cast %get3A_2081 : i32 to index
    %get3A_2084 = arith.constant 16 : index
    %get3A_2085 = tpu.vector_load %arg11[%get3A_2082, %get3A_2083, %get3A_2084] {strides = array<i32>} : memref<8x8x64xf32, #tpu.memory_space<vmem>>, vector<1x1x16xf32>,
    %get3A_2086 = vector.shape_cast %get3A_2085 : vector<1x1x16xf32> to vector<16xf32>
    %max3A_2087 = arith.maximumf %get3A_2079, %get3A_2086 : vector<16xf32>
    %max3A_2088 = arith.maximumf %max3A_2042, %max3A_2057 : vector<16xf32>
    %max3A_2089 = arith.maximumf %max3A_2072, %max3A_2087 : vector<16xf32>
    %max3A_2090 = arith.maximumf %max3A_2088, %max3A_2089 : vector<16xf32>
    %swap3A_2091 = arith.constant 6 : i32
    %swap3A_2092 = arith.index_cast %swap3A_2091 : i32 to index
    %swap3A_2093 = arith.constant 16 : index
    %swap3A_2094 = tpu.vector_load %arg12[%swap3A_2092, %swap3A_2093] {strides = array<i32>} : memref<8x64xf32, #tpu.memory_space<vmem>>, vector<1x16xf32>,
    %swap3A_2095 = vector.shape_cast %swap3A_2094 : vector<1x16xf32> to vector<16xf32>
    %swap3A_2096 = vector.shape_cast %max3A_2090 : vector<16xf32> to vector<1x16xf32>
    tpu.vector_store %arg12[%swap3A_2092, %swap3A_2093], %swap3A_2096 {strides = array<i32>} : memref<8x64xf32, #tpu.memory_space<vmem>>, vector<1x16xf32>,
    %add3A_2097 = arith.constant 6 : i32
    %add3A_2098 = arith.addi %mul3A_81, %add3A_2097 : i32
    %get3A_2099 = arith.index_cast %add3A_2098 : i32 to index
    %get3A_2100 = arith.constant 32 : index
    %get3A_2101 = tpu.vector_load %arg10[%get3A_2099, %get3A_2100] {strides = array<i32>} : memref<64x64xf32, #tpu.memory_space<vmem>>, vector<1x16xf32>,
    %get3A_2102 = vector.shape_cast %get3A_2101 : vector<1x16xf32> to vector<16xf32>
    %get3A_2103 = arith.constant 1 : i32
    %get3A_2104 = arith.constant 6 : i32
    %get3A_2105 = arith.index_cast %get3A_2103 : i32 to index
    %get3A_2106 = arith.index_cast %get3A_2104 : i32 to index
    %get3A_2107 = arith.constant 32 : index
    %get3A_2108 = tpu.vector_load %arg11[%get3A_2105, %get3A_2106, %get3A_2107] {strides = array<i32>} : memref<8x8x64xf32, #tpu.memory_space<vmem>>, vector<1x1x16xf32>,
    %get3A_2109 = vector.shape_cast %get3A_2108 : vector<1x1x16xf32> to vector<16xf32>
    %max3A_2110 = arith.maximumf %get3A_2102, %get3A_2109 : vector<16xf32>
    %get3A_2111 = arith.constant 2 : i32
    %get3A_2112 = arith.constant 6 : i32
    %get3A_2113 = arith.index_cast %get3A_2111 : i32 to index
    %get3A_2114 = arith.index_cast %get3A_2112 : i32 to index
    %get3A_2115 = arith.constant 32 : index
    %get3A_2116 = tpu.vector_load %arg11[%get3A_2113, %get3A_2114, %get3A_2115] {strides = array<i32>} : memref<8x8x64xf32, #tpu.memory_space<vmem>>, vector<1x1x16xf32>,
    %get3A_2117 = vector.shape_cast %get3A_2116 : vector<1x1x16xf32> to vector<16xf32>
    %get3A_2118 = arith.constant 3 : i32
    %get3A_2119 = arith.constant 6 : i32
    %get3A_2120 = arith.index_cast %get3A_2118 : i32 to index
    %get3A_2121 = arith.index_cast %get3A_2119 : i32 to index
    %get3A_2122 = arith.constant 32 : index
    %get3A_2123 = tpu.vector_load %arg11[%get3A_2120, %get3A_2121, %get3A_2122] {strides = array<i32>} : memref<8x8x64xf32, #tpu.memory_space<vmem>>, vector<1x1x16xf32>,
    %get3A_2124 = vector.shape_cast %get3A_2123 : vector<1x1x16xf32> to vector<16xf32>
    %max3A_2125 = arith.maximumf %get3A_2117, %get3A_2124 : vector<16xf32>
    %get3A_2126 = arith.constant 4 : i32
    %get3A_2127 = arith.constant 6 : i32
    %get3A_2128 = arith.index_cast %get3A_2126 : i32 to index
    %get3A_2129 = arith.index_cast %get3A_2127 : i32 to index
    %get3A_2130 = arith.constant 32 : index
    %get3A_2131 = tpu.vector_load %arg11[%get3A_2128, %get3A_2129, %get3A_2130] {strides = array<i32>} : memref<8x8x64xf32, #tpu.memory_space<vmem>>, vector<1x1x16xf32>,
    %get3A_2132 = vector.shape_cast %get3A_2131 : vector<1x1x16xf32> to vector<16xf32>
    %get3A_2133 = arith.constant 5 : i32
    %get3A_2134 = arith.constant 6 : i32
    %get3A_2135 = arith.index_cast %get3A_2133 : i32 to index
    %get3A_2136 = arith.index_cast %get3A_2134 : i32 to index
    %get3A_2137 = arith.constant 32 : index
    %get3A_2138 = tpu.vector_load %arg11[%get3A_2135, %get3A_2136, %get3A_2137] {strides = array<i32>} : memref<8x8x64xf32, #tpu.memory_space<vmem>>, vector<1x1x16xf32>,
    %get3A_2139 = vector.shape_cast %get3A_2138 : vector<1x1x16xf32> to vector<16xf32>
    %max3A_2140 = arith.maximumf %get3A_2132, %get3A_2139 : vector<16xf32>
    %get3A_2141 = arith.constant 6 : i32
    %get3A_2142 = arith.constant 6 : i32
    %get3A_2143 = arith.index_cast %get3A_2141 : i32 to index
    %get3A_2144 = arith.index_cast %get3A_2142 : i32 to index
    %get3A_2145 = arith.constant 32 : index
    %get3A_2146 = tpu.vector_load %arg11[%get3A_2143, %get3A_2144, %get3A_2145] {strides = array<i32>} : memref<8x8x64xf32, #tpu.memory_space<vmem>>, vector<1x1x16xf32>,
    %get3A_2147 = vector.shape_cast %get3A_2146 : vector<1x1x16xf32> to vector<16xf32>
    %get3A_2148 = arith.constant 7 : i32
    %get3A_2149 = arith.constant 6 : i32
    %get3A_2150 = arith.index_cast %get3A_2148 : i32 to index
    %get3A_2151 = arith.index_cast %get3A_2149 : i32 to index
    %get3A_2152 = arith.constant 32 : index
    %get3A_2153 = tpu.vector_load %arg11[%get3A_2150, %get3A_2151, %get3A_2152] {strides = array<i32>} : memref<8x8x64xf32, #tpu.memory_space<vmem>>, vector<1x1x16xf32>,
    %get3A_2154 = vector.shape_cast %get3A_2153 : vector<1x1x16xf32> to vector<16xf32>
    %max3A_2155 = arith.maximumf %get3A_2147, %get3A_2154 : vector<16xf32>
    %max3A_2156 = arith.maximumf %max3A_2110, %max3A_2125 : vector<16xf32>
    %max3A_2157 = arith.maximumf %max3A_2140, %max3A_2155 : vector<16xf32>
    %max3A_2158 = arith.maximumf %max3A_2156, %max3A_2157 : vector<16xf32>
    %swap3A_2159 = arith.constant 6 : i32
    %swap3A_2160 = arith.index_cast %swap3A_2159 : i32 to index
    %swap3A_2161 = arith.constant 32 : index
    %swap3A_2162 = tpu.vector_load %arg12[%swap3A_2160, %swap3A_2161] {strides = array<i32>} : memref<8x64xf32, #tpu.memory_space<vmem>>, vector<1x16xf32>,
    %swap3A_2163 = vector.shape_cast %swap3A_2162 : vector<1x16xf32> to vector<16xf32>
    %swap3A_2164 = vector.shape_cast %max3A_2158 : vector<16xf32> to vector<1x16xf32>
    tpu.vector_store %arg12[%swap3A_2160, %swap3A_2161], %swap3A_2164 {strides = array<i32>} : memref<8x64xf32, #tpu.memory_space<vmem>>, vector<1x16xf32>,
    %add3A_2165 = arith.constant 6 : i32
    %add3A_2166 = arith.addi %mul3A_81, %add3A_2165 : i32
    %get3A_2167 = arith.index_cast %add3A_2166 : i32 to index
    %get3A_2168 = arith.constant 48 : index
    %get3A_2169 = tpu.vector_load %arg10[%get3A_2167, %get3A_2168] {strides = array<i32>} : memref<64x64xf32, #tpu.memory_space<vmem>>, vector<1x16xf32>,
    %get3A_2170 = vector.shape_cast %get3A_2169 : vector<1x16xf32> to vector<16xf32>
    %get3A_2171 = arith.constant 1 : i32
    %get3A_2172 = arith.constant 6 : i32
    %get3A_2173 = arith.index_cast %get3A_2171 : i32 to index
    %get3A_2174 = arith.index_cast %get3A_2172 : i32 to index
    %get3A_2175 = arith.constant 48 : index
    %get3A_2176 = tpu.vector_load %arg11[%get3A_2173, %get3A_2174, %get3A_2175] {strides = array<i32>} : memref<8x8x64xf32, #tpu.memory_space<vmem>>, vector<1x1x16xf32>,
    %get3A_2177 = vector.shape_cast %get3A_2176 : vector<1x1x16xf32> to vector<16xf32>
    %max3A_2178 = arith.maximumf %get3A_2170, %get3A_2177 : vector<16xf32>
    %get3A_2179 = arith.constant 2 : i32
    %get3A_2180 = arith.constant 6 : i32
    %get3A_2181 = arith.index_cast %get3A_2179 : i32 to index
    %get3A_2182 = arith.index_cast %get3A_2180 : i32 to index
    %get3A_2183 = arith.constant 48 : index
    %get3A_2184 = tpu.vector_load %arg11[%get3A_2181, %get3A_2182, %get3A_2183] {strides = array<i32>} : memref<8x8x64xf32, #tpu.memory_space<vmem>>, vector<1x1x16xf32>,
    %get3A_2185 = vector.shape_cast %get3A_2184 : vector<1x1x16xf32> to vector<16xf32>
    %get3A_2186 = arith.constant 3 : i32
    %get3A_2187 = arith.constant 6 : i32
    %get3A_2188 = arith.index_cast %get3A_2186 : i32 to index
    %get3A_2189 = arith.index_cast %get3A_2187 : i32 to index
    %get3A_2190 = arith.constant 48 : index
    %get3A_2191 = tpu.vector_load %arg11[%get3A_2188, %get3A_2189, %get3A_2190] {strides = array<i32>} : memref<8x8x64xf32, #tpu.memory_space<vmem>>, vector<1x1x16xf32>,
    %get3A_2192 = vector.shape_cast %get3A_2191 : vector<1x1x16xf32> to vector<16xf32>
    %max3A_2193 = arith.maximumf %get3A_2185, %get3A_2192 : vector<16xf32>
    %get3A_2194 = arith.constant 4 : i32
    %get3A_2195 = arith.constant 6 : i32
    %get3A_2196 = arith.index_cast %get3A_2194 : i32 to index
    %get3A_2197 = arith.index_cast %get3A_2195 : i32 to index
    %get3A_2198 = arith.constant 48 : index
    %get3A_2199 = tpu.vector_load %arg11[%get3A_2196, %get3A_2197, %get3A_2198] {strides = array<i32>} : memref<8x8x64xf32, #tpu.memory_space<vmem>>, vector<1x1x16xf32>,
    %get3A_2200 = vector.shape_cast %get3A_2199 : vector<1x1x16xf32> to vector<16xf32>
    %get3A_2201 = arith.constant 5 : i32
    %get3A_2202 = arith.constant 6 : i32
    %get3A_2203 = arith.index_cast %get3A_2201 : i32 to index
    %get3A_2204 = arith.index_cast %get3A_2202 : i32 to index
    %get3A_2205 = arith.constant 48 : index
    %get3A_2206 = tpu.vector_load %arg11[%get3A_2203, %get3A_2204, %get3A_2205] {strides = array<i32>} : memref<8x8x64xf32, #tpu.memory_space<vmem>>, vector<1x1x16xf32>,
    %get3A_2207 = vector.shape_cast %get3A_2206 : vector<1x1x16xf32> to vector<16xf32>
    %max3A_2208 = arith.maximumf %get3A_2200, %get3A_2207 : vector<16xf32>
    %get3A_2209 = arith.constant 6 : i32
    %get3A_2210 = arith.constant 6 : i32
    %get3A_2211 = arith.index_cast %get3A_2209 : i32 to index
    %get3A_2212 = arith.index_cast %get3A_2210 : i32 to index
    %get3A_2213 = arith.constant 48 : index
    %get3A_2214 = tpu.vector_load %arg11[%get3A_2211, %get3A_2212, %get3A_2213] {strides = array<i32>} : memref<8x8x64xf32, #tpu.memory_space<vmem>>, vector<1x1x16xf32>,
    %get3A_2215 = vector.shape_cast %get3A_2214 : vector<1x1x16xf32> to vector<16xf32>
    %get3A_2216 = arith.constant 7 : i32
    %get3A_2217 = arith.constant 6 : i32
    %get3A_2218 = arith.index_cast %get3A_2216 : i32 to index
    %get3A_2219 = arith.index_cast %get3A_2217 : i32 to index
    %get3A_2220 = arith.constant 48 : index
    %get3A_2221 = tpu.vector_load %arg11[%get3A_2218, %get3A_2219, %get3A_2220] {strides = array<i32>} : memref<8x8x64xf32, #tpu.memory_space<vmem>>, vector<1x1x16xf32>,
    %get3A_2222 = vector.shape_cast %get3A_2221 : vector<1x1x16xf32> to vector<16xf32>
    %max3A_2223 = arith.maximumf %get3A_2215, %get3A_2222 : vector<16xf32>
    %max3A_2224 = arith.maximumf %max3A_2178, %max3A_2193 : vector<16xf32>
    %max3A_2225 = arith.maximumf %max3A_2208, %max3A_2223 : vector<16xf32>
    %max3A_2226 = arith.maximumf %max3A_2224, %max3A_2225 : vector<16xf32>
    %swap3A_2227 = arith.constant 6 : i32
    %swap3A_2228 = arith.index_cast %swap3A_2227 : i32 to index
    %swap3A_2229 = arith.constant 48 : index
    %swap3A_2230 = tpu.vector_load %arg12[%swap3A_2228, %swap3A_2229] {strides = array<i32>} : memref<8x64xf32, #tpu.memory_space<vmem>>, vector<1x16xf32>,
    %swap3A_2231 = vector.shape_cast %swap3A_2230 : vector<1x16xf32> to vector<16xf32>
    %swap3A_2232 = vector.shape_cast %max3A_2226 : vector<16xf32> to vector<1x16xf32>
    tpu.vector_store %arg12[%swap3A_2228, %swap3A_2229], %swap3A_2232 {strides = array<i32>} : memref<8x64xf32, #tpu.memory_space<vmem>>, vector<1x16xf32>,
    %add3A_2233 = arith.constant 7 : i32
    %add3A_2234 = arith.addi %mul3A_81, %add3A_2233 : i32
    %get3A_2235 = arith.index_cast %add3A_2234 : i32 to index
    %get3A_2236 = arith.constant 0 : index
    %get3A_2237 = tpu.vector_load %arg10[%get3A_2235, %get3A_2236] {strides = array<i32>} : memref<64x64xf32, #tpu.memory_space<vmem>>, vector<1x16xf32>,
    %get3A_2238 = vector.shape_cast %get3A_2237 : vector<1x16xf32> to vector<16xf32>
    %get3A_2239 = arith.constant 1 : i32
    %get3A_2240 = arith.constant 7 : i32
    %get3A_2241 = arith.index_cast %get3A_2239 : i32 to index
    %get3A_2242 = arith.index_cast %get3A_2240 : i32 to index
    %get3A_2243 = arith.constant 0 : index
    %get3A_2244 = tpu.vector_load %arg11[%get3A_2241, %get3A_2242, %get3A_2243] {strides = array<i32>} : memref<8x8x64xf32, #tpu.memory_space<vmem>>, vector<1x1x16xf32>,
    %get3A_2245 = vector.shape_cast %get3A_2244 : vector<1x1x16xf32> to vector<16xf32>
    %max3A_2246 = arith.maximumf %get3A_2238, %get3A_2245 : vector<16xf32>
    %get3A_2247 = arith.constant 2 : i32
    %get3A_2248 = arith.constant 7 : i32
    %get3A_2249 = arith.index_cast %get3A_2247 : i32 to index
    %get3A_2250 = arith.index_cast %get3A_2248 : i32 to index
    %get3A_2251 = arith.constant 0 : index
    %get3A_2252 = tpu.vector_load %arg11[%get3A_2249, %get3A_2250, %get3A_2251] {strides = array<i32>} : memref<8x8x64xf32, #tpu.memory_space<vmem>>, vector<1x1x16xf32>,
    %get3A_2253 = vector.shape_cast %get3A_2252 : vector<1x1x16xf32> to vector<16xf32>
    %get3A_2254 = arith.constant 3 : i32
    %get3A_2255 = arith.constant 7 : i32
    %get3A_2256 = arith.index_cast %get3A_2254 : i32 to index
    %get3A_2257 = arith.index_cast %get3A_2255 : i32 to index
    %get3A_2258 = arith.constant 0 : index
    %get3A_2259 = tpu.vector_load %arg11[%get3A_2256, %get3A_2257, %get3A_2258] {strides = array<i32>} : memref<8x8x64xf32, #tpu.memory_space<vmem>>, vector<1x1x16xf32>,
    %get3A_2260 = vector.shape_cast %get3A_2259 : vector<1x1x16xf32> to vector<16xf32>
    %max3A_2261 = arith.maximumf %get3A_2253, %get3A_2260 : vector<16xf32>
    %get3A_2262 = arith.constant 4 : i32
    %get3A_2263 = arith.constant 7 : i32
    %get3A_2264 = arith.index_cast %get3A_2262 : i32 to index
    %get3A_2265 = arith.index_cast %get3A_2263 : i32 to index
    %get3A_2266 = arith.constant 0 : index
    %get3A_2267 = tpu.vector_load %arg11[%get3A_2264, %get3A_2265, %get3A_2266] {strides = array<i32>} : memref<8x8x64xf32, #tpu.memory_space<vmem>>, vector<1x1x16xf32>,
    %get3A_2268 = vector.shape_cast %get3A_2267 : vector<1x1x16xf32> to vector<16xf32>
    %get3A_2269 = arith.constant 5 : i32
    %get3A_2270 = arith.constant 7 : i32
    %get3A_2271 = arith.index_cast %get3A_2269 : i32 to index
    %get3A_2272 = arith.index_cast %get3A_2270 : i32 to index
    %get3A_2273 = arith.constant 0 : index
    %get3A_2274 = tpu.vector_load %arg11[%get3A_2271, %get3A_2272, %get3A_2273] {strides = array<i32>} : memref<8x8x64xf32, #tpu.memory_space<vmem>>, vector<1x1x16xf32>,
    %get3A_2275 = vector.shape_cast %get3A_2274 : vector<1x1x16xf32> to vector<16xf32>
    %max3A_2276 = arith.maximumf %get3A_2268, %get3A_2275 : vector<16xf32>
    %get3A_2277 = arith.constant 6 : i32
    %get3A_2278 = arith.constant 7 : i32
    %get3A_2279 = arith.index_cast %get3A_2277 : i32 to index
    %get3A_2280 = arith.index_cast %get3A_2278 : i32 to index
    %get3A_2281 = arith.constant 0 : index
    %get3A_2282 = tpu.vector_load %arg11[%get3A_2279, %get3A_2280, %get3A_2281] {strides = array<i32>} : memref<8x8x64xf32, #tpu.memory_space<vmem>>, vector<1x1x16xf32>,
    %get3A_2283 = vector.shape_cast %get3A_2282 : vector<1x1x16xf32> to vector<16xf32>
    %get3A_2284 = arith.constant 7 : i32
    %get3A_2285 = arith.constant 7 : i32
    %get3A_2286 = arith.index_cast %get3A_2284 : i32 to index
    %get3A_2287 = arith.index_cast %get3A_2285 : i32 to index
    %get3A_2288 = arith.constant 0 : index
    %get3A_2289 = tpu.vector_load %arg11[%get3A_2286, %get3A_2287, %get3A_2288] {strides = array<i32>} : memref<8x8x64xf32, #tpu.memory_space<vmem>>, vector<1x1x16xf32>,
    %get3A_2290 = vector.shape_cast %get3A_2289 : vector<1x1x16xf32> to vector<16xf32>
    %max3A_2291 = arith.maximumf %get3A_2283, %get3A_2290 : vector<16xf32>
    %max3A_2292 = arith.maximumf %max3A_2246, %max3A_2261 : vector<16xf32>
    %max3A_2293 = arith.maximumf %max3A_2276, %max3A_2291 : vector<16xf32>
    %max3A_2294 = arith.maximumf %max3A_2292, %max3A_2293 : vector<16xf32>
    %swap3A_2295 = arith.constant 7 : i32
    %swap3A_2296 = arith.index_cast %swap3A_2295 : i32 to index
    %swap3A_2297 = arith.constant 0 : index
    %swap3A_2298 = tpu.vector_load %arg12[%swap3A_2296, %swap3A_2297] {strides = array<i32>} : memref<8x64xf32, #tpu.memory_space<vmem>>, vector<1x16xf32>,
    %swap3A_2299 = vector.shape_cast %swap3A_2298 : vector<1x16xf32> to vector<16xf32>
    %swap3A_2300 = vector.shape_cast %max3A_2294 : vector<16xf32> to vector<1x16xf32>
    tpu.vector_store %arg12[%swap3A_2296, %swap3A_2297], %swap3A_2300 {strides = array<i32>} : memref<8x64xf32, #tpu.memory_space<vmem>>, vector<1x16xf32>,
    %add3A_2301 = arith.constant 7 : i32
    %add3A_2302 = arith.addi %mul3A_81, %add3A_2301 : i32
    %get3A_2303 = arith.index_cast %add3A_2302 : i32 to index
    %get3A_2304 = arith.constant 16 : index
    %get3A_2305 = tpu.vector_load %arg10[%get3A_2303, %get3A_2304] {strides = array<i32>} : memref<64x64xf32, #tpu.memory_space<vmem>>, vector<1x16xf32>,
    %get3A_2306 = vector.shape_cast %get3A_2305 : vector<1x16xf32> to vector<16xf32>
    %get3A_2307 = arith.constant 1 : i32
    %get3A_2308 = arith.constant 7 : i32
    %get3A_2309 = arith.index_cast %get3A_2307 : i32 to index
    %get3A_2310 = arith.index_cast %get3A_2308 : i32 to index
    %get3A_2311 = arith.constant 16 : index
    %get3A_2312 = tpu.vector_load %arg11[%get3A_2309, %get3A_2310, %get3A_2311] {strides = array<i32>} : memref<8x8x64xf32, #tpu.memory_space<vmem>>, vector<1x1x16xf32>,
    %get3A_2313 = vector.shape_cast %get3A_2312 : vector<1x1x16xf32> to vector<16xf32>
    %max3A_2314 = arith.maximumf %get3A_2306, %get3A_2313 : vector<16xf32>
    %get3A_2315 = arith.constant 2 : i32
    %get3A_2316 = arith.constant 7 : i32
    %get3A_2317 = arith.index_cast %get3A_2315 : i32 to index
    %get3A_2318 = arith.index_cast %get3A_2316 : i32 to index
    %get3A_2319 = arith.constant 16 : index
    %get3A_2320 = tpu.vector_load %arg11[%get3A_2317, %get3A_2318, %get3A_2319] {strides = array<i32>} : memref<8x8x64xf32, #tpu.memory_space<vmem>>, vector<1x1x16xf32>,
    %get3A_2321 = vector.shape_cast %get3A_2320 : vector<1x1x16xf32> to vector<16xf32>
    %get3A_2322 = arith.constant 3 : i32
    %get3A_2323 = arith.constant 7 : i32
    %get3A_2324 = arith.index_cast %get3A_2322 : i32 to index
    %get3A_2325 = arith.index_cast %get3A_2323 : i32 to index
    %get3A_2326 = arith.constant 16 : index
    %get3A_2327 = tpu.vector_load %arg11[%get3A_2324, %get3A_2325, %get3A_2326] {strides = array<i32>} : memref<8x8x64xf32, #tpu.memory_space<vmem>>, vector<1x1x16xf32>,
    %get3A_2328 = vector.shape_cast %get3A_2327 : vector<1x1x16xf32> to vector<16xf32>
    %max3A_2329 = arith.maximumf %get3A_2321, %get3A_2328 : vector<16xf32>
    %get3A_2330 = arith.constant 4 : i32
    %get3A_2331 = arith.constant 7 : i32
    %get3A_2332 = arith.index_cast %get3A_2330 : i32 to index
    %get3A_2333 = arith.index_cast %get3A_2331 : i32 to index
    %get3A_2334 = arith.constant 16 : index
    %get3A_2335 = tpu.vector_load %arg11[%get3A_2332, %get3A_2333, %get3A_2334] {strides = array<i32>} : memref<8x8x64xf32, #tpu.memory_space<vmem>>, vector<1x1x16xf32>,
    %get3A_2336 = vector.shape_cast %get3A_2335 : vector<1x1x16xf32> to vector<16xf32>
    %get3A_2337 = arith.constant 5 : i32
    %get3A_2338 = arith.constant 7 : i32
    %get3A_2339 = arith.index_cast %get3A_2337 : i32 to index
    %get3A_2340 = arith.index_cast %get3A_2338 : i32 to index
    %get3A_2341 = arith.constant 16 : index
    %get3A_2342 = tpu.vector_load %arg11[%get3A_2339, %get3A_2340, %get3A_2341] {strides = array<i32>} : memref<8x8x64xf32, #tpu.memory_space<vmem>>, vector<1x1x16xf32>,
    %get3A_2343 = vector.shape_cast %get3A_2342 : vector<1x1x16xf32> to vector<16xf32>
    %max3A_2344 = arith.maximumf %get3A_2336, %get3A_2343 : vector<16xf32>
    %get3A_2345 = arith.constant 6 : i32
    %get3A_2346 = arith.constant 7 : i32
    %get3A_2347 = arith.index_cast %get3A_2345 : i32 to index
    %get3A_2348 = arith.index_cast %get3A_2346 : i32 to index
    %get3A_2349 = arith.constant 16 : index
    %get3A_2350 = tpu.vector_load %arg11[%get3A_2347, %get3A_2348, %get3A_2349] {strides = array<i32>} : memref<8x8x64xf32, #tpu.memory_space<vmem>>, vector<1x1x16xf32>,
    %get3A_2351 = vector.shape_cast %get3A_2350 : vector<1x1x16xf32> to vector<16xf32>
    %get3A_2352 = arith.constant 7 : i32
    %get3A_2353 = arith.constant 7 : i32
    %get3A_2354 = arith.index_cast %get3A_2352 : i32 to index
    %get3A_2355 = arith.index_cast %get3A_2353 : i32 to index
    %get3A_2356 = arith.constant 16 : index
    %get3A_2357 = tpu.vector_load %arg11[%get3A_2354, %get3A_2355, %get3A_2356] {strides = array<i32>} : memref<8x8x64xf32, #tpu.memory_space<vmem>>, vector<1x1x16xf32>,
    %get3A_2358 = vector.shape_cast %get3A_2357 : vector<1x1x16xf32> to vector<16xf32>
    %max3A_2359 = arith.maximumf %get3A_2351, %get3A_2358 : vector<16xf32>
    %max3A_2360 = arith.maximumf %max3A_2314, %max3A_2329 : vector<16xf32>
    %max3A_2361 = arith.maximumf %max3A_2344, %max3A_2359 : vector<16xf32>
    %max3A_2362 = arith.maximumf %max3A_2360, %max3A_2361 : vector<16xf32>
    %swap3A_2363 = arith.constant 7 : i32
    %swap3A_2364 = arith.index_cast %swap3A_2363 : i32 to index
    %swap3A_2365 = arith.constant 16 : index
    %swap3A_2366 = tpu.vector_load %arg12[%swap3A_2364, %swap3A_2365] {strides = array<i32>} : memref<8x64xf32, #tpu.memory_space<vmem>>, vector<1x16xf32>,
    %swap3A_2367 = vector.shape_cast %swap3A_2366 : vector<1x16xf32> to vector<16xf32>
    %swap3A_2368 = vector.shape_cast %max3A_2362 : vector<16xf32> to vector<1x16xf32>
    tpu.vector_store %arg12[%swap3A_2364, %swap3A_2365], %swap3A_2368 {strides = array<i32>} : memref<8x64xf32, #tpu.memory_space<vmem>>, vector<1x16xf32>,
    %add3A_2369 = arith.constant 7 : i32
    %add3A_2370 = arith.addi %mul3A_81, %add3A_2369 : i32
    %get3A_2371 = arith.index_cast %add3A_2370 : i32 to index
    %get3A_2372 = arith.constant 32 : index
    %get3A_2373 = tpu.vector_load %arg10[%get3A_2371, %get3A_2372] {strides = array<i32>} : memref<64x64xf32, #tpu.memory_space<vmem>>, vector<1x16xf32>,
    %get3A_2374 = vector.shape_cast %get3A_2373 : vector<1x16xf32> to vector<16xf32>
    %get3A_2375 = arith.constant 1 : i32
    %get3A_2376 = arith.constant 7 : i32
    %get3A_2377 = arith.index_cast %get3A_2375 : i32 to index
    %get3A_2378 = arith.index_cast %get3A_2376 : i32 to index
    %get3A_2379 = arith.constant 32 : index
    %get3A_2380 = tpu.vector_load %arg11[%get3A_2377, %get3A_2378, %get3A_2379] {strides = array<i32>} : memref<8x8x64xf32, #tpu.memory_space<vmem>>, vector<1x1x16xf32>,
    %get3A_2381 = vector.shape_cast %get3A_2380 : vector<1x1x16xf32> to vector<16xf32>
    %max3A_2382 = arith.maximumf %get3A_2374, %get3A_2381 : vector<16xf32>
    %get3A_2383 = arith.constant 2 : i32
    %get3A_2384 = arith.constant 7 : i32
    %get3A_2385 = arith.index_cast %get3A_2383 : i32 to index
    %get3A_2386 = arith.index_cast %get3A_2384 : i32 to index
    %get3A_2387 = arith.constant 32 : index
    %get3A_2388 = tpu.vector_load %arg11[%get3A_2385, %get3A_2386, %get3A_2387] {strides = array<i32>} : memref<8x8x64xf32, #tpu.memory_space<vmem>>, vector<1x1x16xf32>,
    %get3A_2389 = vector.shape_cast %get3A_2388 : vector<1x1x16xf32> to vector<16xf32>
    %get3A_2390 = arith.constant 3 : i32
    %get3A_2391 = arith.constant 7 : i32
    %get3A_2392 = arith.index_cast %get3A_2390 : i32 to index
    %get3A_2393 = arith.index_cast %get3A_2391 : i32 to index
    %get3A_2394 = arith.constant 32 : index
    %get3A_2395 = tpu.vector_load %arg11[%get3A_2392, %get3A_2393, %get3A_2394] {strides = array<i32>} : memref<8x8x64xf32, #tpu.memory_space<vmem>>, vector<1x1x16xf32>,
    %get3A_2396 = vector.shape_cast %get3A_2395 : vector<1x1x16xf32> to vector<16xf32>
    %max3A_2397 = arith.maximumf %get3A_2389, %get3A_2396 : vector<16xf32>
    %get3A_2398 = arith.constant 4 : i32
    %get3A_2399 = arith.constant 7 : i32
    %get3A_2400 = arith.index_cast %get3A_2398 : i32 to index
    %get3A_2401 = arith.index_cast %get3A_2399 : i32 to index
    %get3A_2402 = arith.constant 32 : index
    %get3A_2403 = tpu.vector_load %arg11[%get3A_2400, %get3A_2401, %get3A_2402] {strides = array<i32>} : memref<8x8x64xf32, #tpu.memory_space<vmem>>, vector<1x1x16xf32>,
    %get3A_2404 = vector.shape_cast %get3A_2403 : vector<1x1x16xf32> to vector<16xf32>
    %get3A_2405 = arith.constant 5 : i32
    %get3A_2406 = arith.constant 7 : i32
    %get3A_2407 = arith.index_cast %get3A_2405 : i32 to index
    %get3A_2408 = arith.index_cast %get3A_2406 : i32 to index
    %get3A_2409 = arith.constant 32 : index
    %get3A_2410 = tpu.vector_load %arg11[%get3A_2407, %get3A_2408, %get3A_2409] {strides = array<i32>} : memref<8x8x64xf32, #tpu.memory_space<vmem>>, vector<1x1x16xf32>,
    %get3A_2411 = vector.shape_cast %get3A_2410 : vector<1x1x16xf32> to vector<16xf32>
    %max3A_2412 = arith.maximumf %get3A_2404, %get3A_2411 : vector<16xf32>
    %get3A_2413 = arith.constant 6 : i32
    %get3A_2414 = arith.constant 7 : i32
    %get3A_2415 = arith.index_cast %get3A_2413 : i32 to index
    %get3A_2416 = arith.index_cast %get3A_2414 : i32 to index
    %get3A_2417 = arith.constant 32 : index
    %get3A_2418 = tpu.vector_load %arg11[%get3A_2415, %get3A_2416, %get3A_2417] {strides = array<i32>} : memref<8x8x64xf32, #tpu.memory_space<vmem>>, vector<1x1x16xf32>,
    %get3A_2419 = vector.shape_cast %get3A_2418 : vector<1x1x16xf32> to vector<16xf32>
    %get3A_2420 = arith.constant 7 : i32
    %get3A_2421 = arith.constant 7 : i32
    %get3A_2422 = arith.index_cast %get3A_2420 : i32 to index
    %get3A_2423 = arith.index_cast %get3A_2421 : i32 to index
    %get3A_2424 = arith.constant 32 : index
    %get3A_2425 = tpu.vector_load %arg11[%get3A_2422, %get3A_2423, %get3A_2424] {strides = array<i32>} : memref<8x8x64xf32, #tpu.memory_space<vmem>>, vector<1x1x16xf32>,
    %get3A_2426 = vector.shape_cast %get3A_2425 : vector<1x1x16xf32> to vector<16xf32>
    %max3A_2427 = arith.maximumf %get3A_2419, %get3A_2426 : vector<16xf32>
    %max3A_2428 = arith.maximumf %max3A_2382, %max3A_2397 : vector<16xf32>
    %max3A_2429 = arith.maximumf %max3A_2412, %max3A_2427 : vector<16xf32>
    %max3A_2430 = arith.maximumf %max3A_2428, %max3A_2429 : vector<16xf32>
    %swap3A_2431 = arith.constant 7 : i32
    %swap3A_2432 = arith.index_cast %swap3A_2431 : i32 to index
    %swap3A_2433 = arith.constant 32 : index
    %swap3A_2434 = tpu.vector_load %arg12[%swap3A_2432, %swap3A_2433] {strides = array<i32>} : memref<8x64xf32, #tpu.memory_space<vmem>>, vector<1x16xf32>,
    %swap3A_2435 = vector.shape_cast %swap3A_2434 : vector<1x16xf32> to vector<16xf32>
    %swap3A_2436 = vector.shape_cast %max3A_2430 : vector<16xf32> to vector<1x16xf32>
    tpu.vector_store %arg12[%swap3A_2432, %swap3A_2433], %swap3A_2436 {strides = array<i32>} : memref<8x64xf32, #tpu.memory_space<vmem>>, vector<1x16xf32>,
    %add3A_2437 = arith.constant 7 : i32
    %add3A_2438 = arith.addi %mul3A_81, %add3A_2437 : i32
    %get3A_2439 = arith.index_cast %add3A_2438 : i32 to index
    %get3A_2440 = arith.constant 48 : index
    %get3A_2441 = tpu.vector_load %arg10[%get3A_2439, %get3A_2440] {strides = array<i32>} : memref<64x64xf32, #tpu.memory_space<vmem>>, vector<1x16xf32>,
    %get3A_2442 = vector.shape_cast %get3A_2441 : vector<1x16xf32> to vector<16xf32>
    %get3A_2443 = arith.constant 1 : i32
    %get3A_2444 = arith.constant 7 : i32
    %get3A_2445 = arith.index_cast %get3A_2443 : i32 to index
    %get3A_2446 = arith.index_cast %get3A_2444 : i32 to index
    %get3A_2447 = arith.constant 48 : index
    %get3A_2448 = tpu.vector_load %arg11[%get3A_2445, %get3A_2446, %get3A_2447] {strides = array<i32>} : memref<8x8x64xf32, #tpu.memory_space<vmem>>, vector<1x1x16xf32>,
    %get3A_2449 = vector.shape_cast %get3A_2448 : vector<1x1x16xf32> to vector<16xf32>
    %max3A_2450 = arith.maximumf %get3A_2442, %get3A_2449 : vector<16xf32>
    %get3A_2451 = arith.constant 2 : i32
    %get3A_2452 = arith.constant 7 : i32
    %get3A_2453 = arith.index_cast %get3A_2451 : i32 to index
    %get3A_2454 = arith.index_cast %get3A_2452 : i32 to index
    %get3A_2455 = arith.constant 48 : index
    %get3A_2456 = tpu.vector_load %arg11[%get3A_2453, %get3A_2454, %get3A_2455] {strides = array<i32>} : memref<8x8x64xf32, #tpu.memory_space<vmem>>, vector<1x1x16xf32>,
    %get3A_2457 = vector.shape_cast %get3A_2456 : vector<1x1x16xf32> to vector<16xf32>
    %get3A_2458 = arith.constant 3 : i32
    %get3A_2459 = arith.constant 7 : i32
    %get3A_2460 = arith.index_cast %get3A_2458 : i32 to index
    %get3A_2461 = arith.index_cast %get3A_2459 : i32 to index
    %get3A_2462 = arith.constant 48 : index
    %get3A_2463 = tpu.vector_load %arg11[%get3A_2460, %get3A_2461, %get3A_2462] {strides = array<i32>} : memref<8x8x64xf32, #tpu.memory_space<vmem>>, vector<1x1x16xf32>,
    %get3A_2464 = vector.shape_cast %get3A_2463 : vector<1x1x16xf32> to vector<16xf32>
    %max3A_2465 = arith.maximumf %get3A_2457, %get3A_2464 : vector<16xf32>
    %get3A_2466 = arith.constant 4 : i32
    %get3A_2467 = arith.constant 7 : i32
    %get3A_2468 = arith.index_cast %get3A_2466 : i32 to index
    %get3A_2469 = arith.index_cast %get3A_2467 : i32 to index
    %get3A_2470 = arith.constant 48 : index
    %get3A_2471 = tpu.vector_load %arg11[%get3A_2468, %get3A_2469, %get3A_2470] {strides = array<i32>} : memref<8x8x64xf32, #tpu.memory_space<vmem>>, vector<1x1x16xf32>,
    %get3A_2472 = vector.shape_cast %get3A_2471 : vector<1x1x16xf32> to vector<16xf32>
    %get3A_2473 = arith.constant 5 : i32
    %get3A_2474 = arith.constant 7 : i32
    %get3A_2475 = arith.index_cast %get3A_2473 : i32 to index
    %get3A_2476 = arith.index_cast %get3A_2474 : i32 to index
    %get3A_2477 = arith.constant 48 : index
    %get3A_2478 = tpu.vector_load %arg11[%get3A_2475, %get3A_2476, %get3A_2477] {strides = array<i32>} : memref<8x8x64xf32, #tpu.memory_space<vmem>>, vector<1x1x16xf32>,
    %get3A_2479 = vector.shape_cast %get3A_2478 : vector<1x1x16xf32> to vector<16xf32>
    %max3A_2480 = arith.maximumf %get3A_2472, %get3A_2479 : vector<16xf32>
    %get3A_2481 = arith.constant 6 : i32
    %get3A_2482 = arith.constant 7 : i32
    %get3A_2483 = arith.index_cast %get3A_2481 : i32 to index
    %get3A_2484 = arith.index_cast %get3A_2482 : i32 to index
    %get3A_2485 = arith.constant 48 : index
    %get3A_2486 = tpu.vector_load %arg11[%get3A_2483, %get3A_2484, %get3A_2485] {strides = array<i32>} : memref<8x8x64xf32, #tpu.memory_space<vmem>>, vector<1x1x16xf32>,
    %get3A_2487 = vector.shape_cast %get3A_2486 : vector<1x1x16xf32> to vector<16xf32>
    %get3A_2488 = arith.constant 7 : i32
    %get3A_2489 = arith.constant 7 : i32
    %get3A_2490 = arith.index_cast %get3A_2488 : i32 to index
    %get3A_2491 = arith.index_cast %get3A_2489 : i32 to index
    %get3A_2492 = arith.constant 48 : index
    %get3A_2493 = tpu.vector_load %arg11[%get3A_2490, %get3A_2491, %get3A_2492] {strides = array<i32>} : memref<8x8x64xf32, #tpu.memory_space<vmem>>, vector<1x1x16xf32>,
    %get3A_2494 = vector.shape_cast %get3A_2493 : vector<1x1x16xf32> to vector<16xf32>
    %max3A_2495 = arith.maximumf %get3A_2487, %get3A_2494 : vector<16xf32>
    %max3A_2496 = arith.maximumf %max3A_2450, %max3A_2465 : vector<16xf32>
    %max3A_2497 = arith.maximumf %max3A_2480, %max3A_2495 : vector<16xf32>
    %max3A_2498 = arith.maximumf %max3A_2496, %max3A_2497 : vector<16xf32>
    %swap3A_2499 = arith.constant 7 : i32
    %swap3A_2500 = arith.index_cast %swap3A_2499 : i32 to index
    %swap3A_2501 = arith.constant 48 : index
    %swap3A_2502 = tpu.vector_load %arg12[%swap3A_2500, %swap3A_2501] {strides = array<i32>} : memref<8x64xf32, #tpu.memory_space<vmem>>, vector<1x16xf32>,
    %swap3A_2503 = vector.shape_cast %swap3A_2502 : vector<1x16xf32> to vector<16xf32>
    %swap3A_2504 = vector.shape_cast %max3A_2498 : vector<16xf32> to vector<1x16xf32>
    tpu.vector_store %arg12[%swap3A_2500, %swap3A_2501], %swap3A_2504 {strides = array<i32>} : memref<8x64xf32, #tpu.memory_space<vmem>>, vector<1x16xf32>,
    %get3A_2505 = arith.index_cast %mul3A_81 : i32 to index
    %get3A_2506 = tpu.vector_load %arg13[%get3A_2505] {strides = array<i32>} : memref<80xi32, #tpu.memory_space<vmem>>, vector<16xi32>,
    %get3A_2507 = vector.shape_cast %get3A_2506 : vector<16xi32> to vector<16xi32>
    %slice3A = vector.extract_strided_slice %get3A_2507 {offsets = [0], sizes = [1], strides = [1]} : vector<16xi32> to vector<1xi32>
    %squeeze3A = vector.extract %slice3A[0] : i32 from vector<1xi32>
    %eq3A_2508 = arith.constant 2048 : i32
    %eq3A_2509 = arith.cmpi eq, %squeeze3A, %eq3A_2508 : i32
    %jit3A_2510 = arith.constant -3.40282347E+38 : f32
    %jit3A_2511 = arith.constant 0.000000e+00 : f32
    %select_n3A_2512 = arith.select %eq3A_2509, %jit3A_2510, %jit3A_2511 : f32
    %broadcast_in_dim3A_2513 = vector.broadcast %select_n3A_2512 : f32 to vector<16xf32>
    %get3A_2514 = arith.constant 0 : i32
    %get3A_2515 = arith.index_cast %get3A_2514 : i32 to index
    %get3A_2516 = arith.constant 0 : index
    %get3A_2517 = tpu.vector_load %arg12[%get3A_2515, %get3A_2516] {strides = array<i32>} : memref<8x64xf32, #tpu.memory_space<vmem>>, vector<1x16xf32>,
    %get3A_2518 = vector.shape_cast %get3A_2517 : vector<1x16xf32> to vector<16xf32>
    %max3A_2519 = arith.maximumf %get3A_2518, %broadcast_in_dim3A_2513 : vector<16xf32>
    %swap3A_2520 = arith.constant 0 : i32
    %swap3A_2521 = arith.index_cast %swap3A_2520 : i32 to index
    %swap3A_2522 = arith.constant 0 : index
    %swap3A_2523 = tpu.vector_load %arg12[%swap3A_2521, %swap3A_2522] {strides = array<i32>} : memref<8x64xf32, #tpu.memory_space<vmem>>, vector<1x16xf32>,
    %swap3A_2524 = vector.shape_cast %swap3A_2523 : vector<1x16xf32> to vector<16xf32>
    %swap3A_2525 = vector.shape_cast %max3A_2519 : vector<16xf32> to vector<1x16xf32>
    tpu.vector_store %arg12[%swap3A_2521, %swap3A_2522], %swap3A_2525 {strides = array<i32>} : memref<8x64xf32, #tpu.memory_space<vmem>>, vector<1x16xf32>,
    %get3A_2526 = arith.constant 0 : i32
    %get3A_2527 = arith.index_cast %get3A_2526 : i32 to index
    %get3A_2528 = arith.constant 16 : index
    %get3A_2529 = tpu.vector_load %arg12[%get3A_2527, %get3A_2528] {strides = array<i32>} : memref<8x64xf32, #tpu.memory_space<vmem>>, vector<1x16xf32>,
    %get3A_2530 = vector.shape_cast %get3A_2529 : vector<1x16xf32> to vector<16xf32>
    %max3A_2531 = arith.maximumf %get3A_2530, %broadcast_in_dim3A_2513 : vector<16xf32>
    %swap3A_2532 = arith.constant 0 : i32
    %swap3A_2533 = arith.index_cast %swap3A_2532 : i32 to index
    %swap3A_2534 = arith.constant 16 : index
    %swap3A_2535 = tpu.vector_load %arg12[%swap3A_2533, %swap3A_2534] {strides = array<i32>} : memref<8x64xf32, #tpu.memory_space<vmem>>, vector<1x16xf32>,
    %swap3A_2536 = vector.shape_cast %swap3A_2535 : vector<1x16xf32> to vector<16xf32>
    %swap3A_2537 = vector.shape_cast %max3A_2531 : vector<16xf32> to vector<1x16xf32>
    tpu.vector_store %arg12[%swap3A_2533, %swap3A_2534], %swap3A_2537 {strides = array<i32>} : memref<8x64xf32, #tpu.memory_space<vmem>>, vector<1x16xf32>,
    %get3A_2538 = arith.constant 0 : i32
    %get3A_2539 = arith.index_cast %get3A_2538 : i32 to index
    %get3A_2540 = arith.constant 32 : index
    %get3A_2541 = tpu.vector_load %arg12[%get3A_2539, %get3A_2540] {strides = array<i32>} : memref<8x64xf32, #tpu.memory_space<vmem>>, vector<1x16xf32>,
    %get3A_2542 = vector.shape_cast %get3A_2541 : vector<1x16xf32> to vector<16xf32>
    %max3A_2543 = arith.maximumf %get3A_2542, %broadcast_in_dim3A_2513 : vector<16xf32>
    %swap3A_2544 = arith.constant 0 : i32
    %swap3A_2545 = arith.index_cast %swap3A_2544 : i32 to index
    %swap3A_2546 = arith.constant 32 : index
    %swap3A_2547 = tpu.vector_load %arg12[%swap3A_2545, %swap3A_2546] {strides = array<i32>} : memref<8x64xf32, #tpu.memory_space<vmem>>, vector<1x16xf32>,
    %swap3A_2548 = vector.shape_cast %swap3A_2547 : vector<1x16xf32> to vector<16xf32>
    %swap3A_2549 = vector.shape_cast %max3A_2543 : vector<16xf32> to vector<1x16xf32>
    tpu.vector_store %arg12[%swap3A_2545, %swap3A_2546], %swap3A_2549 {strides = array<i32>} : memref<8x64xf32, #tpu.memory_space<vmem>>, vector<1x16xf32>,
    %get3A_2550 = arith.constant 0 : i32
    %get3A_2551 = arith.index_cast %get3A_2550 : i32 to index
    %get3A_2552 = arith.constant 48 : index
    %get3A_2553 = tpu.vector_load %arg12[%get3A_2551, %get3A_2552] {strides = array<i32>} : memref<8x64xf32, #tpu.memory_space<vmem>>, vector<1x16xf32>,
    %get3A_2554 = vector.shape_cast %get3A_2553 : vector<1x16xf32> to vector<16xf32>
    %max3A_2555 = arith.maximumf %get3A_2554, %broadcast_in_dim3A_2513 : vector<16xf32>
    %swap3A_2556 = arith.constant 0 : i32
    %swap3A_2557 = arith.index_cast %swap3A_2556 : i32 to index
    %swap3A_2558 = arith.constant 48 : index
    %swap3A_2559 = tpu.vector_load %arg12[%swap3A_2557, %swap3A_2558] {strides = array<i32>} : memref<8x64xf32, #tpu.memory_space<vmem>>, vector<1x16xf32>,
    %swap3A_2560 = vector.shape_cast %swap3A_2559 : vector<1x16xf32> to vector<16xf32>
    %swap3A_2561 = vector.shape_cast %max3A_2555 : vector<16xf32> to vector<1x16xf32>
    tpu.vector_store %arg12[%swap3A_2557, %swap3A_2558], %swap3A_2561 {strides = array<i32>} : memref<8x64xf32, #tpu.memory_space<vmem>>, vector<1x16xf32>,
    %slice3A_2562 = vector.extract_strided_slice %get3A_2507 {offsets = [1], sizes = [1], strides = [1]} : vector<16xi32> to vector<1xi32>
    %squeeze3A_2563 = vector.extract %slice3A_2562[0] : i32 from vector<1xi32>
    %eq3A_2564 = arith.constant 2048 : i32
    %eq3A_2565 = arith.cmpi eq, %squeeze3A_2563, %eq3A_2564 : i32
    %jit3A_2566 = arith.constant -3.40282347E+38 : f32
    %jit3A_2567 = arith.constant 0.000000e+00 : f32
    %select_n3A_2568 = arith.select %eq3A_2565, %jit3A_2566, %jit3A_2567 : f32
    %broadcast_in_dim3A_2569 = vector.broadcast %select_n3A_2568 : f32 to vector<16xf32>
    %get3A_2570 = arith.constant 1 : i32
    %get3A_2571 = arith.index_cast %get3A_2570 : i32 to index
    %get3A_2572 = arith.constant 0 : index
    %get3A_2573 = tpu.vector_load %arg12[%get3A_2571, %get3A_2572] {strides = array<i32>} : memref<8x64xf32, #tpu.memory_space<vmem>>, vector<1x16xf32>,
    %get3A_2574 = vector.shape_cast %get3A_2573 : vector<1x16xf32> to vector<16xf32>
    %max3A_2575 = arith.maximumf %get3A_2574, %broadcast_in_dim3A_2569 : vector<16xf32>
    %swap3A_2576 = arith.constant 1 : i32
    %swap3A_2577 = arith.index_cast %swap3A_2576 : i32 to index
    %swap3A_2578 = arith.constant 0 : index
    %swap3A_2579 = tpu.vector_load %arg12[%swap3A_2577, %swap3A_2578] {strides = array<i32>} : memref<8x64xf32, #tpu.memory_space<vmem>>, vector<1x16xf32>,
    %swap3A_2580 = vector.shape_cast %swap3A_2579 : vector<1x16xf32> to vector<16xf32>
    %swap3A_2581 = vector.shape_cast %max3A_2575 : vector<16xf32> to vector<1x16xf32>
    tpu.vector_store %arg12[%swap3A_2577, %swap3A_2578], %swap3A_2581 {strides = array<i32>} : memref<8x64xf32, #tpu.memory_space<vmem>>, vector<1x16xf32>,
    %get3A_2582 = arith.constant 1 : i32
    %get3A_2583 = arith.index_cast %get3A_2582 : i32 to index
    %get3A_2584 = arith.constant 16 : index
    %get3A_2585 = tpu.vector_load %arg12[%get3A_2583, %get3A_2584] {strides = array<i32>} : memref<8x64xf32, #tpu.memory_space<vmem>>, vector<1x16xf32>,
    %get3A_2586 = vector.shape_cast %get3A_2585 : vector<1x16xf32> to vector<16xf32>
    %max3A_2587 = arith.maximumf %get3A_2586, %broadcast_in_dim3A_2569 : vector<16xf32>
    %swap3A_2588 = arith.constant 1 : i32
    %swap3A_2589 = arith.index_cast %swap3A_2588 : i32 to index
    %swap3A_2590 = arith.constant 16 : index
    %swap3A_2591 = tpu.vector_load %arg12[%swap3A_2589, %swap3A_2590] {strides = array<i32>} : memref<8x64xf32, #tpu.memory_space<vmem>>, vector<1x16xf32>,
    %swap3A_2592 = vector.shape_cast %swap3A_2591 : vector<1x16xf32> to vector<16xf32>
    %swap3A_2593 = vector.shape_cast %max3A_2587 : vector<16xf32> to vector<1x16xf32>
    tpu.vector_store %arg12[%swap3A_2589, %swap3A_2590], %swap3A_2593 {strides = array<i32>} : memref<8x64xf32, #tpu.memory_space<vmem>>, vector<1x16xf32>,
    %get3A_2594 = arith.constant 1 : i32
    %get3A_2595 = arith.index_cast %get3A_2594 : i32 to index
    %get3A_2596 = arith.constant 32 : index
    %get3A_2597 = tpu.vector_load %arg12[%get3A_2595, %get3A_2596] {strides = array<i32>} : memref<8x64xf32, #tpu.memory_space<vmem>>, vector<1x16xf32>,
    %get3A_2598 = vector.shape_cast %get3A_2597 : vector<1x16xf32> to vector<16xf32>
    %max3A_2599 = arith.maximumf %get3A_2598, %broadcast_in_dim3A_2569 : vector<16xf32>
    %swap3A_2600 = arith.constant 1 : i32
    %swap3A_2601 = arith.index_cast %swap3A_2600 : i32 to index
    %swap3A_2602 = arith.constant 32 : index
    %swap3A_2603 = tpu.vector_load %arg12[%swap3A_2601, %swap3A_2602] {strides = array<i32>} : memref<8x64xf32, #tpu.memory_space<vmem>>, vector<1x16xf32>,
    %swap3A_2604 = vector.shape_cast %swap3A_2603 : vector<1x16xf32> to vector<16xf32>
    %swap3A_2605 = vector.shape_cast %max3A_2599 : vector<16xf32> to vector<1x16xf32>
    tpu.vector_store %arg12[%swap3A_2601, %swap3A_2602], %swap3A_2605 {strides = array<i32>} : memref<8x64xf32, #tpu.memory_space<vmem>>, vector<1x16xf32>,
    %get3A_2606 = arith.constant 1 : i32
    %get3A_2607 = arith.index_cast %get3A_2606 : i32 to index
    %get3A_2608 = arith.constant 48 : index
    %get3A_2609 = tpu.vector_load %arg12[%get3A_2607, %get3A_2608] {strides = array<i32>} : memref<8x64xf32, #tpu.memory_space<vmem>>, vector<1x16xf32>,
    %get3A_2610 = vector.shape_cast %get3A_2609 : vector<1x16xf32> to vector<16xf32>
    %max3A_2611 = arith.maximumf %get3A_2610, %broadcast_in_dim3A_2569 : vector<16xf32>
    %swap3A_2612 = arith.constant 1 : i32
    %swap3A_2613 = arith.index_cast %swap3A_2612 : i32 to index
    %swap3A_2614 = arith.constant 48 : index
    %swap3A_2615 = tpu.vector_load %arg12[%swap3A_2613, %swap3A_2614] {strides = array<i32>} : memref<8x64xf32, #tpu.memory_space<vmem>>, vector<1x16xf32>,
    %swap3A_2616 = vector.shape_cast %swap3A_2615 : vector<1x16xf32> to vector<16xf32>
    %swap3A_2617 = vector.shape_cast %max3A_2611 : vector<16xf32> to vector<1x16xf32>
    tpu.vector_store %arg12[%swap3A_2613, %swap3A_2614], %swap3A_2617 {strides = array<i32>} : memref<8x64xf32, #tpu.memory_space<vmem>>, vector<1x16xf32>,
    %slice3A_2618 = vector.extract_strided_slice %get3A_2507 {offsets = [2], sizes = [1], strides = [1]} : vector<16xi32> to vector<1xi32>
    %squeeze3A_2619 = vector.extract %slice3A_2618[0] : i32 from vector<1xi32>
    %eq3A_2620 = arith.constant 2048 : i32
    %eq3A_2621 = arith.cmpi eq, %squeeze3A_2619, %eq3A_2620 : i32
    %jit3A_2622 = arith.constant -3.40282347E+38 : f32
    %jit3A_2623 = arith.constant 0.000000e+00 : f32
    %select_n3A_2624 = arith.select %eq3A_2621, %jit3A_2622, %jit3A_2623 : f32
    %broadcast_in_dim3A_2625 = vector.broadcast %select_n3A_2624 : f32 to vector<16xf32>
    %get3A_2626 = arith.constant 2 : i32
    %get3A_2627 = arith.index_cast %get3A_2626 : i32 to index
    %get3A_2628 = arith.constant 0 : index
    %get3A_2629 = tpu.vector_load %arg12[%get3A_2627, %get3A_2628] {strides = array<i32>} : memref<8x64xf32, #tpu.memory_space<vmem>>, vector<1x16xf32>,
    %get3A_2630 = vector.shape_cast %get3A_2629 : vector<1x16xf32> to vector<16xf32>
    %max3A_2631 = arith.maximumf %get3A_2630, %broadcast_in_dim3A_2625 : vector<16xf32>
    %swap3A_2632 = arith.constant 2 : i32
    %swap3A_2633 = arith.index_cast %swap3A_2632 : i32 to index
    %swap3A_2634 = arith.constant 0 : index
    %swap3A_2635 = tpu.vector_load %arg12[%swap3A_2633, %swap3A_2634] {strides = array<i32>} : memref<8x64xf32, #tpu.memory_space<vmem>>, vector<1x16xf32>,
    %swap3A_2636 = vector.shape_cast %swap3A_2635 : vector<1x16xf32> to vector<16xf32>
    %swap3A_2637 = vector.shape_cast %max3A_2631 : vector<16xf32> to vector<1x16xf32>
    tpu.vector_store %arg12[%swap3A_2633, %swap3A_2634], %swap3A_2637 {strides = array<i32>} : memref<8x64xf32, #tpu.memory_space<vmem>>, vector<1x16xf32>,
    %get3A_2638 = arith.constant 2 : i32
    %get3A_2639 = arith.index_cast %get3A_2638 : i32 to index
    %get3A_2640 = arith.constant 16 : index
    %get3A_2641 = tpu.vector_load %arg12[%get3A_2639, %get3A_2640] {strides = array<i32>} : memref<8x64xf32, #tpu.memory_space<vmem>>, vector<1x16xf32>,
    %get3A_2642 = vector.shape_cast %get3A_2641 : vector<1x16xf32> to vector<16xf32>
    %max3A_2643 = arith.maximumf %get3A_2642, %broadcast_in_dim3A_2625 : vector<16xf32>
    %swap3A_2644 = arith.constant 2 : i32
    %swap3A_2645 = arith.index_cast %swap3A_2644 : i32 to index
    %swap3A_2646 = arith.constant 16 : index
    %swap3A_2647 = tpu.vector_load %arg12[%swap3A_2645, %swap3A_2646] {strides = array<i32>} : memref<8x64xf32, #tpu.memory_space<vmem>>, vector<1x16xf32>,
    %swap3A_2648 = vector.shape_cast %swap3A_2647 : vector<1x16xf32> to vector<16xf32>
    %swap3A_2649 = vector.shape_cast %max3A_2643 : vector<16xf32> to vector<1x16xf32>
    tpu.vector_store %arg12[%swap3A_2645, %swap3A_2646], %swap3A_2649 {strides = array<i32>} : memref<8x64xf32, #tpu.memory_space<vmem>>, vector<1x16xf32>,
    %get3A_2650 = arith.constant 2 : i32
    %get3A_2651 = arith.index_cast %get3A_2650 : i32 to index
    %get3A_2652 = arith.constant 32 : index
    %get3A_2653 = tpu.vector_load %arg12[%get3A_2651, %get3A_2652] {strides = array<i32>} : memref<8x64xf32, #tpu.memory_space<vmem>>, vector<1x16xf32>,
    %get3A_2654 = vector.shape_cast %get3A_2653 : vector<1x16xf32> to vector<16xf32>
    %max3A_2655 = arith.maximumf %get3A_2654, %broadcast_in_dim3A_2625 : vector<16xf32>
    %swap3A_2656 = arith.constant 2 : i32
    %swap3A_2657 = arith.index_cast %swap3A_2656 : i32 to index
    %swap3A_2658 = arith.constant 32 : index
    %swap3A_2659 = tpu.vector_load %arg12[%swap3A_2657, %swap3A_2658] {strides = array<i32>} : memref<8x64xf32, #tpu.memory_space<vmem>>, vector<1x16xf32>,
    %swap3A_2660 = vector.shape_cast %swap3A_2659 : vector<1x16xf32> to vector<16xf32>
    %swap3A_2661 = vector.shape_cast %max3A_2655 : vector<16xf32> to vector<1x16xf32>
    tpu.vector_store %arg12[%swap3A_2657, %swap3A_2658], %swap3A_2661 {strides = array<i32>} : memref<8x64xf32, #tpu.memory_space<vmem>>, vector<1x16xf32>,
    %get3A_2662 = arith.constant 2 : i32
    %get3A_2663 = arith.index_cast %get3A_2662 : i32 to index
    %get3A_2664 = arith.constant 48 : index
    %get3A_2665 = tpu.vector_load %arg12[%get3A_2663, %get3A_2664] {strides = array<i32>} : memref<8x64xf32, #tpu.memory_space<vmem>>, vector<1x16xf32>,
    %get3A_2666 = vector.shape_cast %get3A_2665 : vector<1x16xf32> to vector<16xf32>
    %max3A_2667 = arith.maximumf %get3A_2666, %broadcast_in_dim3A_2625 : vector<16xf32>
    %swap3A_2668 = arith.constant 2 : i32
    %swap3A_2669 = arith.index_cast %swap3A_2668 : i32 to index
    %swap3A_2670 = arith.constant 48 : index
    %swap3A_2671 = tpu.vector_load %arg12[%swap3A_2669, %swap3A_2670] {strides = array<i32>} : memref<8x64xf32, #tpu.memory_space<vmem>>, vector<1x16xf32>,
    %swap3A_2672 = vector.shape_cast %swap3A_2671 : vector<1x16xf32> to vector<16xf32>
    %swap3A_2673 = vector.shape_cast %max3A_2667 : vector<16xf32> to vector<1x16xf32>
    tpu.vector_store %arg12[%swap3A_2669, %swap3A_2670], %swap3A_2673 {strides = array<i32>} : memref<8x64xf32, #tpu.memory_space<vmem>>, vector<1x16xf32>,
    %slice3A_2674 = vector.extract_strided_slice %get3A_2507 {offsets = [3], sizes = [1], strides = [1]} : vector<16xi32> to vector<1xi32>
    %squeeze3A_2675 = vector.extract %slice3A_2674[0] : i32 from vector<1xi32>
    %eq3A_2676 = arith.constant 2048 : i32
    %eq3A_2677 = arith.cmpi eq, %squeeze3A_2675, %eq3A_2676 : i32
    %jit3A_2678 = arith.constant -3.40282347E+38 : f32
    %jit3A_2679 = arith.constant 0.000000e+00 : f32
    %select_n3A_2680 = arith.select %eq3A_2677, %jit3A_2678, %jit3A_2679 : f32
    %broadcast_in_dim3A_2681 = vector.broadcast %select_n3A_2680 : f32 to vector<16xf32>
    %get3A_2682 = arith.constant 3 : i32
    %get3A_2683 = arith.index_cast %get3A_2682 : i32 to index
    %get3A_2684 = arith.constant 0 : index
    %get3A_2685 = tpu.vector_load %arg12[%get3A_2683, %get3A_2684] {strides = array<i32>} : memref<8x64xf32, #tpu.memory_space<vmem>>, vector<1x16xf32>,
    %get3A_2686 = vector.shape_cast %get3A_2685 : vector<1x16xf32> to vector<16xf32>
    %max3A_2687 = arith.maximumf %get3A_2686, %broadcast_in_dim3A_2681 : vector<16xf32>
    %swap3A_2688 = arith.constant 3 : i32
    %swap3A_2689 = arith.index_cast %swap3A_2688 : i32 to index
    %swap3A_2690 = arith.constant 0 : index
    %swap3A_2691 = tpu.vector_load %arg12[%swap3A_2689, %swap3A_2690] {strides = array<i32>} : memref<8x64xf32, #tpu.memory_space<vmem>>, vector<1x16xf32>,
    %swap3A_2692 = vector.shape_cast %swap3A_2691 : vector<1x16xf32> to vector<16xf32>
    %swap3A_2693 = vector.shape_cast %max3A_2687 : vector<16xf32> to vector<1x16xf32>
    tpu.vector_store %arg12[%swap3A_2689, %swap3A_2690], %swap3A_2693 {strides = array<i32>} : memref<8x64xf32, #tpu.memory_space<vmem>>, vector<1x16xf32>,
    %get3A_2694 = arith.constant 3 : i32
    %get3A_2695 = arith.index_cast %get3A_2694 : i32 to index
    %get3A_2696 = arith.constant 16 : index
    %get3A_2697 = tpu.vector_load %arg12[%get3A_2695, %get3A_2696] {strides = array<i32>} : memref<8x64xf32, #tpu.memory_space<vmem>>, vector<1x16xf32>,
    %get3A_2698 = vector.shape_cast %get3A_2697 : vector<1x16xf32> to vector<16xf32>
    %max3A_2699 = arith.maximumf %get3A_2698, %broadcast_in_dim3A_2681 : vector<16xf32>
    %swap3A_2700 = arith.constant 3 : i32
    %swap3A_2701 = arith.index_cast %swap3A_2700 : i32 to index
    %swap3A_2702 = arith.constant 16 : index
    %swap3A_2703 = tpu.vector_load %arg12[%swap3A_2701, %swap3A_2702] {strides = array<i32>} : memref<8x64xf32, #tpu.memory_space<vmem>>, vector<1x16xf32>,
    %swap3A_2704 = vector.shape_cast %swap3A_2703 : vector<1x16xf32> to vector<16xf32>
    %swap3A_2705 = vector.shape_cast %max3A_2699 : vector<16xf32> to vector<1x16xf32>
    tpu.vector_store %arg12[%swap3A_2701, %swap3A_2702], %swap3A_2705 {strides = array<i32>} : memref<8x64xf32, #tpu.memory_space<vmem>>, vector<1x16xf32>,
    %get3A_2706 = arith.constant 3 : i32
    %get3A_2707 = arith.index_cast %get3A_2706 : i32 to index
    %get3A_2708 = arith.constant 32 : index
    %get3A_2709 = tpu.vector_load %arg12[%get3A_2707, %get3A_2708] {strides = array<i32>} : memref<8x64xf32, #tpu.memory_space<vmem>>, vector<1x16xf32>,
    %get3A_2710 = vector.shape_cast %get3A_2709 : vector<1x16xf32> to vector<16xf32>
    %max3A_2711 = arith.maximumf %get3A_2710, %broadcast_in_dim3A_2681 : vector<16xf32>
    %swap3A_2712 = arith.constant 3 : i32
    %swap3A_2713 = arith.index_cast %swap3A_2712 : i32 to index
    %swap3A_2714 = arith.constant 32 : index
    %swap3A_2715 = tpu.vector_load %arg12[%swap3A_2713, %swap3A_2714] {strides = array<i32>} : memref<8x64xf32, #tpu.memory_space<vmem>>, vector<1x16xf32>,
    %swap3A_2716 = vector.shape_cast %swap3A_2715 : vector<1x16xf32> to vector<16xf32>
    %swap3A_2717 = vector.shape_cast %max3A_2711 : vector<16xf32> to vector<1x16xf32>
    tpu.vector_store %arg12[%swap3A_2713, %swap3A_2714], %swap3A_2717 {strides = array<i32>} : memref<8x64xf32, #tpu.memory_space<vmem>>, vector<1x16xf32>,
    %get3A_2718 = arith.constant 3 : i32
    %get3A_2719 = arith.index_cast %get3A_2718 : i32 to index
    %get3A_2720 = arith.constant 48 : index
    %get3A_2721 = tpu.vector_load %arg12[%get3A_2719, %get3A_2720] {strides = array<i32>} : memref<8x64xf32, #tpu.memory_space<vmem>>, vector<1x16xf32>,
    %get3A_2722 = vector.shape_cast %get3A_2721 : vector<1x16xf32> to vector<16xf32>
    %max3A_2723 = arith.maximumf %get3A_2722, %broadcast_in_dim3A_2681 : vector<16xf32>
    %swap3A_2724 = arith.constant 3 : i32
    %swap3A_2725 = arith.index_cast %swap3A_2724 : i32 to index
    %swap3A_2726 = arith.constant 48 : index
    %swap3A_2727 = tpu.vector_load %arg12[%swap3A_2725, %swap3A_2726] {strides = array<i32>} : memref<8x64xf32, #tpu.memory_space<vmem>>, vector<1x16xf32>,
    %swap3A_2728 = vector.shape_cast %swap3A_2727 : vector<1x16xf32> to vector<16xf32>
    %swap3A_2729 = vector.shape_cast %max3A_2723 : vector<16xf32> to vector<1x16xf32>
    tpu.vector_store %arg12[%swap3A_2725, %swap3A_2726], %swap3A_2729 {strides = array<i32>} : memref<8x64xf32, #tpu.memory_space<vmem>>, vector<1x16xf32>,
    %slice3A_2730 = vector.extract_strided_slice %get3A_2507 {offsets = [4], sizes = [1], strides = [1]} : vector<16xi32> to vector<1xi32>
    %squeeze3A_2731 = vector.extract %slice3A_2730[0] : i32 from vector<1xi32>
    %eq3A_2732 = arith.constant 2048 : i32
    %eq3A_2733 = arith.cmpi eq, %squeeze3A_2731, %eq3A_2732 : i32
    %jit3A_2734 = arith.constant -3.40282347E+38 : f32
    %jit3A_2735 = arith.constant 0.000000e+00 : f32
    %select_n3A_2736 = arith.select %eq3A_2733, %jit3A_2734, %jit3A_2735 : f32
    %broadcast_in_dim3A_2737 = vector.broadcast %select_n3A_2736 : f32 to vector<16xf32>
    %get3A_2738 = arith.constant 4 : i32
    %get3A_2739 = arith.index_cast %get3A_2738 : i32 to index
    %get3A_2740 = arith.constant 0 : index
    %get3A_2741 = tpu.vector_load %arg12[%get3A_2739, %get3A_2740] {strides = array<i32>} : memref<8x64xf32, #tpu.memory_space<vmem>>, vector<1x16xf32>,
    %get3A_2742 = vector.shape_cast %get3A_2741 : vector<1x16xf32> to vector<16xf32>
    %max3A_2743 = arith.maximumf %get3A_2742, %broadcast_in_dim3A_2737 : vector<16xf32>
    %swap3A_2744 = arith.constant 4 : i32
    %swap3A_2745 = arith.index_cast %swap3A_2744 : i32 to index
    %swap3A_2746 = arith.constant 0 : index
    %swap3A_2747 = tpu.vector_load %arg12[%swap3A_2745, %swap3A_2746] {strides = array<i32>} : memref<8x64xf32, #tpu.memory_space<vmem>>, vector<1x16xf32>,
    %swap3A_2748 = vector.shape_cast %swap3A_2747 : vector<1x16xf32> to vector<16xf32>
    %swap3A_2749 = vector.shape_cast %max3A_2743 : vector<16xf32> to vector<1x16xf32>
    tpu.vector_store %arg12[%swap3A_2745, %swap3A_2746], %swap3A_2749 {strides = array<i32>} : memref<8x64xf32, #tpu.memory_space<vmem>>, vector<1x16xf32>,
    %get3A_2750 = arith.constant 4 : i32
    %get3A_2751 = arith.index_cast %get3A_2750 : i32 to index
    %get3A_2752 = arith.constant 16 : index
    %get3A_2753 = tpu.vector_load %arg12[%get3A_2751, %get3A_2752] {strides = array<i32>} : memref<8x64xf32, #tpu.memory_space<vmem>>, vector<1x16xf32>,
    %get3A_2754 = vector.shape_cast %get3A_2753 : vector<1x16xf32> to vector<16xf32>
    %max3A_2755 = arith.maximumf %get3A_2754, %broadcast_in_dim3A_2737 : vector<16xf32>
    %swap3A_2756 = arith.constant 4 : i32
    %swap3A_2757 = arith.index_cast %swap3A_2756 : i32 to index
    %swap3A_2758 = arith.constant 16 : index
    %swap3A_2759 = tpu.vector_load %arg12[%swap3A_2757, %swap3A_2758] {strides = array<i32>} : memref<8x64xf32, #tpu.memory_space<vmem>>, vector<1x16xf32>,
    %swap3A_2760 = vector.shape_cast %swap3A_2759 : vector<1x16xf32> to vector<16xf32>
    %swap3A_2761 = vector.shape_cast %max3A_2755 : vector<16xf32> to vector<1x16xf32>
    tpu.vector_store %arg12[%swap3A_2757, %swap3A_2758], %swap3A_2761 {strides = array<i32>} : memref<8x64xf32, #tpu.memory_space<vmem>>, vector<1x16xf32>,
    %get3A_2762 = arith.constant 4 : i32
    %get3A_2763 = arith.index_cast %get3A_2762 : i32 to index
    %get3A_2764 = arith.constant 32 : index
    %get3A_2765 = tpu.vector_load %arg12[%get3A_2763, %get3A_2764] {strides = array<i32>} : memref<8x64xf32, #tpu.memory_space<vmem>>, vector<1x16xf32>,
    %get3A_2766 = vector.shape_cast %get3A_2765 : vector<1x16xf32> to vector<16xf32>
    %max3A_2767 = arith.maximumf %get3A_2766, %broadcast_in_dim3A_2737 : vector<16xf32>
    %swap3A_2768 = arith.constant 4 : i32
    %swap3A_2769 = arith.index_cast %swap3A_2768 : i32 to index
    %swap3A_2770 = arith.constant 32 : index
    %swap3A_2771 = tpu.vector_load %arg12[%swap3A_2769, %swap3A_2770] {strides = array<i32>} : memref<8x64xf32, #tpu.memory_space<vmem>>, vector<1x16xf32>,
    %swap3A_2772 = vector.shape_cast %swap3A_2771 : vector<1x16xf32> to vector<16xf32>
    %swap3A_2773 = vector.shape_cast %max3A_2767 : vector<16xf32> to vector<1x16xf32>
    tpu.vector_store %arg12[%swap3A_2769, %swap3A_2770], %swap3A_2773 {strides = array<i32>} : memref<8x64xf32, #tpu.memory_space<vmem>>, vector<1x16xf32>,
    %get3A_2774 = arith.constant 4 : i32
    %get3A_2775 = arith.index_cast %get3A_2774 : i32 to index
    %get3A_2776 = arith.constant 48 : index
    %get3A_2777 = tpu.vector_load %arg12[%get3A_2775, %get3A_2776] {strides = array<i32>} : memref<8x64xf32, #tpu.memory_space<vmem>>, vector<1x16xf32>,
    %get3A_2778 = vector.shape_cast %get3A_2777 : vector<1x16xf32> to vector<16xf32>
    %max3A_2779 = arith.maximumf %get3A_2778, %broadcast_in_dim3A_2737 : vector<16xf32>
    %swap3A_2780 = arith.constant 4 : i32
    %swap3A_2781 = arith.index_cast %swap3A_2780 : i32 to index
    %swap3A_2782 = arith.constant 48 : index
    %swap3A_2783 = tpu.vector_load %arg12[%swap3A_2781, %swap3A_2782] {strides = array<i32>} : memref<8x64xf32, #tpu.memory_space<vmem>>, vector<1x16xf32>,
    %swap3A_2784 = vector.shape_cast %swap3A_2783 : vector<1x16xf32> to vector<16xf32>
    %swap3A_2785 = vector.shape_cast %max3A_2779 : vector<16xf32> to vector<1x16xf32>
    tpu.vector_store %arg12[%swap3A_2781, %swap3A_2782], %swap3A_2785 {strides = array<i32>} : memref<8x64xf32, #tpu.memory_space<vmem>>, vector<1x16xf32>,
    %slice3A_2786 = vector.extract_strided_slice %get3A_2507 {offsets = [5], sizes = [1], strides = [1]} : vector<16xi32> to vector<1xi32>
    %squeeze3A_2787 = vector.extract %slice3A_2786[0] : i32 from vector<1xi32>
    %eq3A_2788 = arith.constant 2048 : i32
    %eq3A_2789 = arith.cmpi eq, %squeeze3A_2787, %eq3A_2788 : i32
    %jit3A_2790 = arith.constant -3.40282347E+38 : f32
    %jit3A_2791 = arith.constant 0.000000e+00 : f32
    %select_n3A_2792 = arith.select %eq3A_2789, %jit3A_2790, %jit3A_2791 : f32
    %broadcast_in_dim3A_2793 = vector.broadcast %select_n3A_2792 : f32 to vector<16xf32>
    %get3A_2794 = arith.constant 5 : i32
    %get3A_2795 = arith.index_cast %get3A_2794 : i32 to index
    %get3A_2796 = arith.constant 0 : index
    %get3A_2797 = tpu.vector_load %arg12[%get3A_2795, %get3A_2796] {strides = array<i32>} : memref<8x64xf32, #tpu.memory_space<vmem>>, vector<1x16xf32>,
    %get3A_2798 = vector.shape_cast %get3A_2797 : vector<1x16xf32> to vector<16xf32>
    %max3A_2799 = arith.maximumf %get3A_2798, %broadcast_in_dim3A_2793 : vector<16xf32>
    %swap3A_2800 = arith.constant 5 : i32
    %swap3A_2801 = arith.index_cast %swap3A_2800 : i32 to index
    %swap3A_2802 = arith.constant 0 : index
    %swap3A_2803 = tpu.vector_load %arg12[%swap3A_2801, %swap3A_2802] {strides = array<i32>} : memref<8x64xf32, #tpu.memory_space<vmem>>, vector<1x16xf32>,
    %swap3A_2804 = vector.shape_cast %swap3A_2803 : vector<1x16xf32> to vector<16xf32>
    %swap3A_2805 = vector.shape_cast %max3A_2799 : vector<16xf32> to vector<1x16xf32>
    tpu.vector_store %arg12[%swap3A_2801, %swap3A_2802], %swap3A_2805 {strides = array<i32>} : memref<8x64xf32, #tpu.memory_space<vmem>>, vector<1x16xf32>,
    %get3A_2806 = arith.constant 5 : i32
    %get3A_2807 = arith.index_cast %get3A_2806 : i32 to index
    %get3A_2808 = arith.constant 16 : index
    %get3A_2809 = tpu.vector_load %arg12[%get3A_2807, %get3A_2808] {strides = array<i32>} : memref<8x64xf32, #tpu.memory_space<vmem>>, vector<1x16xf32>,
    %get3A_2810 = vector.shape_cast %get3A_2809 : vector<1x16xf32> to vector<16xf32>
    %max3A_2811 = arith.maximumf %get3A_2810, %broadcast_in_dim3A_2793 : vector<16xf32>
    %swap3A_2812 = arith.constant 5 : i32
    %swap3A_2813 = arith.index_cast %swap3A_2812 : i32 to index
    %swap3A_2814 = arith.constant 16 : index
    %swap3A_2815 = tpu.vector_load %arg12[%swap3A_2813, %swap3A_2814] {strides = array<i32>} : memref<8x64xf32, #tpu.memory_space<vmem>>, vector<1x16xf32>,
    %swap3A_2816 = vector.shape_cast %swap3A_2815 : vector<1x16xf32> to vector<16xf32>
    %swap3A_2817 = vector.shape_cast %max3A_2811 : vector<16xf32> to vector<1x16xf32>
    tpu.vector_store %arg12[%swap3A_2813, %swap3A_2814], %swap3A_2817 {strides = array<i32>} : memref<8x64xf32, #tpu.memory_space<vmem>>, vector<1x16xf32>,
    %get3A_2818 = arith.constant 5 : i32
    %get3A_2819 = arith.index_cast %get3A_2818 : i32 to index
    %get3A_2820 = arith.constant 32 : index
    %get3A_2821 = tpu.vector_load %arg12[%get3A_2819, %get3A_2820] {strides = array<i32>} : memref<8x64xf32, #tpu.memory_space<vmem>>, vector<1x16xf32>,
    %get3A_2822 = vector.shape_cast %get3A_2821 : vector<1x16xf32> to vector<16xf32>
    %max3A_2823 = arith.maximumf %get3A_2822, %broadcast_in_dim3A_2793 : vector<16xf32>
    %swap3A_2824 = arith.constant 5 : i32
    %swap3A_2825 = arith.index_cast %swap3A_2824 : i32 to index
    %swap3A_2826 = arith.constant 32 : index
    %swap3A_2827 = tpu.vector_load %arg12[%swap3A_2825, %swap3A_2826] {strides = array<i32>} : memref<8x64xf32, #tpu.memory_space<vmem>>, vector<1x16xf32>,
    %swap3A_2828 = vector.shape_cast %swap3A_2827 : vector<1x16xf32> to vector<16xf32>
    %swap3A_2829 = vector.shape_cast %max3A_2823 : vector<16xf32> to vector<1x16xf32>
    tpu.vector_store %arg12[%swap3A_2825, %swap3A_2826], %swap3A_2829 {strides = array<i32>} : memref<8x64xf32, #tpu.memory_space<vmem>>, vector<1x16xf32>,
    %get3A_2830 = arith.constant 5 : i32
    %get3A_2831 = arith.index_cast %get3A_2830 : i32 to index
    %get3A_2832 = arith.constant 48 : index
    %get3A_2833 = tpu.vector_load %arg12[%get3A_2831, %get3A_2832] {strides = array<i32>} : memref<8x64xf32, #tpu.memory_space<vmem>>, vector<1x16xf32>,
    %get3A_2834 = vector.shape_cast %get3A_2833 : vector<1x16xf32> to vector<16xf32>
    %max3A_2835 = arith.maximumf %get3A_2834, %broadcast_in_dim3A_2793 : vector<16xf32>
    %swap3A_2836 = arith.constant 5 : i32
    %swap3A_2837 = arith.index_cast %swap3A_2836 : i32 to index
    %swap3A_2838 = arith.constant 48 : index
    %swap3A_2839 = tpu.vector_load %arg12[%swap3A_2837, %swap3A_2838] {strides = array<i32>} : memref<8x64xf32, #tpu.memory_space<vmem>>, vector<1x16xf32>,
    %swap3A_2840 = vector.shape_cast %swap3A_2839 : vector<1x16xf32> to vector<16xf32>
    %swap3A_2841 = vector.shape_cast %max3A_2835 : vector<16xf32> to vector<1x16xf32>
    tpu.vector_store %arg12[%swap3A_2837, %swap3A_2838], %swap3A_2841 {strides = array<i32>} : memref<8x64xf32, #tpu.memory_space<vmem>>, vector<1x16xf32>,
    %slice3A_2842 = vector.extract_strided_slice %get3A_2507 {offsets = [6], sizes = [1], strides = [1]} : vector<16xi32> to vector<1xi32>
    %squeeze3A_2843 = vector.extract %slice3A_2842[0] : i32 from vector<1xi32>
    %eq3A_2844 = arith.constant 2048 : i32
    %eq3A_2845 = arith.cmpi eq, %squeeze3A_2843, %eq3A_2844 : i32
    %jit3A_2846 = arith.constant -3.40282347E+38 : f32
    %jit3A_2847 = arith.constant 0.000000e+00 : f32
    %select_n3A_2848 = arith.select %eq3A_2845, %jit3A_2846, %jit3A_2847 : f32
    %broadcast_in_dim3A_2849 = vector.broadcast %select_n3A_2848 : f32 to vector<16xf32>
    %get3A_2850 = arith.constant 6 : i32
    %get3A_2851 = arith.index_cast %get3A_2850 : i32 to index
    %get3A_2852 = arith.constant 0 : index
    %get3A_2853 = tpu.vector_load %arg12[%get3A_2851, %get3A_2852] {strides = array<i32>} : memref<8x64xf32, #tpu.memory_space<vmem>>, vector<1x16xf32>,
    %get3A_2854 = vector.shape_cast %get3A_2853 : vector<1x16xf32> to vector<16xf32>
    %max3A_2855 = arith.maximumf %get3A_2854, %broadcast_in_dim3A_2849 : vector<16xf32>
    %swap3A_2856 = arith.constant 6 : i32
    %swap3A_2857 = arith.index_cast %swap3A_2856 : i32 to index
    %swap3A_2858 = arith.constant 0 : index
    %swap3A_2859 = tpu.vector_load %arg12[%swap3A_2857, %swap3A_2858] {strides = array<i32>} : memref<8x64xf32, #tpu.memory_space<vmem>>, vector<1x16xf32>,
    %swap3A_2860 = vector.shape_cast %swap3A_2859 : vector<1x16xf32> to vector<16xf32>
    %swap3A_2861 = vector.shape_cast %max3A_2855 : vector<16xf32> to vector<1x16xf32>
    tpu.vector_store %arg12[%swap3A_2857, %swap3A_2858], %swap3A_2861 {strides = array<i32>} : memref<8x64xf32, #tpu.memory_space<vmem>>, vector<1x16xf32>,
    %get3A_2862 = arith.constant 6 : i32
    %get3A_2863 = arith.index_cast %get3A_2862 : i32 to index
    %get3A_2864 = arith.constant 16 : index
    %get3A_2865 = tpu.vector_load %arg12[%get3A_2863, %get3A_2864] {strides = array<i32>} : memref<8x64xf32, #tpu.memory_space<vmem>>, vector<1x16xf32>,
    %get3A_2866 = vector.shape_cast %get3A_2865 : vector<1x16xf32> to vector<16xf32>
    %max3A_2867 = arith.maximumf %get3A_2866, %broadcast_in_dim3A_2849 : vector<16xf32>
    %swap3A_2868 = arith.constant 6 : i32
    %swap3A_2869 = arith.index_cast %swap3A_2868 : i32 to index
    %swap3A_2870 = arith.constant 16 : index
    %swap3A_2871 = tpu.vector_load %arg12[%swap3A_2869, %swap3A_2870] {strides = array<i32>} : memref<8x64xf32, #tpu.memory_space<vmem>>, vector<1x16xf32>,
    %swap3A_2872 = vector.shape_cast %swap3A_2871 : vector<1x16xf32> to vector<16xf32>
    %swap3A_2873 = vector.shape_cast %max3A_2867 : vector<16xf32> to vector<1x16xf32>
    tpu.vector_store %arg12[%swap3A_2869, %swap3A_2870], %swap3A_2873 {strides = array<i32>} : memref<8x64xf32, #tpu.memory_space<vmem>>, vector<1x16xf32>,
    %get3A_2874 = arith.constant 6 : i32
    %get3A_2875 = arith.index_cast %get3A_2874 : i32 to index
    %get3A_2876 = arith.constant 32 : index
    %get3A_2877 = tpu.vector_load %arg12[%get3A_2875, %get3A_2876] {strides = array<i32>} : memref<8x64xf32, #tpu.memory_space<vmem>>, vector<1x16xf32>,
    %get3A_2878 = vector.shape_cast %get3A_2877 : vector<1x16xf32> to vector<16xf32>
    %max3A_2879 = arith.maximumf %get3A_2878, %broadcast_in_dim3A_2849 : vector<16xf32>
    %swap3A_2880 = arith.constant 6 : i32
    %swap3A_2881 = arith.index_cast %swap3A_2880 : i32 to index
    %swap3A_2882 = arith.constant 32 : index
    %swap3A_2883 = tpu.vector_load %arg12[%swap3A_2881, %swap3A_2882] {strides = array<i32>} : memref<8x64xf32, #tpu.memory_space<vmem>>, vector<1x16xf32>,
    %swap3A_2884 = vector.shape_cast %swap3A_2883 : vector<1x16xf32> to vector<16xf32>
    %swap3A_2885 = vector.shape_cast %max3A_2879 : vector<16xf32> to vector<1x16xf32>
    tpu.vector_store %arg12[%swap3A_2881, %swap3A_2882], %swap3A_2885 {strides = array<i32>} : memref<8x64xf32, #tpu.memory_space<vmem>>, vector<1x16xf32>,
    %get3A_2886 = arith.constant 6 : i32
    %get3A_2887 = arith.index_cast %get3A_2886 : i32 to index
    %get3A_2888 = arith.constant 48 : index
    %get3A_2889 = tpu.vector_load %arg12[%get3A_2887, %get3A_2888] {strides = array<i32>} : memref<8x64xf32, #tpu.memory_space<vmem>>, vector<1x16xf32>,
    %get3A_2890 = vector.shape_cast %get3A_2889 : vector<1x16xf32> to vector<16xf32>
    %max3A_2891 = arith.maximumf %get3A_2890, %broadcast_in_dim3A_2849 : vector<16xf32>
    %swap3A_2892 = arith.constant 6 : i32
    %swap3A_2893 = arith.index_cast %swap3A_2892 : i32 to index
    %swap3A_2894 = arith.constant 48 : index
    %swap3A_2895 = tpu.vector_load %arg12[%swap3A_2893, %swap3A_2894] {strides = array<i32>} : memref<8x64xf32, #tpu.memory_space<vmem>>, vector<1x16xf32>,
    %swap3A_2896 = vector.shape_cast %swap3A_2895 : vector<1x16xf32> to vector<16xf32>
    %swap3A_2897 = vector.shape_cast %max3A_2891 : vector<16xf32> to vector<1x16xf32>
    tpu.vector_store %arg12[%swap3A_2893, %swap3A_2894], %swap3A_2897 {strides = array<i32>} : memref<8x64xf32, #tpu.memory_space<vmem>>, vector<1x16xf32>,
    %slice3A_2898 = vector.extract_strided_slice %get3A_2507 {offsets = [7], sizes = [1], strides = [1]} : vector<16xi32> to vector<1xi32>
    %squeeze3A_2899 = vector.extract %slice3A_2898[0] : i32 from vector<1xi32>
    %eq3A_2900 = arith.constant 2048 : i32
    %eq3A_2901 = arith.cmpi eq, %squeeze3A_2899, %eq3A_2900 : i32
    %jit3A_2902 = arith.constant -3.40282347E+38 : f32
    %jit3A_2903 = arith.constant 0.000000e+00 : f32
    %select_n3A_2904 = arith.select %eq3A_2901, %jit3A_2902, %jit3A_2903 : f32
    %broadcast_in_dim3A_2905 = vector.broadcast %select_n3A_2904 : f32 to vector<16xf32>
    %get3A_2906 = arith.constant 7 : i32
    %get3A_2907 = arith.index_cast %get3A_2906 : i32 to index
    %get3A_2908 = arith.constant 0 : index
    %get3A_2909 = tpu.vector_load %arg12[%get3A_2907, %get3A_2908] {strides = array<i32>} : memref<8x64xf32, #tpu.memory_space<vmem>>, vector<1x16xf32>,
    %get3A_2910 = vector.shape_cast %get3A_2909 : vector<1x16xf32> to vector<16xf32>
    %max3A_2911 = arith.maximumf %get3A_2910, %broadcast_in_dim3A_2905 : vector<16xf32>
    %swap3A_2912 = arith.constant 7 : i32
    %swap3A_2913 = arith.index_cast %swap3A_2912 : i32 to index
    %swap3A_2914 = arith.constant 0 : index
    %swap3A_2915 = tpu.vector_load %arg12[%swap3A_2913, %swap3A_2914] {strides = array<i32>} : memref<8x64xf32, #tpu.memory_space<vmem>>, vector<1x16xf32>,
    %swap3A_2916 = vector.shape_cast %swap3A_2915 : vector<1x16xf32> to vector<16xf32>
    %swap3A_2917 = vector.shape_cast %max3A_2911 : vector<16xf32> to vector<1x16xf32>
    tpu.vector_store %arg12[%swap3A_2913, %swap3A_2914], %swap3A_2917 {strides = array<i32>} : memref<8x64xf32, #tpu.memory_space<vmem>>, vector<1x16xf32>,
    %get3A_2918 = arith.constant 7 : i32
    %get3A_2919 = arith.index_cast %get3A_2918 : i32 to index
    %get3A_2920 = arith.constant 16 : index
    %get3A_2921 = tpu.vector_load %arg12[%get3A_2919, %get3A_2920] {strides = array<i32>} : memref<8x64xf32, #tpu.memory_space<vmem>>, vector<1x16xf32>,
    %get3A_2922 = vector.shape_cast %get3A_2921 : vector<1x16xf32> to vector<16xf32>
    %max3A_2923 = arith.maximumf %get3A_2922, %broadcast_in_dim3A_2905 : vector<16xf32>
    %swap3A_2924 = arith.constant 7 : i32
    %swap3A_2925 = arith.index_cast %swap3A_2924 : i32 to index
    %swap3A_2926 = arith.constant 16 : index
    %swap3A_2927 = tpu.vector_load %arg12[%swap3A_2925, %swap3A_2926] {strides = array<i32>} : memref<8x64xf32, #tpu.memory_space<vmem>>, vector<1x16xf32>,
    %swap3A_2928 = vector.shape_cast %swap3A_2927 : vector<1x16xf32> to vector<16xf32>
    %swap3A_2929 = vector.shape_cast %max3A_2923 : vector<16xf32> to vector<1x16xf32>
    tpu.vector_store %arg12[%swap3A_2925, %swap3A_2926], %swap3A_2929 {strides = array<i32>} : memref<8x64xf32, #tpu.memory_space<vmem>>, vector<1x16xf32>,
    %get3A_2930 = arith.constant 7 : i32
    %get3A_2931 = arith.index_cast %get3A_2930 : i32 to index
    %get3A_2932 = arith.constant 32 : index
    %get3A_2933 = tpu.vector_load %arg12[%get3A_2931, %get3A_2932] {strides = array<i32>} : memref<8x64xf32, #tpu.memory_space<vmem>>, vector<1x16xf32>,
    %get3A_2934 = vector.shape_cast %get3A_2933 : vector<1x16xf32> to vector<16xf32>
    %max3A_2935 = arith.maximumf %get3A_2934, %broadcast_in_dim3A_2905 : vector<16xf32>
    %swap3A_2936 = arith.constant 7 : i32
    %swap3A_2937 = arith.index_cast %swap3A_2936 : i32 to index
    %swap3A_2938 = arith.constant 32 : index
    %swap3A_2939 = tpu.vector_load %arg12[%swap3A_2937, %swap3A_2938] {strides = array<i32>} : memref<8x64xf32, #tpu.memory_space<vmem>>, vector<1x16xf32>,
    %swap3A_2940 = vector.shape_cast %swap3A_2939 : vector<1x16xf32> to vector<16xf32>
    %swap3A_2941 = vector.shape_cast %max3A_2935 : vector<16xf32> to vector<1x16xf32>
    tpu.vector_store %arg12[%swap3A_2937, %swap3A_2938], %swap3A_2941 {strides = array<i32>} : memref<8x64xf32, #tpu.memory_space<vmem>>, vector<1x16xf32>,
    %get3A_2942 = arith.constant 7 : i32
    %get3A_2943 = arith.index_cast %get3A_2942 : i32 to index
    %get3A_2944 = arith.constant 48 : index
    %get3A_2945 = tpu.vector_load %arg12[%get3A_2943, %get3A_2944] {strides = array<i32>} : memref<8x64xf32, #tpu.memory_space<vmem>>, vector<1x16xf32>,
    %get3A_2946 = vector.shape_cast %get3A_2945 : vector<1x16xf32> to vector<16xf32>
    %max3A_2947 = arith.maximumf %get3A_2946, %broadcast_in_dim3A_2905 : vector<16xf32>
    %swap3A_2948 = arith.constant 7 : i32
    %swap3A_2949 = arith.index_cast %swap3A_2948 : i32 to index
    %swap3A_2950 = arith.constant 48 : index
    %swap3A_2951 = tpu.vector_load %arg12[%swap3A_2949, %swap3A_2950] {strides = array<i32>} : memref<8x64xf32, #tpu.memory_space<vmem>>, vector<1x16xf32>,
    %swap3A_2952 = vector.shape_cast %swap3A_2951 : vector<1x16xf32> to vector<16xf32>
    %swap3A_2953 = vector.shape_cast %max3A_2947 : vector<16xf32> to vector<1x16xf32>
    tpu.vector_store %arg12[%swap3A_2949, %swap3A_2950], %swap3A_2953 {strides = array<i32>} : memref<8x64xf32, #tpu.memory_space<vmem>>, vector<1x16xf32>,
    "tpu.region"() ({
      %run_scoped3A = tpu.sem_alloc : memref<!tpu.dma_semaphore, #tpu.memory_space<semaphore_mem>>
      %dma_start3A_2961 = arith.constant 0 : i32
      %dma_start3A_2962 = tpu.memref_slice %arg5[%add3A, %mul3A_81, %dma_start3A_2961] : memref<4x64x64xf32, #tpu.memory_space<hbm>> -> memref<1x8x64xf32, #tpu.memory_space<hbm>>
      %dma_start3A_2963 = tpu.memref_squeeze %dma_start3A_2962 : memref<1x8x64xf32, #tpu.memory_space<hbm>> -> memref<8x64xf32, #tpu.memory_space<hbm>>
      %dma_start3A_2964 = arith.constant 0 : i32
      %dma_start3A_2965 = tpu.memref_slice %arg5[%add3A, %mul3A_81, %dma_start3A_2964] : memref<4x64x64xf32, #tpu.memory_space<hbm>> -> memref<1x8x64xf32, #tpu.memory_space<hbm>>
      %dma_start3A_2966 = tpu.memref_squeeze %dma_start3A_2965 : memref<1x8x64xf32, #tpu.memory_space<hbm>> -> memref<8x64xf32, #tpu.memory_space<hbm>>
      tpu.enqueue_dma source(%arg12 : memref<8x64xf32, #tpu.memory_space<vmem>>) target(%dma_start3A_2966 : memref<8x64xf32, #tpu.memory_space<hbm>>) target_semaphore(%run_scoped3A : memref<!tpu.dma_semaphore, #tpu.memory_space<semaphore_mem>>)
      %dma_wait3A_2967 = arith.constant 0 : i32
      %dma_wait3A_2968 = tpu.memref_slice %arg5[%add3A, %mul3A_81, %dma_wait3A_2967] : memref<4x64x64xf32, #tpu.memory_space<hbm>> -> memref<1x8x64xf32, #tpu.memory_space<hbm>>
      %dma_wait3A_2969 = tpu.memref_squeeze %dma_wait3A_2968 : memref<1x8x64xf32, #tpu.memory_space<hbm>> -> memref<8x64xf32, #tpu.memory_space<hbm>>
      %dma_wait3A_2970 = arith.constant 0 : i32
      %dma_wait3A_2971 = tpu.memref_slice %arg5[%add3A, %mul3A_81, %dma_wait3A_2970] : memref<4x64x64xf32, #tpu.memory_space<hbm>> -> memref<1x8x64xf32, #tpu.memory_space<hbm>>
      %dma_wait3A_2972 = tpu.memref_squeeze %dma_wait3A_2971 : memref<1x8x64xf32, #tpu.memory_space<hbm>> -> memref<8x64xf32, #tpu.memory_space<hbm>>
      tpu.wait_dma2 semaphore(%run_scoped3A : memref<!tpu.dma_semaphore, #tpu.memory_space<semaphore_mem>>) src(%arg12 : memref<8x64xf32, #tpu.memory_space<vmem>>) dst(%dma_wait3A_2972 : memref<8x64xf32, #tpu.memory_space<hbm>>)
      tpu.yield
    }) : () -> ()
    %barrier3A_2954 = arith.constant 0 : index
    tpu.barrier barrier_id(%barrier3A_2954)
    "tpu.region"() ({
      %run_scoped3A = tpu.sem_alloc : memref<!tpu.dma_semaphore, #tpu.memory_space<semaphore_mem>>
      %dma_start3A_2961 = arith.constant 0 : i32
      %dma_start3A_2962 = arith.constant 0 : i32
      %dma_start3A_2963 = tpu.memref_slice %arg5[%add3A, %dma_start3A_2961, %dma_start3A_2962] : memref<4x64x64xf32, #tpu.memory_space<hbm>> -> memref<1x64x64xf32, #tpu.memory_space<hbm>>
      %dma_start3A_2964 = tpu.memref_squeeze %dma_start3A_2963 : memref<1x64x64xf32, #tpu.memory_space<hbm>> -> memref<64x64xf32, #tpu.memory_space<hbm>>
      %dma_start3A_2965 = arith.constant 0 : i32
      %dma_start3A_2966 = arith.constant 0 : i32
      %dma_start3A_2967 = tpu.memref_slice %arg5[%add3A, %dma_start3A_2965, %dma_start3A_2966] : memref<4x64x64xf32, #tpu.memory_space<hbm>> -> memref<1x64x64xf32, #tpu.memory_space<hbm>>
      %dma_start3A_2968 = tpu.memref_squeeze %dma_start3A_2967 : memref<1x64x64xf32, #tpu.memory_space<hbm>> -> memref<64x64xf32, #tpu.memory_space<hbm>>
      tpu.enqueue_dma source(%dma_start3A_2968 : memref<64x64xf32, #tpu.memory_space<hbm>>) target(%arg10 : memref<64x64xf32, #tpu.memory_space<vmem>>) target_semaphore(%run_scoped3A : memref<!tpu.dma_semaphore, #tpu.memory_space<semaphore_mem>>)
      %dma_wait3A_2969 = arith.constant 0 : i32
      %dma_wait3A_2970 = arith.constant 0 : i32
      %dma_wait3A_2971 = tpu.memref_slice %arg5[%add3A, %dma_wait3A_2969, %dma_wait3A_2970] : memref<4x64x64xf32, #tpu.memory_space<hbm>> -> memref<1x64x64xf32, #tpu.memory_space<hbm>>
      %dma_wait3A_2972 = tpu.memref_squeeze %dma_wait3A_2971 : memref<1x64x64xf32, #tpu.memory_space<hbm>> -> memref<64x64xf32, #tpu.memory_space<hbm>>
      %dma_wait3A_2973 = arith.constant 0 : i32
      %dma_wait3A_2974 = arith.constant 0 : i32
      %dma_wait3A_2975 = tpu.memref_slice %arg5[%add3A, %dma_wait3A_2973, %dma_wait3A_2974] : memref<4x64x64xf32, #tpu.memory_space<hbm>> -> memref<1x64x64xf32, #tpu.memory_space<hbm>>
      %dma_wait3A_2976 = tpu.memref_squeeze %dma_wait3A_2975 : memref<1x64x64xf32, #tpu.memory_space<hbm>> -> memref<64x64xf32, #tpu.memory_space<hbm>>
      tpu.wait_dma2 semaphore(%run_scoped3A : memref<!tpu.dma_semaphore, #tpu.memory_space<semaphore_mem>>) src(%dma_wait3A_2976 : memref<64x64xf32, #tpu.memory_space<hbm>>) dst(%arg10 : memref<64x64xf32, #tpu.memory_space<vmem>>)
      tpu.yield
    }) : () -> ()
    %scan3A_2955 = arith.constant 0 : i32
    %scan3A_2956 = arith.constant 0 : i32
    %scan3A_2957 = arith.constant 16 : i32
    %scan3A_2958 = arith.addi %scan3A_2956, %scan3A_2957 : i32
    %scan3A_2959 = arith.constant 1 : i32
    scf.for %scan3A_2961 = %scan3A_2956 to %scan3A_2958 step %scan3A_2959  : i32 {
      %mul3A_2962 = arith.constant 16 : i32
      %mul3A_2963 = arith.muli %scan3A_2961, %mul3A_2962 : i32
      %get3A_2964 = arith.index_cast %mul3A_2963 : i32 to index
      %get3A_2965 = tpu.vector_load %arg9[%get3A_2964] {strides = array<i32>} : memref<256xi32, #tpu.memory_space<vmem>>, vector<16xi32>,
      %get3A_2966 = vector.shape_cast %get3A_2965 : vector<16xi32> to vector<16xi32>
      %slice3A_2967 = vector.extract_strided_slice %get3A_2966 {offsets = [0], sizes = [1], strides = [1]} : vector<16xi32> to vector<1xi32>
      %squeeze3A_2968 = vector.extract %slice3A_2967[0] : i32 from vector<1xi32>
      %mul3A_2969 = arith.constant 16 : i32
      %mul3A_2970 = arith.muli %scan3A_2961, %mul3A_2969 : i32
      %add3A_2971 = arith.constant 0 : i32
      %add3A_2972 = arith.addi %mul3A_2970, %add3A_2971 : i32
      %get3A_2973 = arith.index_cast %squeeze3A_2968 : i32 to index
      %get3A_2974 = arith.constant 0 : index
      %get3A_2975 = tpu.vector_load %arg10[%get3A_2973, %get3A_2974] {strides = array<i32>} : memref<64x64xf32, #tpu.memory_space<vmem>>, vector<1x16xf32>,
      %get3A_2976 = vector.shape_cast %get3A_2975 : vector<1x16xf32> to vector<16xf32>
      %swap3A_2977 = arith.index_cast %add3A_2972 : i32 to index
      %swap3A_2978 = arith.constant 0 : index
      %swap3A_2979 = tpu.vector_load %arg8[%swap3A_2977, %swap3A_2978] {strides = array<i32>} : memref<256x64xf32, #tpu.memory_space<vmem>>, vector<1x16xf32>,
      %swap3A_2980 = vector.shape_cast %swap3A_2979 : vector<1x16xf32> to vector<16xf32>
      %swap3A_2981 = vector.shape_cast %get3A_2976 : vector<16xf32> to vector<1x16xf32>
      tpu.vector_store %arg8[%swap3A_2977, %swap3A_2978], %swap3A_2981 {strides = array<i32>} : memref<256x64xf32, #tpu.memory_space<vmem>>, vector<1x16xf32>,
      %get3A_2982 = arith.index_cast %squeeze3A_2968 : i32 to index
      %get3A_2983 = arith.constant 16 : index
      %get3A_2984 = tpu.vector_load %arg10[%get3A_2982, %get3A_2983] {strides = array<i32>} : memref<64x64xf32, #tpu.memory_space<vmem>>, vector<1x16xf32>,
      %get3A_2985 = vector.shape_cast %get3A_2984 : vector<1x16xf32> to vector<16xf32>
      %swap3A_2986 = arith.index_cast %add3A_2972 : i32 to index
      %swap3A_2987 = arith.constant 16 : index
      %swap3A_2988 = tpu.vector_load %arg8[%swap3A_2986, %swap3A_2987] {strides = array<i32>} : memref<256x64xf32, #tpu.memory_space<vmem>>, vector<1x16xf32>,
      %swap3A_2989 = vector.shape_cast %swap3A_2988 : vector<1x16xf32> to vector<16xf32>
      %swap3A_2990 = vector.shape_cast %get3A_2985 : vector<16xf32> to vector<1x16xf32>
      tpu.vector_store %arg8[%swap3A_2986, %swap3A_2987], %swap3A_2990 {strides = array<i32>} : memref<256x64xf32, #tpu.memory_space<vmem>>, vector<1x16xf32>,
      %get3A_2991 = arith.index_cast %squeeze3A_2968 : i32 to index
      %get3A_2992 = arith.constant 32 : index
      %get3A_2993 = tpu.vector_load %arg10[%get3A_2991, %get3A_2992] {strides = array<i32>} : memref<64x64xf32, #tpu.memory_space<vmem>>, vector<1x16xf32>,
      %get3A_2994 = vector.shape_cast %get3A_2993 : vector<1x16xf32> to vector<16xf32>
      %swap3A_2995 = arith.index_cast %add3A_2972 : i32 to index
      %swap3A_2996 = arith.constant 32 : index
      %swap3A_2997 = tpu.vector_load %arg8[%swap3A_2995, %swap3A_2996] {strides = array<i32>} : memref<256x64xf32, #tpu.memory_space<vmem>>, vector<1x16xf32>,
      %swap3A_2998 = vector.shape_cast %swap3A_2997 : vector<1x16xf32> to vector<16xf32>
      %swap3A_2999 = vector.shape_cast %get3A_2994 : vector<16xf32> to vector<1x16xf32>
      tpu.vector_store %arg8[%swap3A_2995, %swap3A_2996], %swap3A_2999 {strides = array<i32>} : memref<256x64xf32, #tpu.memory_space<vmem>>, vector<1x16xf32>,
      %get3A_3000 = arith.index_cast %squeeze3A_2968 : i32 to index
      %get3A_3001 = arith.constant 48 : index
      %get3A_3002 = tpu.vector_load %arg10[%get3A_3000, %get3A_3001] {strides = array<i32>} : memref<64x64xf32, #tpu.memory_space<vmem>>, vector<1x16xf32>,
      %get3A_3003 = vector.shape_cast %get3A_3002 : vector<1x16xf32> to vector<16xf32>
      %swap3A_3004 = arith.index_cast %add3A_2972 : i32 to index
      %swap3A_3005 = arith.constant 48 : index
      %swap3A_3006 = tpu.vector_load %arg8[%swap3A_3004, %swap3A_3005] {strides = array<i32>} : memref<256x64xf32, #tpu.memory_space<vmem>>, vector<1x16xf32>,
      %swap3A_3007 = vector.shape_cast %swap3A_3006 : vector<1x16xf32> to vector<16xf32>
      %swap3A_3008 = vector.shape_cast %get3A_3003 : vector<16xf32> to vector<1x16xf32>
      tpu.vector_store %arg8[%swap3A_3004, %swap3A_3005], %swap3A_3008 {strides = array<i32>} : memref<256x64xf32, #tpu.memory_space<vmem>>, vector<1x16xf32>,
      %slice3A_3009 = vector.extract_strided_slice %get3A_2966 {offsets = [1], sizes = [1], strides = [1]} : vector<16xi32> to vector<1xi32>
      %squeeze3A_3010 = vector.extract %slice3A_3009[0] : i32 from vector<1xi32>
      %mul3A_3011 = arith.constant 16 : i32
      %mul3A_3012 = arith.muli %scan3A_2961, %mul3A_3011 : i32
      %add3A_3013 = arith.constant 1 : i32
      %add3A_3014 = arith.addi %mul3A_3012, %add3A_3013 : i32
      %get3A_3015 = arith.index_cast %squeeze3A_3010 : i32 to index
      %get3A_3016 = arith.constant 0 : index
      %get3A_3017 = tpu.vector_load %arg10[%get3A_3015, %get3A_3016] {strides = array<i32>} : memref<64x64xf32, #tpu.memory_space<vmem>>, vector<1x16xf32>,
      %get3A_3018 = vector.shape_cast %get3A_3017 : vector<1x16xf32> to vector<16xf32>
      %swap3A_3019 = arith.index_cast %add3A_3014 : i32 to index
      %swap3A_3020 = arith.constant 0 : index
      %swap3A_3021 = tpu.vector_load %arg8[%swap3A_3019, %swap3A_3020] {strides = array<i32>} : memref<256x64xf32, #tpu.memory_space<vmem>>, vector<1x16xf32>,
      %swap3A_3022 = vector.shape_cast %swap3A_3021 : vector<1x16xf32> to vector<16xf32>
      %swap3A_3023 = vector.shape_cast %get3A_3018 : vector<16xf32> to vector<1x16xf32>
      tpu.vector_store %arg8[%swap3A_3019, %swap3A_3020], %swap3A_3023 {strides = array<i32>} : memref<256x64xf32, #tpu.memory_space<vmem>>, vector<1x16xf32>,
      %get3A_3024 = arith.index_cast %squeeze3A_3010 : i32 to index
      %get3A_3025 = arith.constant 16 : index
      %get3A_3026 = tpu.vector_load %arg10[%get3A_3024, %get3A_3025] {strides = array<i32>} : memref<64x64xf32, #tpu.memory_space<vmem>>, vector<1x16xf32>,
      %get3A_3027 = vector.shape_cast %get3A_3026 : vector<1x16xf32> to vector<16xf32>
      %swap3A_3028 = arith.index_cast %add3A_3014 : i32 to index
      %swap3A_3029 = arith.constant 16 : index
      %swap3A_3030 = tpu.vector_load %arg8[%swap3A_3028, %swap3A_3029] {strides = array<i32>} : memref<256x64xf32, #tpu.memory_space<vmem>>, vector<1x16xf32>,
      %swap3A_3031 = vector.shape_cast %swap3A_3030 : vector<1x16xf32> to vector<16xf32>
      %swap3A_3032 = vector.shape_cast %get3A_3027 : vector<16xf32> to vector<1x16xf32>
      tpu.vector_store %arg8[%swap3A_3028, %swap3A_3029], %swap3A_3032 {strides = array<i32>} : memref<256x64xf32, #tpu.memory_space<vmem>>, vector<1x16xf32>,
      %get3A_3033 = arith.index_cast %squeeze3A_3010 : i32 to index
      %get3A_3034 = arith.constant 32 : index
      %get3A_3035 = tpu.vector_load %arg10[%get3A_3033, %get3A_3034] {strides = array<i32>} : memref<64x64xf32, #tpu.memory_space<vmem>>, vector<1x16xf32>,
      %get3A_3036 = vector.shape_cast %get3A_3035 : vector<1x16xf32> to vector<16xf32>
      %swap3A_3037 = arith.index_cast %add3A_3014 : i32 to index
      %swap3A_3038 = arith.constant 32 : index
      %swap3A_3039 = tpu.vector_load %arg8[%swap3A_3037, %swap3A_3038] {strides = array<i32>} : memref<256x64xf32, #tpu.memory_space<vmem>>, vector<1x16xf32>,
      %swap3A_3040 = vector.shape_cast %swap3A_3039 : vector<1x16xf32> to vector<16xf32>
      %swap3A_3041 = vector.shape_cast %get3A_3036 : vector<16xf32> to vector<1x16xf32>
      tpu.vector_store %arg8[%swap3A_3037, %swap3A_3038], %swap3A_3041 {strides = array<i32>} : memref<256x64xf32, #tpu.memory_space<vmem>>, vector<1x16xf32>,
      %get3A_3042 = arith.index_cast %squeeze3A_3010 : i32 to index
      %get3A_3043 = arith.constant 48 : index
      %get3A_3044 = tpu.vector_load %arg10[%get3A_3042, %get3A_3043] {strides = array<i32>} : memref<64x64xf32, #tpu.memory_space<vmem>>, vector<1x16xf32>,
      %get3A_3045 = vector.shape_cast %get3A_3044 : vector<1x16xf32> to vector<16xf32>
      %swap3A_3046 = arith.index_cast %add3A_3014 : i32 to index
      %swap3A_3047 = arith.constant 48 : index
      %swap3A_3048 = tpu.vector_load %arg8[%swap3A_3046, %swap3A_3047] {strides = array<i32>} : memref<256x64xf32, #tpu.memory_space<vmem>>, vector<1x16xf32>,
      %swap3A_3049 = vector.shape_cast %swap3A_3048 : vector<1x16xf32> to vector<16xf32>
      %swap3A_3050 = vector.shape_cast %get3A_3045 : vector<16xf32> to vector<1x16xf32>
      tpu.vector_store %arg8[%swap3A_3046, %swap3A_3047], %swap3A_3050 {strides = array<i32>} : memref<256x64xf32, #tpu.memory_space<vmem>>, vector<1x16xf32>,
      %slice3A_3051 = vector.extract_strided_slice %get3A_2966 {offsets = [2], sizes = [1], strides = [1]} : vector<16xi32> to vector<1xi32>
      %squeeze3A_3052 = vector.extract %slice3A_3051[0] : i32 from vector<1xi32>
      %mul3A_3053 = arith.constant 16 : i32
      %mul3A_3054 = arith.muli %scan3A_2961, %mul3A_3053 : i32
      %add3A_3055 = arith.constant 2 : i32
      %add3A_3056 = arith.addi %mul3A_3054, %add3A_3055 : i32
      %get3A_3057 = arith.index_cast %squeeze3A_3052 : i32 to index
      %get3A_3058 = arith.constant 0 : index
      %get3A_3059 = tpu.vector_load %arg10[%get3A_3057, %get3A_3058] {strides = array<i32>} : memref<64x64xf32, #tpu.memory_space<vmem>>, vector<1x16xf32>,
      %get3A_3060 = vector.shape_cast %get3A_3059 : vector<1x16xf32> to vector<16xf32>
      %swap3A_3061 = arith.index_cast %add3A_3056 : i32 to index
      %swap3A_3062 = arith.constant 0 : index
      %swap3A_3063 = tpu.vector_load %arg8[%swap3A_3061, %swap3A_3062] {strides = array<i32>} : memref<256x64xf32, #tpu.memory_space<vmem>>, vector<1x16xf32>,
      %swap3A_3064 = vector.shape_cast %swap3A_3063 : vector<1x16xf32> to vector<16xf32>
      %swap3A_3065 = vector.shape_cast %get3A_3060 : vector<16xf32> to vector<1x16xf32>
      tpu.vector_store %arg8[%swap3A_3061, %swap3A_3062], %swap3A_3065 {strides = array<i32>} : memref<256x64xf32, #tpu.memory_space<vmem>>, vector<1x16xf32>,
      %get3A_3066 = arith.index_cast %squeeze3A_3052 : i32 to index
      %get3A_3067 = arith.constant 16 : index
      %get3A_3068 = tpu.vector_load %arg10[%get3A_3066, %get3A_3067] {strides = array<i32>} : memref<64x64xf32, #tpu.memory_space<vmem>>, vector<1x16xf32>,
      %get3A_3069 = vector.shape_cast %get3A_3068 : vector<1x16xf32> to vector<16xf32>
      %swap3A_3070 = arith.index_cast %add3A_3056 : i32 to index
      %swap3A_3071 = arith.constant 16 : index
      %swap3A_3072 = tpu.vector_load %arg8[%swap3A_3070, %swap3A_3071] {strides = array<i32>} : memref<256x64xf32, #tpu.memory_space<vmem>>, vector<1x16xf32>,
      %swap3A_3073 = vector.shape_cast %swap3A_3072 : vector<1x16xf32> to vector<16xf32>
      %swap3A_3074 = vector.shape_cast %get3A_3069 : vector<16xf32> to vector<1x16xf32>
      tpu.vector_store %arg8[%swap3A_3070, %swap3A_3071], %swap3A_3074 {strides = array<i32>} : memref<256x64xf32, #tpu.memory_space<vmem>>, vector<1x16xf32>,
      %get3A_3075 = arith.index_cast %squeeze3A_3052 : i32 to index
      %get3A_3076 = arith.constant 32 : index
      %get3A_3077 = tpu.vector_load %arg10[%get3A_3075, %get3A_3076] {strides = array<i32>} : memref<64x64xf32, #tpu.memory_space<vmem>>, vector<1x16xf32>,
      %get3A_3078 = vector.shape_cast %get3A_3077 : vector<1x16xf32> to vector<16xf32>
      %swap3A_3079 = arith.index_cast %add3A_3056 : i32 to index
      %swap3A_3080 = arith.constant 32 : index
      %swap3A_3081 = tpu.vector_load %arg8[%swap3A_3079, %swap3A_3080] {strides = array<i32>} : memref<256x64xf32, #tpu.memory_space<vmem>>, vector<1x16xf32>,
      %swap3A_3082 = vector.shape_cast %swap3A_3081 : vector<1x16xf32> to vector<16xf32>
      %swap3A_3083 = vector.shape_cast %get3A_3078 : vector<16xf32> to vector<1x16xf32>
      tpu.vector_store %arg8[%swap3A_3079, %swap3A_3080], %swap3A_3083 {strides = array<i32>} : memref<256x64xf32, #tpu.memory_space<vmem>>, vector<1x16xf32>,
      %get3A_3084 = arith.index_cast %squeeze3A_3052 : i32 to index
      %get3A_3085 = arith.constant 48 : index
      %get3A_3086 = tpu.vector_load %arg10[%get3A_3084, %get3A_3085] {strides = array<i32>} : memref<64x64xf32, #tpu.memory_space<vmem>>, vector<1x16xf32>,
      %get3A_3087 = vector.shape_cast %get3A_3086 : vector<1x16xf32> to vector<16xf32>
      %swap3A_3088 = arith.index_cast %add3A_3056 : i32 to index
      %swap3A_3089 = arith.constant 48 : index
      %swap3A_3090 = tpu.vector_load %arg8[%swap3A_3088, %swap3A_3089] {strides = array<i32>} : memref<256x64xf32, #tpu.memory_space<vmem>>, vector<1x16xf32>,
      %swap3A_3091 = vector.shape_cast %swap3A_3090 : vector<1x16xf32> to vector<16xf32>
      %swap3A_3092 = vector.shape_cast %get3A_3087 : vector<16xf32> to vector<1x16xf32>
      tpu.vector_store %arg8[%swap3A_3088, %swap3A_3089], %swap3A_3092 {strides = array<i32>} : memref<256x64xf32, #tpu.memory_space<vmem>>, vector<1x16xf32>,
      %slice3A_3093 = vector.extract_strided_slice %get3A_2966 {offsets = [3], sizes = [1], strides = [1]} : vector<16xi32> to vector<1xi32>
      %squeeze3A_3094 = vector.extract %slice3A_3093[0] : i32 from vector<1xi32>
      %mul3A_3095 = arith.constant 16 : i32
      %mul3A_3096 = arith.muli %scan3A_2961, %mul3A_3095 : i32
      %add3A_3097 = arith.constant 3 : i32
      %add3A_3098 = arith.addi %mul3A_3096, %add3A_3097 : i32
      %get3A_3099 = arith.index_cast %squeeze3A_3094 : i32 to index
      %get3A_3100 = arith.constant 0 : index
      %get3A_3101 = tpu.vector_load %arg10[%get3A_3099, %get3A_3100] {strides = array<i32>} : memref<64x64xf32, #tpu.memory_space<vmem>>, vector<1x16xf32>,
      %get3A_3102 = vector.shape_cast %get3A_3101 : vector<1x16xf32> to vector<16xf32>
      %swap3A_3103 = arith.index_cast %add3A_3098 : i32 to index
      %swap3A_3104 = arith.constant 0 : index
      %swap3A_3105 = tpu.vector_load %arg8[%swap3A_3103, %swap3A_3104] {strides = array<i32>} : memref<256x64xf32, #tpu.memory_space<vmem>>, vector<1x16xf32>,
      %swap3A_3106 = vector.shape_cast %swap3A_3105 : vector<1x16xf32> to vector<16xf32>
      %swap3A_3107 = vector.shape_cast %get3A_3102 : vector<16xf32> to vector<1x16xf32>
      tpu.vector_store %arg8[%swap3A_3103, %swap3A_3104], %swap3A_3107 {strides = array<i32>} : memref<256x64xf32, #tpu.memory_space<vmem>>, vector<1x16xf32>,
      %get3A_3108 = arith.index_cast %squeeze3A_3094 : i32 to index
      %get3A_3109 = arith.constant 16 : index
      %get3A_3110 = tpu.vector_load %arg10[%get3A_3108, %get3A_3109] {strides = array<i32>} : memref<64x64xf32, #tpu.memory_space<vmem>>, vector<1x16xf32>,
      %get3A_3111 = vector.shape_cast %get3A_3110 : vector<1x16xf32> to vector<16xf32>
      %swap3A_3112 = arith.index_cast %add3A_3098 : i32 to index
      %swap3A_3113 = arith.constant 16 : index
      %swap3A_3114 = tpu.vector_load %arg8[%swap3A_3112, %swap3A_3113] {strides = array<i32>} : memref<256x64xf32, #tpu.memory_space<vmem>>, vector<1x16xf32>,
      %swap3A_3115 = vector.shape_cast %swap3A_3114 : vector<1x16xf32> to vector<16xf32>
      %swap3A_3116 = vector.shape_cast %get3A_3111 : vector<16xf32> to vector<1x16xf32>
      tpu.vector_store %arg8[%swap3A_3112, %swap3A_3113], %swap3A_3116 {strides = array<i32>} : memref<256x64xf32, #tpu.memory_space<vmem>>, vector<1x16xf32>,
      %get3A_3117 = arith.index_cast %squeeze3A_3094 : i32 to index
      %get3A_3118 = arith.constant 32 : index
      %get3A_3119 = tpu.vector_load %arg10[%get3A_3117, %get3A_3118] {strides = array<i32>} : memref<64x64xf32, #tpu.memory_space<vmem>>, vector<1x16xf32>,
      %get3A_3120 = vector.shape_cast %get3A_3119 : vector<1x16xf32> to vector<16xf32>
      %swap3A_3121 = arith.index_cast %add3A_3098 : i32 to index
      %swap3A_3122 = arith.constant 32 : index
      %swap3A_3123 = tpu.vector_load %arg8[%swap3A_3121, %swap3A_3122] {strides = array<i32>} : memref<256x64xf32, #tpu.memory_space<vmem>>, vector<1x16xf32>,
      %swap3A_3124 = vector.shape_cast %swap3A_3123 : vector<1x16xf32> to vector<16xf32>
      %swap3A_3125 = vector.shape_cast %get3A_3120 : vector<16xf32> to vector<1x16xf32>
      tpu.vector_store %arg8[%swap3A_3121, %swap3A_3122], %swap3A_3125 {strides = array<i32>} : memref<256x64xf32, #tpu.memory_space<vmem>>, vector<1x16xf32>,
      %get3A_3126 = arith.index_cast %squeeze3A_3094 : i32 to index
      %get3A_3127 = arith.constant 48 : index
      %get3A_3128 = tpu.vector_load %arg10[%get3A_3126, %get3A_3127] {strides = array<i32>} : memref<64x64xf32, #tpu.memory_space<vmem>>, vector<1x16xf32>,
      %get3A_3129 = vector.shape_cast %get3A_3128 : vector<1x16xf32> to vector<16xf32>
      %swap3A_3130 = arith.index_cast %add3A_3098 : i32 to index
      %swap3A_3131 = arith.constant 48 : index
      %swap3A_3132 = tpu.vector_load %arg8[%swap3A_3130, %swap3A_3131] {strides = array<i32>} : memref<256x64xf32, #tpu.memory_space<vmem>>, vector<1x16xf32>,
      %swap3A_3133 = vector.shape_cast %swap3A_3132 : vector<1x16xf32> to vector<16xf32>
      %swap3A_3134 = vector.shape_cast %get3A_3129 : vector<16xf32> to vector<1x16xf32>
      tpu.vector_store %arg8[%swap3A_3130, %swap3A_3131], %swap3A_3134 {strides = array<i32>} : memref<256x64xf32, #tpu.memory_space<vmem>>, vector<1x16xf32>,
      %slice3A_3135 = vector.extract_strided_slice %get3A_2966 {offsets = [4], sizes = [1], strides = [1]} : vector<16xi32> to vector<1xi32>
      %squeeze3A_3136 = vector.extract %slice3A_3135[0] : i32 from vector<1xi32>
      %mul3A_3137 = arith.constant 16 : i32
      %mul3A_3138 = arith.muli %scan3A_2961, %mul3A_3137 : i32
      %add3A_3139 = arith.constant 4 : i32
      %add3A_3140 = arith.addi %mul3A_3138, %add3A_3139 : i32
      %get3A_3141 = arith.index_cast %squeeze3A_3136 : i32 to index
      %get3A_3142 = arith.constant 0 : index
      %get3A_3143 = tpu.vector_load %arg10[%get3A_3141, %get3A_3142] {strides = array<i32>} : memref<64x64xf32, #tpu.memory_space<vmem>>, vector<1x16xf32>,
      %get3A_3144 = vector.shape_cast %get3A_3143 : vector<1x16xf32> to vector<16xf32>
      %swap3A_3145 = arith.index_cast %add3A_3140 : i32 to index
      %swap3A_3146 = arith.constant 0 : index
      %swap3A_3147 = tpu.vector_load %arg8[%swap3A_3145, %swap3A_3146] {strides = array<i32>} : memref<256x64xf32, #tpu.memory_space<vmem>>, vector<1x16xf32>,
      %swap3A_3148 = vector.shape_cast %swap3A_3147 : vector<1x16xf32> to vector<16xf32>
      %swap3A_3149 = vector.shape_cast %get3A_3144 : vector<16xf32> to vector<1x16xf32>
      tpu.vector_store %arg8[%swap3A_3145, %swap3A_3146], %swap3A_3149 {strides = array<i32>} : memref<256x64xf32, #tpu.memory_space<vmem>>, vector<1x16xf32>,
      %get3A_3150 = arith.index_cast %squeeze3A_3136 : i32 to index
      %get3A_3151 = arith.constant 16 : index
      %get3A_3152 = tpu.vector_load %arg10[%get3A_3150, %get3A_3151] {strides = array<i32>} : memref<64x64xf32, #tpu.memory_space<vmem>>, vector<1x16xf32>,
      %get3A_3153 = vector.shape_cast %get3A_3152 : vector<1x16xf32> to vector<16xf32>
      %swap3A_3154 = arith.index_cast %add3A_3140 : i32 to index
      %swap3A_3155 = arith.constant 16 : index
      %swap3A_3156 = tpu.vector_load %arg8[%swap3A_3154, %swap3A_3155] {strides = array<i32>} : memref<256x64xf32, #tpu.memory_space<vmem>>, vector<1x16xf32>,
      %swap3A_3157 = vector.shape_cast %swap3A_3156 : vector<1x16xf32> to vector<16xf32>
      %swap3A_3158 = vector.shape_cast %get3A_3153 : vector<16xf32> to vector<1x16xf32>
      tpu.vector_store %arg8[%swap3A_3154, %swap3A_3155], %swap3A_3158 {strides = array<i32>} : memref<256x64xf32, #tpu.memory_space<vmem>>, vector<1x16xf32>,
      %get3A_3159 = arith.index_cast %squeeze3A_3136 : i32 to index
      %get3A_3160 = arith.constant 32 : index
      %get3A_3161 = tpu.vector_load %arg10[%get3A_3159, %get3A_3160] {strides = array<i32>} : memref<64x64xf32, #tpu.memory_space<vmem>>, vector<1x16xf32>,
      %get3A_3162 = vector.shape_cast %get3A_3161 : vector<1x16xf32> to vector<16xf32>
      %swap3A_3163 = arith.index_cast %add3A_3140 : i32 to index
      %swap3A_3164 = arith.constant 32 : index
      %swap3A_3165 = tpu.vector_load %arg8[%swap3A_3163, %swap3A_3164] {strides = array<i32>} : memref<256x64xf32, #tpu.memory_space<vmem>>, vector<1x16xf32>,
      %swap3A_3166 = vector.shape_cast %swap3A_3165 : vector<1x16xf32> to vector<16xf32>
      %swap3A_3167 = vector.shape_cast %get3A_3162 : vector<16xf32> to vector<1x16xf32>
      tpu.vector_store %arg8[%swap3A_3163, %swap3A_3164], %swap3A_3167 {strides = array<i32>} : memref<256x64xf32, #tpu.memory_space<vmem>>, vector<1x16xf32>,
      %get3A_3168 = arith.index_cast %squeeze3A_3136 : i32 to index
      %get3A_3169 = arith.constant 48 : index
      %get3A_3170 = tpu.vector_load %arg10[%get3A_3168, %get3A_3169] {strides = array<i32>} : memref<64x64xf32, #tpu.memory_space<vmem>>, vector<1x16xf32>,
      %get3A_3171 = vector.shape_cast %get3A_3170 : vector<1x16xf32> to vector<16xf32>
      %swap3A_3172 = arith.index_cast %add3A_3140 : i32 to index
      %swap3A_3173 = arith.constant 48 : index
      %swap3A_3174 = tpu.vector_load %arg8[%swap3A_3172, %swap3A_3173] {strides = array<i32>} : memref<256x64xf32, #tpu.memory_space<vmem>>, vector<1x16xf32>,
      %swap3A_3175 = vector.shape_cast %swap3A_3174 : vector<1x16xf32> to vector<16xf32>
      %swap3A_3176 = vector.shape_cast %get3A_3171 : vector<16xf32> to vector<1x16xf32>
      tpu.vector_store %arg8[%swap3A_3172, %swap3A_3173], %swap3A_3176 {strides = array<i32>} : memref<256x64xf32, #tpu.memory_space<vmem>>, vector<1x16xf32>,
      %slice3A_3177 = vector.extract_strided_slice %get3A_2966 {offsets = [5], sizes = [1], strides = [1]} : vector<16xi32> to vector<1xi32>
      %squeeze3A_3178 = vector.extract %slice3A_3177[0] : i32 from vector<1xi32>
      %mul3A_3179 = arith.constant 16 : i32
      %mul3A_3180 = arith.muli %scan3A_2961, %mul3A_3179 : i32
      %add3A_3181 = arith.constant 5 : i32
      %add3A_3182 = arith.addi %mul3A_3180, %add3A_3181 : i32
      %get3A_3183 = arith.index_cast %squeeze3A_3178 : i32 to index
      %get3A_3184 = arith.constant 0 : index
      %get3A_3185 = tpu.vector_load %arg10[%get3A_3183, %get3A_3184] {strides = array<i32>} : memref<64x64xf32, #tpu.memory_space<vmem>>, vector<1x16xf32>,
      %get3A_3186 = vector.shape_cast %get3A_3185 : vector<1x16xf32> to vector<16xf32>
      %swap3A_3187 = arith.index_cast %add3A_3182 : i32 to index
      %swap3A_3188 = arith.constant 0 : index
      %swap3A_3189 = tpu.vector_load %arg8[%swap3A_3187, %swap3A_3188] {strides = array<i32>} : memref<256x64xf32, #tpu.memory_space<vmem>>, vector<1x16xf32>,
      %swap3A_3190 = vector.shape_cast %swap3A_3189 : vector<1x16xf32> to vector<16xf32>
      %swap3A_3191 = vector.shape_cast %get3A_3186 : vector<16xf32> to vector<1x16xf32>
      tpu.vector_store %arg8[%swap3A_3187, %swap3A_3188], %swap3A_3191 {strides = array<i32>} : memref<256x64xf32, #tpu.memory_space<vmem>>, vector<1x16xf32>,
      %get3A_3192 = arith.index_cast %squeeze3A_3178 : i32 to index
      %get3A_3193 = arith.constant 16 : index
      %get3A_3194 = tpu.vector_load %arg10[%get3A_3192, %get3A_3193] {strides = array<i32>} : memref<64x64xf32, #tpu.memory_space<vmem>>, vector<1x16xf32>,
      %get3A_3195 = vector.shape_cast %get3A_3194 : vector<1x16xf32> to vector<16xf32>
      %swap3A_3196 = arith.index_cast %add3A_3182 : i32 to index
      %swap3A_3197 = arith.constant 16 : index
      %swap3A_3198 = tpu.vector_load %arg8[%swap3A_3196, %swap3A_3197] {strides = array<i32>} : memref<256x64xf32, #tpu.memory_space<vmem>>, vector<1x16xf32>,
      %swap3A_3199 = vector.shape_cast %swap3A_3198 : vector<1x16xf32> to vector<16xf32>
      %swap3A_3200 = vector.shape_cast %get3A_3195 : vector<16xf32> to vector<1x16xf32>
      tpu.vector_store %arg8[%swap3A_3196, %swap3A_3197], %swap3A_3200 {strides = array<i32>} : memref<256x64xf32, #tpu.memory_space<vmem>>, vector<1x16xf32>,
      %get3A_3201 = arith.index_cast %squeeze3A_3178 : i32 to index
      %get3A_3202 = arith.constant 32 : index
      %get3A_3203 = tpu.vector_load %arg10[%get3A_3201, %get3A_3202] {strides = array<i32>} : memref<64x64xf32, #tpu.memory_space<vmem>>, vector<1x16xf32>,
      %get3A_3204 = vector.shape_cast %get3A_3203 : vector<1x16xf32> to vector<16xf32>
      %swap3A_3205 = arith.index_cast %add3A_3182 : i32 to index
      %swap3A_3206 = arith.constant 32 : index
      %swap3A_3207 = tpu.vector_load %arg8[%swap3A_3205, %swap3A_3206] {strides = array<i32>} : memref<256x64xf32, #tpu.memory_space<vmem>>, vector<1x16xf32>,
      %swap3A_3208 = vector.shape_cast %swap3A_3207 : vector<1x16xf32> to vector<16xf32>
      %swap3A_3209 = vector.shape_cast %get3A_3204 : vector<16xf32> to vector<1x16xf32>
      tpu.vector_store %arg8[%swap3A_3205, %swap3A_3206], %swap3A_3209 {strides = array<i32>} : memref<256x64xf32, #tpu.memory_space<vmem>>, vector<1x16xf32>,
      %get3A_3210 = arith.index_cast %squeeze3A_3178 : i32 to index
      %get3A_3211 = arith.constant 48 : index
      %get3A_3212 = tpu.vector_load %arg10[%get3A_3210, %get3A_3211] {strides = array<i32>} : memref<64x64xf32, #tpu.memory_space<vmem>>, vector<1x16xf32>,
      %get3A_3213 = vector.shape_cast %get3A_3212 : vector<1x16xf32> to vector<16xf32>
      %swap3A_3214 = arith.index_cast %add3A_3182 : i32 to index
      %swap3A_3215 = arith.constant 48 : index
      %swap3A_3216 = tpu.vector_load %arg8[%swap3A_3214, %swap3A_3215] {strides = array<i32>} : memref<256x64xf32, #tpu.memory_space<vmem>>, vector<1x16xf32>,
      %swap3A_3217 = vector.shape_cast %swap3A_3216 : vector<1x16xf32> to vector<16xf32>
      %swap3A_3218 = vector.shape_cast %get3A_3213 : vector<16xf32> to vector<1x16xf32>
      tpu.vector_store %arg8[%swap3A_3214, %swap3A_3215], %swap3A_3218 {strides = array<i32>} : memref<256x64xf32, #tpu.memory_space<vmem>>, vector<1x16xf32>,
      %slice3A_3219 = vector.extract_strided_slice %get3A_2966 {offsets = [6], sizes = [1], strides = [1]} : vector<16xi32> to vector<1xi32>
      %squeeze3A_3220 = vector.extract %slice3A_3219[0] : i32 from vector<1xi32>
      %mul3A_3221 = arith.constant 16 : i32
      %mul3A_3222 = arith.muli %scan3A_2961, %mul3A_3221 : i32
      %add3A_3223 = arith.constant 6 : i32
      %add3A_3224 = arith.addi %mul3A_3222, %add3A_3223 : i32
      %get3A_3225 = arith.index_cast %squeeze3A_3220 : i32 to index
      %get3A_3226 = arith.constant 0 : index
      %get3A_3227 = tpu.vector_load %arg10[%get3A_3225, %get3A_3226] {strides = array<i32>} : memref<64x64xf32, #tpu.memory_space<vmem>>, vector<1x16xf32>,
      %get3A_3228 = vector.shape_cast %get3A_3227 : vector<1x16xf32> to vector<16xf32>
      %swap3A_3229 = arith.index_cast %add3A_3224 : i32 to index
      %swap3A_3230 = arith.constant 0 : index
      %swap3A_3231 = tpu.vector_load %arg8[%swap3A_3229, %swap3A_3230] {strides = array<i32>} : memref<256x64xf32, #tpu.memory_space<vmem>>, vector<1x16xf32>,
      %swap3A_3232 = vector.shape_cast %swap3A_3231 : vector<1x16xf32> to vector<16xf32>
      %swap3A_3233 = vector.shape_cast %get3A_3228 : vector<16xf32> to vector<1x16xf32>
      tpu.vector_store %arg8[%swap3A_3229, %swap3A_3230], %swap3A_3233 {strides = array<i32>} : memref<256x64xf32, #tpu.memory_space<vmem>>, vector<1x16xf32>,
      %get3A_3234 = arith.index_cast %squeeze3A_3220 : i32 to index
      %get3A_3235 = arith.constant 16 : index
      %get3A_3236 = tpu.vector_load %arg10[%get3A_3234, %get3A_3235] {strides = array<i32>} : memref<64x64xf32, #tpu.memory_space<vmem>>, vector<1x16xf32>,
      %get3A_3237 = vector.shape_cast %get3A_3236 : vector<1x16xf32> to vector<16xf32>
      %swap3A_3238 = arith.index_cast %add3A_3224 : i32 to index
      %swap3A_3239 = arith.constant 16 : index
      %swap3A_3240 = tpu.vector_load %arg8[%swap3A_3238, %swap3A_3239] {strides = array<i32>} : memref<256x64xf32, #tpu.memory_space<vmem>>, vector<1x16xf32>,
      %swap3A_3241 = vector.shape_cast %swap3A_3240 : vector<1x16xf32> to vector<16xf32>
      %swap3A_3242 = vector.shape_cast %get3A_3237 : vector<16xf32> to vector<1x16xf32>
      tpu.vector_store %arg8[%swap3A_3238, %swap3A_3239], %swap3A_3242 {strides = array<i32>} : memref<256x64xf32, #tpu.memory_space<vmem>>, vector<1x16xf32>,
      %get3A_3243 = arith.index_cast %squeeze3A_3220 : i32 to index
      %get3A_3244 = arith.constant 32 : index
      %get3A_3245 = tpu.vector_load %arg10[%get3A_3243, %get3A_3244] {strides = array<i32>} : memref<64x64xf32, #tpu.memory_space<vmem>>, vector<1x16xf32>,
      %get3A_3246 = vector.shape_cast %get3A_3245 : vector<1x16xf32> to vector<16xf32>
      %swap3A_3247 = arith.index_cast %add3A_3224 : i32 to index
      %swap3A_3248 = arith.constant 32 : index
      %swap3A_3249 = tpu.vector_load %arg8[%swap3A_3247, %swap3A_3248] {strides = array<i32>} : memref<256x64xf32, #tpu.memory_space<vmem>>, vector<1x16xf32>,
      %swap3A_3250 = vector.shape_cast %swap3A_3249 : vector<1x16xf32> to vector<16xf32>
      %swap3A_3251 = vector.shape_cast %get3A_3246 : vector<16xf32> to vector<1x16xf32>
      tpu.vector_store %arg8[%swap3A_3247, %swap3A_3248], %swap3A_3251 {strides = array<i32>} : memref<256x64xf32, #tpu.memory_space<vmem>>, vector<1x16xf32>,
      %get3A_3252 = arith.index_cast %squeeze3A_3220 : i32 to index
      %get3A_3253 = arith.constant 48 : index
      %get3A_3254 = tpu.vector_load %arg10[%get3A_3252, %get3A_3253] {strides = array<i32>} : memref<64x64xf32, #tpu.memory_space<vmem>>, vector<1x16xf32>,
      %get3A_3255 = vector.shape_cast %get3A_3254 : vector<1x16xf32> to vector<16xf32>
      %swap3A_3256 = arith.index_cast %add3A_3224 : i32 to index
      %swap3A_3257 = arith.constant 48 : index
      %swap3A_3258 = tpu.vector_load %arg8[%swap3A_3256, %swap3A_3257] {strides = array<i32>} : memref<256x64xf32, #tpu.memory_space<vmem>>, vector<1x16xf32>,
      %swap3A_3259 = vector.shape_cast %swap3A_3258 : vector<1x16xf32> to vector<16xf32>
      %swap3A_3260 = vector.shape_cast %get3A_3255 : vector<16xf32> to vector<1x16xf32>
      tpu.vector_store %arg8[%swap3A_3256, %swap3A_3257], %swap3A_3260 {strides = array<i32>} : memref<256x64xf32, #tpu.memory_space<vmem>>, vector<1x16xf32>,
      %slice3A_3261 = vector.extract_strided_slice %get3A_2966 {offsets = [7], sizes = [1], strides = [1]} : vector<16xi32> to vector<1xi32>
      %squeeze3A_3262 = vector.extract %slice3A_3261[0] : i32 from vector<1xi32>
      %mul3A_3263 = arith.constant 16 : i32
      %mul3A_3264 = arith.muli %scan3A_2961, %mul3A_3263 : i32
      %add3A_3265 = arith.constant 7 : i32
      %add3A_3266 = arith.addi %mul3A_3264, %add3A_3265 : i32
      %get3A_3267 = arith.index_cast %squeeze3A_3262 : i32 to index
      %get3A_3268 = arith.constant 0 : index
      %get3A_3269 = tpu.vector_load %arg10[%get3A_3267, %get3A_3268] {strides = array<i32>} : memref<64x64xf32, #tpu.memory_space<vmem>>, vector<1x16xf32>,
      %get3A_3270 = vector.shape_cast %get3A_3269 : vector<1x16xf32> to vector<16xf32>
      %swap3A_3271 = arith.index_cast %add3A_3266 : i32 to index
      %swap3A_3272 = arith.constant 0 : index
      %swap3A_3273 = tpu.vector_load %arg8[%swap3A_3271, %swap3A_3272] {strides = array<i32>} : memref<256x64xf32, #tpu.memory_space<vmem>>, vector<1x16xf32>,
      %swap3A_3274 = vector.shape_cast %swap3A_3273 : vector<1x16xf32> to vector<16xf32>
      %swap3A_3275 = vector.shape_cast %get3A_3270 : vector<16xf32> to vector<1x16xf32>
      tpu.vector_store %arg8[%swap3A_3271, %swap3A_3272], %swap3A_3275 {strides = array<i32>} : memref<256x64xf32, #tpu.memory_space<vmem>>, vector<1x16xf32>,
      %get3A_3276 = arith.index_cast %squeeze3A_3262 : i32 to index
      %get3A_3277 = arith.constant 16 : index
      %get3A_3278 = tpu.vector_load %arg10[%get3A_3276, %get3A_3277] {strides = array<i32>} : memref<64x64xf32, #tpu.memory_space<vmem>>, vector<1x16xf32>,
      %get3A_3279 = vector.shape_cast %get3A_3278 : vector<1x16xf32> to vector<16xf32>
      %swap3A_3280 = arith.index_cast %add3A_3266 : i32 to index
      %swap3A_3281 = arith.constant 16 : index
      %swap3A_3282 = tpu.vector_load %arg8[%swap3A_3280, %swap3A_3281] {strides = array<i32>} : memref<256x64xf32, #tpu.memory_space<vmem>>, vector<1x16xf32>,
      %swap3A_3283 = vector.shape_cast %swap3A_3282 : vector<1x16xf32> to vector<16xf32>
      %swap3A_3284 = vector.shape_cast %get3A_3279 : vector<16xf32> to vector<1x16xf32>
      tpu.vector_store %arg8[%swap3A_3280, %swap3A_3281], %swap3A_3284 {strides = array<i32>} : memref<256x64xf32, #tpu.memory_space<vmem>>, vector<1x16xf32>,
      %get3A_3285 = arith.index_cast %squeeze3A_3262 : i32 to index
      %get3A_3286 = arith.constant 32 : index
      %get3A_3287 = tpu.vector_load %arg10[%get3A_3285, %get3A_3286] {strides = array<i32>} : memref<64x64xf32, #tpu.memory_space<vmem>>, vector<1x16xf32>,
      %get3A_3288 = vector.shape_cast %get3A_3287 : vector<1x16xf32> to vector<16xf32>
      %swap3A_3289 = arith.index_cast %add3A_3266 : i32 to index
      %swap3A_3290 = arith.constant 32 : index
      %swap3A_3291 = tpu.vector_load %arg8[%swap3A_3289, %swap3A_3290] {strides = array<i32>} : memref<256x64xf32, #tpu.memory_space<vmem>>, vector<1x16xf32>,
      %swap3A_3292 = vector.shape_cast %swap3A_3291 : vector<1x16xf32> to vector<16xf32>
      %swap3A_3293 = vector.shape_cast %get3A_3288 : vector<16xf32> to vector<1x16xf32>
      tpu.vector_store %arg8[%swap3A_3289, %swap3A_3290], %swap3A_3293 {strides = array<i32>} : memref<256x64xf32, #tpu.memory_space<vmem>>, vector<1x16xf32>,
      %get3A_3294 = arith.index_cast %squeeze3A_3262 : i32 to index
      %get3A_3295 = arith.constant 48 : index
      %get3A_3296 = tpu.vector_load %arg10[%get3A_3294, %get3A_3295] {strides = array<i32>} : memref<64x64xf32, #tpu.memory_space<vmem>>, vector<1x16xf32>,
      %get3A_3297 = vector.shape_cast %get3A_3296 : vector<1x16xf32> to vector<16xf32>
      %swap3A_3298 = arith.index_cast %add3A_3266 : i32 to index
      %swap3A_3299 = arith.constant 48 : index
      %swap3A_3300 = tpu.vector_load %arg8[%swap3A_3298, %swap3A_3299] {strides = array<i32>} : memref<256x64xf32, #tpu.memory_space<vmem>>, vector<1x16xf32>,
      %swap3A_3301 = vector.shape_cast %swap3A_3300 : vector<1x16xf32> to vector<16xf32>
      %swap3A_3302 = vector.shape_cast %get3A_3297 : vector<16xf32> to vector<1x16xf32>
      tpu.vector_store %arg8[%swap3A_3298, %swap3A_3299], %swap3A_3302 {strides = array<i32>} : memref<256x64xf32, #tpu.memory_space<vmem>>, vector<1x16xf32>,
      %slice3A_3303 = vector.extract_strided_slice %get3A_2966 {offsets = [8], sizes = [1], strides = [1]} : vector<16xi32> to vector<1xi32>
      %squeeze3A_3304 = vector.extract %slice3A_3303[0] : i32 from vector<1xi32>
      %mul3A_3305 = arith.constant 16 : i32
      %mul3A_3306 = arith.muli %scan3A_2961, %mul3A_3305 : i32
      %add3A_3307 = arith.constant 8 : i32
      %add3A_3308 = arith.addi %mul3A_3306, %add3A_3307 : i32
      %get3A_3309 = arith.index_cast %squeeze3A_3304 : i32 to index
      %get3A_3310 = arith.constant 0 : index
      %get3A_3311 = tpu.vector_load %arg10[%get3A_3309, %get3A_3310] {strides = array<i32>} : memref<64x64xf32, #tpu.memory_space<vmem>>, vector<1x16xf32>,
      %get3A_3312 = vector.shape_cast %get3A_3311 : vector<1x16xf32> to vector<16xf32>
      %swap3A_3313 = arith.index_cast %add3A_3308 : i32 to index
      %swap3A_3314 = arith.constant 0 : index
      %swap3A_3315 = tpu.vector_load %arg8[%swap3A_3313, %swap3A_3314] {strides = array<i32>} : memref<256x64xf32, #tpu.memory_space<vmem>>, vector<1x16xf32>,
      %swap3A_3316 = vector.shape_cast %swap3A_3315 : vector<1x16xf32> to vector<16xf32>
      %swap3A_3317 = vector.shape_cast %get3A_3312 : vector<16xf32> to vector<1x16xf32>
      tpu.vector_store %arg8[%swap3A_3313, %swap3A_3314], %swap3A_3317 {strides = array<i32>} : memref<256x64xf32, #tpu.memory_space<vmem>>, vector<1x16xf32>,
      %get3A_3318 = arith.index_cast %squeeze3A_3304 : i32 to index
      %get3A_3319 = arith.constant 16 : index
      %get3A_3320 = tpu.vector_load %arg10[%get3A_3318, %get3A_3319] {strides = array<i32>} : memref<64x64xf32, #tpu.memory_space<vmem>>, vector<1x16xf32>,
      %get3A_3321 = vector.shape_cast %get3A_3320 : vector<1x16xf32> to vector<16xf32>
      %swap3A_3322 = arith.index_cast %add3A_3308 : i32 to index
      %swap3A_3323 = arith.constant 16 : index
      %swap3A_3324 = tpu.vector_load %arg8[%swap3A_3322, %swap3A_3323] {strides = array<i32>} : memref<256x64xf32, #tpu.memory_space<vmem>>, vector<1x16xf32>,
      %swap3A_3325 = vector.shape_cast %swap3A_3324 : vector<1x16xf32> to vector<16xf32>
      %swap3A_3326 = vector.shape_cast %get3A_3321 : vector<16xf32> to vector<1x16xf32>
      tpu.vector_store %arg8[%swap3A_3322, %swap3A_3323], %swap3A_3326 {strides = array<i32>} : memref<256x64xf32, #tpu.memory_space<vmem>>, vector<1x16xf32>,
      %get3A_3327 = arith.index_cast %squeeze3A_3304 : i32 to index
      %get3A_3328 = arith.constant 32 : index
      %get3A_3329 = tpu.vector_load %arg10[%get3A_3327, %get3A_3328] {strides = array<i32>} : memref<64x64xf32, #tpu.memory_space<vmem>>, vector<1x16xf32>,
      %get3A_3330 = vector.shape_cast %get3A_3329 : vector<1x16xf32> to vector<16xf32>
      %swap3A_3331 = arith.index_cast %add3A_3308 : i32 to index
      %swap3A_3332 = arith.constant 32 : index
      %swap3A_3333 = tpu.vector_load %arg8[%swap3A_3331, %swap3A_3332] {strides = array<i32>} : memref<256x64xf32, #tpu.memory_space<vmem>>, vector<1x16xf32>,
      %swap3A_3334 = vector.shape_cast %swap3A_3333 : vector<1x16xf32> to vector<16xf32>
      %swap3A_3335 = vector.shape_cast %get3A_3330 : vector<16xf32> to vector<1x16xf32>
      tpu.vector_store %arg8[%swap3A_3331, %swap3A_3332], %swap3A_3335 {strides = array<i32>} : memref<256x64xf32, #tpu.memory_space<vmem>>, vector<1x16xf32>,
      %get3A_3336 = arith.index_cast %squeeze3A_3304 : i32 to index
      %get3A_3337 = arith.constant 48 : index
      %get3A_3338 = tpu.vector_load %arg10[%get3A_3336, %get3A_3337] {strides = array<i32>} : memref<64x64xf32, #tpu.memory_space<vmem>>, vector<1x16xf32>,
      %get3A_3339 = vector.shape_cast %get3A_3338 : vector<1x16xf32> to vector<16xf32>
      %swap3A_3340 = arith.index_cast %add3A_3308 : i32 to index
      %swap3A_3341 = arith.constant 48 : index
      %swap3A_3342 = tpu.vector_load %arg8[%swap3A_3340, %swap3A_3341] {strides = array<i32>} : memref<256x64xf32, #tpu.memory_space<vmem>>, vector<1x16xf32>,
      %swap3A_3343 = vector.shape_cast %swap3A_3342 : vector<1x16xf32> to vector<16xf32>
      %swap3A_3344 = vector.shape_cast %get3A_3339 : vector<16xf32> to vector<1x16xf32>
      tpu.vector_store %arg8[%swap3A_3340, %swap3A_3341], %swap3A_3344 {strides = array<i32>} : memref<256x64xf32, #tpu.memory_space<vmem>>, vector<1x16xf32>,
      %slice3A_3345 = vector.extract_strided_slice %get3A_2966 {offsets = [9], sizes = [1], strides = [1]} : vector<16xi32> to vector<1xi32>
      %squeeze3A_3346 = vector.extract %slice3A_3345[0] : i32 from vector<1xi32>
      %mul3A_3347 = arith.constant 16 : i32
      %mul3A_3348 = arith.muli %scan3A_2961, %mul3A_3347 : i32
      %add3A_3349 = arith.constant 9 : i32
      %add3A_3350 = arith.addi %mul3A_3348, %add3A_3349 : i32
      %get3A_3351 = arith.index_cast %squeeze3A_3346 : i32 to index
      %get3A_3352 = arith.constant 0 : index
      %get3A_3353 = tpu.vector_load %arg10[%get3A_3351, %get3A_3352] {strides = array<i32>} : memref<64x64xf32, #tpu.memory_space<vmem>>, vector<1x16xf32>,
      %get3A_3354 = vector.shape_cast %get3A_3353 : vector<1x16xf32> to vector<16xf32>
      %swap3A_3355 = arith.index_cast %add3A_3350 : i32 to index
      %swap3A_3356 = arith.constant 0 : index
      %swap3A_3357 = tpu.vector_load %arg8[%swap3A_3355, %swap3A_3356] {strides = array<i32>} : memref<256x64xf32, #tpu.memory_space<vmem>>, vector<1x16xf32>,
      %swap3A_3358 = vector.shape_cast %swap3A_3357 : vector<1x16xf32> to vector<16xf32>
      %swap3A_3359 = vector.shape_cast %get3A_3354 : vector<16xf32> to vector<1x16xf32>
      tpu.vector_store %arg8[%swap3A_3355, %swap3A_3356], %swap3A_3359 {strides = array<i32>} : memref<256x64xf32, #tpu.memory_space<vmem>>, vector<1x16xf32>,
      %get3A_3360 = arith.index_cast %squeeze3A_3346 : i32 to index
      %get3A_3361 = arith.constant 16 : index
      %get3A_3362 = tpu.vector_load %arg10[%get3A_3360, %get3A_3361] {strides = array<i32>} : memref<64x64xf32, #tpu.memory_space<vmem>>, vector<1x16xf32>,
      %get3A_3363 = vector.shape_cast %get3A_3362 : vector<1x16xf32> to vector<16xf32>
      %swap3A_3364 = arith.index_cast %add3A_3350 : i32 to index
      %swap3A_3365 = arith.constant 16 : index
      %swap3A_3366 = tpu.vector_load %arg8[%swap3A_3364, %swap3A_3365] {strides = array<i32>} : memref<256x64xf32, #tpu.memory_space<vmem>>, vector<1x16xf32>,
      %swap3A_3367 = vector.shape_cast %swap3A_3366 : vector<1x16xf32> to vector<16xf32>
      %swap3A_3368 = vector.shape_cast %get3A_3363 : vector<16xf32> to vector<1x16xf32>
      tpu.vector_store %arg8[%swap3A_3364, %swap3A_3365], %swap3A_3368 {strides = array<i32>} : memref<256x64xf32, #tpu.memory_space<vmem>>, vector<1x16xf32>,
      %get3A_3369 = arith.index_cast %squeeze3A_3346 : i32 to index
      %get3A_3370 = arith.constant 32 : index
      %get3A_3371 = tpu.vector_load %arg10[%get3A_3369, %get3A_3370] {strides = array<i32>} : memref<64x64xf32, #tpu.memory_space<vmem>>, vector<1x16xf32>,
      %get3A_3372 = vector.shape_cast %get3A_3371 : vector<1x16xf32> to vector<16xf32>
      %swap3A_3373 = arith.index_cast %add3A_3350 : i32 to index
      %swap3A_3374 = arith.constant 32 : index
      %swap3A_3375 = tpu.vector_load %arg8[%swap3A_3373, %swap3A_3374] {strides = array<i32>} : memref<256x64xf32, #tpu.memory_space<vmem>>, vector<1x16xf32>,
      %swap3A_3376 = vector.shape_cast %swap3A_3375 : vector<1x16xf32> to vector<16xf32>
      %swap3A_3377 = vector.shape_cast %get3A_3372 : vector<16xf32> to vector<1x16xf32>
      tpu.vector_store %arg8[%swap3A_3373, %swap3A_3374], %swap3A_3377 {strides = array<i32>} : memref<256x64xf32, #tpu.memory_space<vmem>>, vector<1x16xf32>,
      %get3A_3378 = arith.index_cast %squeeze3A_3346 : i32 to index
      %get3A_3379 = arith.constant 48 : index
      %get3A_3380 = tpu.vector_load %arg10[%get3A_3378, %get3A_3379] {strides = array<i32>} : memref<64x64xf32, #tpu.memory_space<vmem>>, vector<1x16xf32>,
      %get3A_3381 = vector.shape_cast %get3A_3380 : vector<1x16xf32> to vector<16xf32>
      %swap3A_3382 = arith.index_cast %add3A_3350 : i32 to index
      %swap3A_3383 = arith.constant 48 : index
      %swap3A_3384 = tpu.vector_load %arg8[%swap3A_3382, %swap3A_3383] {strides = array<i32>} : memref<256x64xf32, #tpu.memory_space<vmem>>, vector<1x16xf32>,
      %swap3A_3385 = vector.shape_cast %swap3A_3384 : vector<1x16xf32> to vector<16xf32>
      %swap3A_3386 = vector.shape_cast %get3A_3381 : vector<16xf32> to vector<1x16xf32>
      tpu.vector_store %arg8[%swap3A_3382, %swap3A_3383], %swap3A_3386 {strides = array<i32>} : memref<256x64xf32, #tpu.memory_space<vmem>>, vector<1x16xf32>,
      %slice3A_3387 = vector.extract_strided_slice %get3A_2966 {offsets = [10], sizes = [1], strides = [1]} : vector<16xi32> to vector<1xi32>
      %squeeze3A_3388 = vector.extract %slice3A_3387[0] : i32 from vector<1xi32>
      %mul3A_3389 = arith.constant 16 : i32
      %mul3A_3390 = arith.muli %scan3A_2961, %mul3A_3389 : i32
      %add3A_3391 = arith.constant 10 : i32
      %add3A_3392 = arith.addi %mul3A_3390, %add3A_3391 : i32
      %get3A_3393 = arith.index_cast %squeeze3A_3388 : i32 to index
      %get3A_3394 = arith.constant 0 : index
      %get3A_3395 = tpu.vector_load %arg10[%get3A_3393, %get3A_3394] {strides = array<i32>} : memref<64x64xf32, #tpu.memory_space<vmem>>, vector<1x16xf32>,
      %get3A_3396 = vector.shape_cast %get3A_3395 : vector<1x16xf32> to vector<16xf32>
      %swap3A_3397 = arith.index_cast %add3A_3392 : i32 to index
      %swap3A_3398 = arith.constant 0 : index
      %swap3A_3399 = tpu.vector_load %arg8[%swap3A_3397, %swap3A_3398] {strides = array<i32>} : memref<256x64xf32, #tpu.memory_space<vmem>>, vector<1x16xf32>,
      %swap3A_3400 = vector.shape_cast %swap3A_3399 : vector<1x16xf32> to vector<16xf32>
      %swap3A_3401 = vector.shape_cast %get3A_3396 : vector<16xf32> to vector<1x16xf32>
      tpu.vector_store %arg8[%swap3A_3397, %swap3A_3398], %swap3A_3401 {strides = array<i32>} : memref<256x64xf32, #tpu.memory_space<vmem>>, vector<1x16xf32>,
      %get3A_3402 = arith.index_cast %squeeze3A_3388 : i32 to index
      %get3A_3403 = arith.constant 16 : index
      %get3A_3404 = tpu.vector_load %arg10[%get3A_3402, %get3A_3403] {strides = array<i32>} : memref<64x64xf32, #tpu.memory_space<vmem>>, vector<1x16xf32>,
      %get3A_3405 = vector.shape_cast %get3A_3404 : vector<1x16xf32> to vector<16xf32>
      %swap3A_3406 = arith.index_cast %add3A_3392 : i32 to index
      %swap3A_3407 = arith.constant 16 : index
      %swap3A_3408 = tpu.vector_load %arg8[%swap3A_3406, %swap3A_3407] {strides = array<i32>} : memref<256x64xf32, #tpu.memory_space<vmem>>, vector<1x16xf32>,
      %swap3A_3409 = vector.shape_cast %swap3A_3408 : vector<1x16xf32> to vector<16xf32>
      %swap3A_3410 = vector.shape_cast %get3A_3405 : vector<16xf32> to vector<1x16xf32>
      tpu.vector_store %arg8[%swap3A_3406, %swap3A_3407], %swap3A_3410 {strides = array<i32>} : memref<256x64xf32, #tpu.memory_space<vmem>>, vector<1x16xf32>,
      %get3A_3411 = arith.index_cast %squeeze3A_3388 : i32 to index
      %get3A_3412 = arith.constant 32 : index
      %get3A_3413 = tpu.vector_load %arg10[%get3A_3411, %get3A_3412] {strides = array<i32>} : memref<64x64xf32, #tpu.memory_space<vmem>>, vector<1x16xf32>,
      %get3A_3414 = vector.shape_cast %get3A_3413 : vector<1x16xf32> to vector<16xf32>
      %swap3A_3415 = arith.index_cast %add3A_3392 : i32 to index
      %swap3A_3416 = arith.constant 32 : index
      %swap3A_3417 = tpu.vector_load %arg8[%swap3A_3415, %swap3A_3416] {strides = array<i32>} : memref<256x64xf32, #tpu.memory_space<vmem>>, vector<1x16xf32>,
      %swap3A_3418 = vector.shape_cast %swap3A_3417 : vector<1x16xf32> to vector<16xf32>
      %swap3A_3419 = vector.shape_cast %get3A_3414 : vector<16xf32> to vector<1x16xf32>
      tpu.vector_store %arg8[%swap3A_3415, %swap3A_3416], %swap3A_3419 {strides = array<i32>} : memref<256x64xf32, #tpu.memory_space<vmem>>, vector<1x16xf32>,
      %get3A_3420 = arith.index_cast %squeeze3A_3388 : i32 to index
      %get3A_3421 = arith.constant 48 : index
      %get3A_3422 = tpu.vector_load %arg10[%get3A_3420, %get3A_3421] {strides = array<i32>} : memref<64x64xf32, #tpu.memory_space<vmem>>, vector<1x16xf32>,
      %get3A_3423 = vector.shape_cast %get3A_3422 : vector<1x16xf32> to vector<16xf32>
      %swap3A_3424 = arith.index_cast %add3A_3392 : i32 to index
      %swap3A_3425 = arith.constant 48 : index
      %swap3A_3426 = tpu.vector_load %arg8[%swap3A_3424, %swap3A_3425] {strides = array<i32>} : memref<256x64xf32, #tpu.memory_space<vmem>>, vector<1x16xf32>,
      %swap3A_3427 = vector.shape_cast %swap3A_3426 : vector<1x16xf32> to vector<16xf32>
      %swap3A_3428 = vector.shape_cast %get3A_3423 : vector<16xf32> to vector<1x16xf32>
      tpu.vector_store %arg8[%swap3A_3424, %swap3A_3425], %swap3A_3428 {strides = array<i32>} : memref<256x64xf32, #tpu.memory_space<vmem>>, vector<1x16xf32>,
      %slice3A_3429 = vector.extract_strided_slice %get3A_2966 {offsets = [11], sizes = [1], strides = [1]} : vector<16xi32> to vector<1xi32>
      %squeeze3A_3430 = vector.extract %slice3A_3429[0] : i32 from vector<1xi32>
      %mul3A_3431 = arith.constant 16 : i32
      %mul3A_3432 = arith.muli %scan3A_2961, %mul3A_3431 : i32
      %add3A_3433 = arith.constant 11 : i32
      %add3A_3434 = arith.addi %mul3A_3432, %add3A_3433 : i32
      %get3A_3435 = arith.index_cast %squeeze3A_3430 : i32 to index
      %get3A_3436 = arith.constant 0 : index
      %get3A_3437 = tpu.vector_load %arg10[%get3A_3435, %get3A_3436] {strides = array<i32>} : memref<64x64xf32, #tpu.memory_space<vmem>>, vector<1x16xf32>,
      %get3A_3438 = vector.shape_cast %get3A_3437 : vector<1x16xf32> to vector<16xf32>
      %swap3A_3439 = arith.index_cast %add3A_3434 : i32 to index
      %swap3A_3440 = arith.constant 0 : index
      %swap3A_3441 = tpu.vector_load %arg8[%swap3A_3439, %swap3A_3440] {strides = array<i32>} : memref<256x64xf32, #tpu.memory_space<vmem>>, vector<1x16xf32>,
      %swap3A_3442 = vector.shape_cast %swap3A_3441 : vector<1x16xf32> to vector<16xf32>
      %swap3A_3443 = vector.shape_cast %get3A_3438 : vector<16xf32> to vector<1x16xf32>
      tpu.vector_store %arg8[%swap3A_3439, %swap3A_3440], %swap3A_3443 {strides = array<i32>} : memref<256x64xf32, #tpu.memory_space<vmem>>, vector<1x16xf32>,
      %get3A_3444 = arith.index_cast %squeeze3A_3430 : i32 to index
      %get3A_3445 = arith.constant 16 : index
      %get3A_3446 = tpu.vector_load %arg10[%get3A_3444, %get3A_3445] {strides = array<i32>} : memref<64x64xf32, #tpu.memory_space<vmem>>, vector<1x16xf32>,
      %get3A_3447 = vector.shape_cast %get3A_3446 : vector<1x16xf32> to vector<16xf32>
      %swap3A_3448 = arith.index_cast %add3A_3434 : i32 to index
      %swap3A_3449 = arith.constant 16 : index
      %swap3A_3450 = tpu.vector_load %arg8[%swap3A_3448, %swap3A_3449] {strides = array<i32>} : memref<256x64xf32, #tpu.memory_space<vmem>>, vector<1x16xf32>,
      %swap3A_3451 = vector.shape_cast %swap3A_3450 : vector<1x16xf32> to vector<16xf32>
      %swap3A_3452 = vector.shape_cast %get3A_3447 : vector<16xf32> to vector<1x16xf32>
      tpu.vector_store %arg8[%swap3A_3448, %swap3A_3449], %swap3A_3452 {strides = array<i32>} : memref<256x64xf32, #tpu.memory_space<vmem>>, vector<1x16xf32>,
      %get3A_3453 = arith.index_cast %squeeze3A_3430 : i32 to index
      %get3A_3454 = arith.constant 32 : index
      %get3A_3455 = tpu.vector_load %arg10[%get3A_3453, %get3A_3454] {strides = array<i32>} : memref<64x64xf32, #tpu.memory_space<vmem>>, vector<1x16xf32>,
      %get3A_3456 = vector.shape_cast %get3A_3455 : vector<1x16xf32> to vector<16xf32>
      %swap3A_3457 = arith.index_cast %add3A_3434 : i32 to index
      %swap3A_3458 = arith.constant 32 : index
      %swap3A_3459 = tpu.vector_load %arg8[%swap3A_3457, %swap3A_3458] {strides = array<i32>} : memref<256x64xf32, #tpu.memory_space<vmem>>, vector<1x16xf32>,
      %swap3A_3460 = vector.shape_cast %swap3A_3459 : vector<1x16xf32> to vector<16xf32>
      %swap3A_3461 = vector.shape_cast %get3A_3456 : vector<16xf32> to vector<1x16xf32>
      tpu.vector_store %arg8[%swap3A_3457, %swap3A_3458], %swap3A_3461 {strides = array<i32>} : memref<256x64xf32, #tpu.memory_space<vmem>>, vector<1x16xf32>,
      %get3A_3462 = arith.index_cast %squeeze3A_3430 : i32 to index
      %get3A_3463 = arith.constant 48 : index
      %get3A_3464 = tpu.vector_load %arg10[%get3A_3462, %get3A_3463] {strides = array<i32>} : memref<64x64xf32, #tpu.memory_space<vmem>>, vector<1x16xf32>,
      %get3A_3465 = vector.shape_cast %get3A_3464 : vector<1x16xf32> to vector<16xf32>
      %swap3A_3466 = arith.index_cast %add3A_3434 : i32 to index
      %swap3A_3467 = arith.constant 48 : index
      %swap3A_3468 = tpu.vector_load %arg8[%swap3A_3466, %swap3A_3467] {strides = array<i32>} : memref<256x64xf32, #tpu.memory_space<vmem>>, vector<1x16xf32>,
      %swap3A_3469 = vector.shape_cast %swap3A_3468 : vector<1x16xf32> to vector<16xf32>
      %swap3A_3470 = vector.shape_cast %get3A_3465 : vector<16xf32> to vector<1x16xf32>
      tpu.vector_store %arg8[%swap3A_3466, %swap3A_3467], %swap3A_3470 {strides = array<i32>} : memref<256x64xf32, #tpu.memory_space<vmem>>, vector<1x16xf32>,
      %slice3A_3471 = vector.extract_strided_slice %get3A_2966 {offsets = [12], sizes = [1], strides = [1]} : vector<16xi32> to vector<1xi32>
      %squeeze3A_3472 = vector.extract %slice3A_3471[0] : i32 from vector<1xi32>
      %mul3A_3473 = arith.constant 16 : i32
      %mul3A_3474 = arith.muli %scan3A_2961, %mul3A_3473 : i32
      %add3A_3475 = arith.constant 12 : i32
      %add3A_3476 = arith.addi %mul3A_3474, %add3A_3475 : i32
      %get3A_3477 = arith.index_cast %squeeze3A_3472 : i32 to index
      %get3A_3478 = arith.constant 0 : index
      %get3A_3479 = tpu.vector_load %arg10[%get3A_3477, %get3A_3478] {strides = array<i32>} : memref<64x64xf32, #tpu.memory_space<vmem>>, vector<1x16xf32>,
      %get3A_3480 = vector.shape_cast %get3A_3479 : vector<1x16xf32> to vector<16xf32>
      %swap3A_3481 = arith.index_cast %add3A_3476 : i32 to index
      %swap3A_3482 = arith.constant 0 : index
      %swap3A_3483 = tpu.vector_load %arg8[%swap3A_3481, %swap3A_3482] {strides = array<i32>} : memref<256x64xf32, #tpu.memory_space<vmem>>, vector<1x16xf32>,
      %swap3A_3484 = vector.shape_cast %swap3A_3483 : vector<1x16xf32> to vector<16xf32>
      %swap3A_3485 = vector.shape_cast %get3A_3480 : vector<16xf32> to vector<1x16xf32>
      tpu.vector_store %arg8[%swap3A_3481, %swap3A_3482], %swap3A_3485 {strides = array<i32>} : memref<256x64xf32, #tpu.memory_space<vmem>>, vector<1x16xf32>,
      %get3A_3486 = arith.index_cast %squeeze3A_3472 : i32 to index
      %get3A_3487 = arith.constant 16 : index
      %get3A_3488 = tpu.vector_load %arg10[%get3A_3486, %get3A_3487] {strides = array<i32>} : memref<64x64xf32, #tpu.memory_space<vmem>>, vector<1x16xf32>,
      %get3A_3489 = vector.shape_cast %get3A_3488 : vector<1x16xf32> to vector<16xf32>
      %swap3A_3490 = arith.index_cast %add3A_3476 : i32 to index
      %swap3A_3491 = arith.constant 16 : index
      %swap3A_3492 = tpu.vector_load %arg8[%swap3A_3490, %swap3A_3491] {strides = array<i32>} : memref<256x64xf32, #tpu.memory_space<vmem>>, vector<1x16xf32>,
      %swap3A_3493 = vector.shape_cast %swap3A_3492 : vector<1x16xf32> to vector<16xf32>
      %swap3A_3494 = vector.shape_cast %get3A_3489 : vector<16xf32> to vector<1x16xf32>
      tpu.vector_store %arg8[%swap3A_3490, %swap3A_3491], %swap3A_3494 {strides = array<i32>} : memref<256x64xf32, #tpu.memory_space<vmem>>, vector<1x16xf32>,
      %get3A_3495 = arith.index_cast %squeeze3A_3472 : i32 to index
      %get3A_3496 = arith.constant 32 : index
      %get3A_3497 = tpu.vector_load %arg10[%get3A_3495, %get3A_3496] {strides = array<i32>} : memref<64x64xf32, #tpu.memory_space<vmem>>, vector<1x16xf32>,
      %get3A_3498 = vector.shape_cast %get3A_3497 : vector<1x16xf32> to vector<16xf32>
      %swap3A_3499 = arith.index_cast %add3A_3476 : i32 to index
      %swap3A_3500 = arith.constant 32 : index
      %swap3A_3501 = tpu.vector_load %arg8[%swap3A_3499, %swap3A_3500] {strides = array<i32>} : memref<256x64xf32, #tpu.memory_space<vmem>>, vector<1x16xf32>,
      %swap3A_3502 = vector.shape_cast %swap3A_3501 : vector<1x16xf32> to vector<16xf32>
      %swap3A_3503 = vector.shape_cast %get3A_3498 : vector<16xf32> to vector<1x16xf32>
      tpu.vector_store %arg8[%swap3A_3499, %swap3A_3500], %swap3A_3503 {strides = array<i32>} : memref<256x64xf32, #tpu.memory_space<vmem>>, vector<1x16xf32>,
      %get3A_3504 = arith.index_cast %squeeze3A_3472 : i32 to index
      %get3A_3505 = arith.constant 48 : index
      %get3A_3506 = tpu.vector_load %arg10[%get3A_3504, %get3A_3505] {strides = array<i32>} : memref<64x64xf32, #tpu.memory_space<vmem>>, vector<1x16xf32>,
      %get3A_3507 = vector.shape_cast %get3A_3506 : vector<1x16xf32> to vector<16xf32>
      %swap3A_3508 = arith.index_cast %add3A_3476 : i32 to index
      %swap3A_3509 = arith.constant 48 : index
      %swap3A_3510 = tpu.vector_load %arg8[%swap3A_3508, %swap3A_3509] {strides = array<i32>} : memref<256x64xf32, #tpu.memory_space<vmem>>, vector<1x16xf32>,
      %swap3A_3511 = vector.shape_cast %swap3A_3510 : vector<1x16xf32> to vector<16xf32>
      %swap3A_3512 = vector.shape_cast %get3A_3507 : vector<16xf32> to vector<1x16xf32>
      tpu.vector_store %arg8[%swap3A_3508, %swap3A_3509], %swap3A_3512 {strides = array<i32>} : memref<256x64xf32, #tpu.memory_space<vmem>>, vector<1x16xf32>,
      %slice3A_3513 = vector.extract_strided_slice %get3A_2966 {offsets = [13], sizes = [1], strides = [1]} : vector<16xi32> to vector<1xi32>
      %squeeze3A_3514 = vector.extract %slice3A_3513[0] : i32 from vector<1xi32>
      %mul3A_3515 = arith.constant 16 : i32
      %mul3A_3516 = arith.muli %scan3A_2961, %mul3A_3515 : i32
      %add3A_3517 = arith.constant 13 : i32
      %add3A_3518 = arith.addi %mul3A_3516, %add3A_3517 : i32
      %get3A_3519 = arith.index_cast %squeeze3A_3514 : i32 to index
      %get3A_3520 = arith.constant 0 : index
      %get3A_3521 = tpu.vector_load %arg10[%get3A_3519, %get3A_3520] {strides = array<i32>} : memref<64x64xf32, #tpu.memory_space<vmem>>, vector<1x16xf32>,
      %get3A_3522 = vector.shape_cast %get3A_3521 : vector<1x16xf32> to vector<16xf32>
      %swap3A_3523 = arith.index_cast %add3A_3518 : i32 to index
      %swap3A_3524 = arith.constant 0 : index
      %swap3A_3525 = tpu.vector_load %arg8[%swap3A_3523, %swap3A_3524] {strides = array<i32>} : memref<256x64xf32, #tpu.memory_space<vmem>>, vector<1x16xf32>,
      %swap3A_3526 = vector.shape_cast %swap3A_3525 : vector<1x16xf32> to vector<16xf32>
      %swap3A_3527 = vector.shape_cast %get3A_3522 : vector<16xf32> to vector<1x16xf32>
      tpu.vector_store %arg8[%swap3A_3523, %swap3A_3524], %swap3A_3527 {strides = array<i32>} : memref<256x64xf32, #tpu.memory_space<vmem>>, vector<1x16xf32>,
      %get3A_3528 = arith.index_cast %squeeze3A_3514 : i32 to index
      %get3A_3529 = arith.constant 16 : index
      %get3A_3530 = tpu.vector_load %arg10[%get3A_3528, %get3A_3529] {strides = array<i32>} : memref<64x64xf32, #tpu.memory_space<vmem>>, vector<1x16xf32>,
      %get3A_3531 = vector.shape_cast %get3A_3530 : vector<1x16xf32> to vector<16xf32>
      %swap3A_3532 = arith.index_cast %add3A_3518 : i32 to index
      %swap3A_3533 = arith.constant 16 : index
      %swap3A_3534 = tpu.vector_load %arg8[%swap3A_3532, %swap3A_3533] {strides = array<i32>} : memref<256x64xf32, #tpu.memory_space<vmem>>, vector<1x16xf32>,
      %swap3A_3535 = vector.shape_cast %swap3A_3534 : vector<1x16xf32> to vector<16xf32>
      %swap3A_3536 = vector.shape_cast %get3A_3531 : vector<16xf32> to vector<1x16xf32>
      tpu.vector_store %arg8[%swap3A_3532, %swap3A_3533], %swap3A_3536 {strides = array<i32>} : memref<256x64xf32, #tpu.memory_space<vmem>>, vector<1x16xf32>,
      %get3A_3537 = arith.index_cast %squeeze3A_3514 : i32 to index
      %get3A_3538 = arith.constant 32 : index
      %get3A_3539 = tpu.vector_load %arg10[%get3A_3537, %get3A_3538] {strides = array<i32>} : memref<64x64xf32, #tpu.memory_space<vmem>>, vector<1x16xf32>,
      %get3A_3540 = vector.shape_cast %get3A_3539 : vector<1x16xf32> to vector<16xf32>
      %swap3A_3541 = arith.index_cast %add3A_3518 : i32 to index
      %swap3A_3542 = arith.constant 32 : index
      %swap3A_3543 = tpu.vector_load %arg8[%swap3A_3541, %swap3A_3542] {strides = array<i32>} : memref<256x64xf32, #tpu.memory_space<vmem>>, vector<1x16xf32>,
      %swap3A_3544 = vector.shape_cast %swap3A_3543 : vector<1x16xf32> to vector<16xf32>
      %swap3A_3545 = vector.shape_cast %get3A_3540 : vector<16xf32> to vector<1x16xf32>
      tpu.vector_store %arg8[%swap3A_3541, %swap3A_3542], %swap3A_3545 {strides = array<i32>} : memref<256x64xf32, #tpu.memory_space<vmem>>, vector<1x16xf32>,
      %get3A_3546 = arith.index_cast %squeeze3A_3514 : i32 to index
      %get3A_3547 = arith.constant 48 : index
      %get3A_3548 = tpu.vector_load %arg10[%get3A_3546, %get3A_3547] {strides = array<i32>} : memref<64x64xf32, #tpu.memory_space<vmem>>, vector<1x16xf32>,
      %get3A_3549 = vector.shape_cast %get3A_3548 : vector<1x16xf32> to vector<16xf32>
      %swap3A_3550 = arith.index_cast %add3A_3518 : i32 to index
      %swap3A_3551 = arith.constant 48 : index
      %swap3A_3552 = tpu.vector_load %arg8[%swap3A_3550, %swap3A_3551] {strides = array<i32>} : memref<256x64xf32, #tpu.memory_space<vmem>>, vector<1x16xf32>,
      %swap3A_3553 = vector.shape_cast %swap3A_3552 : vector<1x16xf32> to vector<16xf32>
      %swap3A_3554 = vector.shape_cast %get3A_3549 : vector<16xf32> to vector<1x16xf32>
      tpu.vector_store %arg8[%swap3A_3550, %swap3A_3551], %swap3A_3554 {strides = array<i32>} : memref<256x64xf32, #tpu.memory_space<vmem>>, vector<1x16xf32>,
      %slice3A_3555 = vector.extract_strided_slice %get3A_2966 {offsets = [14], sizes = [1], strides = [1]} : vector<16xi32> to vector<1xi32>
      %squeeze3A_3556 = vector.extract %slice3A_3555[0] : i32 from vector<1xi32>
      %mul3A_3557 = arith.constant 16 : i32
      %mul3A_3558 = arith.muli %scan3A_2961, %mul3A_3557 : i32
      %add3A_3559 = arith.constant 14 : i32
      %add3A_3560 = arith.addi %mul3A_3558, %add3A_3559 : i32
      %get3A_3561 = arith.index_cast %squeeze3A_3556 : i32 to index
      %get3A_3562 = arith.constant 0 : index
      %get3A_3563 = tpu.vector_load %arg10[%get3A_3561, %get3A_3562] {strides = array<i32>} : memref<64x64xf32, #tpu.memory_space<vmem>>, vector<1x16xf32>,
      %get3A_3564 = vector.shape_cast %get3A_3563 : vector<1x16xf32> to vector<16xf32>
      %swap3A_3565 = arith.index_cast %add3A_3560 : i32 to index
      %swap3A_3566 = arith.constant 0 : index
      %swap3A_3567 = tpu.vector_load %arg8[%swap3A_3565, %swap3A_3566] {strides = array<i32>} : memref<256x64xf32, #tpu.memory_space<vmem>>, vector<1x16xf32>,
      %swap3A_3568 = vector.shape_cast %swap3A_3567 : vector<1x16xf32> to vector<16xf32>
      %swap3A_3569 = vector.shape_cast %get3A_3564 : vector<16xf32> to vector<1x16xf32>
      tpu.vector_store %arg8[%swap3A_3565, %swap3A_3566], %swap3A_3569 {strides = array<i32>} : memref<256x64xf32, #tpu.memory_space<vmem>>, vector<1x16xf32>,
      %get3A_3570 = arith.index_cast %squeeze3A_3556 : i32 to index
      %get3A_3571 = arith.constant 16 : index
      %get3A_3572 = tpu.vector_load %arg10[%get3A_3570, %get3A_3571] {strides = array<i32>} : memref<64x64xf32, #tpu.memory_space<vmem>>, vector<1x16xf32>,
      %get3A_3573 = vector.shape_cast %get3A_3572 : vector<1x16xf32> to vector<16xf32>
      %swap3A_3574 = arith.index_cast %add3A_3560 : i32 to index
      %swap3A_3575 = arith.constant 16 : index
      %swap3A_3576 = tpu.vector_load %arg8[%swap3A_3574, %swap3A_3575] {strides = array<i32>} : memref<256x64xf32, #tpu.memory_space<vmem>>, vector<1x16xf32>,
      %swap3A_3577 = vector.shape_cast %swap3A_3576 : vector<1x16xf32> to vector<16xf32>
      %swap3A_3578 = vector.shape_cast %get3A_3573 : vector<16xf32> to vector<1x16xf32>
      tpu.vector_store %arg8[%swap3A_3574, %swap3A_3575], %swap3A_3578 {strides = array<i32>} : memref<256x64xf32, #tpu.memory_space<vmem>>, vector<1x16xf32>,
      %get3A_3579 = arith.index_cast %squeeze3A_3556 : i32 to index
      %get3A_3580 = arith.constant 32 : index
      %get3A_3581 = tpu.vector_load %arg10[%get3A_3579, %get3A_3580] {strides = array<i32>} : memref<64x64xf32, #tpu.memory_space<vmem>>, vector<1x16xf32>,
      %get3A_3582 = vector.shape_cast %get3A_3581 : vector<1x16xf32> to vector<16xf32>
      %swap3A_3583 = arith.index_cast %add3A_3560 : i32 to index
      %swap3A_3584 = arith.constant 32 : index
      %swap3A_3585 = tpu.vector_load %arg8[%swap3A_3583, %swap3A_3584] {strides = array<i32>} : memref<256x64xf32, #tpu.memory_space<vmem>>, vector<1x16xf32>,
      %swap3A_3586 = vector.shape_cast %swap3A_3585 : vector<1x16xf32> to vector<16xf32>
      %swap3A_3587 = vector.shape_cast %get3A_3582 : vector<16xf32> to vector<1x16xf32>
      tpu.vector_store %arg8[%swap3A_3583, %swap3A_3584], %swap3A_3587 {strides = array<i32>} : memref<256x64xf32, #tpu.memory_space<vmem>>, vector<1x16xf32>,
      %get3A_3588 = arith.index_cast %squeeze3A_3556 : i32 to index
      %get3A_3589 = arith.constant 48 : index
      %get3A_3590 = tpu.vector_load %arg10[%get3A_3588, %get3A_3589] {strides = array<i32>} : memref<64x64xf32, #tpu.memory_space<vmem>>, vector<1x16xf32>,
      %get3A_3591 = vector.shape_cast %get3A_3590 : vector<1x16xf32> to vector<16xf32>
      %swap3A_3592 = arith.index_cast %add3A_3560 : i32 to index
      %swap3A_3593 = arith.constant 48 : index
      %swap3A_3594 = tpu.vector_load %arg8[%swap3A_3592, %swap3A_3593] {strides = array<i32>} : memref<256x64xf32, #tpu.memory_space<vmem>>, vector<1x16xf32>,
      %swap3A_3595 = vector.shape_cast %swap3A_3594 : vector<1x16xf32> to vector<16xf32>
      %swap3A_3596 = vector.shape_cast %get3A_3591 : vector<16xf32> to vector<1x16xf32>
      tpu.vector_store %arg8[%swap3A_3592, %swap3A_3593], %swap3A_3596 {strides = array<i32>} : memref<256x64xf32, #tpu.memory_space<vmem>>, vector<1x16xf32>,
      %slice3A_3597 = vector.extract_strided_slice %get3A_2966 {offsets = [15], sizes = [1], strides = [1]} : vector<16xi32> to vector<1xi32>
      %squeeze3A_3598 = vector.extract %slice3A_3597[0] : i32 from vector<1xi32>
      %mul3A_3599 = arith.constant 16 : i32
      %mul3A_3600 = arith.muli %scan3A_2961, %mul3A_3599 : i32
      %add3A_3601 = arith.constant 15 : i32
      %add3A_3602 = arith.addi %mul3A_3600, %add3A_3601 : i32
      %get3A_3603 = arith.index_cast %squeeze3A_3598 : i32 to index
      %get3A_3604 = arith.constant 0 : index
      %get3A_3605 = tpu.vector_load %arg10[%get3A_3603, %get3A_3604] {strides = array<i32>} : memref<64x64xf32, #tpu.memory_space<vmem>>, vector<1x16xf32>,
      %get3A_3606 = vector.shape_cast %get3A_3605 : vector<1x16xf32> to vector<16xf32>
      %swap3A_3607 = arith.index_cast %add3A_3602 : i32 to index
      %swap3A_3608 = arith.constant 0 : index
      %swap3A_3609 = tpu.vector_load %arg8[%swap3A_3607, %swap3A_3608] {strides = array<i32>} : memref<256x64xf32, #tpu.memory_space<vmem>>, vector<1x16xf32>,
      %swap3A_3610 = vector.shape_cast %swap3A_3609 : vector<1x16xf32> to vector<16xf32>
      %swap3A_3611 = vector.shape_cast %get3A_3606 : vector<16xf32> to vector<1x16xf32>
      tpu.vector_store %arg8[%swap3A_3607, %swap3A_3608], %swap3A_3611 {strides = array<i32>} : memref<256x64xf32, #tpu.memory_space<vmem>>, vector<1x16xf32>,
      %get3A_3612 = arith.index_cast %squeeze3A_3598 : i32 to index
      %get3A_3613 = arith.constant 16 : index
      %get3A_3614 = tpu.vector_load %arg10[%get3A_3612, %get3A_3613] {strides = array<i32>} : memref<64x64xf32, #tpu.memory_space<vmem>>, vector<1x16xf32>,
      %get3A_3615 = vector.shape_cast %get3A_3614 : vector<1x16xf32> to vector<16xf32>
      %swap3A_3616 = arith.index_cast %add3A_3602 : i32 to index
      %swap3A_3617 = arith.constant 16 : index
      %swap3A_3618 = tpu.vector_load %arg8[%swap3A_3616, %swap3A_3617] {strides = array<i32>} : memref<256x64xf32, #tpu.memory_space<vmem>>, vector<1x16xf32>,
      %swap3A_3619 = vector.shape_cast %swap3A_3618 : vector<1x16xf32> to vector<16xf32>
      %swap3A_3620 = vector.shape_cast %get3A_3615 : vector<16xf32> to vector<1x16xf32>
      tpu.vector_store %arg8[%swap3A_3616, %swap3A_3617], %swap3A_3620 {strides = array<i32>} : memref<256x64xf32, #tpu.memory_space<vmem>>, vector<1x16xf32>,
      %get3A_3621 = arith.index_cast %squeeze3A_3598 : i32 to index
      %get3A_3622 = arith.constant 32 : index
      %get3A_3623 = tpu.vector_load %arg10[%get3A_3621, %get3A_3622] {strides = array<i32>} : memref<64x64xf32, #tpu.memory_space<vmem>>, vector<1x16xf32>,
      %get3A_3624 = vector.shape_cast %get3A_3623 : vector<1x16xf32> to vector<16xf32>
      %swap3A_3625 = arith.index_cast %add3A_3602 : i32 to index
      %swap3A_3626 = arith.constant 32 : index
      %swap3A_3627 = tpu.vector_load %arg8[%swap3A_3625, %swap3A_3626] {strides = array<i32>} : memref<256x64xf32, #tpu.memory_space<vmem>>, vector<1x16xf32>,
      %swap3A_3628 = vector.shape_cast %swap3A_3627 : vector<1x16xf32> to vector<16xf32>
      %swap3A_3629 = vector.shape_cast %get3A_3624 : vector<16xf32> to vector<1x16xf32>
      tpu.vector_store %arg8[%swap3A_3625, %swap3A_3626], %swap3A_3629 {strides = array<i32>} : memref<256x64xf32, #tpu.memory_space<vmem>>, vector<1x16xf32>,
      %get3A_3630 = arith.index_cast %squeeze3A_3598 : i32 to index
      %get3A_3631 = arith.constant 48 : index
      %get3A_3632 = tpu.vector_load %arg10[%get3A_3630, %get3A_3631] {strides = array<i32>} : memref<64x64xf32, #tpu.memory_space<vmem>>, vector<1x16xf32>,
      %get3A_3633 = vector.shape_cast %get3A_3632 : vector<1x16xf32> to vector<16xf32>
      %swap3A_3634 = arith.index_cast %add3A_3602 : i32 to index
      %swap3A_3635 = arith.constant 48 : index
      %swap3A_3636 = tpu.vector_load %arg8[%swap3A_3634, %swap3A_3635] {strides = array<i32>} : memref<256x64xf32, #tpu.memory_space<vmem>>, vector<1x16xf32>,
      %swap3A_3637 = vector.shape_cast %swap3A_3636 : vector<1x16xf32> to vector<16xf32>
      %swap3A_3638 = vector.shape_cast %get3A_3633 : vector<16xf32> to vector<1x16xf32>
      tpu.vector_store %arg8[%swap3A_3634, %swap3A_3635], %swap3A_3638 {strides = array<i32>} : memref<256x64xf32, #tpu.memory_space<vmem>>, vector<1x16xf32>,
    }
    %scan3A_2960 = arith.constant 16 : i32
    "tpu.region"() ({
      %run_scoped3A = tpu.sem_alloc : memref<!tpu.dma_semaphore, #tpu.memory_space<semaphore_mem>>
      %dma_start3A_2961 = arith.constant 0 : i32
      %dma_start3A_2962 = tpu.memref_slice %arg6[%add3A, %mul3A_32, %dma_start3A_2961] : memref<4x2048x64xf32, #tpu.memory_space<hbm>> -> memref<1x256x64xf32, #tpu.memory_space<hbm>>
      %dma_start3A_2963 = tpu.memref_squeeze %dma_start3A_2962 : memref<1x256x64xf32, #tpu.memory_space<hbm>> -> memref<256x64xf32, #tpu.memory_space<hbm>>
      %dma_start3A_2964 = arith.constant 0 : i32
      %dma_start3A_2965 = tpu.memref_slice %arg6[%add3A, %mul3A_32, %dma_start3A_2964] : memref<4x2048x64xf32, #tpu.memory_space<hbm>> -> memref<1x256x64xf32, #tpu.memory_space<hbm>>
      %dma_start3A_2966 = tpu.memref_squeeze %dma_start3A_2965 : memref<1x256x64xf32, #tpu.memory_space<hbm>> -> memref<256x64xf32, #tpu.memory_space<hbm>>
      tpu.enqueue_dma source(%arg8 : memref<256x64xf32, #tpu.memory_space<vmem>>) target(%dma_start3A_2966 : memref<256x64xf32, #tpu.memory_space<hbm>>) target_semaphore(%run_scoped3A : memref<!tpu.dma_semaphore, #tpu.memory_space<semaphore_mem>>)
      %dma_wait3A_2967 = arith.constant 0 : i32
      %dma_wait3A_2968 = tpu.memref_slice %arg6[%add3A, %mul3A_32, %dma_wait3A_2967] : memref<4x2048x64xf32, #tpu.memory_space<hbm>> -> memref<1x256x64xf32, #tpu.memory_space<hbm>>
      %dma_wait3A_2969 = tpu.memref_squeeze %dma_wait3A_2968 : memref<1x256x64xf32, #tpu.memory_space<hbm>> -> memref<256x64xf32, #tpu.memory_space<hbm>>
      %dma_wait3A_2970 = arith.constant 0 : i32
      %dma_wait3A_2971 = tpu.memref_slice %arg6[%add3A, %mul3A_32, %dma_wait3A_2970] : memref<4x2048x64xf32, #tpu.memory_space<hbm>> -> memref<1x256x64xf32, #tpu.memory_space<hbm>>
      %dma_wait3A_2972 = tpu.memref_squeeze %dma_wait3A_2971 : memref<1x256x64xf32, #tpu.memory_space<hbm>> -> memref<256x64xf32, #tpu.memory_space<hbm>>
      tpu.wait_dma2 semaphore(%run_scoped3A : memref<!tpu.dma_semaphore, #tpu.memory_space<semaphore_mem>>) src(%arg8 : memref<256x64xf32, #tpu.memory_space<vmem>>) dst(%dma_wait3A_2972 : memref<256x64xf32, #tpu.memory_space<hbm>>)
      tpu.yield
    }) : () -> ()
    return
  }
}

module attributes {stable_mosaic.version = 14 : i64} {
  func.func @_tc_body(%arg0: memref<4x2048x3xf32, #tpu.memory_space<vmem>>, %arg1: memref<4x2048x3xf32, #tpu.memory_space<vmem>>, %arg2: memref<128x3xf32, #tpu.memory_space<vmem>>, %arg3: memref<128xf32, #tpu.memory_space<vmem>>, %arg4: memref<128xf32, #tpu.memory_space<vmem>>, %arg5: memref<128xf32, #tpu.memory_space<vmem>>, %arg6: memref<64x128xf32, #tpu.memory_space<vmem>>, %arg7: memref<64xf32, #tpu.memory_space<vmem>>, %arg8: memref<64xf32, #tpu.memory_space<vmem>>, %arg9: memref<64xf32, #tpu.memory_space<vmem>>, %arg10: memref<4x64x2048xf32, #tpu.memory_space<vmem>>, %arg11: memref<4x64x3xf32, #tpu.memory_space<vmem>>, %arg12: memref<4x2048xi32, #tpu.memory_space<vmem>>, %arg13: memref<256xi32, #tpu.memory_space<vmem>>, %arg14: memref<4x64x3xf32, #tpu.memory_space<vmem>>) attributes {dimension_semantics = [], scalar_prefetch = 0 : i64, scratch_operands = 0 : i64, tpu.core_type = #tpu.core_type<tc>} {
    %get3A = arith.constant 0 : index
    %get3A_0 = arith.constant 0 : index
    %get3A_1 = arith.constant 0 : index
    %get3A_2 = vector.load %arg0[%get3A, %get3A_0, %get3A_1] : memref<4x2048x3xf32, #tpu.memory_space<vmem>>, vector<4x2048x3xf32>
    %reshape3A = vector.shape_cast %get3A_2 : vector<4x2048x3xf32> to vector<8192x3xf32>
    %get3A_3 = arith.constant 0 : index
    %get3A_4 = arith.constant 0 : index
    %get3A_5 = vector.load %arg2[%get3A_3, %get3A_4] : memref<128x3xf32, #tpu.memory_space<vmem>>, vector<128x3xf32>
    %dot_general3A = arith.constant dense<0.000000e+00> : vector<8192x128xf32>
    %dot_general3A_6 = tpu.matmul %reshape3A, %get3A_5, %dot_general3A {dimension_numbers = #tpu.dot_dimension_numbers<[1], [1], [0], [0], [0, 0, 1, 0], [], []>, transpose_lhs_hint = false} : vector<8192x3xf32>, vector<128x3xf32>, vector<8192x128xf32> -> vector<8192x128xf32>
    %reduce_sum3A = arith.constant dense<0.000000e+00> : vector<128xf32>
    %reduce_sum3A_7 = vector.multi_reduction <add>, %dot_general3A_6, %reduce_sum3A [0] : vector<8192x128xf32> to vector<128xf32>
    %broadcast_in_dim3A = vector.shape_cast %reduce_sum3A_7 : vector<128xf32> to vector<1x128xf32>
    %div3A = arith.constant 8.192000e+03 : f32
    %div3A_8 = vector.broadcast %div3A : f32 to vector<1x128xf32>
    %div3A_9 = arith.divf %broadcast_in_dim3A, %div3A_8 : vector<1x128xf32>
    %mul3A = arith.mulf %dot_general3A_6, %dot_general3A_6 : vector<8192x128xf32>
    %reduce_sum3A_10 = arith.constant dense<0.000000e+00> : vector<128xf32>
    %reduce_sum3A_11 = vector.multi_reduction <add>, %mul3A, %reduce_sum3A_10 [0] : vector<8192x128xf32> to vector<128xf32>
    %broadcast_in_dim3A_12 = vector.shape_cast %reduce_sum3A_11 : vector<128xf32> to vector<1x128xf32>
    %div3A_13 = arith.constant 8.192000e+03 : f32
    %div3A_14 = vector.broadcast %div3A_13 : f32 to vector<1x128xf32>
    %div3A_15 = arith.divf %broadcast_in_dim3A_12, %div3A_14 : vector<1x128xf32>
    %mul3A_16 = arith.mulf %div3A_9, %div3A_9 : vector<1x128xf32>
    %sub3A = arith.subf %div3A_15, %mul3A_16 : vector<1x128xf32>
    %get3A_17 = arith.constant 0 : index
    %get3A_18 = vector.load %arg4[%get3A_17] : memref<128xf32, #tpu.memory_space<vmem>>, vector<128xf32>
    %broadcast_in_dim3A_19 = vector.shape_cast %get3A_18 : vector<128xf32> to vector<1x128xf32>
    %add3A = arith.constant 9.99999974E-6 : f32
    %add3A_20 = vector.broadcast %add3A : f32 to vector<1x128xf32>
    %add3A_21 = arith.addf %sub3A, %add3A_20 : vector<1x128xf32>
    %rsqrt3A = math.rsqrt %add3A_21 : vector<1x128xf32>
    %mul3A_22 = arith.mulf %broadcast_in_dim3A_19, %rsqrt3A : vector<1x128xf32>
    %get3A_23 = arith.constant 0 : index
    %get3A_24 = vector.load %arg5[%get3A_23] : memref<128xf32, #tpu.memory_space<vmem>>, vector<128xf32>
    %broadcast_in_dim3A_25 = vector.shape_cast %get3A_24 : vector<128xf32> to vector<1x128xf32>
    %mul3A_26 = arith.mulf %div3A_9, %mul3A_22 : vector<1x128xf32>
    %sub3A_27 = arith.subf %broadcast_in_dim3A_25, %mul3A_26 : vector<1x128xf32>
    %mul3A_28 = vector.broadcast %mul3A_22 : vector<1x128xf32> to vector<8192x128xf32>
    %mul3A_29 = arith.mulf %dot_general3A_6, %mul3A_28 : vector<8192x128xf32>
    %add3A_30 = vector.broadcast %sub3A_27 : vector<1x128xf32> to vector<8192x128xf32>
    %add3A_31 = arith.addf %mul3A_29, %add3A_30 : vector<8192x128xf32>
    %max3A = arith.constant 0.000000e+00 : f32
    %max3A_32 = vector.broadcast %max3A : f32 to vector<8192x128xf32>
    %max3A_33 = arith.maximumf %add3A_31, %max3A_32 : vector<8192x128xf32>
    %get3A_34 = arith.constant 0 : index
    %get3A_35 = arith.constant 0 : index
    %get3A_36 = vector.load %arg6[%get3A_34, %get3A_35] : memref<64x128xf32, #tpu.memory_space<vmem>>, vector<64x128xf32>
    %dot_general3A_37 = arith.constant dense<0.000000e+00> : vector<64x8192xf32>
    %dot_general3A_38 = tpu.matmul %get3A_36, %max3A_33, %dot_general3A_37 {dimension_numbers = #tpu.dot_dimension_numbers<[1], [1], [0], [0], [0, 0, 1, 0], [], []>, transpose_lhs_hint = false} : vector<64x128xf32>, vector<8192x128xf32>, vector<64x8192xf32> -> vector<64x8192xf32>
    %reduce_sum3A_39 = arith.constant dense<0.000000e+00> : vector<64xf32>
    %reduce_sum3A_40 = vector.multi_reduction <add>, %dot_general3A_38, %reduce_sum3A_39 [1] : vector<64x8192xf32> to vector<64xf32>
    %broadcast_in_dim3A_41 = vector.shape_cast %reduce_sum3A_40 : vector<64xf32> to vector<64x1xf32>
    %div3A_42 = arith.constant 8.192000e+03 : f32
    %div3A_43 = vector.broadcast %div3A_42 : f32 to vector<64x1xf32>
    %div3A_44 = arith.divf %broadcast_in_dim3A_41, %div3A_43 : vector<64x1xf32>
    %mul3A_45 = arith.mulf %dot_general3A_38, %dot_general3A_38 : vector<64x8192xf32>
    %reduce_sum3A_46 = arith.constant dense<0.000000e+00> : vector<64xf32>
    %reduce_sum3A_47 = vector.multi_reduction <add>, %mul3A_45, %reduce_sum3A_46 [1] : vector<64x8192xf32> to vector<64xf32>
    %broadcast_in_dim3A_48 = vector.shape_cast %reduce_sum3A_47 : vector<64xf32> to vector<64x1xf32>
    %div3A_49 = arith.constant 8.192000e+03 : f32
    %div3A_50 = vector.broadcast %div3A_49 : f32 to vector<64x1xf32>
    %div3A_51 = arith.divf %broadcast_in_dim3A_48, %div3A_50 : vector<64x1xf32>
    %mul3A_52 = arith.mulf %div3A_44, %div3A_44 : vector<64x1xf32>
    %sub3A_53 = arith.subf %div3A_51, %mul3A_52 : vector<64x1xf32>
    %get3A_54 = arith.constant 0 : index
    %get3A_55 = vector.load %arg8[%get3A_54] : memref<64xf32, #tpu.memory_space<vmem>>, vector<64xf32>
    %broadcast_in_dim3A_56 = vector.shape_cast %get3A_55 : vector<64xf32> to vector<64x1xf32>
    %add3A_57 = arith.constant 9.99999974E-6 : f32
    %add3A_58 = vector.broadcast %add3A_57 : f32 to vector<64x1xf32>
    %add3A_59 = arith.addf %sub3A_53, %add3A_58 : vector<64x1xf32>
    %rsqrt3A_60 = math.rsqrt %add3A_59 : vector<64x1xf32>
    %mul3A_61 = arith.mulf %broadcast_in_dim3A_56, %rsqrt3A_60 : vector<64x1xf32>
    %get3A_62 = arith.constant 0 : index
    %get3A_63 = vector.load %arg9[%get3A_62] : memref<64xf32, #tpu.memory_space<vmem>>, vector<64xf32>
    %broadcast_in_dim3A_64 = vector.shape_cast %get3A_63 : vector<64xf32> to vector<64x1xf32>
    %mul3A_65 = arith.mulf %div3A_44, %mul3A_61 : vector<64x1xf32>
    %sub3A_66 = arith.subf %broadcast_in_dim3A_64, %mul3A_65 : vector<64x1xf32>
    %mul3A_67 = vector.broadcast %mul3A_61 : vector<64x1xf32> to vector<64x8192xf32>
    %mul3A_68 = arith.mulf %dot_general3A_38, %mul3A_67 : vector<64x8192xf32>
    %add3A_69 = vector.broadcast %sub3A_66 : vector<64x1xf32> to vector<64x8192xf32>
    %add3A_70 = arith.addf %mul3A_68, %add3A_69 : vector<64x8192xf32>
    %slice3A = vector.extract_strided_slice %add3A_70 {offsets = [0, 0], sizes = [64, 2048], strides = [1, 1]} : vector<64x8192xf32> to vector<64x2048xf32>
    %reduce_max3A = arith.constant dense<0xFF800000> : vector<64xf32>
    %reduce_max3A_71 = vector.multi_reduction <maximumf>, %slice3A, %reduce_max3A [1] : vector<64x2048xf32> to vector<64xf32>
    %broadcast_in_dim3A_72 = vector.shape_cast %reduce_max3A_71 : vector<64xf32> to vector<64x1xf32>
    %sub3A_73 = vector.broadcast %broadcast_in_dim3A_72 : vector<64x1xf32> to vector<64x2048xf32>
    %sub3A_74 = arith.subf %slice3A, %sub3A_73 : vector<64x2048xf32>
    %exp3A = math.exp %sub3A_74 : vector<64x2048xf32>
    %reduce_sum3A_75 = arith.constant dense<0.000000e+00> : vector<64xf32>
    %reduce_sum3A_76 = vector.multi_reduction <add>, %exp3A, %reduce_sum3A_75 [1] : vector<64x2048xf32> to vector<64xf32>
    %broadcast_in_dim3A_77 = vector.shape_cast %reduce_sum3A_76 : vector<64xf32> to vector<64x1xf32>
    %div3A_78 = arith.constant 1.000000e+00 : f32
    %div3A_79 = vector.broadcast %div3A_78 : f32 to vector<64x1xf32>
    %div3A_80 = arith.divf %div3A_79, %broadcast_in_dim3A_77 : vector<64x1xf32>
    %mul3A_81 = vector.broadcast %div3A_80 : vector<64x1xf32> to vector<64x2048xf32>
    %mul3A_82 = arith.mulf %exp3A, %mul3A_81 : vector<64x2048xf32>
    %swap3A = arith.constant 0 : index
    %swap3A_83 = arith.constant 0 : index
    %swap3A_84 = arith.constant 0 : index
    %swap3A_85 = vector.load %arg10[%swap3A, %swap3A_83, %swap3A_84] : memref<4x64x2048xf32, #tpu.memory_space<vmem>>, vector<1x64x2048xf32>
    %swap3A_86 = vector.shape_cast %swap3A_85 : vector<1x64x2048xf32> to vector<64x2048xf32>
    %swap3A_87 = vector.shape_cast %mul3A_82 : vector<64x2048xf32> to vector<1x64x2048xf32>
    tpu.vector_store %arg10[%swap3A, %swap3A_83, %swap3A_84], %swap3A_87 {strides = array<i32>} : memref<4x64x2048xf32, #tpu.memory_space<vmem>>, vector<1x64x2048xf32>,
    %argmax3A = tpu.reduce_index %slice3A {axis = 0 : i32, kind = #tpu.reduction_kind<arg_max>} : vector<64x2048xf32> -> vector<2048xi32>
    %swap3A_88 = arith.constant 0 : index
    %swap3A_89 = arith.constant 0 : index
    %swap3A_90 = vector.load %arg12[%swap3A_88, %swap3A_89] : memref<4x2048xi32, #tpu.memory_space<vmem>>, vector<1x2048xi32>
    %swap3A_91 = vector.shape_cast %swap3A_90 : vector<1x2048xi32> to vector<2048xi32>
    %swap3A_92 = vector.shape_cast %argmax3A : vector<2048xi32> to vector<1x2048xi32>
    tpu.vector_store %arg12[%swap3A_88, %swap3A_89], %swap3A_92 {strides = array<i32>} : memref<4x2048xi32, #tpu.memory_space<vmem>>, vector<1x2048xi32>,
    %iota3A = tpu.iota {dimensions = array<i32: 0>} : vector<64x2048xi32>
    %broadcast_in_dim3A_93 = vector.shape_cast %argmax3A : vector<2048xi32> to vector<1x2048xi32>
    %eq3A = vector.broadcast %broadcast_in_dim3A_93 : vector<1x2048xi32> to vector<64x2048xi32>
    %eq3A_94 = arith.cmpi eq, %iota3A, %eq3A : vector<64x2048xi32>
    %convert_element_type3A = arith.extui %eq3A_94 : vector<64x2048xi1> to vector<64x2048xi32>
    %reduce_sum3A_95 = arith.constant dense<0> : vector<64xi32>
    %reduce_sum3A_96 = vector.multi_reduction <add>, %convert_element_type3A, %reduce_sum3A_95 [1] : vector<64x2048xi32> to vector<64xi32>
    %swap3A_97 = arith.constant 0 : index
    %swap3A_98 = vector.load %arg13[%swap3A_97] : memref<256xi32, #tpu.memory_space<vmem>>, vector<64xi32>
    tpu.vector_store %arg13[%swap3A_97], %reduce_sum3A_96 {strides = array<i32>} : memref<256xi32, #tpu.memory_space<vmem>>, vector<64xi32>,
    %get3A_99 = arith.constant 0 : index
    %get3A_100 = arith.constant 0 : index
    %get3A_101 = arith.constant 0 : index
    %get3A_102 = vector.load %arg0[%get3A_99, %get3A_100, %get3A_101] : memref<4x2048x3xf32, #tpu.memory_space<vmem>>, vector<1x2048x3xf32>
    %get3A_103 = vector.shape_cast %get3A_102 : vector<1x2048x3xf32> to vector<2048x3xf32>
    %dot_general3A_104 = arith.constant dense<0.000000e+00> : vector<64x3xf32>
    %dot_general3A_105 = tpu.matmul %mul3A_82, %get3A_103, %dot_general3A_104 {dimension_numbers = #tpu.dot_dimension_numbers<[1], [0], [0], [1], [0, 0, 1, 1], [], []>, transpose_lhs_hint = false} : vector<64x2048xf32>, vector<2048x3xf32>, vector<64x3xf32> -> vector<64x3xf32>
    %swap3A_106 = arith.constant 0 : index
    %swap3A_107 = arith.constant 0 : index
    %swap3A_108 = arith.constant 0 : index
    %swap3A_109 = vector.load %arg11[%swap3A_106, %swap3A_107, %swap3A_108] : memref<4x64x3xf32, #tpu.memory_space<vmem>>, vector<1x64x3xf32>
    %swap3A_110 = vector.shape_cast %swap3A_109 : vector<1x64x3xf32> to vector<64x3xf32>
    %swap3A_111 = vector.shape_cast %dot_general3A_105 : vector<64x3xf32> to vector<1x64x3xf32>
    tpu.vector_store %arg11[%swap3A_106, %swap3A_107, %swap3A_108], %swap3A_111 {strides = array<i32>} : memref<4x64x3xf32, #tpu.memory_space<vmem>>, vector<1x64x3xf32>,
    %get3A_112 = arith.constant 0 : index
    %get3A_113 = arith.constant 0 : index
    %get3A_114 = arith.constant 0 : index
    %get3A_115 = vector.load %arg1[%get3A_112, %get3A_113, %get3A_114] : memref<4x2048x3xf32, #tpu.memory_space<vmem>>, vector<1x2048x3xf32>
    %get3A_116 = vector.shape_cast %get3A_115 : vector<1x2048x3xf32> to vector<2048x3xf32>
    %dot_general3A_117 = arith.constant dense<0.000000e+00> : vector<64x3xf32>
    %dot_general3A_118 = tpu.matmul %mul3A_82, %get3A_116, %dot_general3A_117 {dimension_numbers = #tpu.dot_dimension_numbers<[1], [0], [0], [1], [0, 0, 1, 1], [], []>, transpose_lhs_hint = false} : vector<64x2048xf32>, vector<2048x3xf32>, vector<64x3xf32> -> vector<64x3xf32>
    %swap3A_119 = arith.constant 0 : index
    %swap3A_120 = arith.constant 0 : index
    %swap3A_121 = arith.constant 0 : index
    %swap3A_122 = vector.load %arg14[%swap3A_119, %swap3A_120, %swap3A_121] : memref<4x64x3xf32, #tpu.memory_space<vmem>>, vector<1x64x3xf32>
    %swap3A_123 = vector.shape_cast %swap3A_122 : vector<1x64x3xf32> to vector<64x3xf32>
    %swap3A_124 = vector.shape_cast %dot_general3A_118 : vector<64x3xf32> to vector<1x64x3xf32>
    tpu.vector_store %arg14[%swap3A_119, %swap3A_120, %swap3A_121], %swap3A_124 {strides = array<i32>} : memref<4x64x3xf32, #tpu.memory_space<vmem>>, vector<1x64x3xf32>,
    %slice3A_125 = vector.extract_strided_slice %add3A_70 {offsets = [0, 2048], sizes = [64, 2048], strides = [1, 1]} : vector<64x8192xf32> to vector<64x2048xf32>
    %reduce_max3A_126 = arith.constant dense<0xFF800000> : vector<64xf32>
    %reduce_max3A_127 = vector.multi_reduction <maximumf>, %slice3A_125, %reduce_max3A_126 [1] : vector<64x2048xf32> to vector<64xf32>
    %broadcast_in_dim3A_128 = vector.shape_cast %reduce_max3A_127 : vector<64xf32> to vector<64x1xf32>
    %sub3A_129 = vector.broadcast %broadcast_in_dim3A_128 : vector<64x1xf32> to vector<64x2048xf32>
    %sub3A_130 = arith.subf %slice3A_125, %sub3A_129 : vector<64x2048xf32>
    %exp3A_131 = math.exp %sub3A_130 : vector<64x2048xf32>
    %reduce_sum3A_132 = arith.constant dense<0.000000e+00> : vector<64xf32>
    %reduce_sum3A_133 = vector.multi_reduction <add>, %exp3A_131, %reduce_sum3A_132 [1] : vector<64x2048xf32> to vector<64xf32>
    %broadcast_in_dim3A_134 = vector.shape_cast %reduce_sum3A_133 : vector<64xf32> to vector<64x1xf32>
    %div3A_135 = arith.constant 1.000000e+00 : f32
    %div3A_136 = vector.broadcast %div3A_135 : f32 to vector<64x1xf32>
    %div3A_137 = arith.divf %div3A_136, %broadcast_in_dim3A_134 : vector<64x1xf32>
    %mul3A_138 = vector.broadcast %div3A_137 : vector<64x1xf32> to vector<64x2048xf32>
    %mul3A_139 = arith.mulf %exp3A_131, %mul3A_138 : vector<64x2048xf32>
    %swap3A_140 = arith.constant 1 : index
    %swap3A_141 = arith.constant 0 : index
    %swap3A_142 = arith.constant 0 : index
    %swap3A_143 = vector.load %arg10[%swap3A_140, %swap3A_141, %swap3A_142] : memref<4x64x2048xf32, #tpu.memory_space<vmem>>, vector<1x64x2048xf32>
    %swap3A_144 = vector.shape_cast %swap3A_143 : vector<1x64x2048xf32> to vector<64x2048xf32>
    %swap3A_145 = vector.shape_cast %mul3A_139 : vector<64x2048xf32> to vector<1x64x2048xf32>
    tpu.vector_store %arg10[%swap3A_140, %swap3A_141, %swap3A_142], %swap3A_145 {strides = array<i32>} : memref<4x64x2048xf32, #tpu.memory_space<vmem>>, vector<1x64x2048xf32>,
    %argmax3A_146 = tpu.reduce_index %slice3A_125 {axis = 0 : i32, kind = #tpu.reduction_kind<arg_max>} : vector<64x2048xf32> -> vector<2048xi32>
    %swap3A_147 = arith.constant 1 : index
    %swap3A_148 = arith.constant 0 : index
    %swap3A_149 = vector.load %arg12[%swap3A_147, %swap3A_148] : memref<4x2048xi32, #tpu.memory_space<vmem>>, vector<1x2048xi32>
    %swap3A_150 = vector.shape_cast %swap3A_149 : vector<1x2048xi32> to vector<2048xi32>
    %swap3A_151 = vector.shape_cast %argmax3A_146 : vector<2048xi32> to vector<1x2048xi32>
    tpu.vector_store %arg12[%swap3A_147, %swap3A_148], %swap3A_151 {strides = array<i32>} : memref<4x2048xi32, #tpu.memory_space<vmem>>, vector<1x2048xi32>,
    %iota3A_152 = tpu.iota {dimensions = array<i32: 0>} : vector<64x2048xi32>
    %broadcast_in_dim3A_153 = vector.shape_cast %argmax3A_146 : vector<2048xi32> to vector<1x2048xi32>
    %eq3A_154 = vector.broadcast %broadcast_in_dim3A_153 : vector<1x2048xi32> to vector<64x2048xi32>
    %eq3A_155 = arith.cmpi eq, %iota3A_152, %eq3A_154 : vector<64x2048xi32>
    %convert_element_type3A_156 = arith.extui %eq3A_155 : vector<64x2048xi1> to vector<64x2048xi32>
    %reduce_sum3A_157 = arith.constant dense<0> : vector<64xi32>
    %reduce_sum3A_158 = vector.multi_reduction <add>, %convert_element_type3A_156, %reduce_sum3A_157 [1] : vector<64x2048xi32> to vector<64xi32>
    %swap3A_159 = arith.constant 64 : index
    %swap3A_160 = vector.load %arg13[%swap3A_159] : memref<256xi32, #tpu.memory_space<vmem>>, vector<64xi32>
    tpu.vector_store %arg13[%swap3A_159], %reduce_sum3A_158 {strides = array<i32>} : memref<256xi32, #tpu.memory_space<vmem>>, vector<64xi32>,
    %get3A_161 = arith.constant 1 : index
    %get3A_162 = arith.constant 0 : index
    %get3A_163 = arith.constant 0 : index
    %get3A_164 = vector.load %arg0[%get3A_161, %get3A_162, %get3A_163] : memref<4x2048x3xf32, #tpu.memory_space<vmem>>, vector<1x2048x3xf32>
    %get3A_165 = vector.shape_cast %get3A_164 : vector<1x2048x3xf32> to vector<2048x3xf32>
    %dot_general3A_166 = arith.constant dense<0.000000e+00> : vector<64x3xf32>
    %dot_general3A_167 = tpu.matmul %mul3A_139, %get3A_165, %dot_general3A_166 {dimension_numbers = #tpu.dot_dimension_numbers<[1], [0], [0], [1], [0, 0, 1, 1], [], []>, transpose_lhs_hint = false} : vector<64x2048xf32>, vector<2048x3xf32>, vector<64x3xf32> -> vector<64x3xf32>
    %swap3A_168 = arith.constant 1 : index
    %swap3A_169 = arith.constant 0 : index
    %swap3A_170 = arith.constant 0 : index
    %swap3A_171 = vector.load %arg11[%swap3A_168, %swap3A_169, %swap3A_170] : memref<4x64x3xf32, #tpu.memory_space<vmem>>, vector<1x64x3xf32>
    %swap3A_172 = vector.shape_cast %swap3A_171 : vector<1x64x3xf32> to vector<64x3xf32>
    %swap3A_173 = vector.shape_cast %dot_general3A_167 : vector<64x3xf32> to vector<1x64x3xf32>
    tpu.vector_store %arg11[%swap3A_168, %swap3A_169, %swap3A_170], %swap3A_173 {strides = array<i32>} : memref<4x64x3xf32, #tpu.memory_space<vmem>>, vector<1x64x3xf32>,
    %get3A_174 = arith.constant 1 : index
    %get3A_175 = arith.constant 0 : index
    %get3A_176 = arith.constant 0 : index
    %get3A_177 = vector.load %arg1[%get3A_174, %get3A_175, %get3A_176] : memref<4x2048x3xf32, #tpu.memory_space<vmem>>, vector<1x2048x3xf32>
    %get3A_178 = vector.shape_cast %get3A_177 : vector<1x2048x3xf32> to vector<2048x3xf32>
    %dot_general3A_179 = arith.constant dense<0.000000e+00> : vector<64x3xf32>
    %dot_general3A_180 = tpu.matmul %mul3A_139, %get3A_178, %dot_general3A_179 {dimension_numbers = #tpu.dot_dimension_numbers<[1], [0], [0], [1], [0, 0, 1, 1], [], []>, transpose_lhs_hint = false} : vector<64x2048xf32>, vector<2048x3xf32>, vector<64x3xf32> -> vector<64x3xf32>
    %swap3A_181 = arith.constant 1 : index
    %swap3A_182 = arith.constant 0 : index
    %swap3A_183 = arith.constant 0 : index
    %swap3A_184 = vector.load %arg14[%swap3A_181, %swap3A_182, %swap3A_183] : memref<4x64x3xf32, #tpu.memory_space<vmem>>, vector<1x64x3xf32>
    %swap3A_185 = vector.shape_cast %swap3A_184 : vector<1x64x3xf32> to vector<64x3xf32>
    %swap3A_186 = vector.shape_cast %dot_general3A_180 : vector<64x3xf32> to vector<1x64x3xf32>
    tpu.vector_store %arg14[%swap3A_181, %swap3A_182, %swap3A_183], %swap3A_186 {strides = array<i32>} : memref<4x64x3xf32, #tpu.memory_space<vmem>>, vector<1x64x3xf32>,
    %slice3A_187 = vector.extract_strided_slice %add3A_70 {offsets = [0, 4096], sizes = [64, 2048], strides = [1, 1]} : vector<64x8192xf32> to vector<64x2048xf32>
    %reduce_max3A_188 = arith.constant dense<0xFF800000> : vector<64xf32>
    %reduce_max3A_189 = vector.multi_reduction <maximumf>, %slice3A_187, %reduce_max3A_188 [1] : vector<64x2048xf32> to vector<64xf32>
    %broadcast_in_dim3A_190 = vector.shape_cast %reduce_max3A_189 : vector<64xf32> to vector<64x1xf32>
    %sub3A_191 = vector.broadcast %broadcast_in_dim3A_190 : vector<64x1xf32> to vector<64x2048xf32>
    %sub3A_192 = arith.subf %slice3A_187, %sub3A_191 : vector<64x2048xf32>
    %exp3A_193 = math.exp %sub3A_192 : vector<64x2048xf32>
    %reduce_sum3A_194 = arith.constant dense<0.000000e+00> : vector<64xf32>
    %reduce_sum3A_195 = vector.multi_reduction <add>, %exp3A_193, %reduce_sum3A_194 [1] : vector<64x2048xf32> to vector<64xf32>
    %broadcast_in_dim3A_196 = vector.shape_cast %reduce_sum3A_195 : vector<64xf32> to vector<64x1xf32>
    %div3A_197 = arith.constant 1.000000e+00 : f32
    %div3A_198 = vector.broadcast %div3A_197 : f32 to vector<64x1xf32>
    %div3A_199 = arith.divf %div3A_198, %broadcast_in_dim3A_196 : vector<64x1xf32>
    %mul3A_200 = vector.broadcast %div3A_199 : vector<64x1xf32> to vector<64x2048xf32>
    %mul3A_201 = arith.mulf %exp3A_193, %mul3A_200 : vector<64x2048xf32>
    %swap3A_202 = arith.constant 2 : index
    %swap3A_203 = arith.constant 0 : index
    %swap3A_204 = arith.constant 0 : index
    %swap3A_205 = vector.load %arg10[%swap3A_202, %swap3A_203, %swap3A_204] : memref<4x64x2048xf32, #tpu.memory_space<vmem>>, vector<1x64x2048xf32>
    %swap3A_206 = vector.shape_cast %swap3A_205 : vector<1x64x2048xf32> to vector<64x2048xf32>
    %swap3A_207 = vector.shape_cast %mul3A_201 : vector<64x2048xf32> to vector<1x64x2048xf32>
    tpu.vector_store %arg10[%swap3A_202, %swap3A_203, %swap3A_204], %swap3A_207 {strides = array<i32>} : memref<4x64x2048xf32, #tpu.memory_space<vmem>>, vector<1x64x2048xf32>,
    %argmax3A_208 = tpu.reduce_index %slice3A_187 {axis = 0 : i32, kind = #tpu.reduction_kind<arg_max>} : vector<64x2048xf32> -> vector<2048xi32>
    %swap3A_209 = arith.constant 2 : index
    %swap3A_210 = arith.constant 0 : index
    %swap3A_211 = vector.load %arg12[%swap3A_209, %swap3A_210] : memref<4x2048xi32, #tpu.memory_space<vmem>>, vector<1x2048xi32>
    %swap3A_212 = vector.shape_cast %swap3A_211 : vector<1x2048xi32> to vector<2048xi32>
    %swap3A_213 = vector.shape_cast %argmax3A_208 : vector<2048xi32> to vector<1x2048xi32>
    tpu.vector_store %arg12[%swap3A_209, %swap3A_210], %swap3A_213 {strides = array<i32>} : memref<4x2048xi32, #tpu.memory_space<vmem>>, vector<1x2048xi32>,
    %iota3A_214 = tpu.iota {dimensions = array<i32: 0>} : vector<64x2048xi32>
    %broadcast_in_dim3A_215 = vector.shape_cast %argmax3A_208 : vector<2048xi32> to vector<1x2048xi32>
    %eq3A_216 = vector.broadcast %broadcast_in_dim3A_215 : vector<1x2048xi32> to vector<64x2048xi32>
    %eq3A_217 = arith.cmpi eq, %iota3A_214, %eq3A_216 : vector<64x2048xi32>
    %convert_element_type3A_218 = arith.extui %eq3A_217 : vector<64x2048xi1> to vector<64x2048xi32>
    %reduce_sum3A_219 = arith.constant dense<0> : vector<64xi32>
    %reduce_sum3A_220 = vector.multi_reduction <add>, %convert_element_type3A_218, %reduce_sum3A_219 [1] : vector<64x2048xi32> to vector<64xi32>
    %swap3A_221 = arith.constant 128 : index
    %swap3A_222 = vector.load %arg13[%swap3A_221] : memref<256xi32, #tpu.memory_space<vmem>>, vector<64xi32>
    tpu.vector_store %arg13[%swap3A_221], %reduce_sum3A_220 {strides = array<i32>} : memref<256xi32, #tpu.memory_space<vmem>>, vector<64xi32>,
    %get3A_223 = arith.constant 2 : index
    %get3A_224 = arith.constant 0 : index
    %get3A_225 = arith.constant 0 : index
    %get3A_226 = vector.load %arg0[%get3A_223, %get3A_224, %get3A_225] : memref<4x2048x3xf32, #tpu.memory_space<vmem>>, vector<1x2048x3xf32>
    %get3A_227 = vector.shape_cast %get3A_226 : vector<1x2048x3xf32> to vector<2048x3xf32>
    %dot_general3A_228 = arith.constant dense<0.000000e+00> : vector<64x3xf32>
    %dot_general3A_229 = tpu.matmul %mul3A_201, %get3A_227, %dot_general3A_228 {dimension_numbers = #tpu.dot_dimension_numbers<[1], [0], [0], [1], [0, 0, 1, 1], [], []>, transpose_lhs_hint = false} : vector<64x2048xf32>, vector<2048x3xf32>, vector<64x3xf32> -> vector<64x3xf32>
    %swap3A_230 = arith.constant 2 : index
    %swap3A_231 = arith.constant 0 : index
    %swap3A_232 = arith.constant 0 : index
    %swap3A_233 = vector.load %arg11[%swap3A_230, %swap3A_231, %swap3A_232] : memref<4x64x3xf32, #tpu.memory_space<vmem>>, vector<1x64x3xf32>
    %swap3A_234 = vector.shape_cast %swap3A_233 : vector<1x64x3xf32> to vector<64x3xf32>
    %swap3A_235 = vector.shape_cast %dot_general3A_229 : vector<64x3xf32> to vector<1x64x3xf32>
    tpu.vector_store %arg11[%swap3A_230, %swap3A_231, %swap3A_232], %swap3A_235 {strides = array<i32>} : memref<4x64x3xf32, #tpu.memory_space<vmem>>, vector<1x64x3xf32>,
    %get3A_236 = arith.constant 2 : index
    %get3A_237 = arith.constant 0 : index
    %get3A_238 = arith.constant 0 : index
    %get3A_239 = vector.load %arg1[%get3A_236, %get3A_237, %get3A_238] : memref<4x2048x3xf32, #tpu.memory_space<vmem>>, vector<1x2048x3xf32>
    %get3A_240 = vector.shape_cast %get3A_239 : vector<1x2048x3xf32> to vector<2048x3xf32>
    %dot_general3A_241 = arith.constant dense<0.000000e+00> : vector<64x3xf32>
    %dot_general3A_242 = tpu.matmul %mul3A_201, %get3A_240, %dot_general3A_241 {dimension_numbers = #tpu.dot_dimension_numbers<[1], [0], [0], [1], [0, 0, 1, 1], [], []>, transpose_lhs_hint = false} : vector<64x2048xf32>, vector<2048x3xf32>, vector<64x3xf32> -> vector<64x3xf32>
    %swap3A_243 = arith.constant 2 : index
    %swap3A_244 = arith.constant 0 : index
    %swap3A_245 = arith.constant 0 : index
    %swap3A_246 = vector.load %arg14[%swap3A_243, %swap3A_244, %swap3A_245] : memref<4x64x3xf32, #tpu.memory_space<vmem>>, vector<1x64x3xf32>
    %swap3A_247 = vector.shape_cast %swap3A_246 : vector<1x64x3xf32> to vector<64x3xf32>
    %swap3A_248 = vector.shape_cast %dot_general3A_242 : vector<64x3xf32> to vector<1x64x3xf32>
    tpu.vector_store %arg14[%swap3A_243, %swap3A_244, %swap3A_245], %swap3A_248 {strides = array<i32>} : memref<4x64x3xf32, #tpu.memory_space<vmem>>, vector<1x64x3xf32>,
    %slice3A_249 = vector.extract_strided_slice %add3A_70 {offsets = [0, 6144], sizes = [64, 2048], strides = [1, 1]} : vector<64x8192xf32> to vector<64x2048xf32>
    %reduce_max3A_250 = arith.constant dense<0xFF800000> : vector<64xf32>
    %reduce_max3A_251 = vector.multi_reduction <maximumf>, %slice3A_249, %reduce_max3A_250 [1] : vector<64x2048xf32> to vector<64xf32>
    %broadcast_in_dim3A_252 = vector.shape_cast %reduce_max3A_251 : vector<64xf32> to vector<64x1xf32>
    %sub3A_253 = vector.broadcast %broadcast_in_dim3A_252 : vector<64x1xf32> to vector<64x2048xf32>
    %sub3A_254 = arith.subf %slice3A_249, %sub3A_253 : vector<64x2048xf32>
    %exp3A_255 = math.exp %sub3A_254 : vector<64x2048xf32>
    %reduce_sum3A_256 = arith.constant dense<0.000000e+00> : vector<64xf32>
    %reduce_sum3A_257 = vector.multi_reduction <add>, %exp3A_255, %reduce_sum3A_256 [1] : vector<64x2048xf32> to vector<64xf32>
    %broadcast_in_dim3A_258 = vector.shape_cast %reduce_sum3A_257 : vector<64xf32> to vector<64x1xf32>
    %div3A_259 = arith.constant 1.000000e+00 : f32
    %div3A_260 = vector.broadcast %div3A_259 : f32 to vector<64x1xf32>
    %div3A_261 = arith.divf %div3A_260, %broadcast_in_dim3A_258 : vector<64x1xf32>
    %mul3A_262 = vector.broadcast %div3A_261 : vector<64x1xf32> to vector<64x2048xf32>
    %mul3A_263 = arith.mulf %exp3A_255, %mul3A_262 : vector<64x2048xf32>
    %swap3A_264 = arith.constant 3 : index
    %swap3A_265 = arith.constant 0 : index
    %swap3A_266 = arith.constant 0 : index
    %swap3A_267 = vector.load %arg10[%swap3A_264, %swap3A_265, %swap3A_266] : memref<4x64x2048xf32, #tpu.memory_space<vmem>>, vector<1x64x2048xf32>
    %swap3A_268 = vector.shape_cast %swap3A_267 : vector<1x64x2048xf32> to vector<64x2048xf32>
    %swap3A_269 = vector.shape_cast %mul3A_263 : vector<64x2048xf32> to vector<1x64x2048xf32>
    tpu.vector_store %arg10[%swap3A_264, %swap3A_265, %swap3A_266], %swap3A_269 {strides = array<i32>} : memref<4x64x2048xf32, #tpu.memory_space<vmem>>, vector<1x64x2048xf32>,
    %argmax3A_270 = tpu.reduce_index %slice3A_249 {axis = 0 : i32, kind = #tpu.reduction_kind<arg_max>} : vector<64x2048xf32> -> vector<2048xi32>
    %swap3A_271 = arith.constant 3 : index
    %swap3A_272 = arith.constant 0 : index
    %swap3A_273 = vector.load %arg12[%swap3A_271, %swap3A_272] : memref<4x2048xi32, #tpu.memory_space<vmem>>, vector<1x2048xi32>
    %swap3A_274 = vector.shape_cast %swap3A_273 : vector<1x2048xi32> to vector<2048xi32>
    %swap3A_275 = vector.shape_cast %argmax3A_270 : vector<2048xi32> to vector<1x2048xi32>
    tpu.vector_store %arg12[%swap3A_271, %swap3A_272], %swap3A_275 {strides = array<i32>} : memref<4x2048xi32, #tpu.memory_space<vmem>>, vector<1x2048xi32>,
    %iota3A_276 = tpu.iota {dimensions = array<i32: 0>} : vector<64x2048xi32>
    %broadcast_in_dim3A_277 = vector.shape_cast %argmax3A_270 : vector<2048xi32> to vector<1x2048xi32>
    %eq3A_278 = vector.broadcast %broadcast_in_dim3A_277 : vector<1x2048xi32> to vector<64x2048xi32>
    %eq3A_279 = arith.cmpi eq, %iota3A_276, %eq3A_278 : vector<64x2048xi32>
    %convert_element_type3A_280 = arith.extui %eq3A_279 : vector<64x2048xi1> to vector<64x2048xi32>
    %reduce_sum3A_281 = arith.constant dense<0> : vector<64xi32>
    %reduce_sum3A_282 = vector.multi_reduction <add>, %convert_element_type3A_280, %reduce_sum3A_281 [1] : vector<64x2048xi32> to vector<64xi32>
    %swap3A_283 = arith.constant 192 : index
    %swap3A_284 = vector.load %arg13[%swap3A_283] : memref<256xi32, #tpu.memory_space<vmem>>, vector<64xi32>
    tpu.vector_store %arg13[%swap3A_283], %reduce_sum3A_282 {strides = array<i32>} : memref<256xi32, #tpu.memory_space<vmem>>, vector<64xi32>,
    %get3A_285 = arith.constant 3 : index
    %get3A_286 = arith.constant 0 : index
    %get3A_287 = arith.constant 0 : index
    %get3A_288 = vector.load %arg0[%get3A_285, %get3A_286, %get3A_287] : memref<4x2048x3xf32, #tpu.memory_space<vmem>>, vector<1x2048x3xf32>
    %get3A_289 = vector.shape_cast %get3A_288 : vector<1x2048x3xf32> to vector<2048x3xf32>
    %dot_general3A_290 = arith.constant dense<0.000000e+00> : vector<64x3xf32>
    %dot_general3A_291 = tpu.matmul %mul3A_263, %get3A_289, %dot_general3A_290 {dimension_numbers = #tpu.dot_dimension_numbers<[1], [0], [0], [1], [0, 0, 1, 1], [], []>, transpose_lhs_hint = false} : vector<64x2048xf32>, vector<2048x3xf32>, vector<64x3xf32> -> vector<64x3xf32>
    %swap3A_292 = arith.constant 3 : index
    %swap3A_293 = arith.constant 0 : index
    %swap3A_294 = arith.constant 0 : index
    %swap3A_295 = vector.load %arg11[%swap3A_292, %swap3A_293, %swap3A_294] : memref<4x64x3xf32, #tpu.memory_space<vmem>>, vector<1x64x3xf32>
    %swap3A_296 = vector.shape_cast %swap3A_295 : vector<1x64x3xf32> to vector<64x3xf32>
    %swap3A_297 = vector.shape_cast %dot_general3A_291 : vector<64x3xf32> to vector<1x64x3xf32>
    tpu.vector_store %arg11[%swap3A_292, %swap3A_293, %swap3A_294], %swap3A_297 {strides = array<i32>} : memref<4x64x3xf32, #tpu.memory_space<vmem>>, vector<1x64x3xf32>,
    %get3A_298 = arith.constant 3 : index
    %get3A_299 = arith.constant 0 : index
    %get3A_300 = arith.constant 0 : index
    %get3A_301 = vector.load %arg1[%get3A_298, %get3A_299, %get3A_300] : memref<4x2048x3xf32, #tpu.memory_space<vmem>>, vector<1x2048x3xf32>
    %get3A_302 = vector.shape_cast %get3A_301 : vector<1x2048x3xf32> to vector<2048x3xf32>
    %dot_general3A_303 = arith.constant dense<0.000000e+00> : vector<64x3xf32>
    %dot_general3A_304 = tpu.matmul %mul3A_263, %get3A_302, %dot_general3A_303 {dimension_numbers = #tpu.dot_dimension_numbers<[1], [0], [0], [1], [0, 0, 1, 1], [], []>, transpose_lhs_hint = false} : vector<64x2048xf32>, vector<2048x3xf32>, vector<64x3xf32> -> vector<64x3xf32>
    %swap3A_305 = arith.constant 3 : index
    %swap3A_306 = arith.constant 0 : index
    %swap3A_307 = arith.constant 0 : index
    %swap3A_308 = vector.load %arg14[%swap3A_305, %swap3A_306, %swap3A_307] : memref<4x64x3xf32, #tpu.memory_space<vmem>>, vector<1x64x3xf32>
    %swap3A_309 = vector.shape_cast %swap3A_308 : vector<1x64x3xf32> to vector<64x3xf32>
    %swap3A_310 = vector.shape_cast %dot_general3A_304 : vector<64x3xf32> to vector<1x64x3xf32>
    tpu.vector_store %arg14[%swap3A_305, %swap3A_306, %swap3A_307], %swap3A_310 {strides = array<i32>} : memref<4x64x3xf32, #tpu.memory_space<vmem>>, vector<1x64x3xf32>,
    return
  }
}

</mosaic_0001>

<sc_bundles>
// kernel: kernel.4.cloned.1.call-start
scs
__scs_entry_jumppad:
0x0: {  	(pc) =	sbr.rel $0x88, $3  }
0x1: {  	(tag) =	ssettag $0x0;
	lr =	simm.s32 $0x1  }
0x2: {  	[smem:$0x3F96] =	sst lr;
	_ =	strace $0xD0000000  }
0x3: {  	_ = 	snop  }
0x4: {  	_ = 	snop  }
0x5: {  	_ = 	snop  }
0x6: {  	_ = 	snop  }
0x7: {  	_ = 	snop  }
__scs_overlays_trampoline_lowered:
0x8: {  	[smem:$0x3FA5] =	sst s0  }
0x9: {  	[smem:$0x3FA6] =	sst s1  }
0xa: {  	[smem:$0x3FA7] =	sst s2  }
0xb: {  	[smem:$0x3FA8] =	sst s3  }
0xc: {  	[smem:$0x3FA9] =	sst s4  }
0xd: {  	[smem:$0x3FAA] =	sst s5  }
0xe: {  	[smem:$0x3FAB] =	sst s6  }
0xf: {  	[smem:$0x3FAC] =	sst s7  }
0x10: {  	[smem:$0x3FAD] =	sst s8  }
0x11: {  	[smem:$0x3FAE] =	sst s9;
	s0 =	simm.s32 @!p0 $0x0  }
0x12: {  	s1 =	sld [smem:$0x3F94];
	s0 =	simm.s32 @p0 $0x1  }
0x13: {  	[smem:$0x3FAF] =	sst s0;
	s0 =	simm.s32 @!p1 $0x0  }
0x14: {  	s2 =	sld [smem:$0x3F93];
	s0 =	simm.s32 @p1 $0x1  }
0x15: {  	[smem:$0x3FB0] =	sst s0;
	s0 =	simm.s32 @!p2 $0x0  }
0x16: {  	s3 =	sld [smem:$0x3FDB];
	s0 =	simm.s32 @p2 $0x1  }
0x17: {  	s4 =	simm.s32 $0x1BF5;
	[smem:$0x3FB2] =	sst s0  }
0x18: {  	s0 =	sld [smem:$0x3F95];
	_ =	swait.ge [sflag:s4], $0x0  }
0x19: {  	s7 =	sld [smem:$0x3F96]  }
0x1a: {  	s8 =	sadd.s32 $0xFFFFE003, lr  }
0x1b: {  	s9 =	sadd.s32 $0xFFFFFEF7, lr;
	s5 =	simm.s32 $0xFFFFFFFF;
	p2 =	slt.u32 s8, $0xFFFFF086  }
0x1c: {  	p1 =	slt.u32 s9, $0xF7A;
	s5 =	simm.s32 @!p2 $0x0  }
0x1d: {  	s5 =	simm.s32 @p1 $0x1;
	p0 =	seq.s32 s7, s2  }
0x1e: {  	s7 =	smul.u32 @!p0 $0xF7A, s2;
	p2 =	seq.s32 @!p0 s5, $0x0  }
0x1f: {  	s9 =	smul.u32 $0xF7A, s1;
	s8 =	simm.s32 @!p0 $0x1BF5;
	p2 =	por !p2, p0  }
0x20: {  	[sflag:s8] =	ssyncset.s32 @!p0 $0xFFFFF086;
	s6 =	sadd.s32 @!p0 s3, s7;
	s7 =	simm.s32 @!p0 $0x108  }
0x21: {  	s3 =	sadd.s32 s3, s9;
	s6 =	sadd.s32 @!p0 $0x88, s6;
	s7 =	simm.s32 @p2 $0x1082  }
0x22: {  	[simem:s7], [sflag:s8] =	dma.local @!p0 [hbm:s6], $0xF7A  }
0x23: {  	s9 =	sor.u32 $0xD0000000, s2;
	s6 =	simm.s32 $0x108;
	_ =	swait.ge @!p0 [sflag:s8], $0x0  }
0x24: {  	s3 =	sadd.s32 $0x88, s3;
	s6 =	simm.s32 @!p1 $0x1082;
	[sflag:s4] =	ssyncset.s32 $0xFFFFF086  }
0x25: {  	[simem:s6], [sflag:s4] =	dma.local [hbm:s3], $0xF7A  }
0x26: {  	[smem:$0x3F96] =	sst s1;
	(tag) =	ssettag s2;
	_ =	strace s9  }
0x27: {  	s1 =	sld [smem:$0x3FA6]  }
0x28: {  	s2 =	sld [smem:$0x3FA7]  }
0x29: {  	s4 =	sld [smem:$0x3FA9]  }
0x2a: {  	p0 =	seq.s32 s5, $0x0;
	s5 =	sld [smem:$0x3FAA]  }
0x2b: {  	s6 =	sld [smem:$0x3FAB]  }
0x2c: {  	s7 =	sld [smem:$0x3FAC]  }
0x2d: {  	s3 =	simm.s32 $0x108;
	s8 =	sld [smem:$0x3FAD]  }
0x2e: {  	s3 =	simm.s32 @!p0 $0x1082;
	s9 =	sld [smem:$0x3FAE]  }
0x2f: {  	lr =	sadd.s32 s0, s3;
	s0 =	sld [smem:$0x3FA5]  }
0x30: {  	s3 =	sld [smem:$0x3FA8]  }
0x31: {  	[smem:$0x3FB1] =	sst s10  }
0x32: {  	s10 =	sld [smem:$0x3FAF];
	_ =	sdelay $0x3  }
0x33: {  	p0 =	seq.s32 s10, $0x1;
	s10 =	sld [smem:$0x3FB1];
	_ =	sdelay $0x3  }
0x34: {  	[smem:$0x3FB1] =	sst s10  }
0x35: {  	s10 =	sld [smem:$0x3FB0];
	_ =	sdelay $0x3  }
0x36: {  	p1 =	seq.s32 s10, $0x1;
	s10 =	sld [smem:$0x3FB1];
	_ =	sdelay $0x3  }
0x37: {  	[smem:$0x3FB1] =	sst s10  }
0x38: {  	s10 =	sld [smem:$0x3FB2]  }
0x39: {  	_ = 	snop;
	(pc) =	sbr.ind lr, $3  }
0x3a: {  	_ = 	snop  }
0x3b: {  	_ = 	snop  }
0x3c: {  	p2 =	seq.s32 s10, $0x1;
	s10 =	sld [smem:$0x3FB1]  }
0x3d: {  	_ =	shalt  }
0x3e: {  	_ =	shalt  }
0x3f: {  	_ =	shalt  }
0x40: {  	_ =	shalt  }
0x41: {  	_ =	shalt  }
0x42: {  	_ =	shalt  }
0x43: {  	_ =	shalt  }
0x44: {  	_ =	shalt  }
0x45: {  	_ =	shalt  }
0x46: {  	_ =	shalt  }
0x47: {  	_ =	shalt  }
0x48: {  	_ =	shalt  }
0x49: {  	_ =	shalt  }
0x4a: {  	_ =	shalt  }
0x4b: {  	_ =	shalt  }
0x4c: {  	_ =	shalt  }
0x4d: {  	_ =	shalt  }
0x4e: {  	_ =	shalt  }
0x4f: {  	_ =	shalt  }
0x50: {  	_ =	shalt  }
0x51: {  	_ =	shalt  }
0x52: {  	_ =	shalt  }
0x53: {  	_ =	shalt  }
0x54: {  	_ =	shalt  }
0x55: {  	_ =	shalt  }
0x56: {  	_ =	shalt  }
0x57: {  	_ =	shalt  }
0x58: {  	_ =	shalt  }
0x59: {  	_ =	shalt  }
0x5a: {  	_ =	shalt  }
0x5b: {  	_ =	shalt  }
0x5c: {  	_ =	shalt  }
0x5d: {  	_ =	shalt  }
0x5e: {  	_ =	shalt  }
0x5f: {  	_ =	shalt  }
0x60: {  	_ =	shalt  }
0x61: {  	_ =	shalt  }
0x62: {  	_ =	shalt  }
0x63: {  	_ =	shalt  }
0x64: {  	_ =	shalt  }
0x65: {  	_ =	shalt  }
0x66: {  	_ =	shalt  }
0x67: {  	_ =	shalt  }
0x68: {  	_ =	shalt  }
0x69: {  	_ =	shalt  }
0x6a: {  	_ =	shalt  }
0x6b: {  	_ =	shalt  }
0x6c: {  	_ =	shalt  }
0x6d: {  	_ =	shalt  }
0x6e: {  	_ =	shalt  }
0x6f: {  	_ =	shalt  }
0x70: {  	_ =	shalt  }
0x71: {  	_ =	shalt  }
0x72: {  	_ =	shalt  }
0x73: {  	_ =	shalt  }
0x74: {  	_ =	shalt  }
0x75: {  	_ =	shalt  }
0x76: {  	_ =	shalt  }
0x77: {  	_ =	shalt  }
0x78: {  	_ =	shalt  }
0x79: {  	_ =	shalt  }
0x7a: {  	_ =	shalt  }
0x7b: {  	_ =	shalt  }
0x7c: {  	_ =	shalt  }
0x7d: {  	_ =	shalt  }
0x7e: {  	_ =	shalt  }
0x7f: {  	_ =	shalt  }
0x80: {  	_ =	shalt  }
0x81: {  	_ =	shalt  }
0x82: {  	_ =	shalt  }
0x83: {  	_ =	shalt  }
0x84: {  	_ =	shalt  }
0x85: {  	_ =	shalt  }
0x86: {  	_ =	shalt  }
0x87: {  	_ =	shalt  }
.Lfunc_end0:
.L_simem_size_0:
called_computation_lowered:
.L_overlay_start_0:
0x88: {  	s2 =	sld [smem:$0x3FD9]  }
0x89: {  	s3 =	sld [smem:$0x3FFE];
	_ =	sdelay $0x1  }
0x8a: {  	s1 =	srdreg.scid  }
0x8b: {  	s0 =	sand.u32 $0x1, s1  }
0x8c: {  	s14 =	sshll.u32 s0, $0xA;
	s2 =	sadd.s32 s3, s2  }
0x8d: {  	s2 =	sadd.s32 s2, s14  }
0x8e: {  	[smem:$0x3FBD] =	sst s2  }
0x8f: {  	_ = 	snop  }
0x90: {  	s2 =	sld [smem:$0x3FD0];
	_ =	sdelay $0x2  }
0x91: {  	s15 =	simm.s32 $0xA;
	s4 =	simm.s32 $0x10  }
0x92: {  	[smem:s4], [sflag:s15] =	dma.local [hbm:s2], $0x1  }
0x93: {  	_ =	swait.eq [sflag:s15], $0x1  }
0x94: {  	s16 =	sld [smem:$0x12];
	[sflag:s15] =	ssyncset.done $0x0  }
0x95: {  	s17 =	sld [smem:$0x13];
	[sflag:s15] =	ssyncadd.s32 $0xFFFFFFFF  }
0x96: {  	s18 =	sld [smem:$0x14];
	(tm) =	ssettm $0x1  }
0x97: {  	s5 =	sld [smem:$0x3FFB];
	_ =	sdelay $0x3  }
0x98: {  	_ =	strace s5  }
0x99: {  	s5 =	sld [smem:$0x3FFC];
	_ =	sdelay $0x3  }
0x9a: {  	_ =	strace s5  }
0x9b: {  	s5 =	sld [smem:$0x3FFD];
	_ =	sdelay $0x3  }
0x9c: {  	_ =	strace s5  }
0x9d: {  	_ =	strace $0x8FFFFFFF  }
0x9e: {  	s19 =	sld [smem:$0x3FDB];
	_ =	sdelay $0x1  }
0x9f: {  	s6 =	simm.s32 $_scs_section_size  }
0xa0: {  	s7 =	simm.s32 $_size__tile_overlayer_lowered;
	s8 =	simm.s32 $_tile_overlayer_lowered  }
0xa1: {  	s22 =	simm.s32 $0x1BFF;
	s21 =	sshll.u32 s8, $0x1;
	s5 =	sadd.s32 s6, s19  }
0xa2: {  	s9 =	simm.s32 $0x0;
	s20 =	sshll.u32 s7, $0x1;
	s7 =	sadd.s32 s21, s5  }
0xa3: {  	[timem:s9], [sflag:s22] =	dma.local [hbm:s7], s20  }
0xa4: {  	_ =	swait.ge [sflag:s22], s20  }
0xa5: {  	s6 =	ssub.s32 $0x0, s20;
	[sflag:s22] =	ssyncset.done $0x0  }
0xa6: {  	[sflag:s22] =	ssyncadd.s32 s6;
	_ =	sdelay $0x1  }
0xa7: {  	s23 =	simm.s32 $0x1B8B  }
0xa8: {  	_ =	swait.ge [sflag:s23], $0x1  }
0xa9: {  	[sflag:s23] =	ssyncset.done $0x0  }
0xaa: {  	s25 =	simm.s32 $0x1B8E;
	s24 =	sld [smem:$0x3FFE];
	[sflag:s23] =	ssyncadd.s32 $0xFFFFFFFF  }
0xab: {  	s26 =	simm.s32 $execute0_lowered;
	[smem:$0x3FD2] =	sst s25  }
0xac: {  	s7 =	sshll.u32 s26, $0x1;
	_ =	strace $0x80000046;
	[dreg:$0x1] =	wrdreg $0xFFFFFFFF  }
0xad: {  	s28 =	simm.s32 $_size_execute0_lowered;
	s5 =	sadd.s32 s5, s7;
	[dreg:$0x0] =	wrdreg $0x0  }
0xae: {  	s7 =	sshll.u32 s28, $0x1;
	[dreg:$0x2] =	wrdreg s5  }
0xaf: {  	[dreg:$0x3] =	wrdreg s7  }
0xb0: {  	[dreg:$0x4] =	wrdreg $0xC0  }
0xb1: {  	_ =	task [dreg:s9], $0x5FFFF  }
0xb2: {  	[dreg:$0x1] =	wrdreg $0xFFFFFFFF  }
0xb3: {  	[dreg:$0x0] =	wrdreg $0x60  }
0xb4: {  	[dreg:$0x2] =	wrdreg s24  }
0xb5: {  	[dreg:$0x3] =	wrdreg s16  }
0xb6: {  	[dreg:$0x4] =	wrdreg s17  }
0xb7: {  	[dreg:$0x5] =	wrdreg s18  }
0xb8: {  	[dreg:$0x6] =	wrdreg $0x9  }
0xb9: {  	_ =	task.clear_ibuf [dreg:s9], $0x7FFFF;
	_ =	strace $0x90000046  }
0xba: {  	s29 =	simm.s32 $0x9;
	_ =	strace $0x80000048  }
0xbb: {  	_ =	swait.ge [sflag:s29], $0x1  }
0xbc: {  	[sflag:s29] =	ssyncadd.s32 $0xFFFFFFFF  }
0xbd: {  	_ =	strace $0x90000048  }
0xbe: {  	_ =	sfence  }
0xbf: {  	s30 =	sld [smem:$0x0];
	_ =	sdelay $0x2  }
0xc0: {  	s31 =	sshll.u32 s1, $0xD;
	s1 =	sshrl.u32 s1, $0x2  }
0xc1: {  	s3 =	sand.u32 $0x4000, s31;
	s1 =	sadd.s32 s1, s30  }
0xc2: {  	s0 =	sor.u32 s3, s0;
	s1 =	sshll.u32 s1, $0x11  }
0xc3: {  	s0 =	sor.u32 s1, s0  }
0xc4: {  	s0 =	sadd.s32 $0x8F2B, s0  }
0xc5: {  	[sflag:s0] =	ssyncadd.remote.s32 $0x1  }
0xc6: {  	_ =	sfence.sel $0xFFFF  }
0xc7: {  	[dreg:$0x0] =	wrdreg $0xFFFFFFFF;
	(pc) =	sbr.abs _section_cstart, $3  }
0xc8: {  	[dreg:$0x1] =	wrdreg $0xFFFFFFFF  }
0xc9: {  	_ =	task.clear_ibuf [dreg:s9], $0x2FFFF;
	_ =	strace $0x9FFFFFFF  }
0xca: {  	(tm) =	ssettm $0x7FFFFFFF  }
0xcb: {  	_ =	shalt  }
tec
execute0_lowered:
.L_overlay_start_1:
0x0: {  	(tag) =	ssettag $0x1  }
0x1: {  	s3 =	rddreg [dreg:$0x0]  }
0x2: {  	s5 =	rddreg [dreg:$0x1]  }
0x3: {  	s0 =	rddreg [dreg:$0x2]  }
0x4: {  	s2 =	srdreg.scid;
	s1 =	rddreg [dreg:$0x3]  }
0x5: {  	s19 =	stileid.u32;
	s28 =	simm.s32 $0x3;
	s6 =	sand.u32 $0x1, s2  }
0x6: {  	s4 =	sshrl.u32 s19, $0x3;
	s2 =	simm.s32 $0x0;
	s15 =	sand.u32 $0x7, s19  }
0x7: {  	s12 =	sand.u32 $0x8, s19;
	s10 =	sadd.s32 $0x1, s19;
	s20 =	sadd.s32 $0x2, s19  }
0x8: {  	s23 =	sadd.s32 $0x3, s19;
	s7 =	sshll.u32 s6, $0x1;
	[smem:$0x7FF] =	sst s2  }
0x9: {  	s26 =	sshll.u32 s15, $0xC;
	s30 =	ssub.s32 $0x2, s6;
	s11 =	sshll.u32 s6, $0x4  }
0xa: {  	s10 =	sand.u32 $0x7, s10;
	s16 =	sor.u32 s4, s7;
	_ =	strace $0x80000047  }
0xb: {  	s31 =	sshrl.u32 s30, $0x1;
	s12 =	sor.u32 s12, s11;
	s14 =	sor.u32 s19, s11  }
0xc: {  	s4 =	sshll.u32 s16, $0xF;
	s8 =	sshll.u32 s16, $0x3;
	s9 =	sshll.u32 s16, $0x7  }
0xd: {  	s18 =	ssub.s32 s30, s31;
	s13 =	sor.u32 s10, s12;
	s10 =	sand.u32 $0x7, s23  }
0xe: {  	s11 =	sor.u32 s15, s12;
	s30 =	sshll.u32 s15, $0x5;
	s31 =	sshll.u32 s16, $0xA  }
0xf: {  	s23 =	simm.s32 $0x2;
	s4 =	sor.u32 s26, s4;
	s29 =	sadd.s32 s8, s3  }
0x10: {  	s7 =	sshll.u32 s13, $0xD;
	s10 =	sor.u32 s10, s12;
	s11 =	sshll.u32 s11, $0xD  }
0x11: {  	s13 =	sadd.s32 $0x5, s19;
	s26 =	sshll.u32 s16, $0xD;
	s16 =	sadd.s32 s0, s31  }
0x12: {  	s18 =	smax.u32 s18, $0x1;
	s17 =	sadd.s32 s4, s3;
	s3 =	sshll.u32 s15, $0xA  }
0x13: {  	s6 =	sadd.s32 $0x21E00, s29;
	s10 =	sshll.u32 s10, $0xD;
	s13 =	sand.u32 $0x7, s13  }
0x14: {  	s4 =	sadd.s32 $0x1E00, s17;
	s9 =	sor.u32 s3, s9;
	s21 =	sor.u32 s3, s7  }
0x15: {  	s11 =	sor.u32 s3, s11;
	s10 =	sor.u32 s3, s10;
	s13 =	sor.u32 s13, s12  }
0x16: {  	s17 =	sadd.s32 $0x22000, s17;
	s8 =	sshrl.u32 s9, $0x3;
	s9 =	sand.u32 $0x7, s20  }
0x17: {  	s22 =	sshrl.u32 s21, $0x3;
	s11 =	sshrl.u32 s11, $0x3;
	s10 =	sshrl.u32 s10, $0x3  }
0x18: {  	s13 =	sshll.u32 s13, $0xD;
	s20 =	simm.s32 $0xBD00;
	s21 =	simm.s32 $0xC100  }
0x19: {  	s5 =	sadd.s32 s5, s8;
	s8 =	sshll.u32 s14, $0xA;
	s9 =	sor.u32 s9, s12  }
0x1a: {  	s11 =	sxor.u32 $0x1000, s11;
	s10 =	sadd.s32 s1, s10;
	s14 =	sadd.s32 $0x6, s19  }
0x1b: {  	s19 =	sadd.s32 $0xFFFFFFFF, s19;
	s13 =	sor.u32 s3, s13;
	s7 =	sadd.s32 s1, s8  }
0x1c: {  	s8 =	sadd.s32 s1, s22;
	s9 =	sshll.u32 s9, $0xD;
	s11 =	sadd.s32 s1, s11  }
0x1d: {  	s14 =	sand.u32 $0x7, s14;
	s19 =	sand.u32 $0x7, s19;
	s13 =	sshrl.u32 s13, $0x3  }
0x1e: {  	s22 =	simm.s32 $0x0;
	s9 =	sor.u32 s3, s9;
	s14 =	sor.u32 s14, s12  }
0x1f: {  	s19 =	sor.u32 s19, s12;
	s12 =	sadd.s32 s1, s13;
	s9 =	sshrl.u32 s9, $0x3  }
0x20: {  	s24 =	sshll.u32 s14, $0xD;
	s25 =	sshll.u32 s19, $0xD;
	s19 =	sor.u32 s3, s26  }
0x21: {  	s26 =	simm.s32 $0x8100;
	s9 =	sadd.s32 s1, s9;
	s13 =	sor.u32 s3, s24  }
0x22: {  	s14 =	sor.u32 s3, s25;
	s29 =	sshrl.u32 s19, $0x3;
	s24 =	simm.s32 $0x1  }
0x23: {  	s25 =	sshrl.u32 s30, $0x2;
	s19 =	simm.s32 $0xB900;
	s13 =	sshrl.u32 s13, $0x3  }
0x24: {  	s14 =	sshrl.u32 s14, $0x3;
	s15 =	sadd.s32 s0, s29;
	s0 =	simm.s32 $0xB100  }
0x25: {  	v0 =	vimm.f32 $-3.402823470e+38;
	s13 =	sadd.s32 s1, s13;
	s14 =	sadd.s32 s1, s14;
	s1 =	simm.s32 $0xB500  }
.LBB2_1:
0x26: {  	[tilespmem:s2], [sflag:$0x1] =	stream.linear.gather [hbm4b:s4+s2], $0x8000, $0x38;
	[tilespmem:$0xC580] =	vst v63  }
0x27: {  	s29 =	simm.s32 $0x80;
	s30 =	simm.s32 $0x200;
	s31 =	simm.s32 $0x8000  }
0x28: {  	[tilespmem:s31], [sflag:$0x2] =	stream.strided.gather [hbm4b:s5+s29], $0x100, s30, s29, $0x38;
	[tilespmem:$0xC580] =	vst v63  }
0x29: {  	s29 =	simm.s32 $0xC500  }
0x2a: {  	[tilespmem:s29], [sflag:$0x1] =	stream.linear.gather [hbm4b:s6+s2], $0x40, $0x38;
	[tilespmem:$0xC580] =	vst v63  }
0x2b: {  	s30 =	simm.s32 $0x200;
	s29 =	simm.s32 $0x0  }
.LBB2_2:
0x2c: {  	p0 =	sne.s32 s30, $0x7E00;
	[tilespmem:s29+$0x8130] =	vst v0;
	s31 =	smov.u32 s30;
	s30 =	sadd.s32 $0x200, s30  }
.Ltmp0:
0x2d: {  	[tilespmem:s29+$0x8120] =	vst v0;
	(pc) =	sbr.rel @p0 .LBB2_2-.Ltmp0, $3  }
0x2e: {  	[tilespmem:s29+$0x8100] =	vst v0  }
0x2f: {  	[tilespmem:s29+$0x8110] =	vst v0;
	_ =	sdelay $0x1  }
0x30: {  	s29 =	sshra.s32 s31, $0x2  }
0x31: {  	[tilespmem:s29+$0x8130] =	vst v0  }
0x32: {  	[tilespmem:s29+$0x8120] =	vst v0  }
0x33: {  	[tilespmem:s29+$0x8100] =	vst v0  }
0x34: {  	[tilespmem:s29+$0x8110] =	vst v0  }
0x35: {  	_ =	swait.ge [sflag:s23], $0x100  }
0x36: {  	[sflag:s23] =	ssyncset.done $0x0  }
0x37: {  	[sflag:s23] =	ssyncadd.s32 $0xFFFFFF00  }
0x38: {  	_ =	swait.ge [sflag:s24], $0x8000  }
0x39: {  	[sflag:s24] =	ssyncset.done $0x0  }
0x3a: {  	[sflag:s24] =	ssyncadd.s32 $0xFFFF8000  }
0x3b: {  	_ =	swait.ge [sflag:s24], $0x40  }
0x3c: {  	[sflag:s24] =	ssyncset.done $0x0  }
0x3d: {  	s29 =	simm.s32 $0x0;
	s30 =	simm.s32 $0x400;
	[sflag:s24] =	ssyncadd.s32 $0xFFFFFFC0  }
.LBB2_4:
0x3e: {  	s31 =	sshra.s32 s29, $0x2  }
0x3f: {  	v1 =	vld [tilespmem:s31+$0x8000];
	_ =	sdelay $0x4  }
0x40: {  	v1 =	vshll.u32 v1, $0x9  }
0x41: {  	v1 =	vshra.s32 v1, $0x2  }
0x42: {  	(v2sf) =	vpush v1, $0x0;
	_ =	sdelay $0xe  }
0x43: {  	v2 =	vld [tilespmem:s30+$0xFFFFFC00];
	s31 =	spop (v2sf)  }
0x44: {  	v3 =	vld [tilespmem:s31+$0x8100];
	_ =	sdelay $0x4  }
0x45: {  	v2 =	vmax.f32 v3, v2  }
0x46: {  	v3 =	vld [tilespmem:s31+$0x8110];
	[tilespmem:s31+$0x8100] =	vst v2  }
0x47: {  	v2 =	vld [tilespmem:s30+$0xFFFFFC10];
	_ =	sdelay $0x4  }
0x48: {  	v2 =	vmax.f32 v3, v2  }
0x49: {  	(v2sf) =	vpush v1, $0x1;
	v3 =	vld [tilespmem:s31+$0x8120];
	[tilespmem:s31+$0x8110] =	vst v2  }
0x4a: {  	v2 =	vld [tilespmem:s30+$0xFFFFFC20];
	_ =	sdelay $0x4  }
0x4b: {  	v2 =	vmax.f32 v3, v2  }
0x4c: {  	v3 =	vld [tilespmem:s31+$0x8130];
	[tilespmem:s31+$0x8120] =	vst v2  }
0x4d: {  	v2 =	vld [tilespmem:s30+$0xFFFFFC30];
	_ =	sdelay $0x4  }
0x4e: {  	v2 =	vmax.f32 v3, v2  }
0x4f: {  	[tilespmem:s31+$0x8130] =	vst v2  }
0x50: {  	s31 =	spop (v2sf);
	v2 =	vld [tilespmem:s30+$0xFFFFFC80]  }
0x51: {  	v3 =	vld [tilespmem:s31+$0x8100];
	_ =	sdelay $0x4  }
0x52: {  	v2 =	vmax.f32 v3, v2  }
0x53: {  	v3 =	vld [tilespmem:s31+$0x8110];
	[tilespmem:s31+$0x8100] =	vst v2  }
0x54: {  	v2 =	vld [tilespmem:s30+$0xFFFFFC90];
	_ =	sdelay $0x4  }
0x55: {  	v2 =	vmax.f32 v3, v2  }
0x56: {  	(v2sf) =	vpush v1, $0x2;
	v3 =	vld [tilespmem:s31+$0x8120];
	[tilespmem:s31+$0x8110] =	vst v2  }
0x57: {  	v2 =	vld [tilespmem:s30+$0xFFFFFCA0];
	_ =	sdelay $0x4  }
0x58: {  	v2 =	vmax.f32 v3, v2  }
0x59: {  	v3 =	vld [tilespmem:s31+$0x8130];
	[tilespmem:s31+$0x8120] =	vst v2  }
0x5a: {  	v2 =	vld [tilespmem:s30+$0xFFFFFCB0];
	_ =	sdelay $0x4  }
0x5b: {  	v2 =	vmax.f32 v3, v2  }
0x5c: {  	[tilespmem:s31+$0x8130] =	vst v2  }
0x5d: {  	s31 =	spop (v2sf);
	v2 =	vld [tilespmem:s30+$0xFFFFFD00]  }
0x5e: {  	v3 =	vld [tilespmem:s31+$0x8100];
	_ =	sdelay $0x4  }
0x5f: {  	v2 =	vmax.f32 v3, v2  }
0x60: {  	v3 =	vld [tilespmem:s31+$0x8110];
	[tilespmem:s31+$0x8100] =	vst v2  }
0x61: {  	v2 =	vld [tilespmem:s30+$0xFFFFFD10];
	_ =	sdelay $0x4  }
0x62: {  	v2 =	vmax.f32 v3, v2  }
0x63: {  	(v2sf) =	vpush v1, $0x3;
	v3 =	vld [tilespmem:s31+$0x8120];
	[tilespmem:s31+$0x8110] =	vst v2  }
0x64: {  	v2 =	vld [tilespmem:s30+$0xFFFFFD20];
	_ =	sdelay $0x4  }
0x65: {  	v2 =	vmax.f32 v3, v2  }
0x66: {  	v3 =	vld [tilespmem:s31+$0x8130];
	[tilespmem:s31+$0x8120] =	vst v2  }
0x67: {  	v2 =	vld [tilespmem:s30+$0xFFFFFD30];
	_ =	sdelay $0x4  }
0x68: {  	v2 =	vmax.f32 v3, v2  }
0x69: {  	[tilespmem:s31+$0x8130] =	vst v2  }
0x6a: {  	s31 =	spop (v2sf);
	v2 =	vld [tilespmem:s30+$0xFFFFFD80]  }
0x6b: {  	v3 =	vld [tilespmem:s31+$0x8100];
	_ =	sdelay $0x4  }
0x6c: {  	v2 =	vmax.f32 v3, v2  }
0x6d: {  	v3 =	vld [tilespmem:s31+$0x8110];
	[tilespmem:s31+$0x8100] =	vst v2  }
0x6e: {  	v2 =	vld [tilespmem:s30+$0xFFFFFD90];
	_ =	sdelay $0x4  }
0x6f: {  	v2 =	vmax.f32 v3, v2  }
0x70: {  	(v2sf) =	vpush v1, $0x4;
	v3 =	vld [tilespmem:s31+$0x8120];
	[tilespmem:s31+$0x8110] =	vst v2  }
0x71: {  	v2 =	vld [tilespmem:s30+$0xFFFFFDA0];
	_ =	sdelay $0x4  }
0x72: {  	v2 =	vmax.f32 v3, v2  }
0x73: {  	v3 =	vld [tilespmem:s31+$0x8130];
	[tilespmem:s31+$0x8120] =	vst v2  }
0x74: {  	v2 =	vld [tilespmem:s30+$0xFFFFFDB0];
	_ =	sdelay $0x4  }
0x75: {  	v2 =	vmax.f32 v3, v2  }
0x76: {  	[tilespmem:s31+$0x8130] =	vst v2  }
0x77: {  	s31 =	spop (v2sf);
	v2 =	vld [tilespmem:s30+$0xFFFFFE00]  }
0x78: {  	v3 =	vld [tilespmem:s31+$0x8100];
	_ =	sdelay $0x4  }
0x79: {  	v2 =	vmax.f32 v3, v2  }
0x7a: {  	v3 =	vld [tilespmem:s31+$0x8110];
	[tilespmem:s31+$0x8100] =	vst v2  }
0x7b: {  	v2 =	vld [tilespmem:s30+$0xFFFFFE10];
	_ =	sdelay $0x4  }
0x7c: {  	v2 =	vmax.f32 v3, v2  }
0x7d: {  	(v2sf) =	vpush v1, $0x5;
	v3 =	vld [tilespmem:s31+$0x8120];
	[tilespmem:s31+$0x8110] =	vst v2  }
0x7e: {  	v2 =	vld [tilespmem:s30+$0xFFFFFE20];
	_ =	sdelay $0x4  }
0x7f: {  	v2 =	vmax.f32 v3, v2  }
0x80: {  	v3 =	vld [tilespmem:s31+$0x8130];
	[tilespmem:s31+$0x8120] =	vst v2  }
0x81: {  	v2 =	vld [tilespmem:s30+$0xFFFFFE30];
	_ =	sdelay $0x4  }
0x82: {  	v2 =	vmax.f32 v3, v2  }
0x83: {  	[tilespmem:s31+$0x8130] =	vst v2  }
0x84: {  	s31 =	spop (v2sf);
	v2 =	vld [tilespmem:s30+$0xFFFFFE80]  }
0x85: {  	v3 =	vld [tilespmem:s31+$0x8100];
	_ =	sdelay $0x4  }
0x86: {  	v2 =	vmax.f32 v3, v2  }
0x87: {  	v3 =	vld [tilespmem:s31+$0x8110];
	[tilespmem:s31+$0x8100] =	vst v2  }
0x88: {  	v2 =	vld [tilespmem:s30+$0xFFFFFE90];
	_ =	sdelay $0x4  }
0x89: {  	v2 =	vmax.f32 v3, v2  }
0x8a: {  	(v2sf) =	vpush v1, $0x6;
	v3 =	vld [tilespmem:s31+$0x8120];
	[tilespmem:s31+$0x8110] =	vst v2  }
0x8b: {  	v2 =	vld [tilespmem:s30+$0xFFFFFEA0];
	_ =	sdelay $0x4  }
0x8c: {  	v2 =	vmax.f32 v3, v2  }
0x8d: {  	v3 =	vld [tilespmem:s31+$0x8130];
	[tilespmem:s31+$0x8120] =	vst v2  }
0x8e: {  	v2 =	vld [tilespmem:s30+$0xFFFFFEB0];
	_ =	sdelay $0x4  }
0x8f: {  	v2 =	vmax.f32 v3, v2  }
0x90: {  	[tilespmem:s31+$0x8130] =	vst v2  }
0x91: {  	s31 =	spop (v2sf);
	v2 =	vld [tilespmem:s30+$0xFFFFFF00]  }
0x92: {  	v3 =	vld [tilespmem:s31+$0x8100];
	_ =	sdelay $0x4  }
0x93: {  	v2 =	vmax.f32 v3, v2  }
0x94: {  	v3 =	vld [tilespmem:s31+$0x8110];
	[tilespmem:s31+$0x8100] =	vst v2  }
0x95: {  	v2 =	vld [tilespmem:s30+$0xFFFFFF10];
	_ =	sdelay $0x4  }
0x96: {  	v2 =	vmax.f32 v3, v2  }
0x97: {  	(v2sf) =	vpush v1, $0x7;
	v3 =	vld [tilespmem:s31+$0x8120];
	[tilespmem:s31+$0x8110] =	vst v2  }
0x98: {  	v2 =	vld [tilespmem:s30+$0xFFFFFF20];
	_ =	sdelay $0x4  }
0x99: {  	v2 =	vmax.f32 v3, v2  }
0x9a: {  	v3 =	vld [tilespmem:s31+$0x8130];
	[tilespmem:s31+$0x8120] =	vst v2  }
0x9b: {  	v2 =	vld [tilespmem:s30+$0xFFFFFF30];
	_ =	sdelay $0x4  }
0x9c: {  	v2 =	vmax.f32 v3, v2  }
0x9d: {  	[tilespmem:s31+$0x8130] =	vst v2  }
0x9e: {  	s31 =	spop (v2sf);
	v2 =	vld [tilespmem:s30+$0xFFFFFF80]  }
0x9f: {  	v3 =	vld [tilespmem:s31+$0x8100];
	_ =	sdelay $0x4  }
0xa0: {  	v2 =	vmax.f32 v3, v2  }
0xa1: {  	v3 =	vld [tilespmem:s31+$0x8110];
	[tilespmem:s31+$0x8100] =	vst v2  }
0xa2: {  	v2 =	vld [tilespmem:s30+$0xFFFFFF90];
	_ =	sdelay $0x4  }
0xa3: {  	v2 =	vmax.f32 v3, v2  }
0xa4: {  	(v2sf) =	vpush v1, $0x8;
	v3 =	vld [tilespmem:s31+$0x8120];
	[tilespmem:s31+$0x8110] =	vst v2  }
0xa5: {  	v2 =	vld [tilespmem:s30+$0xFFFFFFA0];
	_ =	sdelay $0x4  }
0xa6: {  	v2 =	vmax.f32 v3, v2  }
0xa7: {  	v3 =	vld [tilespmem:s31+$0x8130];
	[tilespmem:s31+$0x8120] =	vst v2  }
0xa8: {  	v2 =	vld [tilespmem:s30+$0xFFFFFFB0];
	_ =	sdelay $0x4  }
0xa9: {  	v2 =	vmax.f32 v3, v2  }
0xaa: {  	[tilespmem:s31+$0x8130] =	vst v2  }
0xab: {  	s31 =	spop (v2sf);
	v2 =	vld [tilespmem:s30+$0x0]  }
0xac: {  	v3 =	vld [tilespmem:s31+$0x8100];
	_ =	sdelay $0x4  }
0xad: {  	v2 =	vmax.f32 v3, v2  }
0xae: {  	v3 =	vld [tilespmem:s31+$0x8110];
	[tilespmem:s31+$0x8100] =	vst v2  }
0xaf: {  	v2 =	vld [tilespmem:s30+$0x10];
	_ =	sdelay $0x4  }
0xb0: {  	v2 =	vmax.f32 v3, v2  }
0xb1: {  	(v2sf) =	vpush v1, $0x9;
	v3 =	vld [tilespmem:s31+$0x8120];
	[tilespmem:s31+$0x8110] =	vst v2  }
0xb2: {  	v2 =	vld [tilespmem:s30+$0x20];
	_ =	sdelay $0x4  }
0xb3: {  	v2 =	vmax.f32 v3, v2  }
0xb4: {  	v3 =	vld [tilespmem:s31+$0x8130];
	[tilespmem:s31+$0x8120] =	vst v2  }
0xb5: {  	v2 =	vld [tilespmem:s30+$0x30];
	_ =	sdelay $0x4  }
0xb6: {  	v2 =	vmax.f32 v3, v2  }
0xb7: {  	[tilespmem:s31+$0x8130] =	vst v2  }
0xb8: {  	s31 =	spop (v2sf);
	v2 =	vld [tilespmem:s30+$0x80]  }
0xb9: {  	v3 =	vld [tilespmem:s31+$0x8100];
	_ =	sdelay $0x4  }
0xba: {  	v2 =	vmax.f32 v3, v2  }
0xbb: {  	v3 =	vld [tilespmem:s31+$0x8110];
	[tilespmem:s31+$0x8100] =	vst v2  }
0xbc: {  	v2 =	vld [tilespmem:s30+$0x90];
	_ =	sdelay $0x4  }
0xbd: {  	v2 =	vmax.f32 v3, v2  }
0xbe: {  	(v2sf) =	vpush v1, $0xA;
	v3 =	vld [tilespmem:s31+$0x8120];
	[tilespmem:s31+$0x8110] =	vst v2  }
0xbf: {  	v2 =	vld [tilespmem:s30+$0xA0];
	_ =	sdelay $0x4  }
0xc0: {  	v2 =	vmax.f32 v3, v2  }
0xc1: {  	v3 =	vld [tilespmem:s31+$0x8130];
	[tilespmem:s31+$0x8120] =	vst v2  }
0xc2: {  	v2 =	vld [tilespmem:s30+$0xB0];
	_ =	sdelay $0x4  }
0xc3: {  	v2 =	vmax.f32 v3, v2  }
0xc4: {  	[tilespmem:s31+$0x8130] =	vst v2  }
0xc5: {  	s31 =	spop (v2sf);
	v2 =	vld [tilespmem:s30+$0x100]  }
0xc6: {  	v3 =	vld [tilespmem:s31+$0x8100];
	_ =	sdelay $0x4  }
0xc7: {  	v2 =	vmax.f32 v3, v2  }
0xc8: {  	v3 =	vld [tilespmem:s31+$0x8110];
	[tilespmem:s31+$0x8100] =	vst v2  }
0xc9: {  	v2 =	vld [tilespmem:s30+$0x110];
	_ =	sdelay $0x4  }
0xca: {  	v2 =	vmax.f32 v3, v2  }
0xcb: {  	(v2sf) =	vpush v1, $0xB;
	v3 =	vld [tilespmem:s31+$0x8120];
	[tilespmem:s31+$0x8110] =	vst v2  }
0xcc: {  	v2 =	vld [tilespmem:s30+$0x120];
	_ =	sdelay $0x4  }
0xcd: {  	v2 =	vmax.f32 v3, v2  }
0xce: {  	v3 =	vld [tilespmem:s31+$0x8130];
	[tilespmem:s31+$0x8120] =	vst v2  }
0xcf: {  	v2 =	vld [tilespmem:s30+$0x130];
	_ =	sdelay $0x4  }
0xd0: {  	v2 =	vmax.f32 v3, v2  }
0xd1: {  	[tilespmem:s31+$0x8130] =	vst v2  }
0xd2: {  	s31 =	spop (v2sf);
	v2 =	vld [tilespmem:s30+$0x180]  }
0xd3: {  	v3 =	vld [tilespmem:s31+$0x8100];
	_ =	sdelay $0x4  }
0xd4: {  	v2 =	vmax.f32 v3, v2  }
0xd5: {  	v3 =	vld [tilespmem:s31+$0x8110];
	[tilespmem:s31+$0x8100] =	vst v2  }
0xd6: {  	v2 =	vld [tilespmem:s30+$0x190];
	_ =	sdelay $0x4  }
0xd7: {  	v2 =	vmax.f32 v3, v2  }
0xd8: {  	(v2sf) =	vpush v1, $0xC;
	v3 =	vld [tilespmem:s31+$0x8120];
	[tilespmem:s31+$0x8110] =	vst v2  }
0xd9: {  	v2 =	vld [tilespmem:s30+$0x1A0];
	_ =	sdelay $0x4  }
0xda: {  	v2 =	vmax.f32 v3, v2  }
0xdb: {  	v3 =	vld [tilespmem:s31+$0x8130];
	[tilespmem:s31+$0x8120] =	vst v2  }
0xdc: {  	v2 =	vld [tilespmem:s30+$0x1B0];
	_ =	sdelay $0x4  }
0xdd: {  	v2 =	vmax.f32 v3, v2  }
0xde: {  	[tilespmem:s31+$0x8130] =	vst v2  }
0xdf: {  	s31 =	spop (v2sf);
	v2 =	vld [tilespmem:s30+$0x200]  }
0xe0: {  	v3 =	vld [tilespmem:s31+$0x8100];
	_ =	sdelay $0x4  }
0xe1: {  	v2 =	vmax.f32 v3, v2  }
0xe2: {  	v3 =	vld [tilespmem:s31+$0x8110];
	[tilespmem:s31+$0x8100] =	vst v2  }
0xe3: {  	v2 =	vld [tilespmem:s30+$0x210];
	_ =	sdelay $0x4  }
0xe4: {  	v2 =	vmax.f32 v3, v2  }
0xe5: {  	(v2sf) =	vpush v1, $0xD;
	v3 =	vld [tilespmem:s31+$0x8120];
	[tilespmem:s31+$0x8110] =	vst v2  }
0xe6: {  	v2 =	vld [tilespmem:s30+$0x220];
	_ =	sdelay $0x4  }
0xe7: {  	v2 =	vmax.f32 v3, v2  }
0xe8: {  	v3 =	vld [tilespmem:s31+$0x8130];
	[tilespmem:s31+$0x8120] =	vst v2  }
0xe9: {  	v2 =	vld [tilespmem:s30+$0x230];
	_ =	sdelay $0x4  }
0xea: {  	v2 =	vmax.f32 v3, v2  }
0xeb: {  	[tilespmem:s31+$0x8130] =	vst v2  }
0xec: {  	s31 =	spop (v2sf);
	v2 =	vld [tilespmem:s30+$0x280]  }
0xed: {  	v3 =	vld [tilespmem:s31+$0x8100];
	_ =	sdelay $0x4  }
0xee: {  	v2 =	vmax.f32 v3, v2  }
0xef: {  	v3 =	vld [tilespmem:s31+$0x8110];
	[tilespmem:s31+$0x8100] =	vst v2  }
0xf0: {  	v2 =	vld [tilespmem:s30+$0x290];
	_ =	sdelay $0x4  }
0xf1: {  	v2 =	vmax.f32 v3, v2  }
0xf2: {  	(v2sf) =	vpush v1, $0xE;
	v3 =	vld [tilespmem:s31+$0x8120];
	[tilespmem:s31+$0x8110] =	vst v2  }
0xf3: {  	v2 =	vld [tilespmem:s30+$0x2A0];
	_ =	sdelay $0x4  }
0xf4: {  	v2 =	vmax.f32 v3, v2  }
0xf5: {  	v3 =	vld [tilespmem:s31+$0x8130];
	[tilespmem:s31+$0x8120] =	vst v2  }
0xf6: {  	v2 =	vld [tilespmem:s30+$0x2B0];
	_ =	sdelay $0x4  }
0xf7: {  	v2 =	vmax.f32 v3, v2  }
0xf8: {  	[tilespmem:s31+$0x8130] =	vst v2  }
0xf9: {  	s31 =	spop (v2sf);
	v2 =	vld [tilespmem:s30+$0x300]  }
0xfa: {  	v3 =	vld [tilespmem:s31+$0x8100];
	_ =	sdelay $0x4  }
0xfb: {  	v2 =	vmax.f32 v3, v2  }
0xfc: {  	v3 =	vld [tilespmem:s31+$0x8110];
	[tilespmem:s31+$0x8100] =	vst v2  }
0xfd: {  	v2 =	vld [tilespmem:s30+$0x310];
	_ =	sdelay $0x4  }
0xfe: {  	v2 =	vmax.f32 v3, v2  }
0xff: {  	(v2sf) =	vpush v1, $0xF;
	v3 =	vld [tilespmem:s31+$0x8120];
	[tilespmem:s31+$0x8110] =	vst v2  }
0x100: {  	v2 =	vld [tilespmem:s30+$0x320];
	_ =	sdelay $0x4  }
0x101: {  	v1 =	vmax.f32 v3, v2  }
0x102: {  	v2 =	vld [tilespmem:s31+$0x8130];
	[tilespmem:s31+$0x8120] =	vst v1  }
0x103: {  	v1 =	vld [tilespmem:s30+$0x330];
	_ =	sdelay $0x4  }
0x104: {  	v1 =	vmax.f32 v2, v1  }
0x105: {  	[tilespmem:s31+$0x8130] =	vst v1  }
0x106: {  	s31 =	spop (v2sf);
	v1 =	vld [tilespmem:s30+$0x380]  }
0x107: {  	v2 =	vld [tilespmem:s31+$0x8100];
	_ =	sdelay $0x4  }
0x108: {  	v1 =	vmax.f32 v2, v1  }
0x109: {  	v2 =	vld [tilespmem:s31+$0x8110];
	[tilespmem:s31+$0x8100] =	vst v1  }
0x10a: {  	v1 =	vld [tilespmem:s30+$0x390];
	_ =	sdelay $0x4  }
0x10b: {  	v1 =	vmax.f32 v2, v1  }
0x10c: {  	v2 =	vld [tilespmem:s31+$0x8120];
	[tilespmem:s31+$0x8110] =	vst v1  }
0x10d: {  	v1 =	vld [tilespmem:s30+$0x3A0];
	_ =	sdelay $0x4  }
0x10e: {  	v1 =	vmax.f32 v2, v1  }
0x10f: {  	v2 =	vld [tilespmem:s31+$0x8130];
	[tilespmem:s31+$0x8120] =	vst v1  }
0x110: {  	v1 =	vld [tilespmem:s30+$0x3B0]  }
0x111: {  	p0 =	sne.s32 s29, $0x3C0  }
.Ltmp1:
0x112: {  	_ = 	snop;
	(pc) =	sbr.rel @p0 .LBB2_4-.Ltmp1, $3  }
0x113: {  	_ =	sdelay $0x1  }
0x114: {  	v1 =	vmax.f32 v2, v1  }
0x115: {  	s29 =	sadd.s32 $0x40, s29;
	s30 =	sadd.s32 $0x800, s30;
	[tilespmem:s31+$0x8130] =	vst v1  }
0x116: {  	s29 =	simm.s32 $0x0  }
0x117: {  	[hbm4b:s7+s29] =	stream.linear.scatter [tilespmem:s26], [sflag:$0x3], $0x2000, $0x38;
	[tilespmem:$0xC580] =	vst v63  }
0x118: {  	_ =	swait.ge [sflag:s28], $0x2000  }
0x119: {  	[sflag:s28] =	ssyncset.done $0x0  }
0x11a: {  	[sflag:s28] =	ssyncadd.s32 $0xFFFFE000  }
0x11b: {  	s30 =	simm.s32 $0xA500;
	[bflag:$0x0] =	sbarrier.arrive $0xFFFF  }
0x11c: {  	[tilespmem:s30], [sflag:$0x2] =	stream.linear.gather [hbm4b:s8+s29], $0x400, $0x38;
	[tilespmem:$0xC580] =	vst v63  }
0x11d: {  	s30 =	simm.s32 $0xA900  }
0x11e: {  	[tilespmem:s30], [sflag:$0x2] =	stream.linear.gather [hbm4b:s9+s29], $0x400, $0x38;
	[tilespmem:$0xC580] =	vst v63  }
0x11f: {  	s30 =	simm.s32 $0xAD00  }
0x120: {  	[tilespmem:s30], [sflag:$0x2] =	stream.linear.gather [hbm4b:s10+s29], $0x400, $0x38;
	[tilespmem:$0xC580] =	vst v63  }
0x121: {  	_ = 	snop  }
0x122: {  	[tilespmem:s0], [sflag:$0x2] =	stream.linear.gather [hbm4b:s11+s29], $0x400, $0x38;
	[tilespmem:$0xC580] =	vst v63  }
0x123: {  	_ = 	snop  }
0x124: {  	[tilespmem:s1], [sflag:$0x2] =	stream.linear.gather [hbm4b:s12+s29], $0x400, $0x38;
	[tilespmem:$0xC580] =	vst v63  }
0x125: {  	_ = 	snop  }
0x126: {  	[tilespmem:s19], [sflag:$0x2] =	stream.linear.gather [hbm4b:s13+s29], $0x400, $0x38;
	[tilespmem:$0xC580] =	vst v63  }
0x127: {  	_ = 	snop  }
0x128: {  	[tilespmem:s20], [sflag:$0x2] =	stream.linear.gather [hbm4b:s14+s29], $0x400, $0x38;
	[tilespmem:$0xC580] =	vst v63  }
0x129: {  	_ =	swait.ge [sflag:s23], $0x400  }
0x12a: {  	[sflag:s23] =	ssyncset.done $0x0  }
0x12b: {  	[sflag:s23] =	ssyncadd.s32 $0xFFFFFC00  }
0x12c: {  	_ =	swait.ge [sflag:s23], $0x400  }
0x12d: {  	[sflag:s23] =	ssyncset.done $0x0  }
0x12e: {  	[sflag:s23] =	ssyncadd.s32 $0xFFFFFC00  }
0x12f: {  	_ =	swait.ge [sflag:s23], $0x400  }
0x130: {  	[sflag:s23] =	ssyncset.done $0x0  }
0x131: {  	[sflag:s23] =	ssyncadd.s32 $0xFFFFFC00  }
0x132: {  	_ =	swait.ge [sflag:s23], $0x400  }
0x133: {  	[sflag:s23] =	ssyncset.done $0x0  }
0x134: {  	[sflag:s23] =	ssyncadd.s32 $0xFFFFFC00  }
0x135: {  	_ =	swait.ge [sflag:s23], $0x400  }
0x136: {  	[sflag:s23] =	ssyncset.done $0x0  }
0x137: {  	[sflag:s23] =	ssyncadd.s32 $0xFFFFFC00  }
0x138: {  	_ =	swait.ge [sflag:s23], $0x400  }
0x139: {  	[sflag:s23] =	ssyncset.done $0x0  }
0x13a: {  	[sflag:s23] =	ssyncadd.s32 $0xFFFFFC00  }
0x13b: {  	_ =	swait.ge [sflag:s23], $0x400  }
0x13c: {  	[sflag:s23] =	ssyncset.done $0x0  }
0x13d: {  	[sflag:s23] =	ssyncadd.s32 $0xFFFFFC00  }
0x13e: {  	v1 =	vld [tilespmem:s3+$0x8100]  }
0x13f: {  	v2 =	vld [tilespmem:$0xA500]  }
0x140: {  	v3 =	vld [tilespmem:$0xA900]  }
0x141: {  	v4 =	vld [tilespmem:$0xAD00]  }
0x142: {  	v5 =	vld [tilespmem:$0xB100]  }
0x143: {  	v6 =	vld [tilespmem:$0xB500]  }
0x144: {  	v7 =	vld [tilespmem:$0xB900]  }
0x145: {  	v8 =	vld [tilespmem:$0xBD00];
	_ =	sdelay $0x1  }
0x146: {  	v63 =	vld [tilespmem:$0xA910]  }
0x147: {  	v12 =	vld [tilespmem:$0xAD10]  }
0x148: {  	v13 =	vld [tilespmem:$0xB110];
	v1 =	vmax.f32 v1, v2  }
0x149: {  	v14 =	vld [tilespmem:$0xB510];
	v2 =	vmax.f32 v3, v4;
	v3 =	vmax.f32 v5, v6;
	v62 =	vmax.f32 v7, v8  }
0x14a: {  	v15 =	vld [tilespmem:$0xB910];
	v1 =	vmax.f32 v1, v2;
	v2 =	vmax.f32 v3, v62  }
0x14b: {  	v9 =	vld [tilespmem:$0xBD10];
	v1 =	vmax.f32 v1, v2  }
0x14c: {  	v3 =	vld [tilespmem:$0xA510];
	[tilespmem:$0xC100] =	vst v1  }
0x14d: {  	v2 =	vld [tilespmem:s3+$0x8110];
	_ =	sdelay $0x1  }
0x14e: {  	v18 =	vld [tilespmem:$0xA520]  }
0x14f: {  	v19 =	vld [tilespmem:$0xA920]  }
0x150: {  	v20 =	vld [tilespmem:$0xAD20];
	v16 =	vmax.f32 v13, v14  }
0x151: {  	v21 =	vld [tilespmem:$0xB120];
	v17 =	vmax.f32 v15, v9;
	v2 =	vmax.f32 v2, v3;
	v3 =	vmax.f32 v63, v12  }
0x152: {  	v22 =	vld [tilespmem:$0xB520];
	v2 =	vmax.f32 v2, v3;
	v3 =	vmax.f32 v16, v17  }
0x153: {  	v23 =	vld [tilespmem:$0xB920];
	v2 =	vmax.f32 v2, v3  }
0x154: {  	v10 =	vld [tilespmem:$0xBD20];
	[tilespmem:$0xC110] =	vst v2  }
0x155: {  	v3 =	vld [tilespmem:s3+$0x8120];
	_ =	sdelay $0x1  }
0x156: {  	v29 =	vld [tilespmem:$0xA530]  }
0x157: {  	v30 =	vld [tilespmem:$0xA930]  }
0x158: {  	v31 =	vld [tilespmem:$0xAD30];
	v24 =	vmax.f32 v19, v20  }
0x159: {  	v32 =	vld [tilespmem:$0xB130];
	v25 =	vmax.f32 v21, v22;
	v26 =	vmax.f32 v23, v10;
	v3 =	vmax.f32 v3, v18  }
0x15a: {  	v33 =	vld [tilespmem:$0xB530];
	v27 =	vmax.f32 v25, v26;
	v3 =	vmax.f32 v3, v24  }
0x15b: {  	v34 =	vld [tilespmem:$0xB930];
	v3 =	vmax.f32 v3, v27  }
0x15c: {  	v11 =	vld [tilespmem:$0xBD30];
	[tilespmem:$0xC120] =	vst v3  }
0x15d: {  	v28 =	vld [tilespmem:s3+$0x8130];
	_ =	sdelay $0x1  }
0x15e: {  	v40 =	vld [tilespmem:$0xA580]  }
0x15f: {  	v41 =	vld [tilespmem:$0xA980]  }
0x160: {  	v42 =	vld [tilespmem:$0xAD80];
	v35 =	vmax.f32 v30, v31  }
0x161: {  	v43 =	vld [tilespmem:$0xB180];
	v36 =	vmax.f32 v32, v33;
	v37 =	vmax.f32 v34, v11;
	v4 =	vmax.f32 v28, v29  }
0x162: {  	v44 =	vld [tilespmem:$0xB580];
	v38 =	vmax.f32 v36, v37;
	v4 =	vmax.f32 v4, v35  }
0x163: {  	v45 =	vld [tilespmem:$0xB980];
	v4 =	vmax.f32 v4, v38  }
0x164: {  	v12 =	vld [tilespmem:$0xBD80];
	[tilespmem:$0xC130] =	vst v4  }
0x165: {  	v39 =	vld [tilespmem:s3+$0x8180];
	_ =	sdelay $0x1  }
0x166: {  	v51 =	vld [tilespmem:$0xA590]  }
0x167: {  	v52 =	vld [tilespmem:$0xA990]  }
0x168: {  	v53 =	vld [tilespmem:$0xAD90];
	v46 =	vmax.f32 v41, v42  }
0x169: {  	v54 =	vld [tilespmem:$0xB190];
	v47 =	vmax.f32 v43, v44;
	v48 =	vmax.f32 v45, v12;
	v5 =	vmax.f32 v39, v40  }
0x16a: {  	v55 =	vld [tilespmem:$0xB590];
	v49 =	vmax.f32 v47, v48;
	v5 =	vmax.f32 v5, v46  }
0x16b: {  	v56 =	vld [tilespmem:$0xB990];
	v5 =	vmax.f32 v5, v49  }
0x16c: {  	v13 =	vld [tilespmem:$0xBD90];
	[tilespmem:$0xC180] =	vst v5  }
0x16d: {  	v50 =	vld [tilespmem:s3+$0x8190];
	_ =	sdelay $0x1  }
0x16e: {  	v19 =	vld [tilespmem:$0xB9A0]  }
0x16f: {  	v14 =	vld [tilespmem:$0xBDA0]  }
0x170: {  	v57 =	vmax.f32 v52, v53;
	v62 =	vld [tilespmem:$0xA5A0]  }
0x171: {  	v58 =	vmax.f32 v54, v55;
	v59 =	vmax.f32 v56, v13;
	v63 =	vld [tilespmem:$0xA9A0];
	v6 =	vmax.f32 v50, v51  }
0x172: {  	v60 =	vmax.f32 v58, v59;
	v16 =	vld [tilespmem:$0xADA0];
	v6 =	vmax.f32 v6, v57  }
0x173: {  	v17 =	vld [tilespmem:$0xB1A0];
	v6 =	vmax.f32 v6, v60  }
0x174: {  	v18 =	vld [tilespmem:$0xB5A0];
	[tilespmem:$0xC190] =	vst v6  }
0x175: {  	v61 =	vld [tilespmem:s3+$0x81A0];
	_ =	sdelay $0x1  }
0x176: {  	v30 =	vld [tilespmem:$0xB9B0]  }
0x177: {  	v15 =	vld [tilespmem:$0xBDB0]  }
0x178: {  	v25 =	vld [tilespmem:$0xA5B0];
	v22 =	vmax.f32 v19, v14  }
0x179: {  	v26 =	vld [tilespmem:$0xA9B0];
	v20 =	vmax.f32 v63, v16;
	v21 =	vmax.f32 v17, v18;
	v7 =	vmax.f32 v61, v62  }
0x17a: {  	v27 =	vld [tilespmem:$0xADB0];
	v23 =	vmax.f32 v21, v22;
	v7 =	vmax.f32 v7, v20  }
0x17b: {  	v28 =	vld [tilespmem:$0xB1B0];
	v7 =	vmax.f32 v7, v23  }
0x17c: {  	v29 =	vld [tilespmem:$0xB5B0];
	[tilespmem:$0xC1A0] =	vst v7  }
0x17d: {  	v24 =	vld [tilespmem:s3+$0x81B0];
	_ =	sdelay $0x1  }
0x17e: {  	v41 =	vld [tilespmem:$0xBA00]  }
0x17f: {  	v36 =	vld [tilespmem:$0xA600]  }
0x180: {  	v37 =	vld [tilespmem:$0xAA00];
	v33 =	vmax.f32 v30, v15  }
0x181: {  	v16 =	vld [tilespmem:$0xBE00];
	v31 =	vmax.f32 v26, v27;
	v32 =	vmax.f32 v28, v29;
	v8 =	vmax.f32 v24, v25  }
0x182: {  	v38 =	vld [tilespmem:$0xAE00];
	v34 =	vmax.f32 v32, v33;
	v8 =	vmax.f32 v8, v31  }
0x183: {  	v39 =	vld [tilespmem:$0xB200];
	v8 =	vmax.f32 v8, v34  }
0x184: {  	v40 =	vld [tilespmem:$0xB600];
	[tilespmem:$0xC1B0] =	vst v8  }
0x185: {  	v35 =	vld [tilespmem:s3+$0x8200];
	_ =	sdelay $0x1  }
0x186: {  	v52 =	vld [tilespmem:$0xBA10]  }
0x187: {  	v47 =	vld [tilespmem:$0xA610]  }
0x188: {  	v48 =	vld [tilespmem:$0xAA10];
	v44 =	vmax.f32 v41, v16  }
0x189: {  	v17 =	vld [tilespmem:$0xBE10];
	v42 =	vmax.f32 v37, v38;
	v43 =	vmax.f32 v39, v40;
	v9 =	vmax.f32 v35, v36  }
0x18a: {  	v49 =	vld [tilespmem:$0xAE10];
	v45 =	vmax.f32 v43, v44;
	v9 =	vmax.f32 v9, v42  }
0x18b: {  	v50 =	vld [tilespmem:$0xB210];
	v9 =	vmax.f32 v9, v45  }
0x18c: {  	v51 =	vld [tilespmem:$0xB610];
	[tilespmem:$0xC200] =	vst v9  }
0x18d: {  	v46 =	vld [tilespmem:s3+$0x8210];
	_ =	sdelay $0x1  }
0x18e: {  	v58 =	vld [tilespmem:$0xA620]  }
0x18f: {  	v59 =	vld [tilespmem:$0xAA20]  }
0x190: {  	v63 =	vld [tilespmem:$0xBA20];
	v55 =	vmax.f32 v52, v17  }
0x191: {  	v18 =	vld [tilespmem:$0xBE20];
	v53 =	vmax.f32 v48, v49;
	v54 =	vmax.f32 v50, v51;
	v10 =	vmax.f32 v46, v47  }
0x192: {  	v60 =	vld [tilespmem:$0xAE20];
	v56 =	vmax.f32 v54, v55;
	v10 =	vmax.f32 v10, v53  }
0x193: {  	v61 =	vld [tilespmem:$0xB220];
	v10 =	vmax.f32 v10, v56  }
0x194: {  	v62 =	vld [tilespmem:$0xB620];
	[tilespmem:$0xC210] =	vst v10  }
0x195: {  	v57 =	vld [tilespmem:s3+$0x8220];
	_ =	sdelay $0x1  }
0x196: {  	v30 =	vld [tilespmem:$0xBA30]  }
0x197: {  	v19 =	vld [tilespmem:$0xBE30]  }
0x198: {  	v26 =	vld [tilespmem:$0xAA30];
	v22 =	vmax.f32 v63, v18  }
0x199: {  	v27 =	vld [tilespmem:$0xAE30];
	v20 =	vmax.f32 v59, v60;
	v21 =	vmax.f32 v61, v62;
	v11 =	vmax.f32 v57, v58  }
0x19a: {  	v28 =	vld [tilespmem:$0xB230];
	v23 =	vmax.f32 v21, v22;
	v11 =	vmax.f32 v11, v20  }
0x19b: {  	v29 =	vld [tilespmem:$0xB630];
	v11 =	vmax.f32 v11, v23  }
0x19c: {  	v25 =	vld [tilespmem:$0xA630];
	[tilespmem:$0xC220] =	vst v11  }
0x19d: {  	v24 =	vld [tilespmem:s3+$0x8230];
	_ =	sdelay $0x1  }
0x19e: {  	v41 =	vld [tilespmem:$0xBA80]  }
0x19f: {  	v37 =	vld [tilespmem:$0xAA80]  }
0x1a0: {  	v33 =	vmax.f32 v30, v19;
	v38 =	vld [tilespmem:$0xAE80]  }
0x1a1: {  	v32 =	vmax.f32 v28, v29;
	v39 =	vld [tilespmem:$0xB280];
	v31 =	vmax.f32 v26, v27;
	v12 =	vmax.f32 v24, v25  }
0x1a2: {  	v40 =	vld [tilespmem:$0xB680];
	v34 =	vmax.f32 v32, v33;
	v12 =	vmax.f32 v12, v31  }
0x1a3: {  	v36 =	vld [tilespmem:$0xA680];
	v12 =	vmax.f32 v12, v34  }
0x1a4: {  	v20 =	vld [tilespmem:$0xBE80];
	[tilespmem:$0xC230] =	vst v12  }
0x1a5: {  	v35 =	vld [tilespmem:s3+$0x8280];
	_ =	sdelay $0x1  }
0x1a6: {  	v52 =	vld [tilespmem:$0xBA90]  }
0x1a7: {  	v48 =	vld [tilespmem:$0xAA90]  }
0x1a8: {  	v49 =	vld [tilespmem:$0xAE90];
	v43 =	vmax.f32 v39, v40  }
0x1a9: {  	v50 =	vld [tilespmem:$0xB290];
	v42 =	vmax.f32 v37, v38;
	v44 =	vmax.f32 v41, v20;
	v13 =	vmax.f32 v35, v36  }
0x1aa: {  	v51 =	vld [tilespmem:$0xB690];
	v45 =	vmax.f32 v43, v44;
	v13 =	vmax.f32 v13, v42  }
0x1ab: {  	v21 =	vld [tilespmem:$0xBE90];
	v13 =	vmax.f32 v13, v45  }
0x1ac: {  	v47 =	vld [tilespmem:$0xA690];
	[tilespmem:$0xC280] =	vst v13  }
0x1ad: {  	v46 =	vld [tilespmem:s3+$0x8290];
	_ =	sdelay $0x1  }
0x1ae: {  	v63 =	vld [tilespmem:$0xBAA0]  }
0x1af: {  	v59 =	vld [tilespmem:$0xAAA0]  }
0x1b0: {  	v54 =	vmax.f32 v50, v51;
	v60 =	vld [tilespmem:$0xAEA0]  }
0x1b1: {  	v61 =	vld [tilespmem:$0xB2A0];
	v55 =	vmax.f32 v52, v21;
	v53 =	vmax.f32 v48, v49;
	v14 =	vmax.f32 v46, v47  }
0x1b2: {  	v62 =	vld [tilespmem:$0xB6A0];
	v56 =	vmax.f32 v54, v55;
	v14 =	vmax.f32 v14, v53  }
0x1b3: {  	v22 =	vld [tilespmem:$0xBEA0];
	v14 =	vmax.f32 v14, v56  }
0x1b4: {  	v58 =	vld [tilespmem:$0xA6A0];
	[tilespmem:$0xC290] =	vst v14  }
0x1b5: {  	v57 =	vld [tilespmem:s3+$0x82A0];
	_ =	sdelay $0x1  }
0x1b6: {  	v30 =	vld [tilespmem:$0xAEB0]  }
0x1b7: {  	v28 =	vld [tilespmem:$0xA6B0]  }
0x1b8: {  	v29 =	vld [tilespmem:$0xAAB0];
	v23 =	vmax.f32 v59, v60  }
0x1b9: {  	v32 =	vld [tilespmem:$0xB6B0];
	v24 =	vmax.f32 v61, v62;
	v25 =	vmax.f32 v63, v22;
	v15 =	vmax.f32 v57, v58  }
0x1ba: {  	v33 =	vld [tilespmem:$0xBAB0];
	v26 =	vmax.f32 v24, v25;
	v15 =	vmax.f32 v15, v23  }
0x1bb: {  	v31 =	vld [tilespmem:$0xB2B0];
	v15 =	vmax.f32 v15, v26  }
0x1bc: {  	v23 =	vld [tilespmem:$0xBEB0];
	[tilespmem:$0xC2A0] =	vst v15  }
0x1bd: {  	v27 =	vld [tilespmem:s3+$0x82B0];
	_ =	sdelay $0x1  }
0x1be: {  	v39 =	vld [tilespmem:$0xA700]  }
0x1bf: {  	v40 =	vld [tilespmem:$0xAB00]  }
0x1c0: {  	v41 =	vld [tilespmem:$0xAF00];
	v34 =	vmax.f32 v29, v30  }
0x1c1: {  	v43 =	vld [tilespmem:$0xB700];
	v35 =	vmax.f32 v31, v32;
	v36 =	vmax.f32 v33, v23;
	v16 =	vmax.f32 v27, v28  }
0x1c2: {  	v44 =	vld [tilespmem:$0xBB00];
	v37 =	vmax.f32 v35, v36;
	v16 =	vmax.f32 v16, v34  }
0x1c3: {  	v24 =	vld [tilespmem:$0xBF00];
	v16 =	vmax.f32 v16, v37  }
0x1c4: {  	v42 =	vld [tilespmem:$0xB300];
	[tilespmem:$0xC2B0] =	vst v16  }
0x1c5: {  	v38 =	vld [tilespmem:s3+$0x8300];
	_ =	sdelay $0x1  }
0x1c6: {  	v50 =	vld [tilespmem:$0xA710]  }
0x1c7: {  	v51 =	vld [tilespmem:$0xAB10]  }
0x1c8: {  	v52 =	vld [tilespmem:$0xAF10];
	v45 =	vmax.f32 v40, v41  }
0x1c9: {  	v54 =	vld [tilespmem:$0xB710];
	v46 =	vmax.f32 v42, v43;
	v47 =	vmax.f32 v44, v24;
	v17 =	vmax.f32 v38, v39  }
0x1ca: {  	v55 =	vld [tilespmem:$0xBB10];
	v48 =	vmax.f32 v46, v47;
	v17 =	vmax.f32 v17, v45  }
0x1cb: {  	v25 =	vld [tilespmem:$0xBF10];
	v17 =	vmax.f32 v17, v48  }
0x1cc: {  	v53 =	vld [tilespmem:$0xB310];
	[tilespmem:$0xC300] =	vst v17  }
0x1cd: {  	v49 =	vld [tilespmem:s3+$0x8310];
	_ =	sdelay $0x1  }
0x1ce: {  	v61 =	vld [tilespmem:$0xA720]  }
0x1cf: {  	v62 =	vld [tilespmem:$0xAB20]  }
0x1d0: {  	v63 =	vld [tilespmem:$0xAF20];
	v56 =	vmax.f32 v51, v52  }
0x1d1: {  	v29 =	vld [tilespmem:$0xB720];
	v57 =	vmax.f32 v53, v54;
	v58 =	vmax.f32 v55, v25;
	v18 =	vmax.f32 v49, v50  }
0x1d2: {  	v30 =	vld [tilespmem:$0xBB20];
	v59 =	vmax.f32 v57, v58;
	v18 =	vmax.f32 v18, v56  }
0x1d3: {  	v26 =	vld [tilespmem:$0xBF20];
	v18 =	vmax.f32 v18, v59  }
0x1d4: {  	v28 =	vld [tilespmem:$0xB320];
	[tilespmem:$0xC310] =	vst v18  }
0x1d5: {  	v60 =	vld [tilespmem:s3+$0x8320];
	_ =	sdelay $0x1  }
0x1d6: {  	v40 =	vld [tilespmem:$0xB730]  }
0x1d7: {  	v41 =	vld [tilespmem:$0xBB30]  }
0x1d8: {  	v31 =	vmax.f32 v62, v63;
	v36 =	vld [tilespmem:$0xA730]  }
0x1d9: {  	v33 =	vmax.f32 v30, v26;
	v27 =	vld [tilespmem:$0xBF30];
	v32 =	vmax.f32 v28, v29;
	v19 =	vmax.f32 v60, v61  }
0x1da: {  	v37 =	vld [tilespmem:$0xAB30];
	v34 =	vmax.f32 v32, v33;
	v19 =	vmax.f32 v19, v31  }
0x1db: {  	v38 =	vld [tilespmem:$0xAF30];
	v19 =	vmax.f32 v19, v34  }
0x1dc: {  	v39 =	vld [tilespmem:$0xB330];
	[tilespmem:$0xC320] =	vst v19  }
0x1dd: {  	v35 =	vld [tilespmem:s3+$0x8330];
	_ =	sdelay $0x1  }
0x1de: {  	v47 =	vld [tilespmem:$0xA780]  }
0x1df: {  	v51 =	vld [tilespmem:$0xB780]  }
0x1e0: {  	v52 =	vld [tilespmem:$0xBB80];
	v44 =	vmax.f32 v41, v27  }
0x1e1: {  	v28 =	vld [tilespmem:$0xBF80];
	v42 =	vmax.f32 v37, v38;
	v43 =	vmax.f32 v39, v40;
	v20 =	vmax.f32 v35, v36  }
0x1e2: {  	v48 =	vld [tilespmem:$0xAB80];
	v45 =	vmax.f32 v43, v44;
	v20 =	vmax.f32 v20, v42  }
0x1e3: {  	v49 =	vld [tilespmem:$0xAF80];
	v20 =	vmax.f32 v20, v45  }
0x1e4: {  	v50 =	vld [tilespmem:$0xB380];
	[tilespmem:$0xC330] =	vst v20  }
0x1e5: {  	v46 =	vld [tilespmem:s3+$0x8380];
	_ =	sdelay $0x1  }
0x1e6: {  	v62 =	vld [tilespmem:$0xB790]  }
0x1e7: {  	v63 =	vld [tilespmem:$0xBB90]  }
0x1e8: {  	v58 =	vld [tilespmem:$0xA790];
	v55 =	vmax.f32 v52, v28  }
0x1e9: {  	v29 =	vld [tilespmem:$0xBF90];
	v53 =	vmax.f32 v48, v49;
	v54 =	vmax.f32 v50, v51;
	v21 =	vmax.f32 v46, v47  }
0x1ea: {  	v59 =	vld [tilespmem:$0xAB90];
	v56 =	vmax.f32 v54, v55;
	v21 =	vmax.f32 v21, v53  }
0x1eb: {  	v60 =	vld [tilespmem:$0xAF90];
	v21 =	vmax.f32 v21, v56  }
0x1ec: {  	v61 =	vld [tilespmem:$0xB390];
	[tilespmem:$0xC380] =	vst v21  }
0x1ed: {  	v57 =	vld [tilespmem:s3+$0x8390];
	_ =	sdelay $0x1  }
0x1ee: {  	v30 =	vld [tilespmem:$0xBFA0]  }
0x1ef: {  	v41 =	vld [tilespmem:$0xBBA0]  }
0x1f0: {  	v33 =	vmax.f32 v63, v29;
	v37 =	vld [tilespmem:$0xABA0]  }
0x1f1: {  	v38 =	vld [tilespmem:$0xAFA0];
	v31 =	vmax.f32 v59, v60;
	v32 =	vmax.f32 v61, v62;
	v22 =	vmax.f32 v57, v58  }
0x1f2: {  	v39 =	vld [tilespmem:$0xB3A0];
	v34 =	vmax.f32 v32, v33;
	v22 =	vmax.f32 v22, v31  }
0x1f3: {  	v40 =	vld [tilespmem:$0xB7A0];
	v22 =	vmax.f32 v22, v34  }
0x1f4: {  	v36 =	vld [tilespmem:$0xA7A0];
	[tilespmem:$0xC390] =	vst v22  }
0x1f5: {  	v35 =	vld [tilespmem:s3+$0x83A0];
	_ =	sdelay $0x1  }
0x1f6: {  	v52 =	vld [tilespmem:$0xBBB0]  }
0x1f7: {  	v48 =	vld [tilespmem:$0xABB0]  }
0x1f8: {  	v44 =	vmax.f32 v41, v30;
	v49 =	vld [tilespmem:$0xAFB0]  }
0x1f9: {  	v43 =	vmax.f32 v39, v40;
	v50 =	vld [tilespmem:$0xB3B0];
	v42 =	vmax.f32 v37, v38;
	v23 =	vmax.f32 v35, v36  }
0x1fa: {  	v51 =	vld [tilespmem:$0xB7B0];
	v45 =	vmax.f32 v43, v44;
	v23 =	vmax.f32 v23, v42  }
0x1fb: {  	v47 =	vld [tilespmem:$0xA7B0];
	v23 =	vmax.f32 v23, v45  }
0x1fc: {  	v31 =	vld [tilespmem:$0xBFB0];
	[tilespmem:$0xC3A0] =	vst v23  }
0x1fd: {  	v46 =	vld [tilespmem:s3+$0x83B0];
	_ =	sdelay $0x1  }
0x1fe: {  	v63 =	vld [tilespmem:$0xBC00]  }
0x1ff: {  	v59 =	vld [tilespmem:$0xAC00]  }
0x200: {  	v54 =	vmax.f32 v50, v51;
	v60 =	vld [tilespmem:$0xB000]  }
0x201: {  	v61 =	vld [tilespmem:$0xB400];
	v53 =	vmax.f32 v48, v49;
	v55 =	vmax.f32 v52, v31;
	v24 =	vmax.f32 v46, v47  }
0x202: {  	v62 =	vld [tilespmem:$0xB800];
	v56 =	vmax.f32 v54, v55;
	v24 =	vmax.f32 v24, v53  }
0x203: {  	v32 =	vld [tilespmem:$0xC000];
	v24 =	vmax.f32 v24, v56  }
0x204: {  	v58 =	vld [tilespmem:$0xA800];
	[tilespmem:$0xC3B0] =	vst v24  }
0x205: {  	v57 =	vld [tilespmem:s3+$0x8400];
	_ =	sdelay $0x1  }
0x206: {  	v41 =	vld [tilespmem:$0xA810]  }
0x207: {  	v33 =	vld [tilespmem:$0xC010]  }
0x208: {  	v37 =	vmax.f32 v61, v62;
	v43 =	vld [tilespmem:$0xB010]  }
0x209: {  	v38 =	vmax.f32 v63, v32;
	v44 =	vld [tilespmem:$0xB410];
	v36 =	vmax.f32 v59, v60;
	v25 =	vmax.f32 v57, v58  }
0x20a: {  	v39 =	vmax.f32 v37, v38;
	v42 =	vld [tilespmem:$0xAC10];
	v25 =	vmax.f32 v25, v36  }
0x20b: {  	v45 =	vld [tilespmem:$0xB810];
	v25 =	vmax.f32 v25, v39  }
0x20c: {  	v46 =	vld [tilespmem:$0xBC10];
	[tilespmem:$0xC400] =	vst v25  }
0x20d: {  	v40 =	vld [tilespmem:s3+$0x8410];
	_ =	sdelay $0x1  }
0x20e: {  	v34 =	vld [tilespmem:$0xC020]  }
0x20f: {  	v52 =	vld [tilespmem:$0xA820]  }
0x210: {  	v54 =	vld [tilespmem:$0xB020];
	v48 =	vmax.f32 v44, v45  }
0x211: {  	v55 =	vld [tilespmem:$0xB420];
	v47 =	vmax.f32 v42, v43;
	v49 =	vmax.f32 v46, v33;
	v26 =	vmax.f32 v40, v41  }
0x212: {  	v53 =	vld [tilespmem:$0xAC20];
	v50 =	vmax.f32 v48, v49;
	v26 =	vmax.f32 v26, v47  }
0x213: {  	v56 =	vld [tilespmem:$0xB820];
	v26 =	vmax.f32 v26, v50  }
0x214: {  	v57 =	vld [tilespmem:$0xBC20];
	[tilespmem:$0xC410] =	vst v26  }
0x215: {  	v51 =	vld [tilespmem:s3+$0x8420];
	_ =	sdelay $0x1  }
0x216: {  	v63 =	vld [tilespmem:$0xA830]  }
0x217: {  	v37 =	vld [tilespmem:$0xB030]  }
0x218: {  	v38 =	vld [tilespmem:$0xB430];
	v59 =	vmax.f32 v55, v56  }
0x219: {  	v35 =	vld [tilespmem:$0xC030];
	v58 =	vmax.f32 v53, v54;
	v60 =	vmax.f32 v57, v34;
	v27 =	vmax.f32 v51, v52  }
0x21a: {  	v36 =	vld [tilespmem:$0xAC30];
	v61 =	vmax.f32 v59, v60;
	v27 =	vmax.f32 v27, v58  }
0x21b: {  	v39 =	vld [tilespmem:$0xB830];
	v27 =	vmax.f32 v27, v61  }
0x21c: {  	v40 =	vld [tilespmem:$0xBC30];
	[tilespmem:$0xC420] =	vst v27  }
0x21d: {  	v62 =	vld [tilespmem:s3+$0x8430];
	_ =	sdelay $0x1  }
0x21e: {  	v46 =	vld [tilespmem:$0xA880]  }
0x21f: {  	v48 =	vld [tilespmem:$0xB080]  }
0x220: {  	v49 =	vld [tilespmem:$0xB480];
	v42 =	vmax.f32 v38, v39  }
0x221: {  	v41 =	vmax.f32 v36, v37;
	v36 =	vld [tilespmem:$0xC080];
	v43 =	vmax.f32 v40, v35;
	v28 =	vmax.f32 v62, v63  }
0x222: {  	v47 =	vld [tilespmem:$0xAC80];
	v44 =	vmax.f32 v42, v43;
	v28 =	vmax.f32 v28, v41  }
0x223: {  	v50 =	vld [tilespmem:$0xB880];
	v28 =	vmax.f32 v28, v44  }
0x224: {  	v51 =	vld [tilespmem:$0xBC80];
	[tilespmem:$0xC430] =	vst v28  }
0x225: {  	v45 =	vld [tilespmem:s3+$0x8480];
	_ =	sdelay $0x1  }
0x226: {  	v57 =	vld [tilespmem:$0xA890]  }
0x227: {  	v59 =	vld [tilespmem:$0xB090]  }
0x228: {  	v60 =	vld [tilespmem:$0xB490];
	v53 =	vmax.f32 v49, v50  }
0x229: {  	v37 =	vld [tilespmem:$0xC090];
	v52 =	vmax.f32 v47, v48;
	v54 =	vmax.f32 v51, v36;
	v29 =	vmax.f32 v45, v46  }
0x22a: {  	v58 =	vld [tilespmem:$0xAC90];
	v55 =	vmax.f32 v53, v54;
	v29 =	vmax.f32 v29, v52  }
0x22b: {  	v61 =	vld [tilespmem:$0xB890];
	v29 =	vmax.f32 v29, v55  }
0x22c: {  	v62 =	vld [tilespmem:$0xBC90];
	[tilespmem:$0xC480] =	vst v29  }
0x22d: {  	v56 =	vld [tilespmem:s3+$0x8490];
	_ =	sdelay $0x1  }
0x22e: {  	v42 =	vld [tilespmem:$0xA8A0]  }
0x22f: {  	v43 =	vld [tilespmem:$0xACA0]  }
0x230: {  	v47 =	vld [tilespmem:$0xBCA0];
	v38 =	vmax.f32 v60, v61  }
0x231: {  	v63 =	vmax.f32 v58, v59;
	v44 =	vld [tilespmem:$0xB0A0];
	v39 =	vmax.f32 v62, v37;
	v30 =	vmax.f32 v56, v57  }
0x232: {  	v40 =	vmax.f32 v38, v39;
	v38 =	vld [tilespmem:$0xC0A0];
	v30 =	vmax.f32 v30, v63  }
0x233: {  	v45 =	vld [tilespmem:$0xB4A0];
	v30 =	vmax.f32 v30, v40  }
0x234: {  	v46 =	vld [tilespmem:$0xB8A0];
	[tilespmem:$0xC490] =	vst v30  }
0x235: {  	v41 =	vld [tilespmem:s3+$0x84A0];
	_ =	sdelay $0x1  }
0x236: {  	v53 =	vld [tilespmem:$0xA8B0]  }
0x237: {  	v54 =	vld [tilespmem:$0xACB0]  }
0x238: {  	v58 =	vld [tilespmem:$0xBCB0];
	v48 =	vmax.f32 v43, v44  }
0x239: {  	v39 =	vld [tilespmem:$0xC0B0];
	v50 =	vmax.f32 v47, v38;
	v49 =	vmax.f32 v45, v46;
	v31 =	vmax.f32 v41, v42  }
0x23a: {  	v55 =	vld [tilespmem:$0xB0B0];
	v51 =	vmax.f32 v49, v50;
	v31 =	vmax.f32 v31, v48  }
0x23b: {  	v56 =	vld [tilespmem:$0xB4B0];
	v31 =	vmax.f32 v31, v51  }
0x23c: {  	v57 =	vld [tilespmem:$0xB8B0];
	[tilespmem:$0xC4A0] =	vst v31  }
0x23d: {  	v52 =	vld [tilespmem:s3+$0x84B0];
	_ =	sdelay $0x3  }
0x23e: {  	v61 =	vmax.f32 v58, v39  }
0x23f: {  	v59 =	vmax.f32 v54, v55;
	v60 =	vmax.f32 v56, v57;
	v32 =	vmax.f32 v52, v53  }
0x240: {  	v62 =	vmax.f32 v60, v61;
	v32 =	vmax.f32 v32, v59  }
0x241: {  	v32 =	vmax.f32 v32, v62  }
0x242: {  	[tilespmem:$0xC4B0] =	vst v32  }
0x243: {  	v63 =	vld [tilespmem:s25+$0xC500];
	_ =	sdelay $0x4  }
0x244: {  	(v2sf) =	vpush v63, $0x0;
	_ =	sdelay $0x3  }
0x245: {  	(v2sf) =	vpush v63, $0x1;
	_ =	sdelay $0x3  }
0x246: {  	(v2sf) =	vpush v63, $0x2;
	_ =	sdelay $0x3  }
0x247: {  	(v2sf) =	vpush v63, $0x3;
	_ =	sdelay $0x2  }
0x248: {  	s30 =	spop (v2sf)  }
0x249: {  	(v2sf) =	vpush v63, $0x4;
	p0 =	seq.s32 s30, $0x800;
	s30 =	simm.f32 $-3.402823470e+38  }
0x24a: {  	s30 =	simm.s32 @!p0 $0x0  }
0x24b: {  	v1 =	vmax.f32 v1, s30  }
0x24c: {  	s31 =	spop (v2sf);
	[tilespmem:$0xC100] =	vst v1;
	v1 =	vmax.f32 v2, s30  }
0x24d: {  	(v2sf) =	vpush v63, $0x5;
	p0 =	seq.s32 s31, $0x800;
	s31 =	simm.f32 $-3.402823470e+38;
	[tilespmem:$0xC110] =	vst v1;
	v1 =	vmax.f32 v3, s30  }
0x24e: {  	s31 =	simm.s32 @!p0 $0x0;
	[tilespmem:$0xC120] =	vst v1;
	v1 =	vmax.f32 v4, s30  }
0x24f: {  	[tilespmem:$0xC130] =	vst v1;
	v1 =	vmax.f32 v5, s31  }
0x250: {  	s30 =	spop (v2sf);
	(v2sf) =	vpush v63, $0x6;
	[tilespmem:$0xC180] =	vst v1;
	v1 =	vmax.f32 v6, s31  }
0x251: {  	p0 =	seq.s32 s30, $0x800;
	s30 =	simm.f32 $-3.402823470e+38;
	[tilespmem:$0xC190] =	vst v1;
	v1 =	vmax.f32 v7, s31  }
0x252: {  	s30 =	simm.s32 @!p0 $0x0;
	[tilespmem:$0xC1A0] =	vst v1;
	v1 =	vmax.f32 v8, s31  }
0x253: {  	[tilespmem:$0xC1B0] =	vst v1;
	v1 =	vmax.f32 v9, s30  }
0x254: {  	s31 =	spop (v2sf);
	[tilespmem:$0xC200] =	vst v1;
	v1 =	vmax.f32 v10, s30  }
0x255: {  	(v2sf) =	vpush v63, $0x7;
	p0 =	seq.s32 s31, $0x800;
	s31 =	simm.f32 $-3.402823470e+38;
	[tilespmem:$0xC210] =	vst v1;
	v1 =	vmax.f32 v11, s30  }
0x256: {  	s31 =	simm.s32 @!p0 $0x0;
	[tilespmem:$0xC220] =	vst v1;
	v1 =	vmax.f32 v12, s30  }
0x257: {  	[tilespmem:$0xC230] =	vst v1;
	v1 =	vmax.f32 v13, s31  }
0x258: {  	s30 =	spop (v2sf);
	[tilespmem:$0xC280] =	vst v1;
	v1 =	vmax.f32 v14, s31  }
0x259: {  	p0 =	seq.s32 s30, $0x800;
	s30 =	simm.f32 $-3.402823470e+38;
	[tilespmem:$0xC290] =	vst v1;
	v1 =	vmax.f32 v15, s31  }
0x25a: {  	s30 =	simm.s32 @!p0 $0x0;
	[tilespmem:$0xC2A0] =	vst v1;
	v1 =	vmax.f32 v16, s31  }
0x25b: {  	[tilespmem:$0xC2B0] =	vst v1;
	v1 =	vmax.f32 v17, s30  }
0x25c: {  	s31 =	spop (v2sf);
	[tilespmem:$0xC300] =	vst v1;
	v1 =	vmax.f32 v18, s30  }
0x25d: {  	p0 =	seq.s32 s31, $0x800;
	s31 =	simm.f32 $-3.402823470e+38;
	[tilespmem:$0xC310] =	vst v1;
	v1 =	vmax.f32 v19, s30  }
0x25e: {  	s31 =	simm.s32 @!p0 $0x0;
	[tilespmem:$0xC320] =	vst v1;
	v1 =	vmax.f32 v20, s30  }
0x25f: {  	s30 =	spop (v2sf);
	[tilespmem:$0xC330] =	vst v1;
	v1 =	vmax.f32 v21, s31  }
0x260: {  	p0 =	seq.s32 s30, $0x800;
	s30 =	simm.f32 $-3.402823470e+38;
	[tilespmem:$0xC380] =	vst v1;
	v1 =	vmax.f32 v22, s31  }
0x261: {  	s30 =	simm.s32 @!p0 $0x0;
	[tilespmem:$0xC390] =	vst v1;
	v1 =	vmax.f32 v23, s31  }
0x262: {  	v2 =	vmax.f32 v28, s30;
	[tilespmem:$0xC3A0] =	vst v1  }
0x263: {  	v1 =	vmax.f32 v24, s31;
	[tilespmem:$0xC430] =	vst v2  }
0x264: {  	s31 =	spop (v2sf);
	[tilespmem:$0xC3B0] =	vst v1;
	v1 =	vmax.f32 v25, s30  }
0x265: {  	p0 =	seq.s32 s31, $0x800;
	s31 =	simm.f32 $-3.402823470e+38;
	[tilespmem:$0xC400] =	vst v1;
	v1 =	vmax.f32 v26, s30  }
0x266: {  	s31 =	simm.s32 @!p0 $0x0;
	[tilespmem:$0xC410] =	vst v1;
	v1 =	vmax.f32 v27, s30  }
0x267: {  	[tilespmem:$0xC420] =	vst v1;
	v1 =	vmax.f32 v29, s31  }
0x268: {  	[tilespmem:$0xC480] =	vst v1;
	v1 =	vmax.f32 v30, s31  }
0x269: {  	[tilespmem:$0xC490] =	vst v1;
	v1 =	vmax.f32 v31, s31  }
0x26a: {  	[tilespmem:$0xC4A0] =	vst v1;
	v1 =	vmax.f32 v32, s31  }
0x26b: {  	[tilespmem:$0xC4B0] =	vst v1  }
0x26c: {  	[hbm4b:s15+s29] =	stream.linear.scatter [tilespmem:s21], [sflag:$0x3], $0x400, $0x38;
	[tilespmem:$0xC580] =	vst v63  }
0x26d: {  	_ =	swait.ge [sflag:s28], $0x400  }
0x26e: {  	[sflag:s28] =	ssyncset.done $0x0  }
0x26f: {  	[sflag:s28] =	ssyncadd.s32 $0xFFFFFC00  }
0x270: {  	[bflag:$0x0] =	sbarrier.arrive $0xFFFF  }
0x271: {  	[tilespmem:s26], [sflag:$0x3] =	stream.linear.gather [hbm4b:s16+s29], $0x2000, $0x38;
	[tilespmem:$0xC580] =	vst v63  }
0x272: {  	_ =	swait.ge [sflag:s28], $0x2000  }
0x273: {  	[sflag:s28] =	ssyncset.done $0x0  }
0x274: {  	s30 =	simm.s32 $0x400;
	[sflag:s28] =	ssyncadd.s32 $0xFFFFE000  }
.LBB2_6:
0x275: {  	s31 =	sshra.s32 s29, $0x2  }
0x276: {  	v1 =	vld [tilespmem:s31+$0x8000];
	_ =	sdelay $0x4  }
0x277: {  	v1 =	vshll.u32 v1, $0x9  }
0x278: {  	v1 =	vshra.s32 v1, $0x2  }
0x279: {  	(v2sf) =	vpush v1, $0x0;
	_ =	sdelay $0xe  }
0x27a: {  	s31 =	spop (v2sf)  }
0x27b: {  	v2 =	vld [tilespmem:s31+$0x8100];
	_ =	sdelay $0x4  }
0x27c: {  	[tilespmem:s30+$0xFFFFFC00] =	vst v2  }
0x27d: {  	v2 =	vld [tilespmem:s31+$0x8110];
	_ =	sdelay $0x1  }
0x27e: {  	(v2sf) =	vpush v1, $0x1;
	_ =	sdelay $0x2  }
0x27f: {  	[tilespmem:s30+$0xFFFFFC10] =	vst v2  }
0x280: {  	v2 =	vld [tilespmem:s31+$0x8120];
	_ =	sdelay $0x4  }
0x281: {  	[tilespmem:s30+$0xFFFFFC20] =	vst v2  }
0x282: {  	v2 =	vld [tilespmem:s31+$0x8130];
	_ =	sdelay $0x4  }
0x283: {  	s31 =	spop (v2sf);
	[tilespmem:s30+$0xFFFFFC30] =	vst v2  }
0x284: {  	v2 =	vld [tilespmem:s31+$0x8100];
	_ =	sdelay $0x4  }
0x285: {  	[tilespmem:s30+$0xFFFFFC80] =	vst v2  }
0x286: {  	v2 =	vld [tilespmem:s31+$0x8110];
	_ =	sdelay $0x1  }
0x287: {  	(v2sf) =	vpush v1, $0x2;
	_ =	sdelay $0x2  }
0x288: {  	[tilespmem:s30+$0xFFFFFC90] =	vst v2  }
0x289: {  	v2 =	vld [tilespmem:s31+$0x8120];
	_ =	sdelay $0x4  }
0x28a: {  	[tilespmem:s30+$0xFFFFFCA0] =	vst v2  }
0x28b: {  	v2 =	vld [tilespmem:s31+$0x8130];
	_ =	sdelay $0x4  }
0x28c: {  	s31 =	spop (v2sf);
	[tilespmem:s30+$0xFFFFFCB0] =	vst v2  }
0x28d: {  	v2 =	vld [tilespmem:s31+$0x8100];
	_ =	sdelay $0x4  }
0x28e: {  	[tilespmem:s30+$0xFFFFFD00] =	vst v2  }
0x28f: {  	v2 =	vld [tilespmem:s31+$0x8110];
	_ =	sdelay $0x1  }
0x290: {  	(v2sf) =	vpush v1, $0x3;
	_ =	sdelay $0x2  }
0x291: {  	[tilespmem:s30+$0xFFFFFD10] =	vst v2  }
0x292: {  	v2 =	vld [tilespmem:s31+$0x8120];
	_ =	sdelay $0x4  }
0x293: {  	[tilespmem:s30+$0xFFFFFD20] =	vst v2  }
0x294: {  	v2 =	vld [tilespmem:s31+$0x8130];
	_ =	sdelay $0x4  }
0x295: {  	s31 =	spop (v2sf);
	[tilespmem:s30+$0xFFFFFD30] =	vst v2  }
0x296: {  	v2 =	vld [tilespmem:s31+$0x8100];
	_ =	sdelay $0x4  }
0x297: {  	[tilespmem:s30+$0xFFFFFD80] =	vst v2  }
0x298: {  	v2 =	vld [tilespmem:s31+$0x8110];
	_ =	sdelay $0x1  }
0x299: {  	(v2sf) =	vpush v1, $0x4;
	_ =	sdelay $0x2  }
0x29a: {  	[tilespmem:s30+$0xFFFFFD90] =	vst v2  }
0x29b: {  	v2 =	vld [tilespmem:s31+$0x8120];
	_ =	sdelay $0x4  }
0x29c: {  	[tilespmem:s30+$0xFFFFFDA0] =	vst v2  }
0x29d: {  	v2 =	vld [tilespmem:s31+$0x8130];
	_ =	sdelay $0x4  }
0x29e: {  	s31 =	spop (v2sf);
	[tilespmem:s30+$0xFFFFFDB0] =	vst v2  }
0x29f: {  	v2 =	vld [tilespmem:s31+$0x8100];
	_ =	sdelay $0x4  }
0x2a0: {  	[tilespmem:s30+$0xFFFFFE00] =	vst v2  }
0x2a1: {  	v2 =	vld [tilespmem:s31+$0x8110];
	_ =	sdelay $0x1  }
0x2a2: {  	(v2sf) =	vpush v1, $0x5;
	_ =	sdelay $0x2  }
0x2a3: {  	[tilespmem:s30+$0xFFFFFE10] =	vst v2  }
0x2a4: {  	v2 =	vld [tilespmem:s31+$0x8120];
	_ =	sdelay $0x4  }
0x2a5: {  	[tilespmem:s30+$0xFFFFFE20] =	vst v2  }
0x2a6: {  	v2 =	vld [tilespmem:s31+$0x8130];
	_ =	sdelay $0x4  }
0x2a7: {  	s31 =	spop (v2sf);
	[tilespmem:s30+$0xFFFFFE30] =	vst v2  }
0x2a8: {  	v2 =	vld [tilespmem:s31+$0x8100];
	_ =	sdelay $0x4  }
0x2a9: {  	[tilespmem:s30+$0xFFFFFE80] =	vst v2  }
0x2aa: {  	v2 =	vld [tilespmem:s31+$0x8110];
	_ =	sdelay $0x1  }
0x2ab: {  	(v2sf) =	vpush v1, $0x6;
	_ =	sdelay $0x2  }
0x2ac: {  	[tilespmem:s30+$0xFFFFFE90] =	vst v2  }
0x2ad: {  	v2 =	vld [tilespmem:s31+$0x8120];
	_ =	sdelay $0x4  }
0x2ae: {  	[tilespmem:s30+$0xFFFFFEA0] =	vst v2  }
0x2af: {  	v2 =	vld [tilespmem:s31+$0x8130];
	_ =	sdelay $0x4  }
0x2b0: {  	s31 =	spop (v2sf);
	[tilespmem:s30+$0xFFFFFEB0] =	vst v2  }
0x2b1: {  	v2 =	vld [tilespmem:s31+$0x8100];
	_ =	sdelay $0x4  }
0x2b2: {  	[tilespmem:s30+$0xFFFFFF00] =	vst v2  }
0x2b3: {  	v2 =	vld [tilespmem:s31+$0x8110];
	_ =	sdelay $0x1  }
0x2b4: {  	(v2sf) =	vpush v1, $0x7;
	_ =	sdelay $0x2  }
0x2b5: {  	[tilespmem:s30+$0xFFFFFF10] =	vst v2  }
0x2b6: {  	v2 =	vld [tilespmem:s31+$0x8120];
	_ =	sdelay $0x4  }
0x2b7: {  	[tilespmem:s30+$0xFFFFFF20] =	vst v2  }
0x2b8: {  	v2 =	vld [tilespmem:s31+$0x8130];
	_ =	sdelay $0x4  }
0x2b9: {  	s31 =	spop (v2sf);
	[tilespmem:s30+$0xFFFFFF30] =	vst v2  }
0x2ba: {  	v2 =	vld [tilespmem:s31+$0x8100];
	_ =	sdelay $0x4  }
0x2bb: {  	[tilespmem:s30+$0xFFFFFF80] =	vst v2  }
0x2bc: {  	v2 =	vld [tilespmem:s31+$0x8110];
	_ =	sdelay $0x1  }
0x2bd: {  	(v2sf) =	vpush v1, $0x8;
	_ =	sdelay $0x2  }
0x2be: {  	[tilespmem:s30+$0xFFFFFF90] =	vst v2  }
0x2bf: {  	v2 =	vld [tilespmem:s31+$0x8120];
	_ =	sdelay $0x4  }
0x2c0: {  	[tilespmem:s30+$0xFFFFFFA0] =	vst v2  }
0x2c1: {  	v2 =	vld [tilespmem:s31+$0x8130];
	_ =	sdelay $0x4  }
0x2c2: {  	s31 =	spop (v2sf);
	[tilespmem:s30+$0xFFFFFFB0] =	vst v2  }
0x2c3: {  	v2 =	vld [tilespmem:s31+$0x8100];
	_ =	sdelay $0x4  }
0x2c4: {  	[tilespmem:s30+$0x0] =	vst v2  }
0x2c5: {  	v2 =	vld [tilespmem:s31+$0x8110];
	_ =	sdelay $0x1  }
0x2c6: {  	(v2sf) =	vpush v1, $0x9;
	_ =	sdelay $0x2  }
0x2c7: {  	[tilespmem:s30+$0x10] =	vst v2  }
0x2c8: {  	v2 =	vld [tilespmem:s31+$0x8120];
	_ =	sdelay $0x4  }
0x2c9: {  	[tilespmem:s30+$0x20] =	vst v2  }
0x2ca: {  	v2 =	vld [tilespmem:s31+$0x8130];
	_ =	sdelay $0x4  }
0x2cb: {  	s31 =	spop (v2sf);
	[tilespmem:s30+$0x30] =	vst v2  }
0x2cc: {  	v2 =	vld [tilespmem:s31+$0x8100];
	_ =	sdelay $0x4  }
0x2cd: {  	[tilespmem:s30+$0x80] =	vst v2  }
0x2ce: {  	v2 =	vld [tilespmem:s31+$0x8110];
	_ =	sdelay $0x1  }
0x2cf: {  	(v2sf) =	vpush v1, $0xA;
	_ =	sdelay $0x2  }
0x2d0: {  	[tilespmem:s30+$0x90] =	vst v2  }
0x2d1: {  	v2 =	vld [tilespmem:s31+$0x8120];
	_ =	sdelay $0x4  }
0x2d2: {  	[tilespmem:s30+$0xA0] =	vst v2  }
0x2d3: {  	v2 =	vld [tilespmem:s31+$0x8130];
	_ =	sdelay $0x4  }
0x2d4: {  	s31 =	spop (v2sf);
	[tilespmem:s30+$0xB0] =	vst v2  }
0x2d5: {  	v2 =	vld [tilespmem:s31+$0x8100];
	_ =	sdelay $0x4  }
0x2d6: {  	[tilespmem:s30+$0x100] =	vst v2  }
0x2d7: {  	v2 =	vld [tilespmem:s31+$0x8110];
	_ =	sdelay $0x1  }
0x2d8: {  	(v2sf) =	vpush v1, $0xB;
	_ =	sdelay $0x2  }
0x2d9: {  	[tilespmem:s30+$0x110] =	vst v2  }
0x2da: {  	v2 =	vld [tilespmem:s31+$0x8120];
	_ =	sdelay $0x4  }
0x2db: {  	[tilespmem:s30+$0x120] =	vst v2  }
0x2dc: {  	v2 =	vld [tilespmem:s31+$0x8130];
	_ =	sdelay $0x4  }
0x2dd: {  	s31 =	spop (v2sf);
	[tilespmem:s30+$0x130] =	vst v2  }
0x2de: {  	v2 =	vld [tilespmem:s31+$0x8100];
	_ =	sdelay $0x4  }
0x2df: {  	[tilespmem:s30+$0x180] =	vst v2  }
0x2e0: {  	v2 =	vld [tilespmem:s31+$0x8110];
	_ =	sdelay $0x1  }
0x2e1: {  	(v2sf) =	vpush v1, $0xC;
	_ =	sdelay $0x2  }
0x2e2: {  	[tilespmem:s30+$0x190] =	vst v2  }
0x2e3: {  	v2 =	vld [tilespmem:s31+$0x8120];
	_ =	sdelay $0x4  }
0x2e4: {  	[tilespmem:s30+$0x1A0] =	vst v2  }
0x2e5: {  	v2 =	vld [tilespmem:s31+$0x8130];
	_ =	sdelay $0x4  }
0x2e6: {  	s31 =	spop (v2sf);
	[tilespmem:s30+$0x1B0] =	vst v2  }
0x2e7: {  	v2 =	vld [tilespmem:s31+$0x8100];
	_ =	sdelay $0x4  }
0x2e8: {  	[tilespmem:s30+$0x200] =	vst v2  }
0x2e9: {  	v2 =	vld [tilespmem:s31+$0x8110];
	_ =	sdelay $0x1  }
0x2ea: {  	(v2sf) =	vpush v1, $0xD;
	_ =	sdelay $0x2  }
0x2eb: {  	[tilespmem:s30+$0x210] =	vst v2  }
0x2ec: {  	v2 =	vld [tilespmem:s31+$0x8120];
	_ =	sdelay $0x4  }
0x2ed: {  	[tilespmem:s30+$0x220] =	vst v2  }
0x2ee: {  	v2 =	vld [tilespmem:s31+$0x8130];
	_ =	sdelay $0x4  }
0x2ef: {  	s31 =	spop (v2sf);
	[tilespmem:s30+$0x230] =	vst v2  }
0x2f0: {  	v2 =	vld [tilespmem:s31+$0x8100];
	_ =	sdelay $0x4  }
0x2f1: {  	[tilespmem:s30+$0x280] =	vst v2  }
0x2f2: {  	v2 =	vld [tilespmem:s31+$0x8110];
	_ =	sdelay $0x1  }
0x2f3: {  	(v2sf) =	vpush v1, $0xE;
	_ =	sdelay $0x2  }
0x2f4: {  	[tilespmem:s30+$0x290] =	vst v2  }
0x2f5: {  	v2 =	vld [tilespmem:s31+$0x8120];
	_ =	sdelay $0x4  }
0x2f6: {  	[tilespmem:s30+$0x2A0] =	vst v2  }
0x2f7: {  	v2 =	vld [tilespmem:s31+$0x8130];
	_ =	sdelay $0x4  }
0x2f8: {  	s31 =	spop (v2sf);
	[tilespmem:s30+$0x2B0] =	vst v2  }
0x2f9: {  	v2 =	vld [tilespmem:s31+$0x8100];
	_ =	sdelay $0x4  }
0x2fa: {  	[tilespmem:s30+$0x300] =	vst v2  }
0x2fb: {  	v2 =	vld [tilespmem:s31+$0x8110];
	_ =	sdelay $0x1  }
0x2fc: {  	(v2sf) =	vpush v1, $0xF;
	_ =	sdelay $0x2  }
0x2fd: {  	[tilespmem:s30+$0x310] =	vst v2  }
0x2fe: {  	v1 =	vld [tilespmem:s31+$0x8120];
	_ =	sdelay $0x4  }
0x2ff: {  	[tilespmem:s30+$0x320] =	vst v1  }
0x300: {  	v1 =	vld [tilespmem:s31+$0x8130];
	_ =	sdelay $0x4  }
0x301: {  	s31 =	spop (v2sf);
	[tilespmem:s30+$0x330] =	vst v1  }
0x302: {  	v1 =	vld [tilespmem:s31+$0x8100];
	_ =	sdelay $0x4  }
0x303: {  	[tilespmem:s30+$0x380] =	vst v1  }
0x304: {  	v1 =	vld [tilespmem:s31+$0x8110];
	_ =	sdelay $0x4  }
0x305: {  	[tilespmem:s30+$0x390] =	vst v1  }
0x306: {  	v1 =	vld [tilespmem:s31+$0x8120];
	_ =	sdelay $0x4  }
0x307: {  	[tilespmem:s30+$0x3A0] =	vst v1  }
0x308: {  	p0 =	sne.s32 s29, $0x3C0;
	v1 =	vld [tilespmem:s31+$0x8130]  }
.Ltmp2:
0x309: {  	_ = 	snop;
	(pc) =	sbr.rel @p0 .LBB2_6-.Ltmp2, $2  }
0x30a: {  	_ =	sdelay $0x2  }
0x30b: {  	s29 =	sadd.s32 $0x40, s29;
	[tilespmem:s30+$0x3B0] =	vst v1;
	s30 =	sadd.s32 $0x800, s30  }
0x30c: {  	s22 =	sadd.s32 $0x1, s22  }
0x30d: {  	p0 =	sne.s32 s22, s18  }
.Ltmp3:
0x30e: {  	_ = 	snop;
	(pc) =	sbr.rel @p0 .LBB2_1-.Ltmp3, $4  }
0x30f: {  	[hbm4b:s17+s2] =	stream.linear.scatter [tilespmem:s2], [sflag:$0x3], $0x8000, $0x38;
	[tilespmem:$0xC580] =	vst v63  }
0x310: {  	_ =	swait.ge [sflag:s28], $0x8000  }
0x311: {  	[sflag:s28] =	ssyncset.done $0x0  }
0x312: {  	[sflag:s28] =	ssyncadd.s32 $0xFFFF8000  }
0x313: {  	_ =	sfence.sel $0x180000  }
0x314: {  	[bflag:$0x0] =	sbarrier.arrive $0xFFFF  }
0x315: {  	_ =	strace $0x90000047  }
0x316: {  	s0 =	stileid.u32;
	[bflag:$0x2] =	sbarrier.arrive $0xFFFF  }
0x317: {  	p0 =	sne.s32 s0, $0x0;
	s0 =	rddreg [dreg:$0x4]  }
0x318: {  	s0 =	sadd.s32 @!p0 $0x100000, s0  }
0x319: {  	[sflag:s0] =	ssyncadd.tile.s32 @!p0 $0x1;
	_ =	shalt  }
.Lfunc_end2:
_tile_overlayer_lowered:
.L_overlay_start_2:
0x31a: {  	(tag) =	ssettag $0x2  }
0x31b: {  	s0 =	rddreg [dreg:$0x0];
	s2 =	stileid.u32  }
0x31c: {  	s1 =	rddreg [dreg:$0x1];
	p0 =	sne.s32 s2, $0x0  }
0x31d: {  	s3 =	rddreg [dreg:$0x2];
	[bflag:$0x3] =	sbarrier.arrive $0xFFFF;
	s2 =	simm.s32 @!p0 $0x1C03  }
0x31e: {  	[timem:s3], [sflag:s2] =	dma.local @!p0 [hbm:s0], s1  }
0x31f: {  	s0 =	simm.s32 @!p0 $0x3  }
0x320: {  	_ =	swait.ge @!p0 [sflag:s0], s1  }
0x321: {  	s1 =	ssub.s32 @!p0 $0x0, s1;
	[sflag:s0] =	ssyncset.done @!p0 $0x0  }
0x322: {  	[sflag:s0] =	ssyncadd.s32 @!p0 s1  }
0x323: {  	[bflag:$0x3] =	sbarrier.arrive $0xFFFF  }
0x324: {  	_ =	shalt  }

</sc_bundles>
